<compile_context>
chip_gen: v7x
topology: tpu7x:2x2x1
jax: 0.10.2.dev20260603
libtpu: 0.0.44.dev20260713+nightly
codegen_flags: <defaults>
</compile_context>

<pallas_src>
import functools

import jax
import jax.numpy as jnp
from jax import lax
from jax.experimental import pallas as pl
from jax.experimental.pallas import tpu as pltpu
from jax.experimental.pallas import tpu_sc as plsc

B = 16384
NW = 32
BPW = B // NW
C = 64
NCH = BPW // C
L = 16

ITEM_ROWS, ITEM_D, ITEM_BLK = 1000000, 64, 16384
BRAND_ROWS, BRAND_D, BRAND_BLK = 100000, 32, 8192
CAT_ROWS, CAT_D, CAT_BLK = 1000, 32, 256


def _mk_pack(rows, d, blk):
    p = 128 // d
    tr = (rows + p * blk - 1) // (p * blk)
    h = tr * blk
    last = (rows - 1) // blk

    def body(*refs):
        x = jnp.concatenate([r[...] for r in refs[:-1]], axis=0)
        eye = jnp.eye(128, dtype=jnp.float32)
        dn = (((0,), (0,)), ((), ()))
        refs[-1][...] = lax.dot_general(x, eye, dn,
                                        preferred_element_type=jnp.float32)

    in_specs = [
        pl.BlockSpec((d, blk),
                     lambda c, k=k: (0, jnp.minimum(c + k * tr, last)))
        for k in range(p)
    ]

    def pack(tbl_t):
        return pl.pallas_call(
            body,
            grid=(tr,),
            in_specs=in_specs,
            out_specs=pl.BlockSpec((blk, 128), lambda c: (c, 0)),
            out_shape=jax.ShapeDtypeStruct((h, 128), jnp.float32),
        )(*([tbl_t] * p))

    return pack, h


_pack_item, H_ITEM = _mk_pack(ITEM_ROWS, ITEM_D, ITEM_BLK)
_pack_brand, H_BRAND = _mk_pack(BRAND_ROWS, BRAND_D, BRAND_BLK)
_pack_cat, H_CAT = _mk_pack(CAT_ROWS, CAT_D, CAT_BLK)


def _sc_body(all_idx,
             user_table, item_pk, cat_pk, brand_pk,
             out_hbm,
             idx_v, u_rows, pi_rows, pc_rows, pb_rows,
             ni_rows, nc_rows, nb_rows, partial,
             sem):
    nc_ax = jax.lax.axis_index("c")
    ns_ax = jax.lax.axis_index("s")
    wid = ns_ax * 2 + nc_ax
    base = wid * BPW

    def chunk_body(c, _):
        pltpu.sync_copy(all_idx.at[wid, c], idx_v)
        cps = [
            pltpu.async_copy(user_table.at[idx_v.at[0]], u_rows, sem),
            pltpu.async_copy(item_pk.at[idx_v.at[1]], pi_rows, sem),
            pltpu.async_copy(cat_pk.at[idx_v.at[3]], pc_rows, sem),
            pltpu.async_copy(brand_pk.at[idx_v.at[5]], pb_rows, sem),
            pltpu.async_copy(item_pk.at[idx_v.at[7]], ni_rows, sem),
            pltpu.async_copy(cat_pk.at[idx_v.at[9]], nc_rows, sem),
            pltpu.async_copy(brand_pk.at[idx_v.at[11]], nb_rows, sem),
        ]
        for cp in cps:
            cp.wait()

        def group_body(g, _):
            b16 = g * L
            d16 = pl.ds(b16, L)
            pov = idx_v[2, d16]
            pcov = idx_v[4, d16]
            pbov = idx_v[6, d16]
            nov = idx_v[8, d16]
            ncov = idx_v[10, d16]
            nbov = idx_v[12, d16]
            for j in range(L):
                r = b16 + j
                po_j = pov[j]
                pco_j = pcov[j]
                pbo_j = pbov[j]
                no_j = nov[j]
                nco_j = ncov[j]
                nbo_j = nbov[j]
                acc = jnp.zeros((L,), jnp.float32)
                for k in range(4):
                    du = pl.ds(k * L, L)
                    pv = pi_rows[r, pl.ds(po_j + k * L, L)]
                    nv = ni_rows[r, pl.ds(no_j + k * L, L)]
                    acc += u_rows[r, du] * (nv - pv)
                for k in range(2):
                    du = pl.ds(64 + k * L, L)
                    pv = pc_rows[r, pl.ds(pco_j + k * L, L)]
                    nv = nc_rows[r, pl.ds(nco_j + k * L, L)]
                    acc += u_rows[r, du] * (nv - pv)
                for k in range(2):
                    du = pl.ds(96 + k * L, L)
                    pv = pb_rows[r, pl.ds(pbo_j + k * L, L)]
                    nv = nb_rows[r, pl.ds(nbo_j + k * L, L)]
                    acc += u_rows[r, du] * (nv - pv)
                partial[r, :] = acc
            return 0

        lax.fori_loop(0, C // L, group_body, 0)
        pltpu.sync_copy(partial, out_hbm.at[pl.ds(base + c * C, C)])
        return 0

    lax.fori_loop(0, NCH, chunk_body, 0)


@jax.jit
def _sc_scores(*args):
    mesh = plsc.VectorSubcoreMesh(core_axis_name="c", subcore_axis_name="s")
    f = functools.partial(
        pl.kernel,
        mesh=mesh,
        compiler_params=pltpu.CompilerParams(needs_layout_passes=False),
        out_type=jax.ShapeDtypeStruct((B, L), jnp.float32),
        scratch_types=[
            pltpu.VMEM((13, C), jnp.int32),
            pltpu.VMEM((C, 128), jnp.float32),
            pltpu.VMEM((C, 128), jnp.float32),
            pltpu.VMEM((C, 128), jnp.float32),
            pltpu.VMEM((C, 128), jnp.float32),
            pltpu.VMEM((C, 128), jnp.float32),
            pltpu.VMEM((C, 128), jnp.float32),
            pltpu.VMEM((C, 128), jnp.float32),
            pltpu.VMEM((C, L), jnp.float32),
            pltpu.SemaphoreType.DMA,
        ],
    )(_sc_body)
    return f(*args)


def _tc_loss_body(p_ref, o_ref):
    s = jnp.sum(p_ref[...], axis=1, keepdims=True)
    sp = jnp.maximum(s, 0.0) + jnp.log1p(jnp.exp(-jnp.abs(s)))
    o_ref[...] = (jnp.sum(sp) * (1.0 / B)).reshape(1, 1)


def _tc_loss(partials):
    out = pl.pallas_call(
        _tc_loss_body,
        out_shape=jax.ShapeDtypeStruct((1, 1), jnp.float32),
    )(partials)
    return out[0, 0]


def _split(idx, h, d):
    q = idx // h
    return idx - q * h, q * d


def kernel(user, item, item_cat, item_brand, neg_item, neg_item_cat,
           neg_item_brand, user_table, item_table, cat_table, brand_table):
    def rs(x):
        return x.astype(jnp.int32).reshape(NW, NCH, C)

    item_pk = _pack_item(item_table.T)
    cat_pk = _pack_cat(cat_table.T)
    brand_pk = _pack_brand(brand_table.T)

    pi, po = _split(item.astype(jnp.int32), H_ITEM, ITEM_D)
    pc, pco = _split(item_cat.astype(jnp.int32), H_CAT, CAT_D)
    pb, pbo = _split(item_brand.astype(jnp.int32), H_BRAND, BRAND_D)
    ni, no = _split(neg_item.astype(jnp.int32), H_ITEM, ITEM_D)
    ncc, nco = _split(neg_item_cat.astype(jnp.int32), H_CAT, CAT_D)
    nb, nbo = _split(neg_item_brand.astype(jnp.int32), H_BRAND, BRAND_D)

    all_idx = jnp.stack(
        [rs(user), rs(pi), rs(po), rs(pc), rs(pco), rs(pb), rs(pbo),
         rs(ni), rs(no), rs(ncc), rs(nco), rs(nb), rs(nbo)],
        axis=2)
    partials = _sc_scores(all_idx, user_table, item_pk, cat_pk, brand_pk)
    return _tc_loss(partials)

# --- scband reference (transcript-rebuilt; emitter-appended) ---
"""Pipeline reference for scband-mfmodel-67851893342980 (READ-ONLY COPY).

The authoritative reference and input builder live on the scoring server;
editing this copy changes nothing except your own understanding.
"""

import jax, jax.numpy as jnp
import numpy as np

USERS_NUM = 1000000
ITEMS_NUM = 1000000
CATS_NUM = 1000
BRANDS_NUM = 100000
USER_DIM = 128
ITEM_DIM = 64
CAT_DIM = 32
BRAND_DIM = 32
BATCH = 16384


def _xavier_uniform(key, shape):
    fan_out, fan_in = shape[0], shape[1]
    limit = float(np.sqrt(6.0 / (fan_in + fan_out)))
    return jax.random.uniform(key, shape, dtype=jnp.float32, minval=-limit, maxval=limit)


def setup_inputs(seed: int = 0) -> dict:
    key = jax.random.key(seed)
    ks = jax.random.split(key, 11)
    user = jax.random.randint(ks[0], (BATCH,), 0, USERS_NUM, dtype=jnp.int64) if jax.config.jax_enable_x64 else jax.random.randint(ks[0], (BATCH,), 0, USERS_NUM).astype(jnp.int32)
    item = jax.random.randint(ks[1], (BATCH,), 0, ITEMS_NUM).astype(user.dtype)
    item_cat = jax.random.randint(ks[2], (BATCH,), 0, CATS_NUM).astype(user.dtype)
    item_brand = jax.random.randint(ks[3], (BATCH,), 0, BRANDS_NUM).astype(user.dtype)
    neg_item = jax.random.randint(ks[4], (BATCH,), 0, ITEMS_NUM).astype(user.dtype)
    neg_item_cat = jax.random.randint(ks[5], (BATCH,), 0, CATS_NUM).astype(user.dtype)
    neg_item_brand = jax.random.randint(ks[6], (BATCH,), 0, BRANDS_NUM).astype(user.dtype)
    user_table = _xavier_uniform(ks[7], (USERS_NUM, USER_DIM))
    item_table = _xavier_uniform(ks[8], (ITEMS_NUM, ITEM_DIM))
    cat_table = _xavier_uniform(ks[9], (CATS_NUM, CAT_DIM))
    brand_table = _xavier_uniform(ks[10], (BRANDS_NUM, BRAND_DIM))
    return {
        "user": user,
        "item": item,
        "item_cat": item_cat,
        "item_brand": item_brand,
        "neg_item": neg_item,
        "neg_item_cat": neg_item_cat,
        "neg_item_brand": neg_item_brand,
        "user_table": user_table,
        "item_table": item_table,
        "cat_table": cat_table,
        "brand_table": brand_table,
    }


def reference(user, item, item_cat, item_brand, neg_item, neg_item_cat, neg_item_brand,
              user_table, item_table, cat_table, brand_table):
    # MFModel.bpr_loss translated to jax
    user_embedding = jnp.take(user_table, user, axis=0)
    item_embedding = jnp.concatenate(
        (jnp.take(item_table, item, axis=0),
         jnp.take(cat_table, item_cat, axis=0),
         jnp.take(brand_table, item_brand, axis=0)), axis=1)
    neg_item_embedding = jnp.concatenate(
        (jnp.take(item_table, neg_item, axis=0),
         jnp.take(cat_table, neg_item_cat, axis=0),
         jnp.take(brand_table, neg_item_brand, axis=0)), axis=1)
    pos_scores = jnp.sum(user_embedding * item_embedding, axis=1)
    neg_scores = jnp.sum(user_embedding * neg_item_embedding, axis=1)
    loss = jnp.mean(jax.nn.softplus(neg_scores - pos_scores))
    return loss

if __name__ == "__main__":
    import jax
    _d = setup_inputs()
    print(jax.jit(kernel)(*tuple(_d.values())))

</pallas_src>

<mosaic_0001>
#map = affine_map<(d0, d1) -> (0, 0, 0, 0)>
#map1 = affine_map<(d0, d1) -> (0, 0)>
module attributes {stable_mosaic.version = 14 : i64} {
  func.func @_sc_body(%arg0: i32, %arg1: i32, %arg2: memref<32x8x13x64xi32, #tpu.memory_space<hbm>>, %arg3: memref<1000000x128xf32, #tpu.memory_space<hbm>>, %arg4: memref<507904x128xf32, #tpu.memory_space<hbm>>, %arg5: memref<256x128xf32, #tpu.memory_space<hbm>>, %arg6: memref<32768x128xf32, #tpu.memory_space<hbm>>, %arg7: memref<16384x16xf32, #tpu.memory_space<hbm>>, %arg8: memref<13x64xi32, #tpu.memory_space<vmem>>, %arg9: memref<64x128xf32, #tpu.memory_space<vmem>>, %arg10: memref<64x128xf32, #tpu.memory_space<vmem>>, %arg11: memref<64x128xf32, #tpu.memory_space<vmem>>, %arg12: memref<64x128xf32, #tpu.memory_space<vmem>>, %arg13: memref<64x128xf32, #tpu.memory_space<vmem>>, %arg14: memref<64x128xf32, #tpu.memory_space<vmem>>, %arg15: memref<64x128xf32, #tpu.memory_space<vmem>>, %arg16: memref<64x16xf32, #tpu.memory_space<vmem>>, %arg17: memref<!tpu.dma_semaphore, #tpu.memory_space<semaphore_mem>>) attributes {dimension_semantics = [#tpu.dimension_semantics<core_parallel>, #tpu.dimension_semantics<subcore_parallel>], iteration_bounds = array<i64: 2, 16>, scalar_prefetch = 0 : i64, scratch_operands = 10 : i64, tpu.core_type = #tpu.core_type<sc_vector_subcore>, window_params = [{transform_indices = #map}, {transform_indices = #map1}, {transform_indices = #map1}, {transform_indices = #map1}, {transform_indices = #map1}, {transform_indices = #map1}]} {
    %mul3A = arith.constant 2 : i32
    %mul3A_0 = arith.muli %arg1, %mul3A : i32
    %add3A = arith.addi %mul3A_0, %arg0 : i32
    %mul3A_1 = arith.constant 512 : i32
    %mul3A_2 = arith.muli %add3A, %mul3A_1 : i32
    %scan3A = arith.constant 0 : i32
    %scan3A_3 = arith.constant 0 : i32
    %scan3A_4 = arith.constant 8 : i32
    %scan3A_5 = arith.addi %scan3A_3, %scan3A_4 : i32
    %scan3A_6 = arith.constant 1 : i32
    %scan3A_7 = scf.for %scan3A_9 = %scan3A_3 to %scan3A_5 step %scan3A_6 iter_args(%scan3A_10 = %scan3A) -> (i32)  : i32 {
      "tpu.region"() ({
        %run_scoped3A = tpu.sem_alloc : memref<!tpu.dma_semaphore, #tpu.memory_space<semaphore_mem>>
        %dma_start3A_118 = arith.constant 0 : i32
        %dma_start3A_119 = arith.constant 0 : i32
        %dma_start3A_120 = tpu.memref_slice %arg2[%add3A, %scan3A_9, %dma_start3A_118, %dma_start3A_119] : memref<32x8x13x64xi32, #tpu.memory_space<hbm>> -> memref<1x1x13x64xi32, #tpu.memory_space<hbm>>
        %dma_start3A_121 = tpu.memref_squeeze %dma_start3A_120 : memref<1x1x13x64xi32, #tpu.memory_space<hbm>> -> memref<13x64xi32, #tpu.memory_space<hbm>>
        %dma_start3A_122 = arith.constant 0 : i32
        %dma_start3A_123 = arith.constant 0 : i32
        %dma_start3A_124 = tpu.memref_slice %arg2[%add3A, %scan3A_9, %dma_start3A_122, %dma_start3A_123] : memref<32x8x13x64xi32, #tpu.memory_space<hbm>> -> memref<1x1x13x64xi32, #tpu.memory_space<hbm>>
        %dma_start3A_125 = tpu.memref_squeeze %dma_start3A_124 : memref<1x1x13x64xi32, #tpu.memory_space<hbm>> -> memref<13x64xi32, #tpu.memory_space<hbm>>
        tpu.enqueue_dma source(%dma_start3A_125 : memref<13x64xi32, #tpu.memory_space<hbm>>) target(%arg8 : memref<13x64xi32, #tpu.memory_space<vmem>>) target_semaphore(%run_scoped3A : memref<!tpu.dma_semaphore, #tpu.memory_space<semaphore_mem>>)
        %dma_wait3A_126 = arith.constant 0 : i32
        %dma_wait3A_127 = arith.constant 0 : i32
        %dma_wait3A_128 = tpu.memref_slice %arg2[%add3A, %scan3A_9, %dma_wait3A_126, %dma_wait3A_127] : memref<32x8x13x64xi32, #tpu.memory_space<hbm>> -> memref<1x1x13x64xi32, #tpu.memory_space<hbm>>
        %dma_wait3A_129 = tpu.memref_squeeze %dma_wait3A_128 : memref<1x1x13x64xi32, #tpu.memory_space<hbm>> -> memref<13x64xi32, #tpu.memory_space<hbm>>
        %dma_wait3A_130 = arith.constant 0 : i32
        %dma_wait3A_131 = arith.constant 0 : i32
        %dma_wait3A_132 = tpu.memref_slice %arg2[%add3A, %scan3A_9, %dma_wait3A_130, %dma_wait3A_131] : memref<32x8x13x64xi32, #tpu.memory_space<hbm>> -> memref<1x1x13x64xi32, #tpu.memory_space<hbm>>
        %dma_wait3A_133 = tpu.memref_squeeze %dma_wait3A_132 : memref<1x1x13x64xi32, #tpu.memory_space<hbm>> -> memref<13x64xi32, #tpu.memory_space<hbm>>
        tpu.wait_dma2 semaphore(%run_scoped3A : memref<!tpu.dma_semaphore, #tpu.memory_space<semaphore_mem>>) src(%dma_wait3A_133 : memref<13x64xi32, #tpu.memory_space<hbm>>) dst(%arg8 : memref<13x64xi32, #tpu.memory_space<vmem>>)
        tpu.yield
      }) : () -> ()
      %dma_start3A = arith.constant 0 : i32
      %dma_start3A_11 = arith.constant 0 : i32
      %dma_start3A_12 = tpu.memref_slice %arg8[%dma_start3A, %dma_start3A_11] : memref<13x64xi32, #tpu.memory_space<vmem>> -> memref<1x64xi32, #tpu.memory_space<vmem>>
      %dma_start3A_13 = tpu.memref_squeeze %dma_start3A_12 : memref<1x64xi32, #tpu.memory_space<vmem>> -> memref<64xi32, #tpu.memory_space<vmem>>
      %dma_start3A_14 = arith.constant 0 : i32
      %dma_start3A_15 = arith.constant 0 : i32
      %dma_start3A_16 = tpu.memref_slice %arg3[%dma_start3A_14, %dma_start3A_15] : memref<1000000x128xf32, #tpu.memory_space<hbm>> -> memref<1000000x128xf32, #tpu.memory_space<hbm>>
      tpu.enqueue_indirect_dma source(%dma_start3A_16 : memref<1000000x128xf32, #tpu.memory_space<hbm>>) target(%arg9 : memref<64x128xf32, #tpu.memory_space<vmem>>) offsets(%dma_start3A_13 : memref<64xi32, #tpu.memory_space<vmem>>) semaphore(%arg17 : memref<!tpu.dma_semaphore, #tpu.memory_space<semaphore_mem>>)
      %dma_start3A_17 = arith.constant 1 : i32
      %dma_start3A_18 = arith.constant 0 : i32
      %dma_start3A_19 = tpu.memref_slice %arg8[%dma_start3A_17, %dma_start3A_18] : memref<13x64xi32, #tpu.memory_space<vmem>> -> memref<1x64xi32, #tpu.memory_space<vmem>>
      %dma_start3A_20 = tpu.memref_squeeze %dma_start3A_19 : memref<1x64xi32, #tpu.memory_space<vmem>> -> memref<64xi32, #tpu.memory_space<vmem>>
      %dma_start3A_21 = arith.constant 0 : i32
      %dma_start3A_22 = arith.constant 0 : i32
      %dma_start3A_23 = tpu.memref_slice %arg4[%dma_start3A_21, %dma_start3A_22] : memref<507904x128xf32, #tpu.memory_space<hbm>> -> memref<507904x128xf32, #tpu.memory_space<hbm>>
      tpu.enqueue_indirect_dma source(%dma_start3A_23 : memref<507904x128xf32, #tpu.memory_space<hbm>>) target(%arg10 : memref<64x128xf32, #tpu.memory_space<vmem>>) offsets(%dma_start3A_20 : memref<64xi32, #tpu.memory_space<vmem>>) semaphore(%arg17 : memref<!tpu.dma_semaphore, #tpu.memory_space<semaphore_mem>>)
      %dma_start3A_24 = arith.constant 3 : i32
      %dma_start3A_25 = arith.constant 0 : i32
      %dma_start3A_26 = tpu.memref_slice %arg8[%dma_start3A_24, %dma_start3A_25] : memref<13x64xi32, #tpu.memory_space<vmem>> -> memref<1x64xi32, #tpu.memory_space<vmem>>
      %dma_start3A_27 = tpu.memref_squeeze %dma_start3A_26 : memref<1x64xi32, #tpu.memory_space<vmem>> -> memref<64xi32, #tpu.memory_space<vmem>>
      %dma_start3A_28 = arith.constant 0 : i32
      %dma_start3A_29 = arith.constant 0 : i32
      %dma_start3A_30 = tpu.memref_slice %arg5[%dma_start3A_28, %dma_start3A_29] : memref<256x128xf32, #tpu.memory_space<hbm>> -> memref<256x128xf32, #tpu.memory_space<hbm>>
      tpu.enqueue_indirect_dma source(%dma_start3A_30 : memref<256x128xf32, #tpu.memory_space<hbm>>) target(%arg11 : memref<64x128xf32, #tpu.memory_space<vmem>>) offsets(%dma_start3A_27 : memref<64xi32, #tpu.memory_space<vmem>>) semaphore(%arg17 : memref<!tpu.dma_semaphore, #tpu.memory_space<semaphore_mem>>)
      %dma_start3A_31 = arith.constant 5 : i32
      %dma_start3A_32 = arith.constant 0 : i32
      %dma_start3A_33 = tpu.memref_slice %arg8[%dma_start3A_31, %dma_start3A_32] : memref<13x64xi32, #tpu.memory_space<vmem>> -> memref<1x64xi32, #tpu.memory_space<vmem>>
      %dma_start3A_34 = tpu.memref_squeeze %dma_start3A_33 : memref<1x64xi32, #tpu.memory_space<vmem>> -> memref<64xi32, #tpu.memory_space<vmem>>
      %dma_start3A_35 = arith.constant 0 : i32
      %dma_start3A_36 = arith.constant 0 : i32
      %dma_start3A_37 = tpu.memref_slice %arg6[%dma_start3A_35, %dma_start3A_36] : memref<32768x128xf32, #tpu.memory_space<hbm>> -> memref<32768x128xf32, #tpu.memory_space<hbm>>
      tpu.enqueue_indirect_dma source(%dma_start3A_37 : memref<32768x128xf32, #tpu.memory_space<hbm>>) target(%arg12 : memref<64x128xf32, #tpu.memory_space<vmem>>) offsets(%dma_start3A_34 : memref<64xi32, #tpu.memory_space<vmem>>) semaphore(%arg17 : memref<!tpu.dma_semaphore, #tpu.memory_space<semaphore_mem>>)
      %dma_start3A_38 = arith.constant 7 : i32
      %dma_start3A_39 = arith.constant 0 : i32
      %dma_start3A_40 = tpu.memref_slice %arg8[%dma_start3A_38, %dma_start3A_39] : memref<13x64xi32, #tpu.memory_space<vmem>> -> memref<1x64xi32, #tpu.memory_space<vmem>>
      %dma_start3A_41 = tpu.memref_squeeze %dma_start3A_40 : memref<1x64xi32, #tpu.memory_space<vmem>> -> memref<64xi32, #tpu.memory_space<vmem>>
      %dma_start3A_42 = arith.constant 0 : i32
      %dma_start3A_43 = arith.constant 0 : i32
      %dma_start3A_44 = tpu.memref_slice %arg4[%dma_start3A_42, %dma_start3A_43] : memref<507904x128xf32, #tpu.memory_space<hbm>> -> memref<507904x128xf32, #tpu.memory_space<hbm>>
      tpu.enqueue_indirect_dma source(%dma_start3A_44 : memref<507904x128xf32, #tpu.memory_space<hbm>>) target(%arg13 : memref<64x128xf32, #tpu.memory_space<vmem>>) offsets(%dma_start3A_41 : memref<64xi32, #tpu.memory_space<vmem>>) semaphore(%arg17 : memref<!tpu.dma_semaphore, #tpu.memory_space<semaphore_mem>>)
      %dma_start3A_45 = arith.constant 9 : i32
      %dma_start3A_46 = arith.constant 0 : i32
      %dma_start3A_47 = tpu.memref_slice %arg8[%dma_start3A_45, %dma_start3A_46] : memref<13x64xi32, #tpu.memory_space<vmem>> -> memref<1x64xi32, #tpu.memory_space<vmem>>
      %dma_start3A_48 = tpu.memref_squeeze %dma_start3A_47 : memref<1x64xi32, #tpu.memory_space<vmem>> -> memref<64xi32, #tpu.memory_space<vmem>>
      %dma_start3A_49 = arith.constant 0 : i32
      %dma_start3A_50 = arith.constant 0 : i32
      %dma_start3A_51 = tpu.memref_slice %arg5[%dma_start3A_49, %dma_start3A_50] : memref<256x128xf32, #tpu.memory_space<hbm>> -> memref<256x128xf32, #tpu.memory_space<hbm>>
      tpu.enqueue_indirect_dma source(%dma_start3A_51 : memref<256x128xf32, #tpu.memory_space<hbm>>) target(%arg14 : memref<64x128xf32, #tpu.memory_space<vmem>>) offsets(%dma_start3A_48 : memref<64xi32, #tpu.memory_space<vmem>>) semaphore(%arg17 : memref<!tpu.dma_semaphore, #tpu.memory_space<semaphore_mem>>)
      %dma_start3A_52 = arith.constant 11 : i32
      %dma_start3A_53 = arith.constant 0 : i32
      %dma_start3A_54 = tpu.memref_slice %arg8[%dma_start3A_52, %dma_start3A_53] : memref<13x64xi32, #tpu.memory_space<vmem>> -> memref<1x64xi32, #tpu.memory_space<vmem>>
      %dma_start3A_55 = tpu.memref_squeeze %dma_start3A_54 : memref<1x64xi32, #tpu.memory_space<vmem>> -> memref<64xi32, #tpu.memory_space<vmem>>
      %dma_start3A_56 = arith.constant 0 : i32
      %dma_start3A_57 = arith.constant 0 : i32
      %dma_start3A_58 = tpu.memref_slice %arg6[%dma_start3A_56, %dma_start3A_57] : memref<32768x128xf32, #tpu.memory_space<hbm>> -> memref<32768x128xf32, #tpu.memory_space<hbm>>
      tpu.enqueue_indirect_dma source(%dma_start3A_58 : memref<32768x128xf32, #tpu.memory_space<hbm>>) target(%arg15 : memref<64x128xf32, #tpu.memory_space<vmem>>) offsets(%dma_start3A_55 : memref<64xi32, #tpu.memory_space<vmem>>) semaphore(%arg17 : memref<!tpu.dma_semaphore, #tpu.memory_space<semaphore_mem>>)
      %dma_wait3A = arith.constant 0 : i32
      %dma_wait3A_59 = arith.constant 0 : i32
      %dma_wait3A_60 = tpu.memref_slice %arg8[%dma_wait3A, %dma_wait3A_59] : memref<13x64xi32, #tpu.memory_space<vmem>> -> memref<1x64xi32, #tpu.memory_space<vmem>>
      %dma_wait3A_61 = tpu.memref_squeeze %dma_wait3A_60 : memref<1x64xi32, #tpu.memory_space<vmem>> -> memref<64xi32, #tpu.memory_space<vmem>>
      %dma_wait3A_62 = arith.constant 0 : i32
      %dma_wait3A_63 = arith.constant 0 : i32
      %dma_wait3A_64 = tpu.memref_slice %arg3[%dma_wait3A_62, %dma_wait3A_63] : memref<1000000x128xf32, #tpu.memory_space<hbm>> -> memref<1000000x128xf32, #tpu.memory_space<hbm>>
      tpu.wait_indirect_dma semaphore(%arg17 : memref<!tpu.dma_semaphore, #tpu.memory_space<semaphore_mem>>) src(%dma_wait3A_64 : memref<1000000x128xf32, #tpu.memory_space<hbm>>) dst(%arg9 : memref<64x128xf32, #tpu.memory_space<vmem>>)
      %dma_wait3A_65 = arith.constant 1 : i32
      %dma_wait3A_66 = arith.constant 0 : i32
      %dma_wait3A_67 = tpu.memref_slice %arg8[%dma_wait3A_65, %dma_wait3A_66] : memref<13x64xi32, #tpu.memory_space<vmem>> -> memref<1x64xi32, #tpu.memory_space<vmem>>
      %dma_wait3A_68 = tpu.memref_squeeze %dma_wait3A_67 : memref<1x64xi32, #tpu.memory_space<vmem>> -> memref<64xi32, #tpu.memory_space<vmem>>
      %dma_wait3A_69 = arith.constant 0 : i32
      %dma_wait3A_70 = arith.constant 0 : i32
      %dma_wait3A_71 = tpu.memref_slice %arg4[%dma_wait3A_69, %dma_wait3A_70] : memref<507904x128xf32, #tpu.memory_space<hbm>> -> memref<507904x128xf32, #tpu.memory_space<hbm>>
      tpu.wait_indirect_dma semaphore(%arg17 : memref<!tpu.dma_semaphore, #tpu.memory_space<semaphore_mem>>) src(%dma_wait3A_71 : memref<507904x128xf32, #tpu.memory_space<hbm>>) dst(%arg10 : memref<64x128xf32, #tpu.memory_space<vmem>>)
      %dma_wait3A_72 = arith.constant 3 : i32
      %dma_wait3A_73 = arith.constant 0 : i32
      %dma_wait3A_74 = tpu.memref_slice %arg8[%dma_wait3A_72, %dma_wait3A_73] : memref<13x64xi32, #tpu.memory_space<vmem>> -> memref<1x64xi32, #tpu.memory_space<vmem>>
      %dma_wait3A_75 = tpu.memref_squeeze %dma_wait3A_74 : memref<1x64xi32, #tpu.memory_space<vmem>> -> memref<64xi32, #tpu.memory_space<vmem>>
      %dma_wait3A_76 = arith.constant 0 : i32
      %dma_wait3A_77 = arith.constant 0 : i32
      %dma_wait3A_78 = tpu.memref_slice %arg5[%dma_wait3A_76, %dma_wait3A_77] : memref<256x128xf32, #tpu.memory_space<hbm>> -> memref<256x128xf32, #tpu.memory_space<hbm>>
      tpu.wait_indirect_dma semaphore(%arg17 : memref<!tpu.dma_semaphore, #tpu.memory_space<semaphore_mem>>) src(%dma_wait3A_78 : memref<256x128xf32, #tpu.memory_space<hbm>>) dst(%arg11 : memref<64x128xf32, #tpu.memory_space<vmem>>)
      %dma_wait3A_79 = arith.constant 5 : i32
      %dma_wait3A_80 = arith.constant 0 : i32
      %dma_wait3A_81 = tpu.memref_slice %arg8[%dma_wait3A_79, %dma_wait3A_80] : memref<13x64xi32, #tpu.memory_space<vmem>> -> memref<1x64xi32, #tpu.memory_space<vmem>>
      %dma_wait3A_82 = tpu.memref_squeeze %dma_wait3A_81 : memref<1x64xi32, #tpu.memory_space<vmem>> -> memref<64xi32, #tpu.memory_space<vmem>>
      %dma_wait3A_83 = arith.constant 0 : i32
      %dma_wait3A_84 = arith.constant 0 : i32
      %dma_wait3A_85 = tpu.memref_slice %arg6[%dma_wait3A_83, %dma_wait3A_84] : memref<32768x128xf32, #tpu.memory_space<hbm>> -> memref<32768x128xf32, #tpu.memory_space<hbm>>
      tpu.wait_indirect_dma semaphore(%arg17 : memref<!tpu.dma_semaphore, #tpu.memory_space<semaphore_mem>>) src(%dma_wait3A_85 : memref<32768x128xf32, #tpu.memory_space<hbm>>) dst(%arg12 : memref<64x128xf32, #tpu.memory_space<vmem>>)
      %dma_wait3A_86 = arith.constant 7 : i32
      %dma_wait3A_87 = arith.constant 0 : i32
      %dma_wait3A_88 = tpu.memref_slice %arg8[%dma_wait3A_86, %dma_wait3A_87] : memref<13x64xi32, #tpu.memory_space<vmem>> -> memref<1x64xi32, #tpu.memory_space<vmem>>
      %dma_wait3A_89 = tpu.memref_squeeze %dma_wait3A_88 : memref<1x64xi32, #tpu.memory_space<vmem>> -> memref<64xi32, #tpu.memory_space<vmem>>
      %dma_wait3A_90 = arith.constant 0 : i32
      %dma_wait3A_91 = arith.constant 0 : i32
      %dma_wait3A_92 = tpu.memref_slice %arg4[%dma_wait3A_90, %dma_wait3A_91] : memref<507904x128xf32, #tpu.memory_space<hbm>> -> memref<507904x128xf32, #tpu.memory_space<hbm>>
      tpu.wait_indirect_dma semaphore(%arg17 : memref<!tpu.dma_semaphore, #tpu.memory_space<semaphore_mem>>) src(%dma_wait3A_92 : memref<507904x128xf32, #tpu.memory_space<hbm>>) dst(%arg13 : memref<64x128xf32, #tpu.memory_space<vmem>>)
      %dma_wait3A_93 = arith.constant 9 : i32
      %dma_wait3A_94 = arith.constant 0 : i32
      %dma_wait3A_95 = tpu.memref_slice %arg8[%dma_wait3A_93, %dma_wait3A_94] : memref<13x64xi32, #tpu.memory_space<vmem>> -> memref<1x64xi32, #tpu.memory_space<vmem>>
      %dma_wait3A_96 = tpu.memref_squeeze %dma_wait3A_95 : memref<1x64xi32, #tpu.memory_space<vmem>> -> memref<64xi32, #tpu.memory_space<vmem>>
      %dma_wait3A_97 = arith.constant 0 : i32
      %dma_wait3A_98 = arith.constant 0 : i32
      %dma_wait3A_99 = tpu.memref_slice %arg5[%dma_wait3A_97, %dma_wait3A_98] : memref<256x128xf32, #tpu.memory_space<hbm>> -> memref<256x128xf32, #tpu.memory_space<hbm>>
      tpu.wait_indirect_dma semaphore(%arg17 : memref<!tpu.dma_semaphore, #tpu.memory_space<semaphore_mem>>) src(%dma_wait3A_99 : memref<256x128xf32, #tpu.memory_space<hbm>>) dst(%arg14 : memref<64x128xf32, #tpu.memory_space<vmem>>)
      %dma_wait3A_100 = arith.constant 11 : i32
      %dma_wait3A_101 = arith.constant 0 : i32
      %dma_wait3A_102 = tpu.memref_slice %arg8[%dma_wait3A_100, %dma_wait3A_101] : memref<13x64xi32, #tpu.memory_space<vmem>> -> memref<1x64xi32, #tpu.memory_space<vmem>>
      %dma_wait3A_103 = tpu.memref_squeeze %dma_wait3A_102 : memref<1x64xi32, #tpu.memory_space<vmem>> -> memref<64xi32, #tpu.memory_space<vmem>>
      %dma_wait3A_104 = arith.constant 0 : i32
      %dma_wait3A_105 = arith.constant 0 : i32
      %dma_wait3A_106 = tpu.memref_slice %arg6[%dma_wait3A_104, %dma_wait3A_105] : memref<32768x128xf32, #tpu.memory_space<hbm>> -> memref<32768x128xf32, #tpu.memory_space<hbm>>
      tpu.wait_indirect_dma semaphore(%arg17 : memref<!tpu.dma_semaphore, #tpu.memory_space<semaphore_mem>>) src(%dma_wait3A_106 : memref<32768x128xf32, #tpu.memory_space<hbm>>) dst(%arg15 : memref<64x128xf32, #tpu.memory_space<vmem>>)
      %scan3A_107 = arith.constant 0 : i32
      %scan3A_108 = arith.constant 0 : i32
      %scan3A_109 = arith.constant 4 : i32
      %scan3A_110 = arith.addi %scan3A_108, %scan3A_109 : i32
      %scan3A_111 = arith.constant 1 : i32
      %scan3A_112 = scf.for %scan3A_118 = %scan3A_108 to %scan3A_110 step %scan3A_111 iter_args(%scan3A_119 = %scan3A_107) -> (i32)  : i32 {
        %mul3A_120 = arith.constant 16 : i32
        %mul3A_121 = arith.muli %scan3A_118, %mul3A_120 : i32
        %get3A = arith.constant 2 : i32
        %get3A_122 = arith.index_cast %get3A : i32 to index
        %get3A_123 = arith.index_cast %mul3A_121 : i32 to index
        %get3A_124 = tpu.vector_load %arg8[%get3A_122, %get3A_123] {strides = array<i32>} : memref<13x64xi32, #tpu.memory_space<vmem>>, vector<16xi32>,
        %get3A_125 = arith.constant 4 : i32
        %get3A_126 = arith.index_cast %get3A_125 : i32 to index
        %get3A_127 = arith.index_cast %mul3A_121 : i32 to index
        %get3A_128 = tpu.vector_load %arg8[%get3A_126, %get3A_127] {strides = array<i32>} : memref<13x64xi32, #tpu.memory_space<vmem>>, vector<16xi32>,
        %get3A_129 = arith.constant 6 : i32
        %get3A_130 = arith.index_cast %get3A_129 : i32 to index
        %get3A_131 = arith.index_cast %mul3A_121 : i32 to index
        %get3A_132 = tpu.vector_load %arg8[%get3A_130, %get3A_131] {strides = array<i32>} : memref<13x64xi32, #tpu.memory_space<vmem>>, vector<16xi32>,
        %get3A_133 = arith.constant 8 : i32
        %get3A_134 = arith.index_cast %get3A_133 : i32 to index
        %get3A_135 = arith.index_cast %mul3A_121 : i32 to index
        %get3A_136 = tpu.vector_load %arg8[%get3A_134, %get3A_135] {strides = array<i32>} : memref<13x64xi32, #tpu.memory_space<vmem>>, vector<16xi32>,
        %get3A_137 = arith.constant 10 : i32
        %get3A_138 = arith.index_cast %get3A_137 : i32 to index
        %get3A_139 = arith.index_cast %mul3A_121 : i32 to index
        %get3A_140 = tpu.vector_load %arg8[%get3A_138, %get3A_139] {strides = array<i32>} : memref<13x64xi32, #tpu.memory_space<vmem>>, vector<16xi32>,
        %get3A_141 = arith.constant 12 : i32
        %get3A_142 = arith.index_cast %get3A_141 : i32 to index
        %get3A_143 = arith.index_cast %mul3A_121 : i32 to index
        %get3A_144 = tpu.vector_load %arg8[%get3A_142, %get3A_143] {strides = array<i32>} : memref<13x64xi32, #tpu.memory_space<vmem>>, vector<16xi32>,
        %add3A_145 = arith.constant 0 : i32
        %add3A_146 = arith.addi %mul3A_121, %add3A_145 : i32
        %slice3A = vector.extract_strided_slice %get3A_124 {offsets = [0], sizes = [1], strides = [1]} : vector<16xi32> to vector<1xi32>
        %squeeze3A = vector.extract %slice3A[0] : i32 from vector<1xi32>
        %slice3A_147 = vector.extract_strided_slice %get3A_128 {offsets = [0], sizes = [1], strides = [1]} : vector<16xi32> to vector<1xi32>
        %squeeze3A_148 = vector.extract %slice3A_147[0] : i32 from vector<1xi32>
        %slice3A_149 = vector.extract_strided_slice %get3A_132 {offsets = [0], sizes = [1], strides = [1]} : vector<16xi32> to vector<1xi32>
        %squeeze3A_150 = vector.extract %slice3A_149[0] : i32 from vector<1xi32>
        %slice3A_151 = vector.extract_strided_slice %get3A_136 {offsets = [0], sizes = [1], strides = [1]} : vector<16xi32> to vector<1xi32>
        %squeeze3A_152 = vector.extract %slice3A_151[0] : i32 from vector<1xi32>
        %slice3A_153 = vector.extract_strided_slice %get3A_140 {offsets = [0], sizes = [1], strides = [1]} : vector<16xi32> to vector<1xi32>
        %squeeze3A_154 = vector.extract %slice3A_153[0] : i32 from vector<1xi32>
        %slice3A_155 = vector.extract_strided_slice %get3A_144 {offsets = [0], sizes = [1], strides = [1]} : vector<16xi32> to vector<1xi32>
        %squeeze3A_156 = vector.extract %slice3A_155[0] : i32 from vector<1xi32>
        %broadcast_in_dim3A = arith.constant 0.000000e+00 : f32
        %broadcast_in_dim3A_157 = vector.broadcast %broadcast_in_dim3A : f32 to vector<16xf32>
        %add3A_158 = arith.constant 0 : i32
        %add3A_159 = arith.addi %squeeze3A, %add3A_158 : i32
        %get3A_160 = arith.index_cast %add3A_146 : i32 to index
        %get3A_161 = arith.index_cast %add3A_159 : i32 to index
        %get3A_162 = tpu.vector_load %arg10[%get3A_160, %get3A_161] {strides = array<i32>} : memref<64x128xf32, #tpu.memory_space<vmem>>, vector<16xf32>,
        %add3A_163 = arith.constant 0 : i32
        %add3A_164 = arith.addi %squeeze3A_152, %add3A_163 : i32
        %get3A_165 = arith.index_cast %add3A_146 : i32 to index
        %get3A_166 = arith.index_cast %add3A_164 : i32 to index
        %get3A_167 = tpu.vector_load %arg13[%get3A_165, %get3A_166] {strides = array<i32>} : memref<64x128xf32, #tpu.memory_space<vmem>>, vector<16xf32>,
        %get3A_168 = arith.index_cast %add3A_146 : i32 to index
        %get3A_169 = arith.constant 0 : index
        %get3A_170 = tpu.vector_load %arg9[%get3A_168, %get3A_169] {strides = array<i32>} : memref<64x128xf32, #tpu.memory_space<vmem>>, vector<16xf32>,
        %sub3A = arith.subf %get3A_167, %get3A_162 : vector<16xf32>
        %mul3A_171 = arith.mulf %get3A_170, %sub3A : vector<16xf32>
        %add3A_172 = arith.addf %broadcast_in_dim3A_157, %mul3A_171 : vector<16xf32>
        %add3A_173 = arith.constant 16 : i32
        %add3A_174 = arith.addi %squeeze3A, %add3A_173 : i32
        %get3A_175 = arith.index_cast %add3A_146 : i32 to index
        %get3A_176 = arith.index_cast %add3A_174 : i32 to index
        %get3A_177 = tpu.vector_load %arg10[%get3A_175, %get3A_176] {strides = array<i32>} : memref<64x128xf32, #tpu.memory_space<vmem>>, vector<16xf32>,
        %add3A_178 = arith.constant 16 : i32
        %add3A_179 = arith.addi %squeeze3A_152, %add3A_178 : i32
        %get3A_180 = arith.index_cast %add3A_146 : i32 to index
        %get3A_181 = arith.index_cast %add3A_179 : i32 to index
        %get3A_182 = tpu.vector_load %arg13[%get3A_180, %get3A_181] {strides = array<i32>} : memref<64x128xf32, #tpu.memory_space<vmem>>, vector<16xf32>,
        %get3A_183 = arith.index_cast %add3A_146 : i32 to index
        %get3A_184 = arith.constant 16 : index
        %get3A_185 = tpu.vector_load %arg9[%get3A_183, %get3A_184] {strides = array<i32>} : memref<64x128xf32, #tpu.memory_space<vmem>>, vector<16xf32>,
        %sub3A_186 = arith.subf %get3A_182, %get3A_177 : vector<16xf32>
        %mul3A_187 = arith.mulf %get3A_185, %sub3A_186 : vector<16xf32>
        %add3A_188 = arith.addf %add3A_172, %mul3A_187 : vector<16xf32>
        %add3A_189 = arith.constant 32 : i32
        %add3A_190 = arith.addi %squeeze3A, %add3A_189 : i32
        %get3A_191 = arith.index_cast %add3A_146 : i32 to index
        %get3A_192 = arith.index_cast %add3A_190 : i32 to index
        %get3A_193 = tpu.vector_load %arg10[%get3A_191, %get3A_192] {strides = array<i32>} : memref<64x128xf32, #tpu.memory_space<vmem>>, vector<16xf32>,
        %add3A_194 = arith.constant 32 : i32
        %add3A_195 = arith.addi %squeeze3A_152, %add3A_194 : i32
        %get3A_196 = arith.index_cast %add3A_146 : i32 to index
        %get3A_197 = arith.index_cast %add3A_195 : i32 to index
        %get3A_198 = tpu.vector_load %arg13[%get3A_196, %get3A_197] {strides = array<i32>} : memref<64x128xf32, #tpu.memory_space<vmem>>, vector<16xf32>,
        %get3A_199 = arith.index_cast %add3A_146 : i32 to index
        %get3A_200 = arith.constant 32 : index
        %get3A_201 = tpu.vector_load %arg9[%get3A_199, %get3A_200] {strides = array<i32>} : memref<64x128xf32, #tpu.memory_space<vmem>>, vector<16xf32>,
        %sub3A_202 = arith.subf %get3A_198, %get3A_193 : vector<16xf32>
        %mul3A_203 = arith.mulf %get3A_201, %sub3A_202 : vector<16xf32>
        %add3A_204 = arith.addf %add3A_188, %mul3A_203 : vector<16xf32>
        %add3A_205 = arith.constant 48 : i32
        %add3A_206 = arith.addi %squeeze3A, %add3A_205 : i32
        %get3A_207 = arith.index_cast %add3A_146 : i32 to index
        %get3A_208 = arith.index_cast %add3A_206 : i32 to index
        %get3A_209 = tpu.vector_load %arg10[%get3A_207, %get3A_208] {strides = array<i32>} : memref<64x128xf32, #tpu.memory_space<vmem>>, vector<16xf32>,
        %add3A_210 = arith.constant 48 : i32
        %add3A_211 = arith.addi %squeeze3A_152, %add3A_210 : i32
        %get3A_212 = arith.index_cast %add3A_146 : i32 to index
        %get3A_213 = arith.index_cast %add3A_211 : i32 to index
        %get3A_214 = tpu.vector_load %arg13[%get3A_212, %get3A_213] {strides = array<i32>} : memref<64x128xf32, #tpu.memory_space<vmem>>, vector<16xf32>,
        %get3A_215 = arith.index_cast %add3A_146 : i32 to index
        %get3A_216 = arith.constant 48 : index
        %get3A_217 = tpu.vector_load %arg9[%get3A_215, %get3A_216] {strides = array<i32>} : memref<64x128xf32, #tpu.memory_space<vmem>>, vector<16xf32>,
        %sub3A_218 = arith.subf %get3A_214, %get3A_209 : vector<16xf32>
        %mul3A_219 = arith.mulf %get3A_217, %sub3A_218 : vector<16xf32>
        %add3A_220 = arith.addf %add3A_204, %mul3A_219 : vector<16xf32>
        %add3A_221 = arith.constant 0 : i32
        %add3A_222 = arith.addi %squeeze3A_148, %add3A_221 : i32
        %get3A_223 = arith.index_cast %add3A_146 : i32 to index
        %get3A_224 = arith.index_cast %add3A_222 : i32 to index
        %get3A_225 = tpu.vector_load %arg11[%get3A_223, %get3A_224] {strides = array<i32>} : memref<64x128xf32, #tpu.memory_space<vmem>>, vector<16xf32>,
        %add3A_226 = arith.constant 0 : i32
        %add3A_227 = arith.addi %squeeze3A_154, %add3A_226 : i32
        %get3A_228 = arith.index_cast %add3A_146 : i32 to index
        %get3A_229 = arith.index_cast %add3A_227 : i32 to index
        %get3A_230 = tpu.vector_load %arg14[%get3A_228, %get3A_229] {strides = array<i32>} : memref<64x128xf32, #tpu.memory_space<vmem>>, vector<16xf32>,
        %get3A_231 = arith.index_cast %add3A_146 : i32 to index
        %get3A_232 = arith.constant 64 : index
        %get3A_233 = tpu.vector_load %arg9[%get3A_231, %get3A_232] {strides = array<i32>} : memref<64x128xf32, #tpu.memory_space<vmem>>, vector<16xf32>,
        %sub3A_234 = arith.subf %get3A_230, %get3A_225 : vector<16xf32>
        %mul3A_235 = arith.mulf %get3A_233, %sub3A_234 : vector<16xf32>
        %add3A_236 = arith.addf %add3A_220, %mul3A_235 : vector<16xf32>
        %add3A_237 = arith.constant 16 : i32
        %add3A_238 = arith.addi %squeeze3A_148, %add3A_237 : i32
        %get3A_239 = arith.index_cast %add3A_146 : i32 to index
        %get3A_240 = arith.index_cast %add3A_238 : i32 to index
        %get3A_241 = tpu.vector_load %arg11[%get3A_239, %get3A_240] {strides = array<i32>} : memref<64x128xf32, #tpu.memory_space<vmem>>, vector<16xf32>,
        %add3A_242 = arith.constant 16 : i32
        %add3A_243 = arith.addi %squeeze3A_154, %add3A_242 : i32
        %get3A_244 = arith.index_cast %add3A_146 : i32 to index
        %get3A_245 = arith.index_cast %add3A_243 : i32 to index
        %get3A_246 = tpu.vector_load %arg14[%get3A_244, %get3A_245] {strides = array<i32>} : memref<64x128xf32, #tpu.memory_space<vmem>>, vector<16xf32>,
        %get3A_247 = arith.index_cast %add3A_146 : i32 to index
        %get3A_248 = arith.constant 80 : index
        %get3A_249 = tpu.vector_load %arg9[%get3A_247, %get3A_248] {strides = array<i32>} : memref<64x128xf32, #tpu.memory_space<vmem>>, vector<16xf32>,
        %sub3A_250 = arith.subf %get3A_246, %get3A_241 : vector<16xf32>
        %mul3A_251 = arith.mulf %get3A_249, %sub3A_250 : vector<16xf32>
        %add3A_252 = arith.addf %add3A_236, %mul3A_251 : vector<16xf32>
        %add3A_253 = arith.constant 0 : i32
        %add3A_254 = arith.addi %squeeze3A_150, %add3A_253 : i32
        %get3A_255 = arith.index_cast %add3A_146 : i32 to index
        %get3A_256 = arith.index_cast %add3A_254 : i32 to index
        %get3A_257 = tpu.vector_load %arg12[%get3A_255, %get3A_256] {strides = array<i32>} : memref<64x128xf32, #tpu.memory_space<vmem>>, vector<16xf32>,
        %add3A_258 = arith.constant 0 : i32
        %add3A_259 = arith.addi %squeeze3A_156, %add3A_258 : i32
        %get3A_260 = arith.index_cast %add3A_146 : i32 to index
        %get3A_261 = arith.index_cast %add3A_259 : i32 to index
        %get3A_262 = tpu.vector_load %arg15[%get3A_260, %get3A_261] {strides = array<i32>} : memref<64x128xf32, #tpu.memory_space<vmem>>, vector<16xf32>,
        %get3A_263 = arith.index_cast %add3A_146 : i32 to index
        %get3A_264 = arith.constant 96 : index
        %get3A_265 = tpu.vector_load %arg9[%get3A_263, %get3A_264] {strides = array<i32>} : memref<64x128xf32, #tpu.memory_space<vmem>>, vector<16xf32>,
        %sub3A_266 = arith.subf %get3A_262, %get3A_257 : vector<16xf32>
        %mul3A_267 = arith.mulf %get3A_265, %sub3A_266 : vector<16xf32>
        %add3A_268 = arith.addf %add3A_252, %mul3A_267 : vector<16xf32>
        %add3A_269 = arith.constant 16 : i32
        %add3A_270 = arith.addi %squeeze3A_150, %add3A_269 : i32
        %get3A_271 = arith.index_cast %add3A_146 : i32 to index
        %get3A_272 = arith.index_cast %add3A_270 : i32 to index
        %get3A_273 = tpu.vector_load %arg12[%get3A_271, %get3A_272] {strides = array<i32>} : memref<64x128xf32, #tpu.memory_space<vmem>>, vector<16xf32>,
        %add3A_274 = arith.constant 16 : i32
        %add3A_275 = arith.addi %squeeze3A_156, %add3A_274 : i32
        %get3A_276 = arith.index_cast %add3A_146 : i32 to index
        %get3A_277 = arith.index_cast %add3A_275 : i32 to index
        %get3A_278 = tpu.vector_load %arg15[%get3A_276, %get3A_277] {strides = array<i32>} : memref<64x128xf32, #tpu.memory_space<vmem>>, vector<16xf32>,
        %get3A_279 = arith.index_cast %add3A_146 : i32 to index
        %get3A_280 = arith.constant 112 : index
        %get3A_281 = tpu.vector_load %arg9[%get3A_279, %get3A_280] {strides = array<i32>} : memref<64x128xf32, #tpu.memory_space<vmem>>, vector<16xf32>,
        %sub3A_282 = arith.subf %get3A_278, %get3A_273 : vector<16xf32>
        %mul3A_283 = arith.mulf %get3A_281, %sub3A_282 : vector<16xf32>
        %add3A_284 = arith.addf %add3A_268, %mul3A_283 : vector<16xf32>
        %swap3A = arith.index_cast %add3A_146 : i32 to index
        %swap3A_285 = arith.constant 0 : index
        %swap3A_286 = tpu.vector_load %arg16[%swap3A, %swap3A_285] {strides = array<i32>} : memref<64x16xf32, #tpu.memory_space<vmem>>, vector<16xf32>,
        tpu.vector_store %arg16[%swap3A, %swap3A_285], %add3A_284 {strides = array<i32>} : memref<64x16xf32, #tpu.memory_space<vmem>>, vector<16xf32>,
        %add3A_287 = arith.constant 1 : i32
        %add3A_288 = arith.addi %mul3A_121, %add3A_287 : i32
        %slice3A_289 = vector.extract_strided_slice %get3A_124 {offsets = [1], sizes = [1], strides = [1]} : vector<16xi32> to vector<1xi32>
        %squeeze3A_290 = vector.extract %slice3A_289[0] : i32 from vector<1xi32>
        %slice3A_291 = vector.extract_strided_slice %get3A_128 {offsets = [1], sizes = [1], strides = [1]} : vector<16xi32> to vector<1xi32>
        %squeeze3A_292 = vector.extract %slice3A_291[0] : i32 from vector<1xi32>
        %slice3A_293 = vector.extract_strided_slice %get3A_132 {offsets = [1], sizes = [1], strides = [1]} : vector<16xi32> to vector<1xi32>
        %squeeze3A_294 = vector.extract %slice3A_293[0] : i32 from vector<1xi32>
        %slice3A_295 = vector.extract_strided_slice %get3A_136 {offsets = [1], sizes = [1], strides = [1]} : vector<16xi32> to vector<1xi32>
        %squeeze3A_296 = vector.extract %slice3A_295[0] : i32 from vector<1xi32>
        %slice3A_297 = vector.extract_strided_slice %get3A_140 {offsets = [1], sizes = [1], strides = [1]} : vector<16xi32> to vector<1xi32>
        %squeeze3A_298 = vector.extract %slice3A_297[0] : i32 from vector<1xi32>
        %slice3A_299 = vector.extract_strided_slice %get3A_144 {offsets = [1], sizes = [1], strides = [1]} : vector<16xi32> to vector<1xi32>
        %squeeze3A_300 = vector.extract %slice3A_299[0] : i32 from vector<1xi32>
        %broadcast_in_dim3A_301 = arith.constant 0.000000e+00 : f32
        %broadcast_in_dim3A_302 = vector.broadcast %broadcast_in_dim3A_301 : f32 to vector<16xf32>
        %add3A_303 = arith.constant 0 : i32
        %add3A_304 = arith.addi %squeeze3A_290, %add3A_303 : i32
        %get3A_305 = arith.index_cast %add3A_288 : i32 to index
        %get3A_306 = arith.index_cast %add3A_304 : i32 to index
        %get3A_307 = tpu.vector_load %arg10[%get3A_305, %get3A_306] {strides = array<i32>} : memref<64x128xf32, #tpu.memory_space<vmem>>, vector<16xf32>,
        %add3A_308 = arith.constant 0 : i32
        %add3A_309 = arith.addi %squeeze3A_296, %add3A_308 : i32
        %get3A_310 = arith.index_cast %add3A_288 : i32 to index
        %get3A_311 = arith.index_cast %add3A_309 : i32 to index
        %get3A_312 = tpu.vector_load %arg13[%get3A_310, %get3A_311] {strides = array<i32>} : memref<64x128xf32, #tpu.memory_space<vmem>>, vector<16xf32>,
        %get3A_313 = arith.index_cast %add3A_288 : i32 to index
        %get3A_314 = arith.constant 0 : index
        %get3A_315 = tpu.vector_load %arg9[%get3A_313, %get3A_314] {strides = array<i32>} : memref<64x128xf32, #tpu.memory_space<vmem>>, vector<16xf32>,
        %sub3A_316 = arith.subf %get3A_312, %get3A_307 : vector<16xf32>
        %mul3A_317 = arith.mulf %get3A_315, %sub3A_316 : vector<16xf32>
        %add3A_318 = arith.addf %broadcast_in_dim3A_302, %mul3A_317 : vector<16xf32>
        %add3A_319 = arith.constant 16 : i32
        %add3A_320 = arith.addi %squeeze3A_290, %add3A_319 : i32
        %get3A_321 = arith.index_cast %add3A_288 : i32 to index
        %get3A_322 = arith.index_cast %add3A_320 : i32 to index
        %get3A_323 = tpu.vector_load %arg10[%get3A_321, %get3A_322] {strides = array<i32>} : memref<64x128xf32, #tpu.memory_space<vmem>>, vector<16xf32>,
        %add3A_324 = arith.constant 16 : i32
        %add3A_325 = arith.addi %squeeze3A_296, %add3A_324 : i32
        %get3A_326 = arith.index_cast %add3A_288 : i32 to index
        %get3A_327 = arith.index_cast %add3A_325 : i32 to index
        %get3A_328 = tpu.vector_load %arg13[%get3A_326, %get3A_327] {strides = array<i32>} : memref<64x128xf32, #tpu.memory_space<vmem>>, vector<16xf32>,
        %get3A_329 = arith.index_cast %add3A_288 : i32 to index
        %get3A_330 = arith.constant 16 : index
        %get3A_331 = tpu.vector_load %arg9[%get3A_329, %get3A_330] {strides = array<i32>} : memref<64x128xf32, #tpu.memory_space<vmem>>, vector<16xf32>,
        %sub3A_332 = arith.subf %get3A_328, %get3A_323 : vector<16xf32>
        %mul3A_333 = arith.mulf %get3A_331, %sub3A_332 : vector<16xf32>
        %add3A_334 = arith.addf %add3A_318, %mul3A_333 : vector<16xf32>
        %add3A_335 = arith.constant 32 : i32
        %add3A_336 = arith.addi %squeeze3A_290, %add3A_335 : i32
        %get3A_337 = arith.index_cast %add3A_288 : i32 to index
        %get3A_338 = arith.index_cast %add3A_336 : i32 to index
        %get3A_339 = tpu.vector_load %arg10[%get3A_337, %get3A_338] {strides = array<i32>} : memref<64x128xf32, #tpu.memory_space<vmem>>, vector<16xf32>,
        %add3A_340 = arith.constant 32 : i32
        %add3A_341 = arith.addi %squeeze3A_296, %add3A_340 : i32
        %get3A_342 = arith.index_cast %add3A_288 : i32 to index
        %get3A_343 = arith.index_cast %add3A_341 : i32 to index
        %get3A_344 = tpu.vector_load %arg13[%get3A_342, %get3A_343] {strides = array<i32>} : memref<64x128xf32, #tpu.memory_space<vmem>>, vector<16xf32>,
        %get3A_345 = arith.index_cast %add3A_288 : i32 to index
        %get3A_346 = arith.constant 32 : index
        %get3A_347 = tpu.vector_load %arg9[%get3A_345, %get3A_346] {strides = array<i32>} : memref<64x128xf32, #tpu.memory_space<vmem>>, vector<16xf32>,
        %sub3A_348 = arith.subf %get3A_344, %get3A_339 : vector<16xf32>
        %mul3A_349 = arith.mulf %get3A_347, %sub3A_348 : vector<16xf32>
        %add3A_350 = arith.addf %add3A_334, %mul3A_349 : vector<16xf32>
        %add3A_351 = arith.constant 48 : i32
        %add3A_352 = arith.addi %squeeze3A_290, %add3A_351 : i32
        %get3A_353 = arith.index_cast %add3A_288 : i32 to index
        %get3A_354 = arith.index_cast %add3A_352 : i32 to index
        %get3A_355 = tpu.vector_load %arg10[%get3A_353, %get3A_354] {strides = array<i32>} : memref<64x128xf32, #tpu.memory_space<vmem>>, vector<16xf32>,
        %add3A_356 = arith.constant 48 : i32
        %add3A_357 = arith.addi %squeeze3A_296, %add3A_356 : i32
        %get3A_358 = arith.index_cast %add3A_288 : i32 to index
        %get3A_359 = arith.index_cast %add3A_357 : i32 to index
        %get3A_360 = tpu.vector_load %arg13[%get3A_358, %get3A_359] {strides = array<i32>} : memref<64x128xf32, #tpu.memory_space<vmem>>, vector<16xf32>,
        %get3A_361 = arith.index_cast %add3A_288 : i32 to index
        %get3A_362 = arith.constant 48 : index
        %get3A_363 = tpu.vector_load %arg9[%get3A_361, %get3A_362] {strides = array<i32>} : memref<64x128xf32, #tpu.memory_space<vmem>>, vector<16xf32>,
        %sub3A_364 = arith.subf %get3A_360, %get3A_355 : vector<16xf32>
        %mul3A_365 = arith.mulf %get3A_363, %sub3A_364 : vector<16xf32>
        %add3A_366 = arith.addf %add3A_350, %mul3A_365 : vector<16xf32>
        %add3A_367 = arith.constant 0 : i32
        %add3A_368 = arith.addi %squeeze3A_292, %add3A_367 : i32
        %get3A_369 = arith.index_cast %add3A_288 : i32 to index
        %get3A_370 = arith.index_cast %add3A_368 : i32 to index
        %get3A_371 = tpu.vector_load %arg11[%get3A_369, %get3A_370] {strides = array<i32>} : memref<64x128xf32, #tpu.memory_space<vmem>>, vector<16xf32>,
        %add3A_372 = arith.constant 0 : i32
        %add3A_373 = arith.addi %squeeze3A_298, %add3A_372 : i32
        %get3A_374 = arith.index_cast %add3A_288 : i32 to index
        %get3A_375 = arith.index_cast %add3A_373 : i32 to index
        %get3A_376 = tpu.vector_load %arg14[%get3A_374, %get3A_375] {strides = array<i32>} : memref<64x128xf32, #tpu.memory_space<vmem>>, vector<16xf32>,
        %get3A_377 = arith.index_cast %add3A_288 : i32 to index
        %get3A_378 = arith.constant 64 : index
        %get3A_379 = tpu.vector_load %arg9[%get3A_377, %get3A_378] {strides = array<i32>} : memref<64x128xf32, #tpu.memory_space<vmem>>, vector<16xf32>,
        %sub3A_380 = arith.subf %get3A_376, %get3A_371 : vector<16xf32>
        %mul3A_381 = arith.mulf %get3A_379, %sub3A_380 : vector<16xf32>
        %add3A_382 = arith.addf %add3A_366, %mul3A_381 : vector<16xf32>
        %add3A_383 = arith.constant 16 : i32
        %add3A_384 = arith.addi %squeeze3A_292, %add3A_383 : i32
        %get3A_385 = arith.index_cast %add3A_288 : i32 to index
        %get3A_386 = arith.index_cast %add3A_384 : i32 to index
        %get3A_387 = tpu.vector_load %arg11[%get3A_385, %get3A_386] {strides = array<i32>} : memref<64x128xf32, #tpu.memory_space<vmem>>, vector<16xf32>,
        %add3A_388 = arith.constant 16 : i32
        %add3A_389 = arith.addi %squeeze3A_298, %add3A_388 : i32
        %get3A_390 = arith.index_cast %add3A_288 : i32 to index
        %get3A_391 = arith.index_cast %add3A_389 : i32 to index
        %get3A_392 = tpu.vector_load %arg14[%get3A_390, %get3A_391] {strides = array<i32>} : memref<64x128xf32, #tpu.memory_space<vmem>>, vector<16xf32>,
        %get3A_393 = arith.index_cast %add3A_288 : i32 to index
        %get3A_394 = arith.constant 80 : index
        %get3A_395 = tpu.vector_load %arg9[%get3A_393, %get3A_394] {strides = array<i32>} : memref<64x128xf32, #tpu.memory_space<vmem>>, vector<16xf32>,
        %sub3A_396 = arith.subf %get3A_392, %get3A_387 : vector<16xf32>
        %mul3A_397 = arith.mulf %get3A_395, %sub3A_396 : vector<16xf32>
        %add3A_398 = arith.addf %add3A_382, %mul3A_397 : vector<16xf32>
        %add3A_399 = arith.constant 0 : i32
        %add3A_400 = arith.addi %squeeze3A_294, %add3A_399 : i32
        %get3A_401 = arith.index_cast %add3A_288 : i32 to index
        %get3A_402 = arith.index_cast %add3A_400 : i32 to index
        %get3A_403 = tpu.vector_load %arg12[%get3A_401, %get3A_402] {strides = array<i32>} : memref<64x128xf32, #tpu.memory_space<vmem>>, vector<16xf32>,
        %add3A_404 = arith.constant 0 : i32
        %add3A_405 = arith.addi %squeeze3A_300, %add3A_404 : i32
        %get3A_406 = arith.index_cast %add3A_288 : i32 to index
        %get3A_407 = arith.index_cast %add3A_405 : i32 to index
        %get3A_408 = tpu.vector_load %arg15[%get3A_406, %get3A_407] {strides = array<i32>} : memref<64x128xf32, #tpu.memory_space<vmem>>, vector<16xf32>,
        %get3A_409 = arith.index_cast %add3A_288 : i32 to index
        %get3A_410 = arith.constant 96 : index
        %get3A_411 = tpu.vector_load %arg9[%get3A_409, %get3A_410] {strides = array<i32>} : memref<64x128xf32, #tpu.memory_space<vmem>>, vector<16xf32>,
        %sub3A_412 = arith.subf %get3A_408, %get3A_403 : vector<16xf32>
        %mul3A_413 = arith.mulf %get3A_411, %sub3A_412 : vector<16xf32>
        %add3A_414 = arith.addf %add3A_398, %mul3A_413 : vector<16xf32>
        %add3A_415 = arith.constant 16 : i32
        %add3A_416 = arith.addi %squeeze3A_294, %add3A_415 : i32
        %get3A_417 = arith.index_cast %add3A_288 : i32 to index
        %get3A_418 = arith.index_cast %add3A_416 : i32 to index
        %get3A_419 = tpu.vector_load %arg12[%get3A_417, %get3A_418] {strides = array<i32>} : memref<64x128xf32, #tpu.memory_space<vmem>>, vector<16xf32>,
        %add3A_420 = arith.constant 16 : i32
        %add3A_421 = arith.addi %squeeze3A_300, %add3A_420 : i32
        %get3A_422 = arith.index_cast %add3A_288 : i32 to index
        %get3A_423 = arith.index_cast %add3A_421 : i32 to index
        %get3A_424 = tpu.vector_load %arg15[%get3A_422, %get3A_423] {strides = array<i32>} : memref<64x128xf32, #tpu.memory_space<vmem>>, vector<16xf32>,
        %get3A_425 = arith.index_cast %add3A_288 : i32 to index
        %get3A_426 = arith.constant 112 : index
        %get3A_427 = tpu.vector_load %arg9[%get3A_425, %get3A_426] {strides = array<i32>} : memref<64x128xf32, #tpu.memory_space<vmem>>, vector<16xf32>,
        %sub3A_428 = arith.subf %get3A_424, %get3A_419 : vector<16xf32>
        %mul3A_429 = arith.mulf %get3A_427, %sub3A_428 : vector<16xf32>
        %add3A_430 = arith.addf %add3A_414, %mul3A_429 : vector<16xf32>
        %swap3A_431 = arith.index_cast %add3A_288 : i32 to index
        %swap3A_432 = arith.constant 0 : index
        %swap3A_433 = tpu.vector_load %arg16[%swap3A_431, %swap3A_432] {strides = array<i32>} : memref<64x16xf32, #tpu.memory_space<vmem>>, vector<16xf32>,
        tpu.vector_store %arg16[%swap3A_431, %swap3A_432], %add3A_430 {strides = array<i32>} : memref<64x16xf32, #tpu.memory_space<vmem>>, vector<16xf32>,
        %add3A_434 = arith.constant 2 : i32
        %add3A_435 = arith.addi %mul3A_121, %add3A_434 : i32
        %slice3A_436 = vector.extract_strided_slice %get3A_124 {offsets = [2], sizes = [1], strides = [1]} : vector<16xi32> to vector<1xi32>
        %squeeze3A_437 = vector.extract %slice3A_436[0] : i32 from vector<1xi32>
        %slice3A_438 = vector.extract_strided_slice %get3A_128 {offsets = [2], sizes = [1], strides = [1]} : vector<16xi32> to vector<1xi32>
        %squeeze3A_439 = vector.extract %slice3A_438[0] : i32 from vector<1xi32>
        %slice3A_440 = vector.extract_strided_slice %get3A_132 {offsets = [2], sizes = [1], strides = [1]} : vector<16xi32> to vector<1xi32>
        %squeeze3A_441 = vector.extract %slice3A_440[0] : i32 from vector<1xi32>
        %slice3A_442 = vector.extract_strided_slice %get3A_136 {offsets = [2], sizes = [1], strides = [1]} : vector<16xi32> to vector<1xi32>
        %squeeze3A_443 = vector.extract %slice3A_442[0] : i32 from vector<1xi32>
        %slice3A_444 = vector.extract_strided_slice %get3A_140 {offsets = [2], sizes = [1], strides = [1]} : vector<16xi32> to vector<1xi32>
        %squeeze3A_445 = vector.extract %slice3A_444[0] : i32 from vector<1xi32>
        %slice3A_446 = vector.extract_strided_slice %get3A_144 {offsets = [2], sizes = [1], strides = [1]} : vector<16xi32> to vector<1xi32>
        %squeeze3A_447 = vector.extract %slice3A_446[0] : i32 from vector<1xi32>
        %broadcast_in_dim3A_448 = arith.constant 0.000000e+00 : f32
        %broadcast_in_dim3A_449 = vector.broadcast %broadcast_in_dim3A_448 : f32 to vector<16xf32>
        %add3A_450 = arith.constant 0 : i32
        %add3A_451 = arith.addi %squeeze3A_437, %add3A_450 : i32
        %get3A_452 = arith.index_cast %add3A_435 : i32 to index
        %get3A_453 = arith.index_cast %add3A_451 : i32 to index
        %get3A_454 = tpu.vector_load %arg10[%get3A_452, %get3A_453] {strides = array<i32>} : memref<64x128xf32, #tpu.memory_space<vmem>>, vector<16xf32>,
        %add3A_455 = arith.constant 0 : i32
        %add3A_456 = arith.addi %squeeze3A_443, %add3A_455 : i32
        %get3A_457 = arith.index_cast %add3A_435 : i32 to index
        %get3A_458 = arith.index_cast %add3A_456 : i32 to index
        %get3A_459 = tpu.vector_load %arg13[%get3A_457, %get3A_458] {strides = array<i32>} : memref<64x128xf32, #tpu.memory_space<vmem>>, vector<16xf32>,
        %get3A_460 = arith.index_cast %add3A_435 : i32 to index
        %get3A_461 = arith.constant 0 : index
        %get3A_462 = tpu.vector_load %arg9[%get3A_460, %get3A_461] {strides = array<i32>} : memref<64x128xf32, #tpu.memory_space<vmem>>, vector<16xf32>,
        %sub3A_463 = arith.subf %get3A_459, %get3A_454 : vector<16xf32>
        %mul3A_464 = arith.mulf %get3A_462, %sub3A_463 : vector<16xf32>
        %add3A_465 = arith.addf %broadcast_in_dim3A_449, %mul3A_464 : vector<16xf32>
        %add3A_466 = arith.constant 16 : i32
        %add3A_467 = arith.addi %squeeze3A_437, %add3A_466 : i32
        %get3A_468 = arith.index_cast %add3A_435 : i32 to index
        %get3A_469 = arith.index_cast %add3A_467 : i32 to index
        %get3A_470 = tpu.vector_load %arg10[%get3A_468, %get3A_469] {strides = array<i32>} : memref<64x128xf32, #tpu.memory_space<vmem>>, vector<16xf32>,
        %add3A_471 = arith.constant 16 : i32
        %add3A_472 = arith.addi %squeeze3A_443, %add3A_471 : i32
        %get3A_473 = arith.index_cast %add3A_435 : i32 to index
        %get3A_474 = arith.index_cast %add3A_472 : i32 to index
        %get3A_475 = tpu.vector_load %arg13[%get3A_473, %get3A_474] {strides = array<i32>} : memref<64x128xf32, #tpu.memory_space<vmem>>, vector<16xf32>,
        %get3A_476 = arith.index_cast %add3A_435 : i32 to index
        %get3A_477 = arith.constant 16 : index
        %get3A_478 = tpu.vector_load %arg9[%get3A_476, %get3A_477] {strides = array<i32>} : memref<64x128xf32, #tpu.memory_space<vmem>>, vector<16xf32>,
        %sub3A_479 = arith.subf %get3A_475, %get3A_470 : vector<16xf32>
        %mul3A_480 = arith.mulf %get3A_478, %sub3A_479 : vector<16xf32>
        %add3A_481 = arith.addf %add3A_465, %mul3A_480 : vector<16xf32>
        %add3A_482 = arith.constant 32 : i32
        %add3A_483 = arith.addi %squeeze3A_437, %add3A_482 : i32
        %get3A_484 = arith.index_cast %add3A_435 : i32 to index
        %get3A_485 = arith.index_cast %add3A_483 : i32 to index
        %get3A_486 = tpu.vector_load %arg10[%get3A_484, %get3A_485] {strides = array<i32>} : memref<64x128xf32, #tpu.memory_space<vmem>>, vector<16xf32>,
        %add3A_487 = arith.constant 32 : i32
        %add3A_488 = arith.addi %squeeze3A_443, %add3A_487 : i32
        %get3A_489 = arith.index_cast %add3A_435 : i32 to index
        %get3A_490 = arith.index_cast %add3A_488 : i32 to index
        %get3A_491 = tpu.vector_load %arg13[%get3A_489, %get3A_490] {strides = array<i32>} : memref<64x128xf32, #tpu.memory_space<vmem>>, vector<16xf32>,
        %get3A_492 = arith.index_cast %add3A_435 : i32 to index
        %get3A_493 = arith.constant 32 : index
        %get3A_494 = tpu.vector_load %arg9[%get3A_492, %get3A_493] {strides = array<i32>} : memref<64x128xf32, #tpu.memory_space<vmem>>, vector<16xf32>,
        %sub3A_495 = arith.subf %get3A_491, %get3A_486 : vector<16xf32>
        %mul3A_496 = arith.mulf %get3A_494, %sub3A_495 : vector<16xf32>
        %add3A_497 = arith.addf %add3A_481, %mul3A_496 : vector<16xf32>
        %add3A_498 = arith.constant 48 : i32
        %add3A_499 = arith.addi %squeeze3A_437, %add3A_498 : i32
        %get3A_500 = arith.index_cast %add3A_435 : i32 to index
        %get3A_501 = arith.index_cast %add3A_499 : i32 to index
        %get3A_502 = tpu.vector_load %arg10[%get3A_500, %get3A_501] {strides = array<i32>} : memref<64x128xf32, #tpu.memory_space<vmem>>, vector<16xf32>,
        %add3A_503 = arith.constant 48 : i32
        %add3A_504 = arith.addi %squeeze3A_443, %add3A_503 : i32
        %get3A_505 = arith.index_cast %add3A_435 : i32 to index
        %get3A_506 = arith.index_cast %add3A_504 : i32 to index
        %get3A_507 = tpu.vector_load %arg13[%get3A_505, %get3A_506] {strides = array<i32>} : memref<64x128xf32, #tpu.memory_space<vmem>>, vector<16xf32>,
        %get3A_508 = arith.index_cast %add3A_435 : i32 to index
        %get3A_509 = arith.constant 48 : index
        %get3A_510 = tpu.vector_load %arg9[%get3A_508, %get3A_509] {strides = array<i32>} : memref<64x128xf32, #tpu.memory_space<vmem>>, vector<16xf32>,
        %sub3A_511 = arith.subf %get3A_507, %get3A_502 : vector<16xf32>
        %mul3A_512 = arith.mulf %get3A_510, %sub3A_511 : vector<16xf32>
        %add3A_513 = arith.addf %add3A_497, %mul3A_512 : vector<16xf32>
        %add3A_514 = arith.constant 0 : i32
        %add3A_515 = arith.addi %squeeze3A_439, %add3A_514 : i32
        %get3A_516 = arith.index_cast %add3A_435 : i32 to index
        %get3A_517 = arith.index_cast %add3A_515 : i32 to index
        %get3A_518 = tpu.vector_load %arg11[%get3A_516, %get3A_517] {strides = array<i32>} : memref<64x128xf32, #tpu.memory_space<vmem>>, vector<16xf32>,
        %add3A_519 = arith.constant 0 : i32
        %add3A_520 = arith.addi %squeeze3A_445, %add3A_519 : i32
        %get3A_521 = arith.index_cast %add3A_435 : i32 to index
        %get3A_522 = arith.index_cast %add3A_520 : i32 to index
        %get3A_523 = tpu.vector_load %arg14[%get3A_521, %get3A_522] {strides = array<i32>} : memref<64x128xf32, #tpu.memory_space<vmem>>, vector<16xf32>,
        %get3A_524 = arith.index_cast %add3A_435 : i32 to index
        %get3A_525 = arith.constant 64 : index
        %get3A_526 = tpu.vector_load %arg9[%get3A_524, %get3A_525] {strides = array<i32>} : memref<64x128xf32, #tpu.memory_space<vmem>>, vector<16xf32>,
        %sub3A_527 = arith.subf %get3A_523, %get3A_518 : vector<16xf32>
        %mul3A_528 = arith.mulf %get3A_526, %sub3A_527 : vector<16xf32>
        %add3A_529 = arith.addf %add3A_513, %mul3A_528 : vector<16xf32>
        %add3A_530 = arith.constant 16 : i32
        %add3A_531 = arith.addi %squeeze3A_439, %add3A_530 : i32
        %get3A_532 = arith.index_cast %add3A_435 : i32 to index
        %get3A_533 = arith.index_cast %add3A_531 : i32 to index
        %get3A_534 = tpu.vector_load %arg11[%get3A_532, %get3A_533] {strides = array<i32>} : memref<64x128xf32, #tpu.memory_space<vmem>>, vector<16xf32>,
        %add3A_535 = arith.constant 16 : i32
        %add3A_536 = arith.addi %squeeze3A_445, %add3A_535 : i32
        %get3A_537 = arith.index_cast %add3A_435 : i32 to index
        %get3A_538 = arith.index_cast %add3A_536 : i32 to index
        %get3A_539 = tpu.vector_load %arg14[%get3A_537, %get3A_538] {strides = array<i32>} : memref<64x128xf32, #tpu.memory_space<vmem>>, vector<16xf32>,
        %get3A_540 = arith.index_cast %add3A_435 : i32 to index
        %get3A_541 = arith.constant 80 : index
        %get3A_542 = tpu.vector_load %arg9[%get3A_540, %get3A_541] {strides = array<i32>} : memref<64x128xf32, #tpu.memory_space<vmem>>, vector<16xf32>,
        %sub3A_543 = arith.subf %get3A_539, %get3A_534 : vector<16xf32>
        %mul3A_544 = arith.mulf %get3A_542, %sub3A_543 : vector<16xf32>
        %add3A_545 = arith.addf %add3A_529, %mul3A_544 : vector<16xf32>
        %add3A_546 = arith.constant 0 : i32
        %add3A_547 = arith.addi %squeeze3A_441, %add3A_546 : i32
        %get3A_548 = arith.index_cast %add3A_435 : i32 to index
        %get3A_549 = arith.index_cast %add3A_547 : i32 to index
        %get3A_550 = tpu.vector_load %arg12[%get3A_548, %get3A_549] {strides = array<i32>} : memref<64x128xf32, #tpu.memory_space<vmem>>, vector<16xf32>,
        %add3A_551 = arith.constant 0 : i32
        %add3A_552 = arith.addi %squeeze3A_447, %add3A_551 : i32
        %get3A_553 = arith.index_cast %add3A_435 : i32 to index
        %get3A_554 = arith.index_cast %add3A_552 : i32 to index
        %get3A_555 = tpu.vector_load %arg15[%get3A_553, %get3A_554] {strides = array<i32>} : memref<64x128xf32, #tpu.memory_space<vmem>>, vector<16xf32>,
        %get3A_556 = arith.index_cast %add3A_435 : i32 to index
        %get3A_557 = arith.constant 96 : index
        %get3A_558 = tpu.vector_load %arg9[%get3A_556, %get3A_557] {strides = array<i32>} : memref<64x128xf32, #tpu.memory_space<vmem>>, vector<16xf32>,
        %sub3A_559 = arith.subf %get3A_555, %get3A_550 : vector<16xf32>
        %mul3A_560 = arith.mulf %get3A_558, %sub3A_559 : vector<16xf32>
        %add3A_561 = arith.addf %add3A_545, %mul3A_560 : vector<16xf32>
        %add3A_562 = arith.constant 16 : i32
        %add3A_563 = arith.addi %squeeze3A_441, %add3A_562 : i32
        %get3A_564 = arith.index_cast %add3A_435 : i32 to index
        %get3A_565 = arith.index_cast %add3A_563 : i32 to index
        %get3A_566 = tpu.vector_load %arg12[%get3A_564, %get3A_565] {strides = array<i32>} : memref<64x128xf32, #tpu.memory_space<vmem>>, vector<16xf32>,
        %add3A_567 = arith.constant 16 : i32
        %add3A_568 = arith.addi %squeeze3A_447, %add3A_567 : i32
        %get3A_569 = arith.index_cast %add3A_435 : i32 to index
        %get3A_570 = arith.index_cast %add3A_568 : i32 to index
        %get3A_571 = tpu.vector_load %arg15[%get3A_569, %get3A_570] {strides = array<i32>} : memref<64x128xf32, #tpu.memory_space<vmem>>, vector<16xf32>,
        %get3A_572 = arith.index_cast %add3A_435 : i32 to index
        %get3A_573 = arith.constant 112 : index
        %get3A_574 = tpu.vector_load %arg9[%get3A_572, %get3A_573] {strides = array<i32>} : memref<64x128xf32, #tpu.memory_space<vmem>>, vector<16xf32>,
        %sub3A_575 = arith.subf %get3A_571, %get3A_566 : vector<16xf32>
        %mul3A_576 = arith.mulf %get3A_574, %sub3A_575 : vector<16xf32>
        %add3A_577 = arith.addf %add3A_561, %mul3A_576 : vector<16xf32>
        %swap3A_578 = arith.index_cast %add3A_435 : i32 to index
        %swap3A_579 = arith.constant 0 : index
        %swap3A_580 = tpu.vector_load %arg16[%swap3A_578, %swap3A_579] {strides = array<i32>} : memref<64x16xf32, #tpu.memory_space<vmem>>, vector<16xf32>,
        tpu.vector_store %arg16[%swap3A_578, %swap3A_579], %add3A_577 {strides = array<i32>} : memref<64x16xf32, #tpu.memory_space<vmem>>, vector<16xf32>,
        %add3A_581 = arith.constant 3 : i32
        %add3A_582 = arith.addi %mul3A_121, %add3A_581 : i32
        %slice3A_583 = vector.extract_strided_slice %get3A_124 {offsets = [3], sizes = [1], strides = [1]} : vector<16xi32> to vector<1xi32>
        %squeeze3A_584 = vector.extract %slice3A_583[0] : i32 from vector<1xi32>
        %slice3A_585 = vector.extract_strided_slice %get3A_128 {offsets = [3], sizes = [1], strides = [1]} : vector<16xi32> to vector<1xi32>
        %squeeze3A_586 = vector.extract %slice3A_585[0] : i32 from vector<1xi32>
        %slice3A_587 = vector.extract_strided_slice %get3A_132 {offsets = [3], sizes = [1], strides = [1]} : vector<16xi32> to vector<1xi32>
        %squeeze3A_588 = vector.extract %slice3A_587[0] : i32 from vector<1xi32>
        %slice3A_589 = vector.extract_strided_slice %get3A_136 {offsets = [3], sizes = [1], strides = [1]} : vector<16xi32> to vector<1xi32>
        %squeeze3A_590 = vector.extract %slice3A_589[0] : i32 from vector<1xi32>
        %slice3A_591 = vector.extract_strided_slice %get3A_140 {offsets = [3], sizes = [1], strides = [1]} : vector<16xi32> to vector<1xi32>
        %squeeze3A_592 = vector.extract %slice3A_591[0] : i32 from vector<1xi32>
        %slice3A_593 = vector.extract_strided_slice %get3A_144 {offsets = [3], sizes = [1], strides = [1]} : vector<16xi32> to vector<1xi32>
        %squeeze3A_594 = vector.extract %slice3A_593[0] : i32 from vector<1xi32>
        %broadcast_in_dim3A_595 = arith.constant 0.000000e+00 : f32
        %broadcast_in_dim3A_596 = vector.broadcast %broadcast_in_dim3A_595 : f32 to vector<16xf32>
        %add3A_597 = arith.constant 0 : i32
        %add3A_598 = arith.addi %squeeze3A_584, %add3A_597 : i32
        %get3A_599 = arith.index_cast %add3A_582 : i32 to index
        %get3A_600 = arith.index_cast %add3A_598 : i32 to index
        %get3A_601 = tpu.vector_load %arg10[%get3A_599, %get3A_600] {strides = array<i32>} : memref<64x128xf32, #tpu.memory_space<vmem>>, vector<16xf32>,
        %add3A_602 = arith.constant 0 : i32
        %add3A_603 = arith.addi %squeeze3A_590, %add3A_602 : i32
        %get3A_604 = arith.index_cast %add3A_582 : i32 to index
        %get3A_605 = arith.index_cast %add3A_603 : i32 to index
        %get3A_606 = tpu.vector_load %arg13[%get3A_604, %get3A_605] {strides = array<i32>} : memref<64x128xf32, #tpu.memory_space<vmem>>, vector<16xf32>,
        %get3A_607 = arith.index_cast %add3A_582 : i32 to index
        %get3A_608 = arith.constant 0 : index
        %get3A_609 = tpu.vector_load %arg9[%get3A_607, %get3A_608] {strides = array<i32>} : memref<64x128xf32, #tpu.memory_space<vmem>>, vector<16xf32>,
        %sub3A_610 = arith.subf %get3A_606, %get3A_601 : vector<16xf32>
        %mul3A_611 = arith.mulf %get3A_609, %sub3A_610 : vector<16xf32>
        %add3A_612 = arith.addf %broadcast_in_dim3A_596, %mul3A_611 : vector<16xf32>
        %add3A_613 = arith.constant 16 : i32
        %add3A_614 = arith.addi %squeeze3A_584, %add3A_613 : i32
        %get3A_615 = arith.index_cast %add3A_582 : i32 to index
        %get3A_616 = arith.index_cast %add3A_614 : i32 to index
        %get3A_617 = tpu.vector_load %arg10[%get3A_615, %get3A_616] {strides = array<i32>} : memref<64x128xf32, #tpu.memory_space<vmem>>, vector<16xf32>,
        %add3A_618 = arith.constant 16 : i32
        %add3A_619 = arith.addi %squeeze3A_590, %add3A_618 : i32
        %get3A_620 = arith.index_cast %add3A_582 : i32 to index
        %get3A_621 = arith.index_cast %add3A_619 : i32 to index
        %get3A_622 = tpu.vector_load %arg13[%get3A_620, %get3A_621] {strides = array<i32>} : memref<64x128xf32, #tpu.memory_space<vmem>>, vector<16xf32>,
        %get3A_623 = arith.index_cast %add3A_582 : i32 to index
        %get3A_624 = arith.constant 16 : index
        %get3A_625 = tpu.vector_load %arg9[%get3A_623, %get3A_624] {strides = array<i32>} : memref<64x128xf32, #tpu.memory_space<vmem>>, vector<16xf32>,
        %sub3A_626 = arith.subf %get3A_622, %get3A_617 : vector<16xf32>
        %mul3A_627 = arith.mulf %get3A_625, %sub3A_626 : vector<16xf32>
        %add3A_628 = arith.addf %add3A_612, %mul3A_627 : vector<16xf32>
        %add3A_629 = arith.constant 32 : i32
        %add3A_630 = arith.addi %squeeze3A_584, %add3A_629 : i32
        %get3A_631 = arith.index_cast %add3A_582 : i32 to index
        %get3A_632 = arith.index_cast %add3A_630 : i32 to index
        %get3A_633 = tpu.vector_load %arg10[%get3A_631, %get3A_632] {strides = array<i32>} : memref<64x128xf32, #tpu.memory_space<vmem>>, vector<16xf32>,
        %add3A_634 = arith.constant 32 : i32
        %add3A_635 = arith.addi %squeeze3A_590, %add3A_634 : i32
        %get3A_636 = arith.index_cast %add3A_582 : i32 to index
        %get3A_637 = arith.index_cast %add3A_635 : i32 to index
        %get3A_638 = tpu.vector_load %arg13[%get3A_636, %get3A_637] {strides = array<i32>} : memref<64x128xf32, #tpu.memory_space<vmem>>, vector<16xf32>,
        %get3A_639 = arith.index_cast %add3A_582 : i32 to index
        %get3A_640 = arith.constant 32 : index
        %get3A_641 = tpu.vector_load %arg9[%get3A_639, %get3A_640] {strides = array<i32>} : memref<64x128xf32, #tpu.memory_space<vmem>>, vector<16xf32>,
        %sub3A_642 = arith.subf %get3A_638, %get3A_633 : vector<16xf32>
        %mul3A_643 = arith.mulf %get3A_641, %sub3A_642 : vector<16xf32>
        %add3A_644 = arith.addf %add3A_628, %mul3A_643 : vector<16xf32>
        %add3A_645 = arith.constant 48 : i32
        %add3A_646 = arith.addi %squeeze3A_584, %add3A_645 : i32
        %get3A_647 = arith.index_cast %add3A_582 : i32 to index
        %get3A_648 = arith.index_cast %add3A_646 : i32 to index
        %get3A_649 = tpu.vector_load %arg10[%get3A_647, %get3A_648] {strides = array<i32>} : memref<64x128xf32, #tpu.memory_space<vmem>>, vector<16xf32>,
        %add3A_650 = arith.constant 48 : i32
        %add3A_651 = arith.addi %squeeze3A_590, %add3A_650 : i32
        %get3A_652 = arith.index_cast %add3A_582 : i32 to index
        %get3A_653 = arith.index_cast %add3A_651 : i32 to index
        %get3A_654 = tpu.vector_load %arg13[%get3A_652, %get3A_653] {strides = array<i32>} : memref<64x128xf32, #tpu.memory_space<vmem>>, vector<16xf32>,
        %get3A_655 = arith.index_cast %add3A_582 : i32 to index
        %get3A_656 = arith.constant 48 : index
        %get3A_657 = tpu.vector_load %arg9[%get3A_655, %get3A_656] {strides = array<i32>} : memref<64x128xf32, #tpu.memory_space<vmem>>, vector<16xf32>,
        %sub3A_658 = arith.subf %get3A_654, %get3A_649 : vector<16xf32>
        %mul3A_659 = arith.mulf %get3A_657, %sub3A_658 : vector<16xf32>
        %add3A_660 = arith.addf %add3A_644, %mul3A_659 : vector<16xf32>
        %add3A_661 = arith.constant 0 : i32
        %add3A_662 = arith.addi %squeeze3A_586, %add3A_661 : i32
        %get3A_663 = arith.index_cast %add3A_582 : i32 to index
        %get3A_664 = arith.index_cast %add3A_662 : i32 to index
        %get3A_665 = tpu.vector_load %arg11[%get3A_663, %get3A_664] {strides = array<i32>} : memref<64x128xf32, #tpu.memory_space<vmem>>, vector<16xf32>,
        %add3A_666 = arith.constant 0 : i32
        %add3A_667 = arith.addi %squeeze3A_592, %add3A_666 : i32
        %get3A_668 = arith.index_cast %add3A_582 : i32 to index
        %get3A_669 = arith.index_cast %add3A_667 : i32 to index
        %get3A_670 = tpu.vector_load %arg14[%get3A_668, %get3A_669] {strides = array<i32>} : memref<64x128xf32, #tpu.memory_space<vmem>>, vector<16xf32>,
        %get3A_671 = arith.index_cast %add3A_582 : i32 to index
        %get3A_672 = arith.constant 64 : index
        %get3A_673 = tpu.vector_load %arg9[%get3A_671, %get3A_672] {strides = array<i32>} : memref<64x128xf32, #tpu.memory_space<vmem>>, vector<16xf32>,
        %sub3A_674 = arith.subf %get3A_670, %get3A_665 : vector<16xf32>
        %mul3A_675 = arith.mulf %get3A_673, %sub3A_674 : vector<16xf32>
        %add3A_676 = arith.addf %add3A_660, %mul3A_675 : vector<16xf32>
        %add3A_677 = arith.constant 16 : i32
        %add3A_678 = arith.addi %squeeze3A_586, %add3A_677 : i32
        %get3A_679 = arith.index_cast %add3A_582 : i32 to index
        %get3A_680 = arith.index_cast %add3A_678 : i32 to index
        %get3A_681 = tpu.vector_load %arg11[%get3A_679, %get3A_680] {strides = array<i32>} : memref<64x128xf32, #tpu.memory_space<vmem>>, vector<16xf32>,
        %add3A_682 = arith.constant 16 : i32
        %add3A_683 = arith.addi %squeeze3A_592, %add3A_682 : i32
        %get3A_684 = arith.index_cast %add3A_582 : i32 to index
        %get3A_685 = arith.index_cast %add3A_683 : i32 to index
        %get3A_686 = tpu.vector_load %arg14[%get3A_684, %get3A_685] {strides = array<i32>} : memref<64x128xf32, #tpu.memory_space<vmem>>, vector<16xf32>,
        %get3A_687 = arith.index_cast %add3A_582 : i32 to index
        %get3A_688 = arith.constant 80 : index
        %get3A_689 = tpu.vector_load %arg9[%get3A_687, %get3A_688] {strides = array<i32>} : memref<64x128xf32, #tpu.memory_space<vmem>>, vector<16xf32>,
        %sub3A_690 = arith.subf %get3A_686, %get3A_681 : vector<16xf32>
        %mul3A_691 = arith.mulf %get3A_689, %sub3A_690 : vector<16xf32>
        %add3A_692 = arith.addf %add3A_676, %mul3A_691 : vector<16xf32>
        %add3A_693 = arith.constant 0 : i32
        %add3A_694 = arith.addi %squeeze3A_588, %add3A_693 : i32
        %get3A_695 = arith.index_cast %add3A_582 : i32 to index
        %get3A_696 = arith.index_cast %add3A_694 : i32 to index
        %get3A_697 = tpu.vector_load %arg12[%get3A_695, %get3A_696] {strides = array<i32>} : memref<64x128xf32, #tpu.memory_space<vmem>>, vector<16xf32>,
        %add3A_698 = arith.constant 0 : i32
        %add3A_699 = arith.addi %squeeze3A_594, %add3A_698 : i32
        %get3A_700 = arith.index_cast %add3A_582 : i32 to index
        %get3A_701 = arith.index_cast %add3A_699 : i32 to index
        %get3A_702 = tpu.vector_load %arg15[%get3A_700, %get3A_701] {strides = array<i32>} : memref<64x128xf32, #tpu.memory_space<vmem>>, vector<16xf32>,
        %get3A_703 = arith.index_cast %add3A_582 : i32 to index
        %get3A_704 = arith.constant 96 : index
        %get3A_705 = tpu.vector_load %arg9[%get3A_703, %get3A_704] {strides = array<i32>} : memref<64x128xf32, #tpu.memory_space<vmem>>, vector<16xf32>,
        %sub3A_706 = arith.subf %get3A_702, %get3A_697 : vector<16xf32>
        %mul3A_707 = arith.mulf %get3A_705, %sub3A_706 : vector<16xf32>
        %add3A_708 = arith.addf %add3A_692, %mul3A_707 : vector<16xf32>
        %add3A_709 = arith.constant 16 : i32
        %add3A_710 = arith.addi %squeeze3A_588, %add3A_709 : i32
        %get3A_711 = arith.index_cast %add3A_582 : i32 to index
        %get3A_712 = arith.index_cast %add3A_710 : i32 to index
        %get3A_713 = tpu.vector_load %arg12[%get3A_711, %get3A_712] {strides = array<i32>} : memref<64x128xf32, #tpu.memory_space<vmem>>, vector<16xf32>,
        %add3A_714 = arith.constant 16 : i32
        %add3A_715 = arith.addi %squeeze3A_594, %add3A_714 : i32
        %get3A_716 = arith.index_cast %add3A_582 : i32 to index
        %get3A_717 = arith.index_cast %add3A_715 : i32 to index
        %get3A_718 = tpu.vector_load %arg15[%get3A_716, %get3A_717] {strides = array<i32>} : memref<64x128xf32, #tpu.memory_space<vmem>>, vector<16xf32>,
        %get3A_719 = arith.index_cast %add3A_582 : i32 to index
        %get3A_720 = arith.constant 112 : index
        %get3A_721 = tpu.vector_load %arg9[%get3A_719, %get3A_720] {strides = array<i32>} : memref<64x128xf32, #tpu.memory_space<vmem>>, vector<16xf32>,
        %sub3A_722 = arith.subf %get3A_718, %get3A_713 : vector<16xf32>
        %mul3A_723 = arith.mulf %get3A_721, %sub3A_722 : vector<16xf32>
        %add3A_724 = arith.addf %add3A_708, %mul3A_723 : vector<16xf32>
        %swap3A_725 = arith.index_cast %add3A_582 : i32 to index
        %swap3A_726 = arith.constant 0 : index
        %swap3A_727 = tpu.vector_load %arg16[%swap3A_725, %swap3A_726] {strides = array<i32>} : memref<64x16xf32, #tpu.memory_space<vmem>>, vector<16xf32>,
        tpu.vector_store %arg16[%swap3A_725, %swap3A_726], %add3A_724 {strides = array<i32>} : memref<64x16xf32, #tpu.memory_space<vmem>>, vector<16xf32>,
        %add3A_728 = arith.constant 4 : i32
        %add3A_729 = arith.addi %mul3A_121, %add3A_728 : i32
        %slice3A_730 = vector.extract_strided_slice %get3A_124 {offsets = [4], sizes = [1], strides = [1]} : vector<16xi32> to vector<1xi32>
        %squeeze3A_731 = vector.extract %slice3A_730[0] : i32 from vector<1xi32>
        %slice3A_732 = vector.extract_strided_slice %get3A_128 {offsets = [4], sizes = [1], strides = [1]} : vector<16xi32> to vector<1xi32>
        %squeeze3A_733 = vector.extract %slice3A_732[0] : i32 from vector<1xi32>
        %slice3A_734 = vector.extract_strided_slice %get3A_132 {offsets = [4], sizes = [1], strides = [1]} : vector<16xi32> to vector<1xi32>
        %squeeze3A_735 = vector.extract %slice3A_734[0] : i32 from vector<1xi32>
        %slice3A_736 = vector.extract_strided_slice %get3A_136 {offsets = [4], sizes = [1], strides = [1]} : vector<16xi32> to vector<1xi32>
        %squeeze3A_737 = vector.extract %slice3A_736[0] : i32 from vector<1xi32>
        %slice3A_738 = vector.extract_strided_slice %get3A_140 {offsets = [4], sizes = [1], strides = [1]} : vector<16xi32> to vector<1xi32>
        %squeeze3A_739 = vector.extract %slice3A_738[0] : i32 from vector<1xi32>
        %slice3A_740 = vector.extract_strided_slice %get3A_144 {offsets = [4], sizes = [1], strides = [1]} : vector<16xi32> to vector<1xi32>
        %squeeze3A_741 = vector.extract %slice3A_740[0] : i32 from vector<1xi32>
        %broadcast_in_dim3A_742 = arith.constant 0.000000e+00 : f32
        %broadcast_in_dim3A_743 = vector.broadcast %broadcast_in_dim3A_742 : f32 to vector<16xf32>
        %add3A_744 = arith.constant 0 : i32
        %add3A_745 = arith.addi %squeeze3A_731, %add3A_744 : i32
        %get3A_746 = arith.index_cast %add3A_729 : i32 to index
        %get3A_747 = arith.index_cast %add3A_745 : i32 to index
        %get3A_748 = tpu.vector_load %arg10[%get3A_746, %get3A_747] {strides = array<i32>} : memref<64x128xf32, #tpu.memory_space<vmem>>, vector<16xf32>,
        %add3A_749 = arith.constant 0 : i32
        %add3A_750 = arith.addi %squeeze3A_737, %add3A_749 : i32
        %get3A_751 = arith.index_cast %add3A_729 : i32 to index
        %get3A_752 = arith.index_cast %add3A_750 : i32 to index
        %get3A_753 = tpu.vector_load %arg13[%get3A_751, %get3A_752] {strides = array<i32>} : memref<64x128xf32, #tpu.memory_space<vmem>>, vector<16xf32>,
        %get3A_754 = arith.index_cast %add3A_729 : i32 to index
        %get3A_755 = arith.constant 0 : index
        %get3A_756 = tpu.vector_load %arg9[%get3A_754, %get3A_755] {strides = array<i32>} : memref<64x128xf32, #tpu.memory_space<vmem>>, vector<16xf32>,
        %sub3A_757 = arith.subf %get3A_753, %get3A_748 : vector<16xf32>
        %mul3A_758 = arith.mulf %get3A_756, %sub3A_757 : vector<16xf32>
        %add3A_759 = arith.addf %broadcast_in_dim3A_743, %mul3A_758 : vector<16xf32>
        %add3A_760 = arith.constant 16 : i32
        %add3A_761 = arith.addi %squeeze3A_731, %add3A_760 : i32
        %get3A_762 = arith.index_cast %add3A_729 : i32 to index
        %get3A_763 = arith.index_cast %add3A_761 : i32 to index
        %get3A_764 = tpu.vector_load %arg10[%get3A_762, %get3A_763] {strides = array<i32>} : memref<64x128xf32, #tpu.memory_space<vmem>>, vector<16xf32>,
        %add3A_765 = arith.constant 16 : i32
        %add3A_766 = arith.addi %squeeze3A_737, %add3A_765 : i32
        %get3A_767 = arith.index_cast %add3A_729 : i32 to index
        %get3A_768 = arith.index_cast %add3A_766 : i32 to index
        %get3A_769 = tpu.vector_load %arg13[%get3A_767, %get3A_768] {strides = array<i32>} : memref<64x128xf32, #tpu.memory_space<vmem>>, vector<16xf32>,
        %get3A_770 = arith.index_cast %add3A_729 : i32 to index
        %get3A_771 = arith.constant 16 : index
        %get3A_772 = tpu.vector_load %arg9[%get3A_770, %get3A_771] {strides = array<i32>} : memref<64x128xf32, #tpu.memory_space<vmem>>, vector<16xf32>,
        %sub3A_773 = arith.subf %get3A_769, %get3A_764 : vector<16xf32>
        %mul3A_774 = arith.mulf %get3A_772, %sub3A_773 : vector<16xf32>
        %add3A_775 = arith.addf %add3A_759, %mul3A_774 : vector<16xf32>
        %add3A_776 = arith.constant 32 : i32
        %add3A_777 = arith.addi %squeeze3A_731, %add3A_776 : i32
        %get3A_778 = arith.index_cast %add3A_729 : i32 to index
        %get3A_779 = arith.index_cast %add3A_777 : i32 to index
        %get3A_780 = tpu.vector_load %arg10[%get3A_778, %get3A_779] {strides = array<i32>} : memref<64x128xf32, #tpu.memory_space<vmem>>, vector<16xf32>,
        %add3A_781 = arith.constant 32 : i32
        %add3A_782 = arith.addi %squeeze3A_737, %add3A_781 : i32
        %get3A_783 = arith.index_cast %add3A_729 : i32 to index
        %get3A_784 = arith.index_cast %add3A_782 : i32 to index
        %get3A_785 = tpu.vector_load %arg13[%get3A_783, %get3A_784] {strides = array<i32>} : memref<64x128xf32, #tpu.memory_space<vmem>>, vector<16xf32>,
        %get3A_786 = arith.index_cast %add3A_729 : i32 to index
        %get3A_787 = arith.constant 32 : index
        %get3A_788 = tpu.vector_load %arg9[%get3A_786, %get3A_787] {strides = array<i32>} : memref<64x128xf32, #tpu.memory_space<vmem>>, vector<16xf32>,
        %sub3A_789 = arith.subf %get3A_785, %get3A_780 : vector<16xf32>
        %mul3A_790 = arith.mulf %get3A_788, %sub3A_789 : vector<16xf32>
        %add3A_791 = arith.addf %add3A_775, %mul3A_790 : vector<16xf32>
        %add3A_792 = arith.constant 48 : i32
        %add3A_793 = arith.addi %squeeze3A_731, %add3A_792 : i32
        %get3A_794 = arith.index_cast %add3A_729 : i32 to index
        %get3A_795 = arith.index_cast %add3A_793 : i32 to index
        %get3A_796 = tpu.vector_load %arg10[%get3A_794, %get3A_795] {strides = array<i32>} : memref<64x128xf32, #tpu.memory_space<vmem>>, vector<16xf32>,
        %add3A_797 = arith.constant 48 : i32
        %add3A_798 = arith.addi %squeeze3A_737, %add3A_797 : i32
        %get3A_799 = arith.index_cast %add3A_729 : i32 to index
        %get3A_800 = arith.index_cast %add3A_798 : i32 to index
        %get3A_801 = tpu.vector_load %arg13[%get3A_799, %get3A_800] {strides = array<i32>} : memref<64x128xf32, #tpu.memory_space<vmem>>, vector<16xf32>,
        %get3A_802 = arith.index_cast %add3A_729 : i32 to index
        %get3A_803 = arith.constant 48 : index
        %get3A_804 = tpu.vector_load %arg9[%get3A_802, %get3A_803] {strides = array<i32>} : memref<64x128xf32, #tpu.memory_space<vmem>>, vector<16xf32>,
        %sub3A_805 = arith.subf %get3A_801, %get3A_796 : vector<16xf32>
        %mul3A_806 = arith.mulf %get3A_804, %sub3A_805 : vector<16xf32>
        %add3A_807 = arith.addf %add3A_791, %mul3A_806 : vector<16xf32>
        %add3A_808 = arith.constant 0 : i32
        %add3A_809 = arith.addi %squeeze3A_733, %add3A_808 : i32
        %get3A_810 = arith.index_cast %add3A_729 : i32 to index
        %get3A_811 = arith.index_cast %add3A_809 : i32 to index
        %get3A_812 = tpu.vector_load %arg11[%get3A_810, %get3A_811] {strides = array<i32>} : memref<64x128xf32, #tpu.memory_space<vmem>>, vector<16xf32>,
        %add3A_813 = arith.constant 0 : i32
        %add3A_814 = arith.addi %squeeze3A_739, %add3A_813 : i32
        %get3A_815 = arith.index_cast %add3A_729 : i32 to index
        %get3A_816 = arith.index_cast %add3A_814 : i32 to index
        %get3A_817 = tpu.vector_load %arg14[%get3A_815, %get3A_816] {strides = array<i32>} : memref<64x128xf32, #tpu.memory_space<vmem>>, vector<16xf32>,
        %get3A_818 = arith.index_cast %add3A_729 : i32 to index
        %get3A_819 = arith.constant 64 : index
        %get3A_820 = tpu.vector_load %arg9[%get3A_818, %get3A_819] {strides = array<i32>} : memref<64x128xf32, #tpu.memory_space<vmem>>, vector<16xf32>,
        %sub3A_821 = arith.subf %get3A_817, %get3A_812 : vector<16xf32>
        %mul3A_822 = arith.mulf %get3A_820, %sub3A_821 : vector<16xf32>
        %add3A_823 = arith.addf %add3A_807, %mul3A_822 : vector<16xf32>
        %add3A_824 = arith.constant 16 : i32
        %add3A_825 = arith.addi %squeeze3A_733, %add3A_824 : i32
        %get3A_826 = arith.index_cast %add3A_729 : i32 to index
        %get3A_827 = arith.index_cast %add3A_825 : i32 to index
        %get3A_828 = tpu.vector_load %arg11[%get3A_826, %get3A_827] {strides = array<i32>} : memref<64x128xf32, #tpu.memory_space<vmem>>, vector<16xf32>,
        %add3A_829 = arith.constant 16 : i32
        %add3A_830 = arith.addi %squeeze3A_739, %add3A_829 : i32
        %get3A_831 = arith.index_cast %add3A_729 : i32 to index
        %get3A_832 = arith.index_cast %add3A_830 : i32 to index
        %get3A_833 = tpu.vector_load %arg14[%get3A_831, %get3A_832] {strides = array<i32>} : memref<64x128xf32, #tpu.memory_space<vmem>>, vector<16xf32>,
        %get3A_834 = arith.index_cast %add3A_729 : i32 to index
        %get3A_835 = arith.constant 80 : index
        %get3A_836 = tpu.vector_load %arg9[%get3A_834, %get3A_835] {strides = array<i32>} : memref<64x128xf32, #tpu.memory_space<vmem>>, vector<16xf32>,
        %sub3A_837 = arith.subf %get3A_833, %get3A_828 : vector<16xf32>
        %mul3A_838 = arith.mulf %get3A_836, %sub3A_837 : vector<16xf32>
        %add3A_839 = arith.addf %add3A_823, %mul3A_838 : vector<16xf32>
        %add3A_840 = arith.constant 0 : i32
        %add3A_841 = arith.addi %squeeze3A_735, %add3A_840 : i32
        %get3A_842 = arith.index_cast %add3A_729 : i32 to index
        %get3A_843 = arith.index_cast %add3A_841 : i32 to index
        %get3A_844 = tpu.vector_load %arg12[%get3A_842, %get3A_843] {strides = array<i32>} : memref<64x128xf32, #tpu.memory_space<vmem>>, vector<16xf32>,
        %add3A_845 = arith.constant 0 : i32
        %add3A_846 = arith.addi %squeeze3A_741, %add3A_845 : i32
        %get3A_847 = arith.index_cast %add3A_729 : i32 to index
        %get3A_848 = arith.index_cast %add3A_846 : i32 to index
        %get3A_849 = tpu.vector_load %arg15[%get3A_847, %get3A_848] {strides = array<i32>} : memref<64x128xf32, #tpu.memory_space<vmem>>, vector<16xf32>,
        %get3A_850 = arith.index_cast %add3A_729 : i32 to index
        %get3A_851 = arith.constant 96 : index
        %get3A_852 = tpu.vector_load %arg9[%get3A_850, %get3A_851] {strides = array<i32>} : memref<64x128xf32, #tpu.memory_space<vmem>>, vector<16xf32>,
        %sub3A_853 = arith.subf %get3A_849, %get3A_844 : vector<16xf32>
        %mul3A_854 = arith.mulf %get3A_852, %sub3A_853 : vector<16xf32>
        %add3A_855 = arith.addf %add3A_839, %mul3A_854 : vector<16xf32>
        %add3A_856 = arith.constant 16 : i32
        %add3A_857 = arith.addi %squeeze3A_735, %add3A_856 : i32
        %get3A_858 = arith.index_cast %add3A_729 : i32 to index
        %get3A_859 = arith.index_cast %add3A_857 : i32 to index
        %get3A_860 = tpu.vector_load %arg12[%get3A_858, %get3A_859] {strides = array<i32>} : memref<64x128xf32, #tpu.memory_space<vmem>>, vector<16xf32>,
        %add3A_861 = arith.constant 16 : i32
        %add3A_862 = arith.addi %squeeze3A_741, %add3A_861 : i32
        %get3A_863 = arith.index_cast %add3A_729 : i32 to index
        %get3A_864 = arith.index_cast %add3A_862 : i32 to index
        %get3A_865 = tpu.vector_load %arg15[%get3A_863, %get3A_864] {strides = array<i32>} : memref<64x128xf32, #tpu.memory_space<vmem>>, vector<16xf32>,
        %get3A_866 = arith.index_cast %add3A_729 : i32 to index
        %get3A_867 = arith.constant 112 : index
        %get3A_868 = tpu.vector_load %arg9[%get3A_866, %get3A_867] {strides = array<i32>} : memref<64x128xf32, #tpu.memory_space<vmem>>, vector<16xf32>,
        %sub3A_869 = arith.subf %get3A_865, %get3A_860 : vector<16xf32>
        %mul3A_870 = arith.mulf %get3A_868, %sub3A_869 : vector<16xf32>
        %add3A_871 = arith.addf %add3A_855, %mul3A_870 : vector<16xf32>
        %swap3A_872 = arith.index_cast %add3A_729 : i32 to index
        %swap3A_873 = arith.constant 0 : index
        %swap3A_874 = tpu.vector_load %arg16[%swap3A_872, %swap3A_873] {strides = array<i32>} : memref<64x16xf32, #tpu.memory_space<vmem>>, vector<16xf32>,
        tpu.vector_store %arg16[%swap3A_872, %swap3A_873], %add3A_871 {strides = array<i32>} : memref<64x16xf32, #tpu.memory_space<vmem>>, vector<16xf32>,
        %add3A_875 = arith.constant 5 : i32
        %add3A_876 = arith.addi %mul3A_121, %add3A_875 : i32
        %slice3A_877 = vector.extract_strided_slice %get3A_124 {offsets = [5], sizes = [1], strides = [1]} : vector<16xi32> to vector<1xi32>
        %squeeze3A_878 = vector.extract %slice3A_877[0] : i32 from vector<1xi32>
        %slice3A_879 = vector.extract_strided_slice %get3A_128 {offsets = [5], sizes = [1], strides = [1]} : vector<16xi32> to vector<1xi32>
        %squeeze3A_880 = vector.extract %slice3A_879[0] : i32 from vector<1xi32>
        %slice3A_881 = vector.extract_strided_slice %get3A_132 {offsets = [5], sizes = [1], strides = [1]} : vector<16xi32> to vector<1xi32>
        %squeeze3A_882 = vector.extract %slice3A_881[0] : i32 from vector<1xi32>
        %slice3A_883 = vector.extract_strided_slice %get3A_136 {offsets = [5], sizes = [1], strides = [1]} : vector<16xi32> to vector<1xi32>
        %squeeze3A_884 = vector.extract %slice3A_883[0] : i32 from vector<1xi32>
        %slice3A_885 = vector.extract_strided_slice %get3A_140 {offsets = [5], sizes = [1], strides = [1]} : vector<16xi32> to vector<1xi32>
        %squeeze3A_886 = vector.extract %slice3A_885[0] : i32 from vector<1xi32>
        %slice3A_887 = vector.extract_strided_slice %get3A_144 {offsets = [5], sizes = [1], strides = [1]} : vector<16xi32> to vector<1xi32>
        %squeeze3A_888 = vector.extract %slice3A_887[0] : i32 from vector<1xi32>
        %broadcast_in_dim3A_889 = arith.constant 0.000000e+00 : f32
        %broadcast_in_dim3A_890 = vector.broadcast %broadcast_in_dim3A_889 : f32 to vector<16xf32>
        %add3A_891 = arith.constant 0 : i32
        %add3A_892 = arith.addi %squeeze3A_878, %add3A_891 : i32
        %get3A_893 = arith.index_cast %add3A_876 : i32 to index
        %get3A_894 = arith.index_cast %add3A_892 : i32 to index
        %get3A_895 = tpu.vector_load %arg10[%get3A_893, %get3A_894] {strides = array<i32>} : memref<64x128xf32, #tpu.memory_space<vmem>>, vector<16xf32>,
        %add3A_896 = arith.constant 0 : i32
        %add3A_897 = arith.addi %squeeze3A_884, %add3A_896 : i32
        %get3A_898 = arith.index_cast %add3A_876 : i32 to index
        %get3A_899 = arith.index_cast %add3A_897 : i32 to index
        %get3A_900 = tpu.vector_load %arg13[%get3A_898, %get3A_899] {strides = array<i32>} : memref<64x128xf32, #tpu.memory_space<vmem>>, vector<16xf32>,
        %get3A_901 = arith.index_cast %add3A_876 : i32 to index
        %get3A_902 = arith.constant 0 : index
        %get3A_903 = tpu.vector_load %arg9[%get3A_901, %get3A_902] {strides = array<i32>} : memref<64x128xf32, #tpu.memory_space<vmem>>, vector<16xf32>,
        %sub3A_904 = arith.subf %get3A_900, %get3A_895 : vector<16xf32>
        %mul3A_905 = arith.mulf %get3A_903, %sub3A_904 : vector<16xf32>
        %add3A_906 = arith.addf %broadcast_in_dim3A_890, %mul3A_905 : vector<16xf32>
        %add3A_907 = arith.constant 16 : i32
        %add3A_908 = arith.addi %squeeze3A_878, %add3A_907 : i32
        %get3A_909 = arith.index_cast %add3A_876 : i32 to index
        %get3A_910 = arith.index_cast %add3A_908 : i32 to index
        %get3A_911 = tpu.vector_load %arg10[%get3A_909, %get3A_910] {strides = array<i32>} : memref<64x128xf32, #tpu.memory_space<vmem>>, vector<16xf32>,
        %add3A_912 = arith.constant 16 : i32
        %add3A_913 = arith.addi %squeeze3A_884, %add3A_912 : i32
        %get3A_914 = arith.index_cast %add3A_876 : i32 to index
        %get3A_915 = arith.index_cast %add3A_913 : i32 to index
        %get3A_916 = tpu.vector_load %arg13[%get3A_914, %get3A_915] {strides = array<i32>} : memref<64x128xf32, #tpu.memory_space<vmem>>, vector<16xf32>,
        %get3A_917 = arith.index_cast %add3A_876 : i32 to index
        %get3A_918 = arith.constant 16 : index
        %get3A_919 = tpu.vector_load %arg9[%get3A_917, %get3A_918] {strides = array<i32>} : memref<64x128xf32, #tpu.memory_space<vmem>>, vector<16xf32>,
        %sub3A_920 = arith.subf %get3A_916, %get3A_911 : vector<16xf32>
        %mul3A_921 = arith.mulf %get3A_919, %sub3A_920 : vector<16xf32>
        %add3A_922 = arith.addf %add3A_906, %mul3A_921 : vector<16xf32>
        %add3A_923 = arith.constant 32 : i32
        %add3A_924 = arith.addi %squeeze3A_878, %add3A_923 : i32
        %get3A_925 = arith.index_cast %add3A_876 : i32 to index
        %get3A_926 = arith.index_cast %add3A_924 : i32 to index
        %get3A_927 = tpu.vector_load %arg10[%get3A_925, %get3A_926] {strides = array<i32>} : memref<64x128xf32, #tpu.memory_space<vmem>>, vector<16xf32>,
        %add3A_928 = arith.constant 32 : i32
        %add3A_929 = arith.addi %squeeze3A_884, %add3A_928 : i32
        %get3A_930 = arith.index_cast %add3A_876 : i32 to index
        %get3A_931 = arith.index_cast %add3A_929 : i32 to index
        %get3A_932 = tpu.vector_load %arg13[%get3A_930, %get3A_931] {strides = array<i32>} : memref<64x128xf32, #tpu.memory_space<vmem>>, vector<16xf32>,
        %get3A_933 = arith.index_cast %add3A_876 : i32 to index
        %get3A_934 = arith.constant 32 : index
        %get3A_935 = tpu.vector_load %arg9[%get3A_933, %get3A_934] {strides = array<i32>} : memref<64x128xf32, #tpu.memory_space<vmem>>, vector<16xf32>,
        %sub3A_936 = arith.subf %get3A_932, %get3A_927 : vector<16xf32>
        %mul3A_937 = arith.mulf %get3A_935, %sub3A_936 : vector<16xf32>
        %add3A_938 = arith.addf %add3A_922, %mul3A_937 : vector<16xf32>
        %add3A_939 = arith.constant 48 : i32
        %add3A_940 = arith.addi %squeeze3A_878, %add3A_939 : i32
        %get3A_941 = arith.index_cast %add3A_876 : i32 to index
        %get3A_942 = arith.index_cast %add3A_940 : i32 to index
        %get3A_943 = tpu.vector_load %arg10[%get3A_941, %get3A_942] {strides = array<i32>} : memref<64x128xf32, #tpu.memory_space<vmem>>, vector<16xf32>,
        %add3A_944 = arith.constant 48 : i32
        %add3A_945 = arith.addi %squeeze3A_884, %add3A_944 : i32
        %get3A_946 = arith.index_cast %add3A_876 : i32 to index
        %get3A_947 = arith.index_cast %add3A_945 : i32 to index
        %get3A_948 = tpu.vector_load %arg13[%get3A_946, %get3A_947] {strides = array<i32>} : memref<64x128xf32, #tpu.memory_space<vmem>>, vector<16xf32>,
        %get3A_949 = arith.index_cast %add3A_876 : i32 to index
        %get3A_950 = arith.constant 48 : index
        %get3A_951 = tpu.vector_load %arg9[%get3A_949, %get3A_950] {strides = array<i32>} : memref<64x128xf32, #tpu.memory_space<vmem>>, vector<16xf32>,
        %sub3A_952 = arith.subf %get3A_948, %get3A_943 : vector<16xf32>
        %mul3A_953 = arith.mulf %get3A_951, %sub3A_952 : vector<16xf32>
        %add3A_954 = arith.addf %add3A_938, %mul3A_953 : vector<16xf32>
        %add3A_955 = arith.constant 0 : i32
        %add3A_956 = arith.addi %squeeze3A_880, %add3A_955 : i32
        %get3A_957 = arith.index_cast %add3A_876 : i32 to index
        %get3A_958 = arith.index_cast %add3A_956 : i32 to index
        %get3A_959 = tpu.vector_load %arg11[%get3A_957, %get3A_958] {strides = array<i32>} : memref<64x128xf32, #tpu.memory_space<vmem>>, vector<16xf32>,
        %add3A_960 = arith.constant 0 : i32
        %add3A_961 = arith.addi %squeeze3A_886, %add3A_960 : i32
        %get3A_962 = arith.index_cast %add3A_876 : i32 to index
        %get3A_963 = arith.index_cast %add3A_961 : i32 to index
        %get3A_964 = tpu.vector_load %arg14[%get3A_962, %get3A_963] {strides = array<i32>} : memref<64x128xf32, #tpu.memory_space<vmem>>, vector<16xf32>,
        %get3A_965 = arith.index_cast %add3A_876 : i32 to index
        %get3A_966 = arith.constant 64 : index
        %get3A_967 = tpu.vector_load %arg9[%get3A_965, %get3A_966] {strides = array<i32>} : memref<64x128xf32, #tpu.memory_space<vmem>>, vector<16xf32>,
        %sub3A_968 = arith.subf %get3A_964, %get3A_959 : vector<16xf32>
        %mul3A_969 = arith.mulf %get3A_967, %sub3A_968 : vector<16xf32>
        %add3A_970 = arith.addf %add3A_954, %mul3A_969 : vector<16xf32>
        %add3A_971 = arith.constant 16 : i32
        %add3A_972 = arith.addi %squeeze3A_880, %add3A_971 : i32
        %get3A_973 = arith.index_cast %add3A_876 : i32 to index
        %get3A_974 = arith.index_cast %add3A_972 : i32 to index
        %get3A_975 = tpu.vector_load %arg11[%get3A_973, %get3A_974] {strides = array<i32>} : memref<64x128xf32, #tpu.memory_space<vmem>>, vector<16xf32>,
        %add3A_976 = arith.constant 16 : i32
        %add3A_977 = arith.addi %squeeze3A_886, %add3A_976 : i32
        %get3A_978 = arith.index_cast %add3A_876 : i32 to index
        %get3A_979 = arith.index_cast %add3A_977 : i32 to index
        %get3A_980 = tpu.vector_load %arg14[%get3A_978, %get3A_979] {strides = array<i32>} : memref<64x128xf32, #tpu.memory_space<vmem>>, vector<16xf32>,
        %get3A_981 = arith.index_cast %add3A_876 : i32 to index
        %get3A_982 = arith.constant 80 : index
        %get3A_983 = tpu.vector_load %arg9[%get3A_981, %get3A_982] {strides = array<i32>} : memref<64x128xf32, #tpu.memory_space<vmem>>, vector<16xf32>,
        %sub3A_984 = arith.subf %get3A_980, %get3A_975 : vector<16xf32>
        %mul3A_985 = arith.mulf %get3A_983, %sub3A_984 : vector<16xf32>
        %add3A_986 = arith.addf %add3A_970, %mul3A_985 : vector<16xf32>
        %add3A_987 = arith.constant 0 : i32
        %add3A_988 = arith.addi %squeeze3A_882, %add3A_987 : i32
        %get3A_989 = arith.index_cast %add3A_876 : i32 to index
        %get3A_990 = arith.index_cast %add3A_988 : i32 to index
        %get3A_991 = tpu.vector_load %arg12[%get3A_989, %get3A_990] {strides = array<i32>} : memref<64x128xf32, #tpu.memory_space<vmem>>, vector<16xf32>,
        %add3A_992 = arith.constant 0 : i32
        %add3A_993 = arith.addi %squeeze3A_888, %add3A_992 : i32
        %get3A_994 = arith.index_cast %add3A_876 : i32 to index
        %get3A_995 = arith.index_cast %add3A_993 : i32 to index
        %get3A_996 = tpu.vector_load %arg15[%get3A_994, %get3A_995] {strides = array<i32>} : memref<64x128xf32, #tpu.memory_space<vmem>>, vector<16xf32>,
        %get3A_997 = arith.index_cast %add3A_876 : i32 to index
        %get3A_998 = arith.constant 96 : index
        %get3A_999 = tpu.vector_load %arg9[%get3A_997, %get3A_998] {strides = array<i32>} : memref<64x128xf32, #tpu.memory_space<vmem>>, vector<16xf32>,
        %sub3A_1000 = arith.subf %get3A_996, %get3A_991 : vector<16xf32>
        %mul3A_1001 = arith.mulf %get3A_999, %sub3A_1000 : vector<16xf32>
        %add3A_1002 = arith.addf %add3A_986, %mul3A_1001 : vector<16xf32>
        %add3A_1003 = arith.constant 16 : i32
        %add3A_1004 = arith.addi %squeeze3A_882, %add3A_1003 : i32
        %get3A_1005 = arith.index_cast %add3A_876 : i32 to index
        %get3A_1006 = arith.index_cast %add3A_1004 : i32 to index
        %get3A_1007 = tpu.vector_load %arg12[%get3A_1005, %get3A_1006] {strides = array<i32>} : memref<64x128xf32, #tpu.memory_space<vmem>>, vector<16xf32>,
        %add3A_1008 = arith.constant 16 : i32
        %add3A_1009 = arith.addi %squeeze3A_888, %add3A_1008 : i32
        %get3A_1010 = arith.index_cast %add3A_876 : i32 to index
        %get3A_1011 = arith.index_cast %add3A_1009 : i32 to index
        %get3A_1012 = tpu.vector_load %arg15[%get3A_1010, %get3A_1011] {strides = array<i32>} : memref<64x128xf32, #tpu.memory_space<vmem>>, vector<16xf32>,
        %get3A_1013 = arith.index_cast %add3A_876 : i32 to index
        %get3A_1014 = arith.constant 112 : index
        %get3A_1015 = tpu.vector_load %arg9[%get3A_1013, %get3A_1014] {strides = array<i32>} : memref<64x128xf32, #tpu.memory_space<vmem>>, vector<16xf32>,
        %sub3A_1016 = arith.subf %get3A_1012, %get3A_1007 : vector<16xf32>
        %mul3A_1017 = arith.mulf %get3A_1015, %sub3A_1016 : vector<16xf32>
        %add3A_1018 = arith.addf %add3A_1002, %mul3A_1017 : vector<16xf32>
        %swap3A_1019 = arith.index_cast %add3A_876 : i32 to index
        %swap3A_1020 = arith.constant 0 : index
        %swap3A_1021 = tpu.vector_load %arg16[%swap3A_1019, %swap3A_1020] {strides = array<i32>} : memref<64x16xf32, #tpu.memory_space<vmem>>, vector<16xf32>,
        tpu.vector_store %arg16[%swap3A_1019, %swap3A_1020], %add3A_1018 {strides = array<i32>} : memref<64x16xf32, #tpu.memory_space<vmem>>, vector<16xf32>,
        %add3A_1022 = arith.constant 6 : i32
        %add3A_1023 = arith.addi %mul3A_121, %add3A_1022 : i32
        %slice3A_1024 = vector.extract_strided_slice %get3A_124 {offsets = [6], sizes = [1], strides = [1]} : vector<16xi32> to vector<1xi32>
        %squeeze3A_1025 = vector.extract %slice3A_1024[0] : i32 from vector<1xi32>
        %slice3A_1026 = vector.extract_strided_slice %get3A_128 {offsets = [6], sizes = [1], strides = [1]} : vector<16xi32> to vector<1xi32>
        %squeeze3A_1027 = vector.extract %slice3A_1026[0] : i32 from vector<1xi32>
        %slice3A_1028 = vector.extract_strided_slice %get3A_132 {offsets = [6], sizes = [1], strides = [1]} : vector<16xi32> to vector<1xi32>
        %squeeze3A_1029 = vector.extract %slice3A_1028[0] : i32 from vector<1xi32>
        %slice3A_1030 = vector.extract_strided_slice %get3A_136 {offsets = [6], sizes = [1], strides = [1]} : vector<16xi32> to vector<1xi32>
        %squeeze3A_1031 = vector.extract %slice3A_1030[0] : i32 from vector<1xi32>
        %slice3A_1032 = vector.extract_strided_slice %get3A_140 {offsets = [6], sizes = [1], strides = [1]} : vector<16xi32> to vector<1xi32>
        %squeeze3A_1033 = vector.extract %slice3A_1032[0] : i32 from vector<1xi32>
        %slice3A_1034 = vector.extract_strided_slice %get3A_144 {offsets = [6], sizes = [1], strides = [1]} : vector<16xi32> to vector<1xi32>
        %squeeze3A_1035 = vector.extract %slice3A_1034[0] : i32 from vector<1xi32>
        %broadcast_in_dim3A_1036 = arith.constant 0.000000e+00 : f32
        %broadcast_in_dim3A_1037 = vector.broadcast %broadcast_in_dim3A_1036 : f32 to vector<16xf32>
        %add3A_1038 = arith.constant 0 : i32
        %add3A_1039 = arith.addi %squeeze3A_1025, %add3A_1038 : i32
        %get3A_1040 = arith.index_cast %add3A_1023 : i32 to index
        %get3A_1041 = arith.index_cast %add3A_1039 : i32 to index
        %get3A_1042 = tpu.vector_load %arg10[%get3A_1040, %get3A_1041] {strides = array<i32>} : memref<64x128xf32, #tpu.memory_space<vmem>>, vector<16xf32>,
        %add3A_1043 = arith.constant 0 : i32
        %add3A_1044 = arith.addi %squeeze3A_1031, %add3A_1043 : i32
        %get3A_1045 = arith.index_cast %add3A_1023 : i32 to index
        %get3A_1046 = arith.index_cast %add3A_1044 : i32 to index
        %get3A_1047 = tpu.vector_load %arg13[%get3A_1045, %get3A_1046] {strides = array<i32>} : memref<64x128xf32, #tpu.memory_space<vmem>>, vector<16xf32>,
        %get3A_1048 = arith.index_cast %add3A_1023 : i32 to index
        %get3A_1049 = arith.constant 0 : index
        %get3A_1050 = tpu.vector_load %arg9[%get3A_1048, %get3A_1049] {strides = array<i32>} : memref<64x128xf32, #tpu.memory_space<vmem>>, vector<16xf32>,
        %sub3A_1051 = arith.subf %get3A_1047, %get3A_1042 : vector<16xf32>
        %mul3A_1052 = arith.mulf %get3A_1050, %sub3A_1051 : vector<16xf32>
        %add3A_1053 = arith.addf %broadcast_in_dim3A_1037, %mul3A_1052 : vector<16xf32>
        %add3A_1054 = arith.constant 16 : i32
        %add3A_1055 = arith.addi %squeeze3A_1025, %add3A_1054 : i32
        %get3A_1056 = arith.index_cast %add3A_1023 : i32 to index
        %get3A_1057 = arith.index_cast %add3A_1055 : i32 to index
        %get3A_1058 = tpu.vector_load %arg10[%get3A_1056, %get3A_1057] {strides = array<i32>} : memref<64x128xf32, #tpu.memory_space<vmem>>, vector<16xf32>,
        %add3A_1059 = arith.constant 16 : i32
        %add3A_1060 = arith.addi %squeeze3A_1031, %add3A_1059 : i32
        %get3A_1061 = arith.index_cast %add3A_1023 : i32 to index
        %get3A_1062 = arith.index_cast %add3A_1060 : i32 to index
        %get3A_1063 = tpu.vector_load %arg13[%get3A_1061, %get3A_1062] {strides = array<i32>} : memref<64x128xf32, #tpu.memory_space<vmem>>, vector<16xf32>,
        %get3A_1064 = arith.index_cast %add3A_1023 : i32 to index
        %get3A_1065 = arith.constant 16 : index
        %get3A_1066 = tpu.vector_load %arg9[%get3A_1064, %get3A_1065] {strides = array<i32>} : memref<64x128xf32, #tpu.memory_space<vmem>>, vector<16xf32>,
        %sub3A_1067 = arith.subf %get3A_1063, %get3A_1058 : vector<16xf32>
        %mul3A_1068 = arith.mulf %get3A_1066, %sub3A_1067 : vector<16xf32>
        %add3A_1069 = arith.addf %add3A_1053, %mul3A_1068 : vector<16xf32>
        %add3A_1070 = arith.constant 32 : i32
        %add3A_1071 = arith.addi %squeeze3A_1025, %add3A_1070 : i32
        %get3A_1072 = arith.index_cast %add3A_1023 : i32 to index
        %get3A_1073 = arith.index_cast %add3A_1071 : i32 to index
        %get3A_1074 = tpu.vector_load %arg10[%get3A_1072, %get3A_1073] {strides = array<i32>} : memref<64x128xf32, #tpu.memory_space<vmem>>, vector<16xf32>,
        %add3A_1075 = arith.constant 32 : i32
        %add3A_1076 = arith.addi %squeeze3A_1031, %add3A_1075 : i32
        %get3A_1077 = arith.index_cast %add3A_1023 : i32 to index
        %get3A_1078 = arith.index_cast %add3A_1076 : i32 to index
        %get3A_1079 = tpu.vector_load %arg13[%get3A_1077, %get3A_1078] {strides = array<i32>} : memref<64x128xf32, #tpu.memory_space<vmem>>, vector<16xf32>,
        %get3A_1080 = arith.index_cast %add3A_1023 : i32 to index
        %get3A_1081 = arith.constant 32 : index
        %get3A_1082 = tpu.vector_load %arg9[%get3A_1080, %get3A_1081] {strides = array<i32>} : memref<64x128xf32, #tpu.memory_space<vmem>>, vector<16xf32>,
        %sub3A_1083 = arith.subf %get3A_1079, %get3A_1074 : vector<16xf32>
        %mul3A_1084 = arith.mulf %get3A_1082, %sub3A_1083 : vector<16xf32>
        %add3A_1085 = arith.addf %add3A_1069, %mul3A_1084 : vector<16xf32>
        %add3A_1086 = arith.constant 48 : i32
        %add3A_1087 = arith.addi %squeeze3A_1025, %add3A_1086 : i32
        %get3A_1088 = arith.index_cast %add3A_1023 : i32 to index
        %get3A_1089 = arith.index_cast %add3A_1087 : i32 to index
        %get3A_1090 = tpu.vector_load %arg10[%get3A_1088, %get3A_1089] {strides = array<i32>} : memref<64x128xf32, #tpu.memory_space<vmem>>, vector<16xf32>,
        %add3A_1091 = arith.constant 48 : i32
        %add3A_1092 = arith.addi %squeeze3A_1031, %add3A_1091 : i32
        %get3A_1093 = arith.index_cast %add3A_1023 : i32 to index
        %get3A_1094 = arith.index_cast %add3A_1092 : i32 to index
        %get3A_1095 = tpu.vector_load %arg13[%get3A_1093, %get3A_1094] {strides = array<i32>} : memref<64x128xf32, #tpu.memory_space<vmem>>, vector<16xf32>,
        %get3A_1096 = arith.index_cast %add3A_1023 : i32 to index
        %get3A_1097 = arith.constant 48 : index
        %get3A_1098 = tpu.vector_load %arg9[%get3A_1096, %get3A_1097] {strides = array<i32>} : memref<64x128xf32, #tpu.memory_space<vmem>>, vector<16xf32>,
        %sub3A_1099 = arith.subf %get3A_1095, %get3A_1090 : vector<16xf32>
        %mul3A_1100 = arith.mulf %get3A_1098, %sub3A_1099 : vector<16xf32>
        %add3A_1101 = arith.addf %add3A_1085, %mul3A_1100 : vector<16xf32>
        %add3A_1102 = arith.constant 0 : i32
        %add3A_1103 = arith.addi %squeeze3A_1027, %add3A_1102 : i32
        %get3A_1104 = arith.index_cast %add3A_1023 : i32 to index
        %get3A_1105 = arith.index_cast %add3A_1103 : i32 to index
        %get3A_1106 = tpu.vector_load %arg11[%get3A_1104, %get3A_1105] {strides = array<i32>} : memref<64x128xf32, #tpu.memory_space<vmem>>, vector<16xf32>,
        %add3A_1107 = arith.constant 0 : i32
        %add3A_1108 = arith.addi %squeeze3A_1033, %add3A_1107 : i32
        %get3A_1109 = arith.index_cast %add3A_1023 : i32 to index
        %get3A_1110 = arith.index_cast %add3A_1108 : i32 to index
        %get3A_1111 = tpu.vector_load %arg14[%get3A_1109, %get3A_1110] {strides = array<i32>} : memref<64x128xf32, #tpu.memory_space<vmem>>, vector<16xf32>,
        %get3A_1112 = arith.index_cast %add3A_1023 : i32 to index
        %get3A_1113 = arith.constant 64 : index
        %get3A_1114 = tpu.vector_load %arg9[%get3A_1112, %get3A_1113] {strides = array<i32>} : memref<64x128xf32, #tpu.memory_space<vmem>>, vector<16xf32>,
        %sub3A_1115 = arith.subf %get3A_1111, %get3A_1106 : vector<16xf32>
        %mul3A_1116 = arith.mulf %get3A_1114, %sub3A_1115 : vector<16xf32>
        %add3A_1117 = arith.addf %add3A_1101, %mul3A_1116 : vector<16xf32>
        %add3A_1118 = arith.constant 16 : i32
        %add3A_1119 = arith.addi %squeeze3A_1027, %add3A_1118 : i32
        %get3A_1120 = arith.index_cast %add3A_1023 : i32 to index
        %get3A_1121 = arith.index_cast %add3A_1119 : i32 to index
        %get3A_1122 = tpu.vector_load %arg11[%get3A_1120, %get3A_1121] {strides = array<i32>} : memref<64x128xf32, #tpu.memory_space<vmem>>, vector<16xf32>,
        %add3A_1123 = arith.constant 16 : i32
        %add3A_1124 = arith.addi %squeeze3A_1033, %add3A_1123 : i32
        %get3A_1125 = arith.index_cast %add3A_1023 : i32 to index
        %get3A_1126 = arith.index_cast %add3A_1124 : i32 to index
        %get3A_1127 = tpu.vector_load %arg14[%get3A_1125, %get3A_1126] {strides = array<i32>} : memref<64x128xf32, #tpu.memory_space<vmem>>, vector<16xf32>,
        %get3A_1128 = arith.index_cast %add3A_1023 : i32 to index
        %get3A_1129 = arith.constant 80 : index
        %get3A_1130 = tpu.vector_load %arg9[%get3A_1128, %get3A_1129] {strides = array<i32>} : memref<64x128xf32, #tpu.memory_space<vmem>>, vector<16xf32>,
        %sub3A_1131 = arith.subf %get3A_1127, %get3A_1122 : vector<16xf32>
        %mul3A_1132 = arith.mulf %get3A_1130, %sub3A_1131 : vector<16xf32>
        %add3A_1133 = arith.addf %add3A_1117, %mul3A_1132 : vector<16xf32>
        %add3A_1134 = arith.constant 0 : i32
        %add3A_1135 = arith.addi %squeeze3A_1029, %add3A_1134 : i32
        %get3A_1136 = arith.index_cast %add3A_1023 : i32 to index
        %get3A_1137 = arith.index_cast %add3A_1135 : i32 to index
        %get3A_1138 = tpu.vector_load %arg12[%get3A_1136, %get3A_1137] {strides = array<i32>} : memref<64x128xf32, #tpu.memory_space<vmem>>, vector<16xf32>,
        %add3A_1139 = arith.constant 0 : i32
        %add3A_1140 = arith.addi %squeeze3A_1035, %add3A_1139 : i32
        %get3A_1141 = arith.index_cast %add3A_1023 : i32 to index
        %get3A_1142 = arith.index_cast %add3A_1140 : i32 to index
        %get3A_1143 = tpu.vector_load %arg15[%get3A_1141, %get3A_1142] {strides = array<i32>} : memref<64x128xf32, #tpu.memory_space<vmem>>, vector<16xf32>,
        %get3A_1144 = arith.index_cast %add3A_1023 : i32 to index
        %get3A_1145 = arith.constant 96 : index
        %get3A_1146 = tpu.vector_load %arg9[%get3A_1144, %get3A_1145] {strides = array<i32>} : memref<64x128xf32, #tpu.memory_space<vmem>>, vector<16xf32>,
        %sub3A_1147 = arith.subf %get3A_1143, %get3A_1138 : vector<16xf32>
        %mul3A_1148 = arith.mulf %get3A_1146, %sub3A_1147 : vector<16xf32>
        %add3A_1149 = arith.addf %add3A_1133, %mul3A_1148 : vector<16xf32>
        %add3A_1150 = arith.constant 16 : i32
        %add3A_1151 = arith.addi %squeeze3A_1029, %add3A_1150 : i32
        %get3A_1152 = arith.index_cast %add3A_1023 : i32 to index
        %get3A_1153 = arith.index_cast %add3A_1151 : i32 to index
        %get3A_1154 = tpu.vector_load %arg12[%get3A_1152, %get3A_1153] {strides = array<i32>} : memref<64x128xf32, #tpu.memory_space<vmem>>, vector<16xf32>,
        %add3A_1155 = arith.constant 16 : i32
        %add3A_1156 = arith.addi %squeeze3A_1035, %add3A_1155 : i32
        %get3A_1157 = arith.index_cast %add3A_1023 : i32 to index
        %get3A_1158 = arith.index_cast %add3A_1156 : i32 to index
        %get3A_1159 = tpu.vector_load %arg15[%get3A_1157, %get3A_1158] {strides = array<i32>} : memref<64x128xf32, #tpu.memory_space<vmem>>, vector<16xf32>,
        %get3A_1160 = arith.index_cast %add3A_1023 : i32 to index
        %get3A_1161 = arith.constant 112 : index
        %get3A_1162 = tpu.vector_load %arg9[%get3A_1160, %get3A_1161] {strides = array<i32>} : memref<64x128xf32, #tpu.memory_space<vmem>>, vector<16xf32>,
        %sub3A_1163 = arith.subf %get3A_1159, %get3A_1154 : vector<16xf32>
        %mul3A_1164 = arith.mulf %get3A_1162, %sub3A_1163 : vector<16xf32>
        %add3A_1165 = arith.addf %add3A_1149, %mul3A_1164 : vector<16xf32>
        %swap3A_1166 = arith.index_cast %add3A_1023 : i32 to index
        %swap3A_1167 = arith.constant 0 : index
        %swap3A_1168 = tpu.vector_load %arg16[%swap3A_1166, %swap3A_1167] {strides = array<i32>} : memref<64x16xf32, #tpu.memory_space<vmem>>, vector<16xf32>,
        tpu.vector_store %arg16[%swap3A_1166, %swap3A_1167], %add3A_1165 {strides = array<i32>} : memref<64x16xf32, #tpu.memory_space<vmem>>, vector<16xf32>,
        %add3A_1169 = arith.constant 7 : i32
        %add3A_1170 = arith.addi %mul3A_121, %add3A_1169 : i32
        %slice3A_1171 = vector.extract_strided_slice %get3A_124 {offsets = [7], sizes = [1], strides = [1]} : vector<16xi32> to vector<1xi32>
        %squeeze3A_1172 = vector.extract %slice3A_1171[0] : i32 from vector<1xi32>
        %slice3A_1173 = vector.extract_strided_slice %get3A_128 {offsets = [7], sizes = [1], strides = [1]} : vector<16xi32> to vector<1xi32>
        %squeeze3A_1174 = vector.extract %slice3A_1173[0] : i32 from vector<1xi32>
        %slice3A_1175 = vector.extract_strided_slice %get3A_132 {offsets = [7], sizes = [1], strides = [1]} : vector<16xi32> to vector<1xi32>
        %squeeze3A_1176 = vector.extract %slice3A_1175[0] : i32 from vector<1xi32>
        %slice3A_1177 = vector.extract_strided_slice %get3A_136 {offsets = [7], sizes = [1], strides = [1]} : vector<16xi32> to vector<1xi32>
        %squeeze3A_1178 = vector.extract %slice3A_1177[0] : i32 from vector<1xi32>
        %slice3A_1179 = vector.extract_strided_slice %get3A_140 {offsets = [7], sizes = [1], strides = [1]} : vector<16xi32> to vector<1xi32>
        %squeeze3A_1180 = vector.extract %slice3A_1179[0] : i32 from vector<1xi32>
        %slice3A_1181 = vector.extract_strided_slice %get3A_144 {offsets = [7], sizes = [1], strides = [1]} : vector<16xi32> to vector<1xi32>
        %squeeze3A_1182 = vector.extract %slice3A_1181[0] : i32 from vector<1xi32>
        %broadcast_in_dim3A_1183 = arith.constant 0.000000e+00 : f32
        %broadcast_in_dim3A_1184 = vector.broadcast %broadcast_in_dim3A_1183 : f32 to vector<16xf32>
        %add3A_1185 = arith.constant 0 : i32
        %add3A_1186 = arith.addi %squeeze3A_1172, %add3A_1185 : i32
        %get3A_1187 = arith.index_cast %add3A_1170 : i32 to index
        %get3A_1188 = arith.index_cast %add3A_1186 : i32 to index
        %get3A_1189 = tpu.vector_load %arg10[%get3A_1187, %get3A_1188] {strides = array<i32>} : memref<64x128xf32, #tpu.memory_space<vmem>>, vector<16xf32>,
        %add3A_1190 = arith.constant 0 : i32
        %add3A_1191 = arith.addi %squeeze3A_1178, %add3A_1190 : i32
        %get3A_1192 = arith.index_cast %add3A_1170 : i32 to index
        %get3A_1193 = arith.index_cast %add3A_1191 : i32 to index
        %get3A_1194 = tpu.vector_load %arg13[%get3A_1192, %get3A_1193] {strides = array<i32>} : memref<64x128xf32, #tpu.memory_space<vmem>>, vector<16xf32>,
        %get3A_1195 = arith.index_cast %add3A_1170 : i32 to index
        %get3A_1196 = arith.constant 0 : index
        %get3A_1197 = tpu.vector_load %arg9[%get3A_1195, %get3A_1196] {strides = array<i32>} : memref<64x128xf32, #tpu.memory_space<vmem>>, vector<16xf32>,
        %sub3A_1198 = arith.subf %get3A_1194, %get3A_1189 : vector<16xf32>
        %mul3A_1199 = arith.mulf %get3A_1197, %sub3A_1198 : vector<16xf32>
        %add3A_1200 = arith.addf %broadcast_in_dim3A_1184, %mul3A_1199 : vector<16xf32>
        %add3A_1201 = arith.constant 16 : i32
        %add3A_1202 = arith.addi %squeeze3A_1172, %add3A_1201 : i32
        %get3A_1203 = arith.index_cast %add3A_1170 : i32 to index
        %get3A_1204 = arith.index_cast %add3A_1202 : i32 to index
        %get3A_1205 = tpu.vector_load %arg10[%get3A_1203, %get3A_1204] {strides = array<i32>} : memref<64x128xf32, #tpu.memory_space<vmem>>, vector<16xf32>,
        %add3A_1206 = arith.constant 16 : i32
        %add3A_1207 = arith.addi %squeeze3A_1178, %add3A_1206 : i32
        %get3A_1208 = arith.index_cast %add3A_1170 : i32 to index
        %get3A_1209 = arith.index_cast %add3A_1207 : i32 to index
        %get3A_1210 = tpu.vector_load %arg13[%get3A_1208, %get3A_1209] {strides = array<i32>} : memref<64x128xf32, #tpu.memory_space<vmem>>, vector<16xf32>,
        %get3A_1211 = arith.index_cast %add3A_1170 : i32 to index
        %get3A_1212 = arith.constant 16 : index
        %get3A_1213 = tpu.vector_load %arg9[%get3A_1211, %get3A_1212] {strides = array<i32>} : memref<64x128xf32, #tpu.memory_space<vmem>>, vector<16xf32>,
        %sub3A_1214 = arith.subf %get3A_1210, %get3A_1205 : vector<16xf32>
        %mul3A_1215 = arith.mulf %get3A_1213, %sub3A_1214 : vector<16xf32>
        %add3A_1216 = arith.addf %add3A_1200, %mul3A_1215 : vector<16xf32>
        %add3A_1217 = arith.constant 32 : i32
        %add3A_1218 = arith.addi %squeeze3A_1172, %add3A_1217 : i32
        %get3A_1219 = arith.index_cast %add3A_1170 : i32 to index
        %get3A_1220 = arith.index_cast %add3A_1218 : i32 to index
        %get3A_1221 = tpu.vector_load %arg10[%get3A_1219, %get3A_1220] {strides = array<i32>} : memref<64x128xf32, #tpu.memory_space<vmem>>, vector<16xf32>,
        %add3A_1222 = arith.constant 32 : i32
        %add3A_1223 = arith.addi %squeeze3A_1178, %add3A_1222 : i32
        %get3A_1224 = arith.index_cast %add3A_1170 : i32 to index
        %get3A_1225 = arith.index_cast %add3A_1223 : i32 to index
        %get3A_1226 = tpu.vector_load %arg13[%get3A_1224, %get3A_1225] {strides = array<i32>} : memref<64x128xf32, #tpu.memory_space<vmem>>, vector<16xf32>,
        %get3A_1227 = arith.index_cast %add3A_1170 : i32 to index
        %get3A_1228 = arith.constant 32 : index
        %get3A_1229 = tpu.vector_load %arg9[%get3A_1227, %get3A_1228] {strides = array<i32>} : memref<64x128xf32, #tpu.memory_space<vmem>>, vector<16xf32>,
        %sub3A_1230 = arith.subf %get3A_1226, %get3A_1221 : vector<16xf32>
        %mul3A_1231 = arith.mulf %get3A_1229, %sub3A_1230 : vector<16xf32>
        %add3A_1232 = arith.addf %add3A_1216, %mul3A_1231 : vector<16xf32>
        %add3A_1233 = arith.constant 48 : i32
        %add3A_1234 = arith.addi %squeeze3A_1172, %add3A_1233 : i32
        %get3A_1235 = arith.index_cast %add3A_1170 : i32 to index
        %get3A_1236 = arith.index_cast %add3A_1234 : i32 to index
        %get3A_1237 = tpu.vector_load %arg10[%get3A_1235, %get3A_1236] {strides = array<i32>} : memref<64x128xf32, #tpu.memory_space<vmem>>, vector<16xf32>,
        %add3A_1238 = arith.constant 48 : i32
        %add3A_1239 = arith.addi %squeeze3A_1178, %add3A_1238 : i32
        %get3A_1240 = arith.index_cast %add3A_1170 : i32 to index
        %get3A_1241 = arith.index_cast %add3A_1239 : i32 to index
        %get3A_1242 = tpu.vector_load %arg13[%get3A_1240, %get3A_1241] {strides = array<i32>} : memref<64x128xf32, #tpu.memory_space<vmem>>, vector<16xf32>,
        %get3A_1243 = arith.index_cast %add3A_1170 : i32 to index
        %get3A_1244 = arith.constant 48 : index
        %get3A_1245 = tpu.vector_load %arg9[%get3A_1243, %get3A_1244] {strides = array<i32>} : memref<64x128xf32, #tpu.memory_space<vmem>>, vector<16xf32>,
        %sub3A_1246 = arith.subf %get3A_1242, %get3A_1237 : vector<16xf32>
        %mul3A_1247 = arith.mulf %get3A_1245, %sub3A_1246 : vector<16xf32>
        %add3A_1248 = arith.addf %add3A_1232, %mul3A_1247 : vector<16xf32>
        %add3A_1249 = arith.constant 0 : i32
        %add3A_1250 = arith.addi %squeeze3A_1174, %add3A_1249 : i32
        %get3A_1251 = arith.index_cast %add3A_1170 : i32 to index
        %get3A_1252 = arith.index_cast %add3A_1250 : i32 to index
        %get3A_1253 = tpu.vector_load %arg11[%get3A_1251, %get3A_1252] {strides = array<i32>} : memref<64x128xf32, #tpu.memory_space<vmem>>, vector<16xf32>,
        %add3A_1254 = arith.constant 0 : i32
        %add3A_1255 = arith.addi %squeeze3A_1180, %add3A_1254 : i32
        %get3A_1256 = arith.index_cast %add3A_1170 : i32 to index
        %get3A_1257 = arith.index_cast %add3A_1255 : i32 to index
        %get3A_1258 = tpu.vector_load %arg14[%get3A_1256, %get3A_1257] {strides = array<i32>} : memref<64x128xf32, #tpu.memory_space<vmem>>, vector<16xf32>,
        %get3A_1259 = arith.index_cast %add3A_1170 : i32 to index
        %get3A_1260 = arith.constant 64 : index
        %get3A_1261 = tpu.vector_load %arg9[%get3A_1259, %get3A_1260] {strides = array<i32>} : memref<64x128xf32, #tpu.memory_space<vmem>>, vector<16xf32>,
        %sub3A_1262 = arith.subf %get3A_1258, %get3A_1253 : vector<16xf32>
        %mul3A_1263 = arith.mulf %get3A_1261, %sub3A_1262 : vector<16xf32>
        %add3A_1264 = arith.addf %add3A_1248, %mul3A_1263 : vector<16xf32>
        %add3A_1265 = arith.constant 16 : i32
        %add3A_1266 = arith.addi %squeeze3A_1174, %add3A_1265 : i32
        %get3A_1267 = arith.index_cast %add3A_1170 : i32 to index
        %get3A_1268 = arith.index_cast %add3A_1266 : i32 to index
        %get3A_1269 = tpu.vector_load %arg11[%get3A_1267, %get3A_1268] {strides = array<i32>} : memref<64x128xf32, #tpu.memory_space<vmem>>, vector<16xf32>,
        %add3A_1270 = arith.constant 16 : i32
        %add3A_1271 = arith.addi %squeeze3A_1180, %add3A_1270 : i32
        %get3A_1272 = arith.index_cast %add3A_1170 : i32 to index
        %get3A_1273 = arith.index_cast %add3A_1271 : i32 to index
        %get3A_1274 = tpu.vector_load %arg14[%get3A_1272, %get3A_1273] {strides = array<i32>} : memref<64x128xf32, #tpu.memory_space<vmem>>, vector<16xf32>,
        %get3A_1275 = arith.index_cast %add3A_1170 : i32 to index
        %get3A_1276 = arith.constant 80 : index
        %get3A_1277 = tpu.vector_load %arg9[%get3A_1275, %get3A_1276] {strides = array<i32>} : memref<64x128xf32, #tpu.memory_space<vmem>>, vector<16xf32>,
        %sub3A_1278 = arith.subf %get3A_1274, %get3A_1269 : vector<16xf32>
        %mul3A_1279 = arith.mulf %get3A_1277, %sub3A_1278 : vector<16xf32>
        %add3A_1280 = arith.addf %add3A_1264, %mul3A_1279 : vector<16xf32>
        %add3A_1281 = arith.constant 0 : i32
        %add3A_1282 = arith.addi %squeeze3A_1176, %add3A_1281 : i32
        %get3A_1283 = arith.index_cast %add3A_1170 : i32 to index
        %get3A_1284 = arith.index_cast %add3A_1282 : i32 to index
        %get3A_1285 = tpu.vector_load %arg12[%get3A_1283, %get3A_1284] {strides = array<i32>} : memref<64x128xf32, #tpu.memory_space<vmem>>, vector<16xf32>,
        %add3A_1286 = arith.constant 0 : i32
        %add3A_1287 = arith.addi %squeeze3A_1182, %add3A_1286 : i32
        %get3A_1288 = arith.index_cast %add3A_1170 : i32 to index
        %get3A_1289 = arith.index_cast %add3A_1287 : i32 to index
        %get3A_1290 = tpu.vector_load %arg15[%get3A_1288, %get3A_1289] {strides = array<i32>} : memref<64x128xf32, #tpu.memory_space<vmem>>, vector<16xf32>,
        %get3A_1291 = arith.index_cast %add3A_1170 : i32 to index
        %get3A_1292 = arith.constant 96 : index
        %get3A_1293 = tpu.vector_load %arg9[%get3A_1291, %get3A_1292] {strides = array<i32>} : memref<64x128xf32, #tpu.memory_space<vmem>>, vector<16xf32>,
        %sub3A_1294 = arith.subf %get3A_1290, %get3A_1285 : vector<16xf32>
        %mul3A_1295 = arith.mulf %get3A_1293, %sub3A_1294 : vector<16xf32>
        %add3A_1296 = arith.addf %add3A_1280, %mul3A_1295 : vector<16xf32>
        %add3A_1297 = arith.constant 16 : i32
        %add3A_1298 = arith.addi %squeeze3A_1176, %add3A_1297 : i32
        %get3A_1299 = arith.index_cast %add3A_1170 : i32 to index
        %get3A_1300 = arith.index_cast %add3A_1298 : i32 to index
        %get3A_1301 = tpu.vector_load %arg12[%get3A_1299, %get3A_1300] {strides = array<i32>} : memref<64x128xf32, #tpu.memory_space<vmem>>, vector<16xf32>,
        %add3A_1302 = arith.constant 16 : i32
        %add3A_1303 = arith.addi %squeeze3A_1182, %add3A_1302 : i32
        %get3A_1304 = arith.index_cast %add3A_1170 : i32 to index
        %get3A_1305 = arith.index_cast %add3A_1303 : i32 to index
        %get3A_1306 = tpu.vector_load %arg15[%get3A_1304, %get3A_1305] {strides = array<i32>} : memref<64x128xf32, #tpu.memory_space<vmem>>, vector<16xf32>,
        %get3A_1307 = arith.index_cast %add3A_1170 : i32 to index
        %get3A_1308 = arith.constant 112 : index
        %get3A_1309 = tpu.vector_load %arg9[%get3A_1307, %get3A_1308] {strides = array<i32>} : memref<64x128xf32, #tpu.memory_space<vmem>>, vector<16xf32>,
        %sub3A_1310 = arith.subf %get3A_1306, %get3A_1301 : vector<16xf32>
        %mul3A_1311 = arith.mulf %get3A_1309, %sub3A_1310 : vector<16xf32>
        %add3A_1312 = arith.addf %add3A_1296, %mul3A_1311 : vector<16xf32>
        %swap3A_1313 = arith.index_cast %add3A_1170 : i32 to index
        %swap3A_1314 = arith.constant 0 : index
        %swap3A_1315 = tpu.vector_load %arg16[%swap3A_1313, %swap3A_1314] {strides = array<i32>} : memref<64x16xf32, #tpu.memory_space<vmem>>, vector<16xf32>,
        tpu.vector_store %arg16[%swap3A_1313, %swap3A_1314], %add3A_1312 {strides = array<i32>} : memref<64x16xf32, #tpu.memory_space<vmem>>, vector<16xf32>,
        %add3A_1316 = arith.constant 8 : i32
        %add3A_1317 = arith.addi %mul3A_121, %add3A_1316 : i32
        %slice3A_1318 = vector.extract_strided_slice %get3A_124 {offsets = [8], sizes = [1], strides = [1]} : vector<16xi32> to vector<1xi32>
        %squeeze3A_1319 = vector.extract %slice3A_1318[0] : i32 from vector<1xi32>
        %slice3A_1320 = vector.extract_strided_slice %get3A_128 {offsets = [8], sizes = [1], strides = [1]} : vector<16xi32> to vector<1xi32>
        %squeeze3A_1321 = vector.extract %slice3A_1320[0] : i32 from vector<1xi32>
        %slice3A_1322 = vector.extract_strided_slice %get3A_132 {offsets = [8], sizes = [1], strides = [1]} : vector<16xi32> to vector<1xi32>
        %squeeze3A_1323 = vector.extract %slice3A_1322[0] : i32 from vector<1xi32>
        %slice3A_1324 = vector.extract_strided_slice %get3A_136 {offsets = [8], sizes = [1], strides = [1]} : vector<16xi32> to vector<1xi32>
        %squeeze3A_1325 = vector.extract %slice3A_1324[0] : i32 from vector<1xi32>
        %slice3A_1326 = vector.extract_strided_slice %get3A_140 {offsets = [8], sizes = [1], strides = [1]} : vector<16xi32> to vector<1xi32>
        %squeeze3A_1327 = vector.extract %slice3A_1326[0] : i32 from vector<1xi32>
        %slice3A_1328 = vector.extract_strided_slice %get3A_144 {offsets = [8], sizes = [1], strides = [1]} : vector<16xi32> to vector<1xi32>
        %squeeze3A_1329 = vector.extract %slice3A_1328[0] : i32 from vector<1xi32>
        %broadcast_in_dim3A_1330 = arith.constant 0.000000e+00 : f32
        %broadcast_in_dim3A_1331 = vector.broadcast %broadcast_in_dim3A_1330 : f32 to vector<16xf32>
        %add3A_1332 = arith.constant 0 : i32
        %add3A_1333 = arith.addi %squeeze3A_1319, %add3A_1332 : i32
        %get3A_1334 = arith.index_cast %add3A_1317 : i32 to index
        %get3A_1335 = arith.index_cast %add3A_1333 : i32 to index
        %get3A_1336 = tpu.vector_load %arg10[%get3A_1334, %get3A_1335] {strides = array<i32>} : memref<64x128xf32, #tpu.memory_space<vmem>>, vector<16xf32>,
        %add3A_1337 = arith.constant 0 : i32
        %add3A_1338 = arith.addi %squeeze3A_1325, %add3A_1337 : i32
        %get3A_1339 = arith.index_cast %add3A_1317 : i32 to index
        %get3A_1340 = arith.index_cast %add3A_1338 : i32 to index
        %get3A_1341 = tpu.vector_load %arg13[%get3A_1339, %get3A_1340] {strides = array<i32>} : memref<64x128xf32, #tpu.memory_space<vmem>>, vector<16xf32>,
        %get3A_1342 = arith.index_cast %add3A_1317 : i32 to index
        %get3A_1343 = arith.constant 0 : index
        %get3A_1344 = tpu.vector_load %arg9[%get3A_1342, %get3A_1343] {strides = array<i32>} : memref<64x128xf32, #tpu.memory_space<vmem>>, vector<16xf32>,
        %sub3A_1345 = arith.subf %get3A_1341, %get3A_1336 : vector<16xf32>
        %mul3A_1346 = arith.mulf %get3A_1344, %sub3A_1345 : vector<16xf32>
        %add3A_1347 = arith.addf %broadcast_in_dim3A_1331, %mul3A_1346 : vector<16xf32>
        %add3A_1348 = arith.constant 16 : i32
        %add3A_1349 = arith.addi %squeeze3A_1319, %add3A_1348 : i32
        %get3A_1350 = arith.index_cast %add3A_1317 : i32 to index
        %get3A_1351 = arith.index_cast %add3A_1349 : i32 to index
        %get3A_1352 = tpu.vector_load %arg10[%get3A_1350, %get3A_1351] {strides = array<i32>} : memref<64x128xf32, #tpu.memory_space<vmem>>, vector<16xf32>,
        %add3A_1353 = arith.constant 16 : i32
        %add3A_1354 = arith.addi %squeeze3A_1325, %add3A_1353 : i32
        %get3A_1355 = arith.index_cast %add3A_1317 : i32 to index
        %get3A_1356 = arith.index_cast %add3A_1354 : i32 to index
        %get3A_1357 = tpu.vector_load %arg13[%get3A_1355, %get3A_1356] {strides = array<i32>} : memref<64x128xf32, #tpu.memory_space<vmem>>, vector<16xf32>,
        %get3A_1358 = arith.index_cast %add3A_1317 : i32 to index
        %get3A_1359 = arith.constant 16 : index
        %get3A_1360 = tpu.vector_load %arg9[%get3A_1358, %get3A_1359] {strides = array<i32>} : memref<64x128xf32, #tpu.memory_space<vmem>>, vector<16xf32>,
        %sub3A_1361 = arith.subf %get3A_1357, %get3A_1352 : vector<16xf32>
        %mul3A_1362 = arith.mulf %get3A_1360, %sub3A_1361 : vector<16xf32>
        %add3A_1363 = arith.addf %add3A_1347, %mul3A_1362 : vector<16xf32>
        %add3A_1364 = arith.constant 32 : i32
        %add3A_1365 = arith.addi %squeeze3A_1319, %add3A_1364 : i32
        %get3A_1366 = arith.index_cast %add3A_1317 : i32 to index
        %get3A_1367 = arith.index_cast %add3A_1365 : i32 to index
        %get3A_1368 = tpu.vector_load %arg10[%get3A_1366, %get3A_1367] {strides = array<i32>} : memref<64x128xf32, #tpu.memory_space<vmem>>, vector<16xf32>,
        %add3A_1369 = arith.constant 32 : i32
        %add3A_1370 = arith.addi %squeeze3A_1325, %add3A_1369 : i32
        %get3A_1371 = arith.index_cast %add3A_1317 : i32 to index
        %get3A_1372 = arith.index_cast %add3A_1370 : i32 to index
        %get3A_1373 = tpu.vector_load %arg13[%get3A_1371, %get3A_1372] {strides = array<i32>} : memref<64x128xf32, #tpu.memory_space<vmem>>, vector<16xf32>,
        %get3A_1374 = arith.index_cast %add3A_1317 : i32 to index
        %get3A_1375 = arith.constant 32 : index
        %get3A_1376 = tpu.vector_load %arg9[%get3A_1374, %get3A_1375] {strides = array<i32>} : memref<64x128xf32, #tpu.memory_space<vmem>>, vector<16xf32>,
        %sub3A_1377 = arith.subf %get3A_1373, %get3A_1368 : vector<16xf32>
        %mul3A_1378 = arith.mulf %get3A_1376, %sub3A_1377 : vector<16xf32>
        %add3A_1379 = arith.addf %add3A_1363, %mul3A_1378 : vector<16xf32>
        %add3A_1380 = arith.constant 48 : i32
        %add3A_1381 = arith.addi %squeeze3A_1319, %add3A_1380 : i32
        %get3A_1382 = arith.index_cast %add3A_1317 : i32 to index
        %get3A_1383 = arith.index_cast %add3A_1381 : i32 to index
        %get3A_1384 = tpu.vector_load %arg10[%get3A_1382, %get3A_1383] {strides = array<i32>} : memref<64x128xf32, #tpu.memory_space<vmem>>, vector<16xf32>,
        %add3A_1385 = arith.constant 48 : i32
        %add3A_1386 = arith.addi %squeeze3A_1325, %add3A_1385 : i32
        %get3A_1387 = arith.index_cast %add3A_1317 : i32 to index
        %get3A_1388 = arith.index_cast %add3A_1386 : i32 to index
        %get3A_1389 = tpu.vector_load %arg13[%get3A_1387, %get3A_1388] {strides = array<i32>} : memref<64x128xf32, #tpu.memory_space<vmem>>, vector<16xf32>,
        %get3A_1390 = arith.index_cast %add3A_1317 : i32 to index
        %get3A_1391 = arith.constant 48 : index
        %get3A_1392 = tpu.vector_load %arg9[%get3A_1390, %get3A_1391] {strides = array<i32>} : memref<64x128xf32, #tpu.memory_space<vmem>>, vector<16xf32>,
        %sub3A_1393 = arith.subf %get3A_1389, %get3A_1384 : vector<16xf32>
        %mul3A_1394 = arith.mulf %get3A_1392, %sub3A_1393 : vector<16xf32>
        %add3A_1395 = arith.addf %add3A_1379, %mul3A_1394 : vector<16xf32>
        %add3A_1396 = arith.constant 0 : i32
        %add3A_1397 = arith.addi %squeeze3A_1321, %add3A_1396 : i32
        %get3A_1398 = arith.index_cast %add3A_1317 : i32 to index
        %get3A_1399 = arith.index_cast %add3A_1397 : i32 to index
        %get3A_1400 = tpu.vector_load %arg11[%get3A_1398, %get3A_1399] {strides = array<i32>} : memref<64x128xf32, #tpu.memory_space<vmem>>, vector<16xf32>,
        %add3A_1401 = arith.constant 0 : i32
        %add3A_1402 = arith.addi %squeeze3A_1327, %add3A_1401 : i32
        %get3A_1403 = arith.index_cast %add3A_1317 : i32 to index
        %get3A_1404 = arith.index_cast %add3A_1402 : i32 to index
        %get3A_1405 = tpu.vector_load %arg14[%get3A_1403, %get3A_1404] {strides = array<i32>} : memref<64x128xf32, #tpu.memory_space<vmem>>, vector<16xf32>,
        %get3A_1406 = arith.index_cast %add3A_1317 : i32 to index
        %get3A_1407 = arith.constant 64 : index
        %get3A_1408 = tpu.vector_load %arg9[%get3A_1406, %get3A_1407] {strides = array<i32>} : memref<64x128xf32, #tpu.memory_space<vmem>>, vector<16xf32>,
        %sub3A_1409 = arith.subf %get3A_1405, %get3A_1400 : vector<16xf32>
        %mul3A_1410 = arith.mulf %get3A_1408, %sub3A_1409 : vector<16xf32>
        %add3A_1411 = arith.addf %add3A_1395, %mul3A_1410 : vector<16xf32>
        %add3A_1412 = arith.constant 16 : i32
        %add3A_1413 = arith.addi %squeeze3A_1321, %add3A_1412 : i32
        %get3A_1414 = arith.index_cast %add3A_1317 : i32 to index
        %get3A_1415 = arith.index_cast %add3A_1413 : i32 to index
        %get3A_1416 = tpu.vector_load %arg11[%get3A_1414, %get3A_1415] {strides = array<i32>} : memref<64x128xf32, #tpu.memory_space<vmem>>, vector<16xf32>,
        %add3A_1417 = arith.constant 16 : i32
        %add3A_1418 = arith.addi %squeeze3A_1327, %add3A_1417 : i32
        %get3A_1419 = arith.index_cast %add3A_1317 : i32 to index
        %get3A_1420 = arith.index_cast %add3A_1418 : i32 to index
        %get3A_1421 = tpu.vector_load %arg14[%get3A_1419, %get3A_1420] {strides = array<i32>} : memref<64x128xf32, #tpu.memory_space<vmem>>, vector<16xf32>,
        %get3A_1422 = arith.index_cast %add3A_1317 : i32 to index
        %get3A_1423 = arith.constant 80 : index
        %get3A_1424 = tpu.vector_load %arg9[%get3A_1422, %get3A_1423] {strides = array<i32>} : memref<64x128xf32, #tpu.memory_space<vmem>>, vector<16xf32>,
        %sub3A_1425 = arith.subf %get3A_1421, %get3A_1416 : vector<16xf32>
        %mul3A_1426 = arith.mulf %get3A_1424, %sub3A_1425 : vector<16xf32>
        %add3A_1427 = arith.addf %add3A_1411, %mul3A_1426 : vector<16xf32>
        %add3A_1428 = arith.constant 0 : i32
        %add3A_1429 = arith.addi %squeeze3A_1323, %add3A_1428 : i32
        %get3A_1430 = arith.index_cast %add3A_1317 : i32 to index
        %get3A_1431 = arith.index_cast %add3A_1429 : i32 to index
        %get3A_1432 = tpu.vector_load %arg12[%get3A_1430, %get3A_1431] {strides = array<i32>} : memref<64x128xf32, #tpu.memory_space<vmem>>, vector<16xf32>,
        %add3A_1433 = arith.constant 0 : i32
        %add3A_1434 = arith.addi %squeeze3A_1329, %add3A_1433 : i32
        %get3A_1435 = arith.index_cast %add3A_1317 : i32 to index
        %get3A_1436 = arith.index_cast %add3A_1434 : i32 to index
        %get3A_1437 = tpu.vector_load %arg15[%get3A_1435, %get3A_1436] {strides = array<i32>} : memref<64x128xf32, #tpu.memory_space<vmem>>, vector<16xf32>,
        %get3A_1438 = arith.index_cast %add3A_1317 : i32 to index
        %get3A_1439 = arith.constant 96 : index
        %get3A_1440 = tpu.vector_load %arg9[%get3A_1438, %get3A_1439] {strides = array<i32>} : memref<64x128xf32, #tpu.memory_space<vmem>>, vector<16xf32>,
        %sub3A_1441 = arith.subf %get3A_1437, %get3A_1432 : vector<16xf32>
        %mul3A_1442 = arith.mulf %get3A_1440, %sub3A_1441 : vector<16xf32>
        %add3A_1443 = arith.addf %add3A_1427, %mul3A_1442 : vector<16xf32>
        %add3A_1444 = arith.constant 16 : i32
        %add3A_1445 = arith.addi %squeeze3A_1323, %add3A_1444 : i32
        %get3A_1446 = arith.index_cast %add3A_1317 : i32 to index
        %get3A_1447 = arith.index_cast %add3A_1445 : i32 to index
        %get3A_1448 = tpu.vector_load %arg12[%get3A_1446, %get3A_1447] {strides = array<i32>} : memref<64x128xf32, #tpu.memory_space<vmem>>, vector<16xf32>,
        %add3A_1449 = arith.constant 16 : i32
        %add3A_1450 = arith.addi %squeeze3A_1329, %add3A_1449 : i32
        %get3A_1451 = arith.index_cast %add3A_1317 : i32 to index
        %get3A_1452 = arith.index_cast %add3A_1450 : i32 to index
        %get3A_1453 = tpu.vector_load %arg15[%get3A_1451, %get3A_1452] {strides = array<i32>} : memref<64x128xf32, #tpu.memory_space<vmem>>, vector<16xf32>,
        %get3A_1454 = arith.index_cast %add3A_1317 : i32 to index
        %get3A_1455 = arith.constant 112 : index
        %get3A_1456 = tpu.vector_load %arg9[%get3A_1454, %get3A_1455] {strides = array<i32>} : memref<64x128xf32, #tpu.memory_space<vmem>>, vector<16xf32>,
        %sub3A_1457 = arith.subf %get3A_1453, %get3A_1448 : vector<16xf32>
        %mul3A_1458 = arith.mulf %get3A_1456, %sub3A_1457 : vector<16xf32>
        %add3A_1459 = arith.addf %add3A_1443, %mul3A_1458 : vector<16xf32>
        %swap3A_1460 = arith.index_cast %add3A_1317 : i32 to index
        %swap3A_1461 = arith.constant 0 : index
        %swap3A_1462 = tpu.vector_load %arg16[%swap3A_1460, %swap3A_1461] {strides = array<i32>} : memref<64x16xf32, #tpu.memory_space<vmem>>, vector<16xf32>,
        tpu.vector_store %arg16[%swap3A_1460, %swap3A_1461], %add3A_1459 {strides = array<i32>} : memref<64x16xf32, #tpu.memory_space<vmem>>, vector<16xf32>,
        %add3A_1463 = arith.constant 9 : i32
        %add3A_1464 = arith.addi %mul3A_121, %add3A_1463 : i32
        %slice3A_1465 = vector.extract_strided_slice %get3A_124 {offsets = [9], sizes = [1], strides = [1]} : vector<16xi32> to vector<1xi32>
        %squeeze3A_1466 = vector.extract %slice3A_1465[0] : i32 from vector<1xi32>
        %slice3A_1467 = vector.extract_strided_slice %get3A_128 {offsets = [9], sizes = [1], strides = [1]} : vector<16xi32> to vector<1xi32>
        %squeeze3A_1468 = vector.extract %slice3A_1467[0] : i32 from vector<1xi32>
        %slice3A_1469 = vector.extract_strided_slice %get3A_132 {offsets = [9], sizes = [1], strides = [1]} : vector<16xi32> to vector<1xi32>
        %squeeze3A_1470 = vector.extract %slice3A_1469[0] : i32 from vector<1xi32>
        %slice3A_1471 = vector.extract_strided_slice %get3A_136 {offsets = [9], sizes = [1], strides = [1]} : vector<16xi32> to vector<1xi32>
        %squeeze3A_1472 = vector.extract %slice3A_1471[0] : i32 from vector<1xi32>
        %slice3A_1473 = vector.extract_strided_slice %get3A_140 {offsets = [9], sizes = [1], strides = [1]} : vector<16xi32> to vector<1xi32>
        %squeeze3A_1474 = vector.extract %slice3A_1473[0] : i32 from vector<1xi32>
        %slice3A_1475 = vector.extract_strided_slice %get3A_144 {offsets = [9], sizes = [1], strides = [1]} : vector<16xi32> to vector<1xi32>
        %squeeze3A_1476 = vector.extract %slice3A_1475[0] : i32 from vector<1xi32>
        %broadcast_in_dim3A_1477 = arith.constant 0.000000e+00 : f32
        %broadcast_in_dim3A_1478 = vector.broadcast %broadcast_in_dim3A_1477 : f32 to vector<16xf32>
        %add3A_1479 = arith.constant 0 : i32
        %add3A_1480 = arith.addi %squeeze3A_1466, %add3A_1479 : i32
        %get3A_1481 = arith.index_cast %add3A_1464 : i32 to index
        %get3A_1482 = arith.index_cast %add3A_1480 : i32 to index
        %get3A_1483 = tpu.vector_load %arg10[%get3A_1481, %get3A_1482] {strides = array<i32>} : memref<64x128xf32, #tpu.memory_space<vmem>>, vector<16xf32>,
        %add3A_1484 = arith.constant 0 : i32
        %add3A_1485 = arith.addi %squeeze3A_1472, %add3A_1484 : i32
        %get3A_1486 = arith.index_cast %add3A_1464 : i32 to index
        %get3A_1487 = arith.index_cast %add3A_1485 : i32 to index
        %get3A_1488 = tpu.vector_load %arg13[%get3A_1486, %get3A_1487] {strides = array<i32>} : memref<64x128xf32, #tpu.memory_space<vmem>>, vector<16xf32>,
        %get3A_1489 = arith.index_cast %add3A_1464 : i32 to index
        %get3A_1490 = arith.constant 0 : index
        %get3A_1491 = tpu.vector_load %arg9[%get3A_1489, %get3A_1490] {strides = array<i32>} : memref<64x128xf32, #tpu.memory_space<vmem>>, vector<16xf32>,
        %sub3A_1492 = arith.subf %get3A_1488, %get3A_1483 : vector<16xf32>
        %mul3A_1493 = arith.mulf %get3A_1491, %sub3A_1492 : vector<16xf32>
        %add3A_1494 = arith.addf %broadcast_in_dim3A_1478, %mul3A_1493 : vector<16xf32>
        %add3A_1495 = arith.constant 16 : i32
        %add3A_1496 = arith.addi %squeeze3A_1466, %add3A_1495 : i32
        %get3A_1497 = arith.index_cast %add3A_1464 : i32 to index
        %get3A_1498 = arith.index_cast %add3A_1496 : i32 to index
        %get3A_1499 = tpu.vector_load %arg10[%get3A_1497, %get3A_1498] {strides = array<i32>} : memref<64x128xf32, #tpu.memory_space<vmem>>, vector<16xf32>,
        %add3A_1500 = arith.constant 16 : i32
        %add3A_1501 = arith.addi %squeeze3A_1472, %add3A_1500 : i32
        %get3A_1502 = arith.index_cast %add3A_1464 : i32 to index
        %get3A_1503 = arith.index_cast %add3A_1501 : i32 to index
        %get3A_1504 = tpu.vector_load %arg13[%get3A_1502, %get3A_1503] {strides = array<i32>} : memref<64x128xf32, #tpu.memory_space<vmem>>, vector<16xf32>,
        %get3A_1505 = arith.index_cast %add3A_1464 : i32 to index
        %get3A_1506 = arith.constant 16 : index
        %get3A_1507 = tpu.vector_load %arg9[%get3A_1505, %get3A_1506] {strides = array<i32>} : memref<64x128xf32, #tpu.memory_space<vmem>>, vector<16xf32>,
        %sub3A_1508 = arith.subf %get3A_1504, %get3A_1499 : vector<16xf32>
        %mul3A_1509 = arith.mulf %get3A_1507, %sub3A_1508 : vector<16xf32>
        %add3A_1510 = arith.addf %add3A_1494, %mul3A_1509 : vector<16xf32>
        %add3A_1511 = arith.constant 32 : i32
        %add3A_1512 = arith.addi %squeeze3A_1466, %add3A_1511 : i32
        %get3A_1513 = arith.index_cast %add3A_1464 : i32 to index
        %get3A_1514 = arith.index_cast %add3A_1512 : i32 to index
        %get3A_1515 = tpu.vector_load %arg10[%get3A_1513, %get3A_1514] {strides = array<i32>} : memref<64x128xf32, #tpu.memory_space<vmem>>, vector<16xf32>,
        %add3A_1516 = arith.constant 32 : i32
        %add3A_1517 = arith.addi %squeeze3A_1472, %add3A_1516 : i32
        %get3A_1518 = arith.index_cast %add3A_1464 : i32 to index
        %get3A_1519 = arith.index_cast %add3A_1517 : i32 to index
        %get3A_1520 = tpu.vector_load %arg13[%get3A_1518, %get3A_1519] {strides = array<i32>} : memref<64x128xf32, #tpu.memory_space<vmem>>, vector<16xf32>,
        %get3A_1521 = arith.index_cast %add3A_1464 : i32 to index
        %get3A_1522 = arith.constant 32 : index
        %get3A_1523 = tpu.vector_load %arg9[%get3A_1521, %get3A_1522] {strides = array<i32>} : memref<64x128xf32, #tpu.memory_space<vmem>>, vector<16xf32>,
        %sub3A_1524 = arith.subf %get3A_1520, %get3A_1515 : vector<16xf32>
        %mul3A_1525 = arith.mulf %get3A_1523, %sub3A_1524 : vector<16xf32>
        %add3A_1526 = arith.addf %add3A_1510, %mul3A_1525 : vector<16xf32>
        %add3A_1527 = arith.constant 48 : i32
        %add3A_1528 = arith.addi %squeeze3A_1466, %add3A_1527 : i32
        %get3A_1529 = arith.index_cast %add3A_1464 : i32 to index
        %get3A_1530 = arith.index_cast %add3A_1528 : i32 to index
        %get3A_1531 = tpu.vector_load %arg10[%get3A_1529, %get3A_1530] {strides = array<i32>} : memref<64x128xf32, #tpu.memory_space<vmem>>, vector<16xf32>,
        %add3A_1532 = arith.constant 48 : i32
        %add3A_1533 = arith.addi %squeeze3A_1472, %add3A_1532 : i32
        %get3A_1534 = arith.index_cast %add3A_1464 : i32 to index
        %get3A_1535 = arith.index_cast %add3A_1533 : i32 to index
        %get3A_1536 = tpu.vector_load %arg13[%get3A_1534, %get3A_1535] {strides = array<i32>} : memref<64x128xf32, #tpu.memory_space<vmem>>, vector<16xf32>,
        %get3A_1537 = arith.index_cast %add3A_1464 : i32 to index
        %get3A_1538 = arith.constant 48 : index
        %get3A_1539 = tpu.vector_load %arg9[%get3A_1537, %get3A_1538] {strides = array<i32>} : memref<64x128xf32, #tpu.memory_space<vmem>>, vector<16xf32>,
        %sub3A_1540 = arith.subf %get3A_1536, %get3A_1531 : vector<16xf32>
        %mul3A_1541 = arith.mulf %get3A_1539, %sub3A_1540 : vector<16xf32>
        %add3A_1542 = arith.addf %add3A_1526, %mul3A_1541 : vector<16xf32>
        %add3A_1543 = arith.constant 0 : i32
        %add3A_1544 = arith.addi %squeeze3A_1468, %add3A_1543 : i32
        %get3A_1545 = arith.index_cast %add3A_1464 : i32 to index
        %get3A_1546 = arith.index_cast %add3A_1544 : i32 to index
        %get3A_1547 = tpu.vector_load %arg11[%get3A_1545, %get3A_1546] {strides = array<i32>} : memref<64x128xf32, #tpu.memory_space<vmem>>, vector<16xf32>,
        %add3A_1548 = arith.constant 0 : i32
        %add3A_1549 = arith.addi %squeeze3A_1474, %add3A_1548 : i32
        %get3A_1550 = arith.index_cast %add3A_1464 : i32 to index
        %get3A_1551 = arith.index_cast %add3A_1549 : i32 to index
        %get3A_1552 = tpu.vector_load %arg14[%get3A_1550, %get3A_1551] {strides = array<i32>} : memref<64x128xf32, #tpu.memory_space<vmem>>, vector<16xf32>,
        %get3A_1553 = arith.index_cast %add3A_1464 : i32 to index
        %get3A_1554 = arith.constant 64 : index
        %get3A_1555 = tpu.vector_load %arg9[%get3A_1553, %get3A_1554] {strides = array<i32>} : memref<64x128xf32, #tpu.memory_space<vmem>>, vector<16xf32>,
        %sub3A_1556 = arith.subf %get3A_1552, %get3A_1547 : vector<16xf32>
        %mul3A_1557 = arith.mulf %get3A_1555, %sub3A_1556 : vector<16xf32>
        %add3A_1558 = arith.addf %add3A_1542, %mul3A_1557 : vector<16xf32>
        %add3A_1559 = arith.constant 16 : i32
        %add3A_1560 = arith.addi %squeeze3A_1468, %add3A_1559 : i32
        %get3A_1561 = arith.index_cast %add3A_1464 : i32 to index
        %get3A_1562 = arith.index_cast %add3A_1560 : i32 to index
        %get3A_1563 = tpu.vector_load %arg11[%get3A_1561, %get3A_1562] {strides = array<i32>} : memref<64x128xf32, #tpu.memory_space<vmem>>, vector<16xf32>,
        %add3A_1564 = arith.constant 16 : i32
        %add3A_1565 = arith.addi %squeeze3A_1474, %add3A_1564 : i32
        %get3A_1566 = arith.index_cast %add3A_1464 : i32 to index
        %get3A_1567 = arith.index_cast %add3A_1565 : i32 to index
        %get3A_1568 = tpu.vector_load %arg14[%get3A_1566, %get3A_1567] {strides = array<i32>} : memref<64x128xf32, #tpu.memory_space<vmem>>, vector<16xf32>,
        %get3A_1569 = arith.index_cast %add3A_1464 : i32 to index
        %get3A_1570 = arith.constant 80 : index
        %get3A_1571 = tpu.vector_load %arg9[%get3A_1569, %get3A_1570] {strides = array<i32>} : memref<64x128xf32, #tpu.memory_space<vmem>>, vector<16xf32>,
        %sub3A_1572 = arith.subf %get3A_1568, %get3A_1563 : vector<16xf32>
        %mul3A_1573 = arith.mulf %get3A_1571, %sub3A_1572 : vector<16xf32>
        %add3A_1574 = arith.addf %add3A_1558, %mul3A_1573 : vector<16xf32>
        %add3A_1575 = arith.constant 0 : i32
        %add3A_1576 = arith.addi %squeeze3A_1470, %add3A_1575 : i32
        %get3A_1577 = arith.index_cast %add3A_1464 : i32 to index
        %get3A_1578 = arith.index_cast %add3A_1576 : i32 to index
        %get3A_1579 = tpu.vector_load %arg12[%get3A_1577, %get3A_1578] {strides = array<i32>} : memref<64x128xf32, #tpu.memory_space<vmem>>, vector<16xf32>,
        %add3A_1580 = arith.constant 0 : i32
        %add3A_1581 = arith.addi %squeeze3A_1476, %add3A_1580 : i32
        %get3A_1582 = arith.index_cast %add3A_1464 : i32 to index
        %get3A_1583 = arith.index_cast %add3A_1581 : i32 to index
        %get3A_1584 = tpu.vector_load %arg15[%get3A_1582, %get3A_1583] {strides = array<i32>} : memref<64x128xf32, #tpu.memory_space<vmem>>, vector<16xf32>,
        %get3A_1585 = arith.index_cast %add3A_1464 : i32 to index
        %get3A_1586 = arith.constant 96 : index
        %get3A_1587 = tpu.vector_load %arg9[%get3A_1585, %get3A_1586] {strides = array<i32>} : memref<64x128xf32, #tpu.memory_space<vmem>>, vector<16xf32>,
        %sub3A_1588 = arith.subf %get3A_1584, %get3A_1579 : vector<16xf32>
        %mul3A_1589 = arith.mulf %get3A_1587, %sub3A_1588 : vector<16xf32>
        %add3A_1590 = arith.addf %add3A_1574, %mul3A_1589 : vector<16xf32>
        %add3A_1591 = arith.constant 16 : i32
        %add3A_1592 = arith.addi %squeeze3A_1470, %add3A_1591 : i32
        %get3A_1593 = arith.index_cast %add3A_1464 : i32 to index
        %get3A_1594 = arith.index_cast %add3A_1592 : i32 to index
        %get3A_1595 = tpu.vector_load %arg12[%get3A_1593, %get3A_1594] {strides = array<i32>} : memref<64x128xf32, #tpu.memory_space<vmem>>, vector<16xf32>,
        %add3A_1596 = arith.constant 16 : i32
        %add3A_1597 = arith.addi %squeeze3A_1476, %add3A_1596 : i32
        %get3A_1598 = arith.index_cast %add3A_1464 : i32 to index
        %get3A_1599 = arith.index_cast %add3A_1597 : i32 to index
        %get3A_1600 = tpu.vector_load %arg15[%get3A_1598, %get3A_1599] {strides = array<i32>} : memref<64x128xf32, #tpu.memory_space<vmem>>, vector<16xf32>,
        %get3A_1601 = arith.index_cast %add3A_1464 : i32 to index
        %get3A_1602 = arith.constant 112 : index
        %get3A_1603 = tpu.vector_load %arg9[%get3A_1601, %get3A_1602] {strides = array<i32>} : memref<64x128xf32, #tpu.memory_space<vmem>>, vector<16xf32>,
        %sub3A_1604 = arith.subf %get3A_1600, %get3A_1595 : vector<16xf32>
        %mul3A_1605 = arith.mulf %get3A_1603, %sub3A_1604 : vector<16xf32>
        %add3A_1606 = arith.addf %add3A_1590, %mul3A_1605 : vector<16xf32>
        %swap3A_1607 = arith.index_cast %add3A_1464 : i32 to index
        %swap3A_1608 = arith.constant 0 : index
        %swap3A_1609 = tpu.vector_load %arg16[%swap3A_1607, %swap3A_1608] {strides = array<i32>} : memref<64x16xf32, #tpu.memory_space<vmem>>, vector<16xf32>,
        tpu.vector_store %arg16[%swap3A_1607, %swap3A_1608], %add3A_1606 {strides = array<i32>} : memref<64x16xf32, #tpu.memory_space<vmem>>, vector<16xf32>,
        %add3A_1610 = arith.constant 10 : i32
        %add3A_1611 = arith.addi %mul3A_121, %add3A_1610 : i32
        %slice3A_1612 = vector.extract_strided_slice %get3A_124 {offsets = [10], sizes = [1], strides = [1]} : vector<16xi32> to vector<1xi32>
        %squeeze3A_1613 = vector.extract %slice3A_1612[0] : i32 from vector<1xi32>
        %slice3A_1614 = vector.extract_strided_slice %get3A_128 {offsets = [10], sizes = [1], strides = [1]} : vector<16xi32> to vector<1xi32>
        %squeeze3A_1615 = vector.extract %slice3A_1614[0] : i32 from vector<1xi32>
        %slice3A_1616 = vector.extract_strided_slice %get3A_132 {offsets = [10], sizes = [1], strides = [1]} : vector<16xi32> to vector<1xi32>
        %squeeze3A_1617 = vector.extract %slice3A_1616[0] : i32 from vector<1xi32>
        %slice3A_1618 = vector.extract_strided_slice %get3A_136 {offsets = [10], sizes = [1], strides = [1]} : vector<16xi32> to vector<1xi32>
        %squeeze3A_1619 = vector.extract %slice3A_1618[0] : i32 from vector<1xi32>
        %slice3A_1620 = vector.extract_strided_slice %get3A_140 {offsets = [10], sizes = [1], strides = [1]} : vector<16xi32> to vector<1xi32>
        %squeeze3A_1621 = vector.extract %slice3A_1620[0] : i32 from vector<1xi32>
        %slice3A_1622 = vector.extract_strided_slice %get3A_144 {offsets = [10], sizes = [1], strides = [1]} : vector<16xi32> to vector<1xi32>
        %squeeze3A_1623 = vector.extract %slice3A_1622[0] : i32 from vector<1xi32>
        %broadcast_in_dim3A_1624 = arith.constant 0.000000e+00 : f32
        %broadcast_in_dim3A_1625 = vector.broadcast %broadcast_in_dim3A_1624 : f32 to vector<16xf32>
        %add3A_1626 = arith.constant 0 : i32
        %add3A_1627 = arith.addi %squeeze3A_1613, %add3A_1626 : i32
        %get3A_1628 = arith.index_cast %add3A_1611 : i32 to index
        %get3A_1629 = arith.index_cast %add3A_1627 : i32 to index
        %get3A_1630 = tpu.vector_load %arg10[%get3A_1628, %get3A_1629] {strides = array<i32>} : memref<64x128xf32, #tpu.memory_space<vmem>>, vector<16xf32>,
        %add3A_1631 = arith.constant 0 : i32
        %add3A_1632 = arith.addi %squeeze3A_1619, %add3A_1631 : i32
        %get3A_1633 = arith.index_cast %add3A_1611 : i32 to index
        %get3A_1634 = arith.index_cast %add3A_1632 : i32 to index
        %get3A_1635 = tpu.vector_load %arg13[%get3A_1633, %get3A_1634] {strides = array<i32>} : memref<64x128xf32, #tpu.memory_space<vmem>>, vector<16xf32>,
        %get3A_1636 = arith.index_cast %add3A_1611 : i32 to index
        %get3A_1637 = arith.constant 0 : index
        %get3A_1638 = tpu.vector_load %arg9[%get3A_1636, %get3A_1637] {strides = array<i32>} : memref<64x128xf32, #tpu.memory_space<vmem>>, vector<16xf32>,
        %sub3A_1639 = arith.subf %get3A_1635, %get3A_1630 : vector<16xf32>
        %mul3A_1640 = arith.mulf %get3A_1638, %sub3A_1639 : vector<16xf32>
        %add3A_1641 = arith.addf %broadcast_in_dim3A_1625, %mul3A_1640 : vector<16xf32>
        %add3A_1642 = arith.constant 16 : i32
        %add3A_1643 = arith.addi %squeeze3A_1613, %add3A_1642 : i32
        %get3A_1644 = arith.index_cast %add3A_1611 : i32 to index
        %get3A_1645 = arith.index_cast %add3A_1643 : i32 to index
        %get3A_1646 = tpu.vector_load %arg10[%get3A_1644, %get3A_1645] {strides = array<i32>} : memref<64x128xf32, #tpu.memory_space<vmem>>, vector<16xf32>,
        %add3A_1647 = arith.constant 16 : i32
        %add3A_1648 = arith.addi %squeeze3A_1619, %add3A_1647 : i32
        %get3A_1649 = arith.index_cast %add3A_1611 : i32 to index
        %get3A_1650 = arith.index_cast %add3A_1648 : i32 to index
        %get3A_1651 = tpu.vector_load %arg13[%get3A_1649, %get3A_1650] {strides = array<i32>} : memref<64x128xf32, #tpu.memory_space<vmem>>, vector<16xf32>,
        %get3A_1652 = arith.index_cast %add3A_1611 : i32 to index
        %get3A_1653 = arith.constant 16 : index
        %get3A_1654 = tpu.vector_load %arg9[%get3A_1652, %get3A_1653] {strides = array<i32>} : memref<64x128xf32, #tpu.memory_space<vmem>>, vector<16xf32>,
        %sub3A_1655 = arith.subf %get3A_1651, %get3A_1646 : vector<16xf32>
        %mul3A_1656 = arith.mulf %get3A_1654, %sub3A_1655 : vector<16xf32>
        %add3A_1657 = arith.addf %add3A_1641, %mul3A_1656 : vector<16xf32>
        %add3A_1658 = arith.constant 32 : i32
        %add3A_1659 = arith.addi %squeeze3A_1613, %add3A_1658 : i32
        %get3A_1660 = arith.index_cast %add3A_1611 : i32 to index
        %get3A_1661 = arith.index_cast %add3A_1659 : i32 to index
        %get3A_1662 = tpu.vector_load %arg10[%get3A_1660, %get3A_1661] {strides = array<i32>} : memref<64x128xf32, #tpu.memory_space<vmem>>, vector<16xf32>,
        %add3A_1663 = arith.constant 32 : i32
        %add3A_1664 = arith.addi %squeeze3A_1619, %add3A_1663 : i32
        %get3A_1665 = arith.index_cast %add3A_1611 : i32 to index
        %get3A_1666 = arith.index_cast %add3A_1664 : i32 to index
        %get3A_1667 = tpu.vector_load %arg13[%get3A_1665, %get3A_1666] {strides = array<i32>} : memref<64x128xf32, #tpu.memory_space<vmem>>, vector<16xf32>,
        %get3A_1668 = arith.index_cast %add3A_1611 : i32 to index
        %get3A_1669 = arith.constant 32 : index
        %get3A_1670 = tpu.vector_load %arg9[%get3A_1668, %get3A_1669] {strides = array<i32>} : memref<64x128xf32, #tpu.memory_space<vmem>>, vector<16xf32>,
        %sub3A_1671 = arith.subf %get3A_1667, %get3A_1662 : vector<16xf32>
        %mul3A_1672 = arith.mulf %get3A_1670, %sub3A_1671 : vector<16xf32>
        %add3A_1673 = arith.addf %add3A_1657, %mul3A_1672 : vector<16xf32>
        %add3A_1674 = arith.constant 48 : i32
        %add3A_1675 = arith.addi %squeeze3A_1613, %add3A_1674 : i32
        %get3A_1676 = arith.index_cast %add3A_1611 : i32 to index
        %get3A_1677 = arith.index_cast %add3A_1675 : i32 to index
        %get3A_1678 = tpu.vector_load %arg10[%get3A_1676, %get3A_1677] {strides = array<i32>} : memref<64x128xf32, #tpu.memory_space<vmem>>, vector<16xf32>,
        %add3A_1679 = arith.constant 48 : i32
        %add3A_1680 = arith.addi %squeeze3A_1619, %add3A_1679 : i32
        %get3A_1681 = arith.index_cast %add3A_1611 : i32 to index
        %get3A_1682 = arith.index_cast %add3A_1680 : i32 to index
        %get3A_1683 = tpu.vector_load %arg13[%get3A_1681, %get3A_1682] {strides = array<i32>} : memref<64x128xf32, #tpu.memory_space<vmem>>, vector<16xf32>,
        %get3A_1684 = arith.index_cast %add3A_1611 : i32 to index
        %get3A_1685 = arith.constant 48 : index
        %get3A_1686 = tpu.vector_load %arg9[%get3A_1684, %get3A_1685] {strides = array<i32>} : memref<64x128xf32, #tpu.memory_space<vmem>>, vector<16xf32>,
        %sub3A_1687 = arith.subf %get3A_1683, %get3A_1678 : vector<16xf32>
        %mul3A_1688 = arith.mulf %get3A_1686, %sub3A_1687 : vector<16xf32>
        %add3A_1689 = arith.addf %add3A_1673, %mul3A_1688 : vector<16xf32>
        %add3A_1690 = arith.constant 0 : i32
        %add3A_1691 = arith.addi %squeeze3A_1615, %add3A_1690 : i32
        %get3A_1692 = arith.index_cast %add3A_1611 : i32 to index
        %get3A_1693 = arith.index_cast %add3A_1691 : i32 to index
        %get3A_1694 = tpu.vector_load %arg11[%get3A_1692, %get3A_1693] {strides = array<i32>} : memref<64x128xf32, #tpu.memory_space<vmem>>, vector<16xf32>,
        %add3A_1695 = arith.constant 0 : i32
        %add3A_1696 = arith.addi %squeeze3A_1621, %add3A_1695 : i32
        %get3A_1697 = arith.index_cast %add3A_1611 : i32 to index
        %get3A_1698 = arith.index_cast %add3A_1696 : i32 to index
        %get3A_1699 = tpu.vector_load %arg14[%get3A_1697, %get3A_1698] {strides = array<i32>} : memref<64x128xf32, #tpu.memory_space<vmem>>, vector<16xf32>,
        %get3A_1700 = arith.index_cast %add3A_1611 : i32 to index
        %get3A_1701 = arith.constant 64 : index
        %get3A_1702 = tpu.vector_load %arg9[%get3A_1700, %get3A_1701] {strides = array<i32>} : memref<64x128xf32, #tpu.memory_space<vmem>>, vector<16xf32>,
        %sub3A_1703 = arith.subf %get3A_1699, %get3A_1694 : vector<16xf32>
        %mul3A_1704 = arith.mulf %get3A_1702, %sub3A_1703 : vector<16xf32>
        %add3A_1705 = arith.addf %add3A_1689, %mul3A_1704 : vector<16xf32>
        %add3A_1706 = arith.constant 16 : i32
        %add3A_1707 = arith.addi %squeeze3A_1615, %add3A_1706 : i32
        %get3A_1708 = arith.index_cast %add3A_1611 : i32 to index
        %get3A_1709 = arith.index_cast %add3A_1707 : i32 to index
        %get3A_1710 = tpu.vector_load %arg11[%get3A_1708, %get3A_1709] {strides = array<i32>} : memref<64x128xf32, #tpu.memory_space<vmem>>, vector<16xf32>,
        %add3A_1711 = arith.constant 16 : i32
        %add3A_1712 = arith.addi %squeeze3A_1621, %add3A_1711 : i32
        %get3A_1713 = arith.index_cast %add3A_1611 : i32 to index
        %get3A_1714 = arith.index_cast %add3A_1712 : i32 to index
        %get3A_1715 = tpu.vector_load %arg14[%get3A_1713, %get3A_1714] {strides = array<i32>} : memref<64x128xf32, #tpu.memory_space<vmem>>, vector<16xf32>,
        %get3A_1716 = arith.index_cast %add3A_1611 : i32 to index
        %get3A_1717 = arith.constant 80 : index
        %get3A_1718 = tpu.vector_load %arg9[%get3A_1716, %get3A_1717] {strides = array<i32>} : memref<64x128xf32, #tpu.memory_space<vmem>>, vector<16xf32>,
        %sub3A_1719 = arith.subf %get3A_1715, %get3A_1710 : vector<16xf32>
        %mul3A_1720 = arith.mulf %get3A_1718, %sub3A_1719 : vector<16xf32>
        %add3A_1721 = arith.addf %add3A_1705, %mul3A_1720 : vector<16xf32>
        %add3A_1722 = arith.constant 0 : i32
        %add3A_1723 = arith.addi %squeeze3A_1617, %add3A_1722 : i32
        %get3A_1724 = arith.index_cast %add3A_1611 : i32 to index
        %get3A_1725 = arith.index_cast %add3A_1723 : i32 to index
        %get3A_1726 = tpu.vector_load %arg12[%get3A_1724, %get3A_1725] {strides = array<i32>} : memref<64x128xf32, #tpu.memory_space<vmem>>, vector<16xf32>,
        %add3A_1727 = arith.constant 0 : i32
        %add3A_1728 = arith.addi %squeeze3A_1623, %add3A_1727 : i32
        %get3A_1729 = arith.index_cast %add3A_1611 : i32 to index
        %get3A_1730 = arith.index_cast %add3A_1728 : i32 to index
        %get3A_1731 = tpu.vector_load %arg15[%get3A_1729, %get3A_1730] {strides = array<i32>} : memref<64x128xf32, #tpu.memory_space<vmem>>, vector<16xf32>,
        %get3A_1732 = arith.index_cast %add3A_1611 : i32 to index
        %get3A_1733 = arith.constant 96 : index
        %get3A_1734 = tpu.vector_load %arg9[%get3A_1732, %get3A_1733] {strides = array<i32>} : memref<64x128xf32, #tpu.memory_space<vmem>>, vector<16xf32>,
        %sub3A_1735 = arith.subf %get3A_1731, %get3A_1726 : vector<16xf32>
        %mul3A_1736 = arith.mulf %get3A_1734, %sub3A_1735 : vector<16xf32>
        %add3A_1737 = arith.addf %add3A_1721, %mul3A_1736 : vector<16xf32>
        %add3A_1738 = arith.constant 16 : i32
        %add3A_1739 = arith.addi %squeeze3A_1617, %add3A_1738 : i32
        %get3A_1740 = arith.index_cast %add3A_1611 : i32 to index
        %get3A_1741 = arith.index_cast %add3A_1739 : i32 to index
        %get3A_1742 = tpu.vector_load %arg12[%get3A_1740, %get3A_1741] {strides = array<i32>} : memref<64x128xf32, #tpu.memory_space<vmem>>, vector<16xf32>,
        %add3A_1743 = arith.constant 16 : i32
        %add3A_1744 = arith.addi %squeeze3A_1623, %add3A_1743 : i32
        %get3A_1745 = arith.index_cast %add3A_1611 : i32 to index
        %get3A_1746 = arith.index_cast %add3A_1744 : i32 to index
        %get3A_1747 = tpu.vector_load %arg15[%get3A_1745, %get3A_1746] {strides = array<i32>} : memref<64x128xf32, #tpu.memory_space<vmem>>, vector<16xf32>,
        %get3A_1748 = arith.index_cast %add3A_1611 : i32 to index
        %get3A_1749 = arith.constant 112 : index
        %get3A_1750 = tpu.vector_load %arg9[%get3A_1748, %get3A_1749] {strides = array<i32>} : memref<64x128xf32, #tpu.memory_space<vmem>>, vector<16xf32>,
        %sub3A_1751 = arith.subf %get3A_1747, %get3A_1742 : vector<16xf32>
        %mul3A_1752 = arith.mulf %get3A_1750, %sub3A_1751 : vector<16xf32>
        %add3A_1753 = arith.addf %add3A_1737, %mul3A_1752 : vector<16xf32>
        %swap3A_1754 = arith.index_cast %add3A_1611 : i32 to index
        %swap3A_1755 = arith.constant 0 : index
        %swap3A_1756 = tpu.vector_load %arg16[%swap3A_1754, %swap3A_1755] {strides = array<i32>} : memref<64x16xf32, #tpu.memory_space<vmem>>, vector<16xf32>,
        tpu.vector_store %arg16[%swap3A_1754, %swap3A_1755], %add3A_1753 {strides = array<i32>} : memref<64x16xf32, #tpu.memory_space<vmem>>, vector<16xf32>,
        %add3A_1757 = arith.constant 11 : i32
        %add3A_1758 = arith.addi %mul3A_121, %add3A_1757 : i32
        %slice3A_1759 = vector.extract_strided_slice %get3A_124 {offsets = [11], sizes = [1], strides = [1]} : vector<16xi32> to vector<1xi32>
        %squeeze3A_1760 = vector.extract %slice3A_1759[0] : i32 from vector<1xi32>
        %slice3A_1761 = vector.extract_strided_slice %get3A_128 {offsets = [11], sizes = [1], strides = [1]} : vector<16xi32> to vector<1xi32>
        %squeeze3A_1762 = vector.extract %slice3A_1761[0] : i32 from vector<1xi32>
        %slice3A_1763 = vector.extract_strided_slice %get3A_132 {offsets = [11], sizes = [1], strides = [1]} : vector<16xi32> to vector<1xi32>
        %squeeze3A_1764 = vector.extract %slice3A_1763[0] : i32 from vector<1xi32>
        %slice3A_1765 = vector.extract_strided_slice %get3A_136 {offsets = [11], sizes = [1], strides = [1]} : vector<16xi32> to vector<1xi32>
        %squeeze3A_1766 = vector.extract %slice3A_1765[0] : i32 from vector<1xi32>
        %slice3A_1767 = vector.extract_strided_slice %get3A_140 {offsets = [11], sizes = [1], strides = [1]} : vector<16xi32> to vector<1xi32>
        %squeeze3A_1768 = vector.extract %slice3A_1767[0] : i32 from vector<1xi32>
        %slice3A_1769 = vector.extract_strided_slice %get3A_144 {offsets = [11], sizes = [1], strides = [1]} : vector<16xi32> to vector<1xi32>
        %squeeze3A_1770 = vector.extract %slice3A_1769[0] : i32 from vector<1xi32>
        %broadcast_in_dim3A_1771 = arith.constant 0.000000e+00 : f32
        %broadcast_in_dim3A_1772 = vector.broadcast %broadcast_in_dim3A_1771 : f32 to vector<16xf32>
        %add3A_1773 = arith.constant 0 : i32
        %add3A_1774 = arith.addi %squeeze3A_1760, %add3A_1773 : i32
        %get3A_1775 = arith.index_cast %add3A_1758 : i32 to index
        %get3A_1776 = arith.index_cast %add3A_1774 : i32 to index
        %get3A_1777 = tpu.vector_load %arg10[%get3A_1775, %get3A_1776] {strides = array<i32>} : memref<64x128xf32, #tpu.memory_space<vmem>>, vector<16xf32>,
        %add3A_1778 = arith.constant 0 : i32
        %add3A_1779 = arith.addi %squeeze3A_1766, %add3A_1778 : i32
        %get3A_1780 = arith.index_cast %add3A_1758 : i32 to index
        %get3A_1781 = arith.index_cast %add3A_1779 : i32 to index
        %get3A_1782 = tpu.vector_load %arg13[%get3A_1780, %get3A_1781] {strides = array<i32>} : memref<64x128xf32, #tpu.memory_space<vmem>>, vector<16xf32>,
        %get3A_1783 = arith.index_cast %add3A_1758 : i32 to index
        %get3A_1784 = arith.constant 0 : index
        %get3A_1785 = tpu.vector_load %arg9[%get3A_1783, %get3A_1784] {strides = array<i32>} : memref<64x128xf32, #tpu.memory_space<vmem>>, vector<16xf32>,
        %sub3A_1786 = arith.subf %get3A_1782, %get3A_1777 : vector<16xf32>
        %mul3A_1787 = arith.mulf %get3A_1785, %sub3A_1786 : vector<16xf32>
        %add3A_1788 = arith.addf %broadcast_in_dim3A_1772, %mul3A_1787 : vector<16xf32>
        %add3A_1789 = arith.constant 16 : i32
        %add3A_1790 = arith.addi %squeeze3A_1760, %add3A_1789 : i32
        %get3A_1791 = arith.index_cast %add3A_1758 : i32 to index
        %get3A_1792 = arith.index_cast %add3A_1790 : i32 to index
        %get3A_1793 = tpu.vector_load %arg10[%get3A_1791, %get3A_1792] {strides = array<i32>} : memref<64x128xf32, #tpu.memory_space<vmem>>, vector<16xf32>,
        %add3A_1794 = arith.constant 16 : i32
        %add3A_1795 = arith.addi %squeeze3A_1766, %add3A_1794 : i32
        %get3A_1796 = arith.index_cast %add3A_1758 : i32 to index
        %get3A_1797 = arith.index_cast %add3A_1795 : i32 to index
        %get3A_1798 = tpu.vector_load %arg13[%get3A_1796, %get3A_1797] {strides = array<i32>} : memref<64x128xf32, #tpu.memory_space<vmem>>, vector<16xf32>,
        %get3A_1799 = arith.index_cast %add3A_1758 : i32 to index
        %get3A_1800 = arith.constant 16 : index
        %get3A_1801 = tpu.vector_load %arg9[%get3A_1799, %get3A_1800] {strides = array<i32>} : memref<64x128xf32, #tpu.memory_space<vmem>>, vector<16xf32>,
        %sub3A_1802 = arith.subf %get3A_1798, %get3A_1793 : vector<16xf32>
        %mul3A_1803 = arith.mulf %get3A_1801, %sub3A_1802 : vector<16xf32>
        %add3A_1804 = arith.addf %add3A_1788, %mul3A_1803 : vector<16xf32>
        %add3A_1805 = arith.constant 32 : i32
        %add3A_1806 = arith.addi %squeeze3A_1760, %add3A_1805 : i32
        %get3A_1807 = arith.index_cast %add3A_1758 : i32 to index
        %get3A_1808 = arith.index_cast %add3A_1806 : i32 to index
        %get3A_1809 = tpu.vector_load %arg10[%get3A_1807, %get3A_1808] {strides = array<i32>} : memref<64x128xf32, #tpu.memory_space<vmem>>, vector<16xf32>,
        %add3A_1810 = arith.constant 32 : i32
        %add3A_1811 = arith.addi %squeeze3A_1766, %add3A_1810 : i32
        %get3A_1812 = arith.index_cast %add3A_1758 : i32 to index
        %get3A_1813 = arith.index_cast %add3A_1811 : i32 to index
        %get3A_1814 = tpu.vector_load %arg13[%get3A_1812, %get3A_1813] {strides = array<i32>} : memref<64x128xf32, #tpu.memory_space<vmem>>, vector<16xf32>,
        %get3A_1815 = arith.index_cast %add3A_1758 : i32 to index
        %get3A_1816 = arith.constant 32 : index
        %get3A_1817 = tpu.vector_load %arg9[%get3A_1815, %get3A_1816] {strides = array<i32>} : memref<64x128xf32, #tpu.memory_space<vmem>>, vector<16xf32>,
        %sub3A_1818 = arith.subf %get3A_1814, %get3A_1809 : vector<16xf32>
        %mul3A_1819 = arith.mulf %get3A_1817, %sub3A_1818 : vector<16xf32>
        %add3A_1820 = arith.addf %add3A_1804, %mul3A_1819 : vector<16xf32>
        %add3A_1821 = arith.constant 48 : i32
        %add3A_1822 = arith.addi %squeeze3A_1760, %add3A_1821 : i32
        %get3A_1823 = arith.index_cast %add3A_1758 : i32 to index
        %get3A_1824 = arith.index_cast %add3A_1822 : i32 to index
        %get3A_1825 = tpu.vector_load %arg10[%get3A_1823, %get3A_1824] {strides = array<i32>} : memref<64x128xf32, #tpu.memory_space<vmem>>, vector<16xf32>,
        %add3A_1826 = arith.constant 48 : i32
        %add3A_1827 = arith.addi %squeeze3A_1766, %add3A_1826 : i32
        %get3A_1828 = arith.index_cast %add3A_1758 : i32 to index
        %get3A_1829 = arith.index_cast %add3A_1827 : i32 to index
        %get3A_1830 = tpu.vector_load %arg13[%get3A_1828, %get3A_1829] {strides = array<i32>} : memref<64x128xf32, #tpu.memory_space<vmem>>, vector<16xf32>,
        %get3A_1831 = arith.index_cast %add3A_1758 : i32 to index
        %get3A_1832 = arith.constant 48 : index
        %get3A_1833 = tpu.vector_load %arg9[%get3A_1831, %get3A_1832] {strides = array<i32>} : memref<64x128xf32, #tpu.memory_space<vmem>>, vector<16xf32>,
        %sub3A_1834 = arith.subf %get3A_1830, %get3A_1825 : vector<16xf32>
        %mul3A_1835 = arith.mulf %get3A_1833, %sub3A_1834 : vector<16xf32>
        %add3A_1836 = arith.addf %add3A_1820, %mul3A_1835 : vector<16xf32>
        %add3A_1837 = arith.constant 0 : i32
        %add3A_1838 = arith.addi %squeeze3A_1762, %add3A_1837 : i32
        %get3A_1839 = arith.index_cast %add3A_1758 : i32 to index
        %get3A_1840 = arith.index_cast %add3A_1838 : i32 to index
        %get3A_1841 = tpu.vector_load %arg11[%get3A_1839, %get3A_1840] {strides = array<i32>} : memref<64x128xf32, #tpu.memory_space<vmem>>, vector<16xf32>,
        %add3A_1842 = arith.constant 0 : i32
        %add3A_1843 = arith.addi %squeeze3A_1768, %add3A_1842 : i32
        %get3A_1844 = arith.index_cast %add3A_1758 : i32 to index
        %get3A_1845 = arith.index_cast %add3A_1843 : i32 to index
        %get3A_1846 = tpu.vector_load %arg14[%get3A_1844, %get3A_1845] {strides = array<i32>} : memref<64x128xf32, #tpu.memory_space<vmem>>, vector<16xf32>,
        %get3A_1847 = arith.index_cast %add3A_1758 : i32 to index
        %get3A_1848 = arith.constant 64 : index
        %get3A_1849 = tpu.vector_load %arg9[%get3A_1847, %get3A_1848] {strides = array<i32>} : memref<64x128xf32, #tpu.memory_space<vmem>>, vector<16xf32>,
        %sub3A_1850 = arith.subf %get3A_1846, %get3A_1841 : vector<16xf32>
        %mul3A_1851 = arith.mulf %get3A_1849, %sub3A_1850 : vector<16xf32>
        %add3A_1852 = arith.addf %add3A_1836, %mul3A_1851 : vector<16xf32>
        %add3A_1853 = arith.constant 16 : i32
        %add3A_1854 = arith.addi %squeeze3A_1762, %add3A_1853 : i32
        %get3A_1855 = arith.index_cast %add3A_1758 : i32 to index
        %get3A_1856 = arith.index_cast %add3A_1854 : i32 to index
        %get3A_1857 = tpu.vector_load %arg11[%get3A_1855, %get3A_1856] {strides = array<i32>} : memref<64x128xf32, #tpu.memory_space<vmem>>, vector<16xf32>,
        %add3A_1858 = arith.constant 16 : i32
        %add3A_1859 = arith.addi %squeeze3A_1768, %add3A_1858 : i32
        %get3A_1860 = arith.index_cast %add3A_1758 : i32 to index
        %get3A_1861 = arith.index_cast %add3A_1859 : i32 to index
        %get3A_1862 = tpu.vector_load %arg14[%get3A_1860, %get3A_1861] {strides = array<i32>} : memref<64x128xf32, #tpu.memory_space<vmem>>, vector<16xf32>,
        %get3A_1863 = arith.index_cast %add3A_1758 : i32 to index
        %get3A_1864 = arith.constant 80 : index
        %get3A_1865 = tpu.vector_load %arg9[%get3A_1863, %get3A_1864] {strides = array<i32>} : memref<64x128xf32, #tpu.memory_space<vmem>>, vector<16xf32>,
        %sub3A_1866 = arith.subf %get3A_1862, %get3A_1857 : vector<16xf32>
        %mul3A_1867 = arith.mulf %get3A_1865, %sub3A_1866 : vector<16xf32>
        %add3A_1868 = arith.addf %add3A_1852, %mul3A_1867 : vector<16xf32>
        %add3A_1869 = arith.constant 0 : i32
        %add3A_1870 = arith.addi %squeeze3A_1764, %add3A_1869 : i32
        %get3A_1871 = arith.index_cast %add3A_1758 : i32 to index
        %get3A_1872 = arith.index_cast %add3A_1870 : i32 to index
        %get3A_1873 = tpu.vector_load %arg12[%get3A_1871, %get3A_1872] {strides = array<i32>} : memref<64x128xf32, #tpu.memory_space<vmem>>, vector<16xf32>,
        %add3A_1874 = arith.constant 0 : i32
        %add3A_1875 = arith.addi %squeeze3A_1770, %add3A_1874 : i32
        %get3A_1876 = arith.index_cast %add3A_1758 : i32 to index
        %get3A_1877 = arith.index_cast %add3A_1875 : i32 to index
        %get3A_1878 = tpu.vector_load %arg15[%get3A_1876, %get3A_1877] {strides = array<i32>} : memref<64x128xf32, #tpu.memory_space<vmem>>, vector<16xf32>,
        %get3A_1879 = arith.index_cast %add3A_1758 : i32 to index
        %get3A_1880 = arith.constant 96 : index
        %get3A_1881 = tpu.vector_load %arg9[%get3A_1879, %get3A_1880] {strides = array<i32>} : memref<64x128xf32, #tpu.memory_space<vmem>>, vector<16xf32>,
        %sub3A_1882 = arith.subf %get3A_1878, %get3A_1873 : vector<16xf32>
        %mul3A_1883 = arith.mulf %get3A_1881, %sub3A_1882 : vector<16xf32>
        %add3A_1884 = arith.addf %add3A_1868, %mul3A_1883 : vector<16xf32>
        %add3A_1885 = arith.constant 16 : i32
        %add3A_1886 = arith.addi %squeeze3A_1764, %add3A_1885 : i32
        %get3A_1887 = arith.index_cast %add3A_1758 : i32 to index
        %get3A_1888 = arith.index_cast %add3A_1886 : i32 to index
        %get3A_1889 = tpu.vector_load %arg12[%get3A_1887, %get3A_1888] {strides = array<i32>} : memref<64x128xf32, #tpu.memory_space<vmem>>, vector<16xf32>,
        %add3A_1890 = arith.constant 16 : i32
        %add3A_1891 = arith.addi %squeeze3A_1770, %add3A_1890 : i32
        %get3A_1892 = arith.index_cast %add3A_1758 : i32 to index
        %get3A_1893 = arith.index_cast %add3A_1891 : i32 to index
        %get3A_1894 = tpu.vector_load %arg15[%get3A_1892, %get3A_1893] {strides = array<i32>} : memref<64x128xf32, #tpu.memory_space<vmem>>, vector<16xf32>,
        %get3A_1895 = arith.index_cast %add3A_1758 : i32 to index
        %get3A_1896 = arith.constant 112 : index
        %get3A_1897 = tpu.vector_load %arg9[%get3A_1895, %get3A_1896] {strides = array<i32>} : memref<64x128xf32, #tpu.memory_space<vmem>>, vector<16xf32>,
        %sub3A_1898 = arith.subf %get3A_1894, %get3A_1889 : vector<16xf32>
        %mul3A_1899 = arith.mulf %get3A_1897, %sub3A_1898 : vector<16xf32>
        %add3A_1900 = arith.addf %add3A_1884, %mul3A_1899 : vector<16xf32>
        %swap3A_1901 = arith.index_cast %add3A_1758 : i32 to index
        %swap3A_1902 = arith.constant 0 : index
        %swap3A_1903 = tpu.vector_load %arg16[%swap3A_1901, %swap3A_1902] {strides = array<i32>} : memref<64x16xf32, #tpu.memory_space<vmem>>, vector<16xf32>,
        tpu.vector_store %arg16[%swap3A_1901, %swap3A_1902], %add3A_1900 {strides = array<i32>} : memref<64x16xf32, #tpu.memory_space<vmem>>, vector<16xf32>,
        %add3A_1904 = arith.constant 12 : i32
        %add3A_1905 = arith.addi %mul3A_121, %add3A_1904 : i32
        %slice3A_1906 = vector.extract_strided_slice %get3A_124 {offsets = [12], sizes = [1], strides = [1]} : vector<16xi32> to vector<1xi32>
        %squeeze3A_1907 = vector.extract %slice3A_1906[0] : i32 from vector<1xi32>
        %slice3A_1908 = vector.extract_strided_slice %get3A_128 {offsets = [12], sizes = [1], strides = [1]} : vector<16xi32> to vector<1xi32>
        %squeeze3A_1909 = vector.extract %slice3A_1908[0] : i32 from vector<1xi32>
        %slice3A_1910 = vector.extract_strided_slice %get3A_132 {offsets = [12], sizes = [1], strides = [1]} : vector<16xi32> to vector<1xi32>
        %squeeze3A_1911 = vector.extract %slice3A_1910[0] : i32 from vector<1xi32>
        %slice3A_1912 = vector.extract_strided_slice %get3A_136 {offsets = [12], sizes = [1], strides = [1]} : vector<16xi32> to vector<1xi32>
        %squeeze3A_1913 = vector.extract %slice3A_1912[0] : i32 from vector<1xi32>
        %slice3A_1914 = vector.extract_strided_slice %get3A_140 {offsets = [12], sizes = [1], strides = [1]} : vector<16xi32> to vector<1xi32>
        %squeeze3A_1915 = vector.extract %slice3A_1914[0] : i32 from vector<1xi32>
        %slice3A_1916 = vector.extract_strided_slice %get3A_144 {offsets = [12], sizes = [1], strides = [1]} : vector<16xi32> to vector<1xi32>
        %squeeze3A_1917 = vector.extract %slice3A_1916[0] : i32 from vector<1xi32>
        %broadcast_in_dim3A_1918 = arith.constant 0.000000e+00 : f32
        %broadcast_in_dim3A_1919 = vector.broadcast %broadcast_in_dim3A_1918 : f32 to vector<16xf32>
        %add3A_1920 = arith.constant 0 : i32
        %add3A_1921 = arith.addi %squeeze3A_1907, %add3A_1920 : i32
        %get3A_1922 = arith.index_cast %add3A_1905 : i32 to index
        %get3A_1923 = arith.index_cast %add3A_1921 : i32 to index
        %get3A_1924 = tpu.vector_load %arg10[%get3A_1922, %get3A_1923] {strides = array<i32>} : memref<64x128xf32, #tpu.memory_space<vmem>>, vector<16xf32>,
        %add3A_1925 = arith.constant 0 : i32
        %add3A_1926 = arith.addi %squeeze3A_1913, %add3A_1925 : i32
        %get3A_1927 = arith.index_cast %add3A_1905 : i32 to index
        %get3A_1928 = arith.index_cast %add3A_1926 : i32 to index
        %get3A_1929 = tpu.vector_load %arg13[%get3A_1927, %get3A_1928] {strides = array<i32>} : memref<64x128xf32, #tpu.memory_space<vmem>>, vector<16xf32>,
        %get3A_1930 = arith.index_cast %add3A_1905 : i32 to index
        %get3A_1931 = arith.constant 0 : index
        %get3A_1932 = tpu.vector_load %arg9[%get3A_1930, %get3A_1931] {strides = array<i32>} : memref<64x128xf32, #tpu.memory_space<vmem>>, vector<16xf32>,
        %sub3A_1933 = arith.subf %get3A_1929, %get3A_1924 : vector<16xf32>
        %mul3A_1934 = arith.mulf %get3A_1932, %sub3A_1933 : vector<16xf32>
        %add3A_1935 = arith.addf %broadcast_in_dim3A_1919, %mul3A_1934 : vector<16xf32>
        %add3A_1936 = arith.constant 16 : i32
        %add3A_1937 = arith.addi %squeeze3A_1907, %add3A_1936 : i32
        %get3A_1938 = arith.index_cast %add3A_1905 : i32 to index
        %get3A_1939 = arith.index_cast %add3A_1937 : i32 to index
        %get3A_1940 = tpu.vector_load %arg10[%get3A_1938, %get3A_1939] {strides = array<i32>} : memref<64x128xf32, #tpu.memory_space<vmem>>, vector<16xf32>,
        %add3A_1941 = arith.constant 16 : i32
        %add3A_1942 = arith.addi %squeeze3A_1913, %add3A_1941 : i32
        %get3A_1943 = arith.index_cast %add3A_1905 : i32 to index
        %get3A_1944 = arith.index_cast %add3A_1942 : i32 to index
        %get3A_1945 = tpu.vector_load %arg13[%get3A_1943, %get3A_1944] {strides = array<i32>} : memref<64x128xf32, #tpu.memory_space<vmem>>, vector<16xf32>,
        %get3A_1946 = arith.index_cast %add3A_1905 : i32 to index
        %get3A_1947 = arith.constant 16 : index
        %get3A_1948 = tpu.vector_load %arg9[%get3A_1946, %get3A_1947] {strides = array<i32>} : memref<64x128xf32, #tpu.memory_space<vmem>>, vector<16xf32>,
        %sub3A_1949 = arith.subf %get3A_1945, %get3A_1940 : vector<16xf32>
        %mul3A_1950 = arith.mulf %get3A_1948, %sub3A_1949 : vector<16xf32>
        %add3A_1951 = arith.addf %add3A_1935, %mul3A_1950 : vector<16xf32>
        %add3A_1952 = arith.constant 32 : i32
        %add3A_1953 = arith.addi %squeeze3A_1907, %add3A_1952 : i32
        %get3A_1954 = arith.index_cast %add3A_1905 : i32 to index
        %get3A_1955 = arith.index_cast %add3A_1953 : i32 to index
        %get3A_1956 = tpu.vector_load %arg10[%get3A_1954, %get3A_1955] {strides = array<i32>} : memref<64x128xf32, #tpu.memory_space<vmem>>, vector<16xf32>,
        %add3A_1957 = arith.constant 32 : i32
        %add3A_1958 = arith.addi %squeeze3A_1913, %add3A_1957 : i32
        %get3A_1959 = arith.index_cast %add3A_1905 : i32 to index
        %get3A_1960 = arith.index_cast %add3A_1958 : i32 to index
        %get3A_1961 = tpu.vector_load %arg13[%get3A_1959, %get3A_1960] {strides = array<i32>} : memref<64x128xf32, #tpu.memory_space<vmem>>, vector<16xf32>,
        %get3A_1962 = arith.index_cast %add3A_1905 : i32 to index
        %get3A_1963 = arith.constant 32 : index
        %get3A_1964 = tpu.vector_load %arg9[%get3A_1962, %get3A_1963] {strides = array<i32>} : memref<64x128xf32, #tpu.memory_space<vmem>>, vector<16xf32>,
        %sub3A_1965 = arith.subf %get3A_1961, %get3A_1956 : vector<16xf32>
        %mul3A_1966 = arith.mulf %get3A_1964, %sub3A_1965 : vector<16xf32>
        %add3A_1967 = arith.addf %add3A_1951, %mul3A_1966 : vector<16xf32>
        %add3A_1968 = arith.constant 48 : i32
        %add3A_1969 = arith.addi %squeeze3A_1907, %add3A_1968 : i32
        %get3A_1970 = arith.index_cast %add3A_1905 : i32 to index
        %get3A_1971 = arith.index_cast %add3A_1969 : i32 to index
        %get3A_1972 = tpu.vector_load %arg10[%get3A_1970, %get3A_1971] {strides = array<i32>} : memref<64x128xf32, #tpu.memory_space<vmem>>, vector<16xf32>,
        %add3A_1973 = arith.constant 48 : i32
        %add3A_1974 = arith.addi %squeeze3A_1913, %add3A_1973 : i32
        %get3A_1975 = arith.index_cast %add3A_1905 : i32 to index
        %get3A_1976 = arith.index_cast %add3A_1974 : i32 to index
        %get3A_1977 = tpu.vector_load %arg13[%get3A_1975, %get3A_1976] {strides = array<i32>} : memref<64x128xf32, #tpu.memory_space<vmem>>, vector<16xf32>,
        %get3A_1978 = arith.index_cast %add3A_1905 : i32 to index
        %get3A_1979 = arith.constant 48 : index
        %get3A_1980 = tpu.vector_load %arg9[%get3A_1978, %get3A_1979] {strides = array<i32>} : memref<64x128xf32, #tpu.memory_space<vmem>>, vector<16xf32>,
        %sub3A_1981 = arith.subf %get3A_1977, %get3A_1972 : vector<16xf32>
        %mul3A_1982 = arith.mulf %get3A_1980, %sub3A_1981 : vector<16xf32>
        %add3A_1983 = arith.addf %add3A_1967, %mul3A_1982 : vector<16xf32>
        %add3A_1984 = arith.constant 0 : i32
        %add3A_1985 = arith.addi %squeeze3A_1909, %add3A_1984 : i32
        %get3A_1986 = arith.index_cast %add3A_1905 : i32 to index
        %get3A_1987 = arith.index_cast %add3A_1985 : i32 to index
        %get3A_1988 = tpu.vector_load %arg11[%get3A_1986, %get3A_1987] {strides = array<i32>} : memref<64x128xf32, #tpu.memory_space<vmem>>, vector<16xf32>,
        %add3A_1989 = arith.constant 0 : i32
        %add3A_1990 = arith.addi %squeeze3A_1915, %add3A_1989 : i32
        %get3A_1991 = arith.index_cast %add3A_1905 : i32 to index
        %get3A_1992 = arith.index_cast %add3A_1990 : i32 to index
        %get3A_1993 = tpu.vector_load %arg14[%get3A_1991, %get3A_1992] {strides = array<i32>} : memref<64x128xf32, #tpu.memory_space<vmem>>, vector<16xf32>,
        %get3A_1994 = arith.index_cast %add3A_1905 : i32 to index
        %get3A_1995 = arith.constant 64 : index
        %get3A_1996 = tpu.vector_load %arg9[%get3A_1994, %get3A_1995] {strides = array<i32>} : memref<64x128xf32, #tpu.memory_space<vmem>>, vector<16xf32>,
        %sub3A_1997 = arith.subf %get3A_1993, %get3A_1988 : vector<16xf32>
        %mul3A_1998 = arith.mulf %get3A_1996, %sub3A_1997 : vector<16xf32>
        %add3A_1999 = arith.addf %add3A_1983, %mul3A_1998 : vector<16xf32>
        %add3A_2000 = arith.constant 16 : i32
        %add3A_2001 = arith.addi %squeeze3A_1909, %add3A_2000 : i32
        %get3A_2002 = arith.index_cast %add3A_1905 : i32 to index
        %get3A_2003 = arith.index_cast %add3A_2001 : i32 to index
        %get3A_2004 = tpu.vector_load %arg11[%get3A_2002, %get3A_2003] {strides = array<i32>} : memref<64x128xf32, #tpu.memory_space<vmem>>, vector<16xf32>,
        %add3A_2005 = arith.constant 16 : i32
        %add3A_2006 = arith.addi %squeeze3A_1915, %add3A_2005 : i32
        %get3A_2007 = arith.index_cast %add3A_1905 : i32 to index
        %get3A_2008 = arith.index_cast %add3A_2006 : i32 to index
        %get3A_2009 = tpu.vector_load %arg14[%get3A_2007, %get3A_2008] {strides = array<i32>} : memref<64x128xf32, #tpu.memory_space<vmem>>, vector<16xf32>,
        %get3A_2010 = arith.index_cast %add3A_1905 : i32 to index
        %get3A_2011 = arith.constant 80 : index
        %get3A_2012 = tpu.vector_load %arg9[%get3A_2010, %get3A_2011] {strides = array<i32>} : memref<64x128xf32, #tpu.memory_space<vmem>>, vector<16xf32>,
        %sub3A_2013 = arith.subf %get3A_2009, %get3A_2004 : vector<16xf32>
        %mul3A_2014 = arith.mulf %get3A_2012, %sub3A_2013 : vector<16xf32>
        %add3A_2015 = arith.addf %add3A_1999, %mul3A_2014 : vector<16xf32>
        %add3A_2016 = arith.constant 0 : i32
        %add3A_2017 = arith.addi %squeeze3A_1911, %add3A_2016 : i32
        %get3A_2018 = arith.index_cast %add3A_1905 : i32 to index
        %get3A_2019 = arith.index_cast %add3A_2017 : i32 to index
        %get3A_2020 = tpu.vector_load %arg12[%get3A_2018, %get3A_2019] {strides = array<i32>} : memref<64x128xf32, #tpu.memory_space<vmem>>, vector<16xf32>,
        %add3A_2021 = arith.constant 0 : i32
        %add3A_2022 = arith.addi %squeeze3A_1917, %add3A_2021 : i32
        %get3A_2023 = arith.index_cast %add3A_1905 : i32 to index
        %get3A_2024 = arith.index_cast %add3A_2022 : i32 to index
        %get3A_2025 = tpu.vector_load %arg15[%get3A_2023, %get3A_2024] {strides = array<i32>} : memref<64x128xf32, #tpu.memory_space<vmem>>, vector<16xf32>,
        %get3A_2026 = arith.index_cast %add3A_1905 : i32 to index
        %get3A_2027 = arith.constant 96 : index
        %get3A_2028 = tpu.vector_load %arg9[%get3A_2026, %get3A_2027] {strides = array<i32>} : memref<64x128xf32, #tpu.memory_space<vmem>>, vector<16xf32>,
        %sub3A_2029 = arith.subf %get3A_2025, %get3A_2020 : vector<16xf32>
        %mul3A_2030 = arith.mulf %get3A_2028, %sub3A_2029 : vector<16xf32>
        %add3A_2031 = arith.addf %add3A_2015, %mul3A_2030 : vector<16xf32>
        %add3A_2032 = arith.constant 16 : i32
        %add3A_2033 = arith.addi %squeeze3A_1911, %add3A_2032 : i32
        %get3A_2034 = arith.index_cast %add3A_1905 : i32 to index
        %get3A_2035 = arith.index_cast %add3A_2033 : i32 to index
        %get3A_2036 = tpu.vector_load %arg12[%get3A_2034, %get3A_2035] {strides = array<i32>} : memref<64x128xf32, #tpu.memory_space<vmem>>, vector<16xf32>,
        %add3A_2037 = arith.constant 16 : i32
        %add3A_2038 = arith.addi %squeeze3A_1917, %add3A_2037 : i32
        %get3A_2039 = arith.index_cast %add3A_1905 : i32 to index
        %get3A_2040 = arith.index_cast %add3A_2038 : i32 to index
        %get3A_2041 = tpu.vector_load %arg15[%get3A_2039, %get3A_2040] {strides = array<i32>} : memref<64x128xf32, #tpu.memory_space<vmem>>, vector<16xf32>,
        %get3A_2042 = arith.index_cast %add3A_1905 : i32 to index
        %get3A_2043 = arith.constant 112 : index
        %get3A_2044 = tpu.vector_load %arg9[%get3A_2042, %get3A_2043] {strides = array<i32>} : memref<64x128xf32, #tpu.memory_space<vmem>>, vector<16xf32>,
        %sub3A_2045 = arith.subf %get3A_2041, %get3A_2036 : vector<16xf32>
        %mul3A_2046 = arith.mulf %get3A_2044, %sub3A_2045 : vector<16xf32>
        %add3A_2047 = arith.addf %add3A_2031, %mul3A_2046 : vector<16xf32>
        %swap3A_2048 = arith.index_cast %add3A_1905 : i32 to index
        %swap3A_2049 = arith.constant 0 : index
        %swap3A_2050 = tpu.vector_load %arg16[%swap3A_2048, %swap3A_2049] {strides = array<i32>} : memref<64x16xf32, #tpu.memory_space<vmem>>, vector<16xf32>,
        tpu.vector_store %arg16[%swap3A_2048, %swap3A_2049], %add3A_2047 {strides = array<i32>} : memref<64x16xf32, #tpu.memory_space<vmem>>, vector<16xf32>,
        %add3A_2051 = arith.constant 13 : i32
        %add3A_2052 = arith.addi %mul3A_121, %add3A_2051 : i32
        %slice3A_2053 = vector.extract_strided_slice %get3A_124 {offsets = [13], sizes = [1], strides = [1]} : vector<16xi32> to vector<1xi32>
        %squeeze3A_2054 = vector.extract %slice3A_2053[0] : i32 from vector<1xi32>
        %slice3A_2055 = vector.extract_strided_slice %get3A_128 {offsets = [13], sizes = [1], strides = [1]} : vector<16xi32> to vector<1xi32>
        %squeeze3A_2056 = vector.extract %slice3A_2055[0] : i32 from vector<1xi32>
        %slice3A_2057 = vector.extract_strided_slice %get3A_132 {offsets = [13], sizes = [1], strides = [1]} : vector<16xi32> to vector<1xi32>
        %squeeze3A_2058 = vector.extract %slice3A_2057[0] : i32 from vector<1xi32>
        %slice3A_2059 = vector.extract_strided_slice %get3A_136 {offsets = [13], sizes = [1], strides = [1]} : vector<16xi32> to vector<1xi32>
        %squeeze3A_2060 = vector.extract %slice3A_2059[0] : i32 from vector<1xi32>
        %slice3A_2061 = vector.extract_strided_slice %get3A_140 {offsets = [13], sizes = [1], strides = [1]} : vector<16xi32> to vector<1xi32>
        %squeeze3A_2062 = vector.extract %slice3A_2061[0] : i32 from vector<1xi32>
        %slice3A_2063 = vector.extract_strided_slice %get3A_144 {offsets = [13], sizes = [1], strides = [1]} : vector<16xi32> to vector<1xi32>
        %squeeze3A_2064 = vector.extract %slice3A_2063[0] : i32 from vector<1xi32>
        %broadcast_in_dim3A_2065 = arith.constant 0.000000e+00 : f32
        %broadcast_in_dim3A_2066 = vector.broadcast %broadcast_in_dim3A_2065 : f32 to vector<16xf32>
        %add3A_2067 = arith.constant 0 : i32
        %add3A_2068 = arith.addi %squeeze3A_2054, %add3A_2067 : i32
        %get3A_2069 = arith.index_cast %add3A_2052 : i32 to index
        %get3A_2070 = arith.index_cast %add3A_2068 : i32 to index
        %get3A_2071 = tpu.vector_load %arg10[%get3A_2069, %get3A_2070] {strides = array<i32>} : memref<64x128xf32, #tpu.memory_space<vmem>>, vector<16xf32>,
        %add3A_2072 = arith.constant 0 : i32
        %add3A_2073 = arith.addi %squeeze3A_2060, %add3A_2072 : i32
        %get3A_2074 = arith.index_cast %add3A_2052 : i32 to index
        %get3A_2075 = arith.index_cast %add3A_2073 : i32 to index
        %get3A_2076 = tpu.vector_load %arg13[%get3A_2074, %get3A_2075] {strides = array<i32>} : memref<64x128xf32, #tpu.memory_space<vmem>>, vector<16xf32>,
        %get3A_2077 = arith.index_cast %add3A_2052 : i32 to index
        %get3A_2078 = arith.constant 0 : index
        %get3A_2079 = tpu.vector_load %arg9[%get3A_2077, %get3A_2078] {strides = array<i32>} : memref<64x128xf32, #tpu.memory_space<vmem>>, vector<16xf32>,
        %sub3A_2080 = arith.subf %get3A_2076, %get3A_2071 : vector<16xf32>
        %mul3A_2081 = arith.mulf %get3A_2079, %sub3A_2080 : vector<16xf32>
        %add3A_2082 = arith.addf %broadcast_in_dim3A_2066, %mul3A_2081 : vector<16xf32>
        %add3A_2083 = arith.constant 16 : i32
        %add3A_2084 = arith.addi %squeeze3A_2054, %add3A_2083 : i32
        %get3A_2085 = arith.index_cast %add3A_2052 : i32 to index
        %get3A_2086 = arith.index_cast %add3A_2084 : i32 to index
        %get3A_2087 = tpu.vector_load %arg10[%get3A_2085, %get3A_2086] {strides = array<i32>} : memref<64x128xf32, #tpu.memory_space<vmem>>, vector<16xf32>,
        %add3A_2088 = arith.constant 16 : i32
        %add3A_2089 = arith.addi %squeeze3A_2060, %add3A_2088 : i32
        %get3A_2090 = arith.index_cast %add3A_2052 : i32 to index
        %get3A_2091 = arith.index_cast %add3A_2089 : i32 to index
        %get3A_2092 = tpu.vector_load %arg13[%get3A_2090, %get3A_2091] {strides = array<i32>} : memref<64x128xf32, #tpu.memory_space<vmem>>, vector<16xf32>,
        %get3A_2093 = arith.index_cast %add3A_2052 : i32 to index
        %get3A_2094 = arith.constant 16 : index
        %get3A_2095 = tpu.vector_load %arg9[%get3A_2093, %get3A_2094] {strides = array<i32>} : memref<64x128xf32, #tpu.memory_space<vmem>>, vector<16xf32>,
        %sub3A_2096 = arith.subf %get3A_2092, %get3A_2087 : vector<16xf32>
        %mul3A_2097 = arith.mulf %get3A_2095, %sub3A_2096 : vector<16xf32>
        %add3A_2098 = arith.addf %add3A_2082, %mul3A_2097 : vector<16xf32>
        %add3A_2099 = arith.constant 32 : i32
        %add3A_2100 = arith.addi %squeeze3A_2054, %add3A_2099 : i32
        %get3A_2101 = arith.index_cast %add3A_2052 : i32 to index
        %get3A_2102 = arith.index_cast %add3A_2100 : i32 to index
        %get3A_2103 = tpu.vector_load %arg10[%get3A_2101, %get3A_2102] {strides = array<i32>} : memref<64x128xf32, #tpu.memory_space<vmem>>, vector<16xf32>,
        %add3A_2104 = arith.constant 32 : i32
        %add3A_2105 = arith.addi %squeeze3A_2060, %add3A_2104 : i32
        %get3A_2106 = arith.index_cast %add3A_2052 : i32 to index
        %get3A_2107 = arith.index_cast %add3A_2105 : i32 to index
        %get3A_2108 = tpu.vector_load %arg13[%get3A_2106, %get3A_2107] {strides = array<i32>} : memref<64x128xf32, #tpu.memory_space<vmem>>, vector<16xf32>,
        %get3A_2109 = arith.index_cast %add3A_2052 : i32 to index
        %get3A_2110 = arith.constant 32 : index
        %get3A_2111 = tpu.vector_load %arg9[%get3A_2109, %get3A_2110] {strides = array<i32>} : memref<64x128xf32, #tpu.memory_space<vmem>>, vector<16xf32>,
        %sub3A_2112 = arith.subf %get3A_2108, %get3A_2103 : vector<16xf32>
        %mul3A_2113 = arith.mulf %get3A_2111, %sub3A_2112 : vector<16xf32>
        %add3A_2114 = arith.addf %add3A_2098, %mul3A_2113 : vector<16xf32>
        %add3A_2115 = arith.constant 48 : i32
        %add3A_2116 = arith.addi %squeeze3A_2054, %add3A_2115 : i32
        %get3A_2117 = arith.index_cast %add3A_2052 : i32 to index
        %get3A_2118 = arith.index_cast %add3A_2116 : i32 to index
        %get3A_2119 = tpu.vector_load %arg10[%get3A_2117, %get3A_2118] {strides = array<i32>} : memref<64x128xf32, #tpu.memory_space<vmem>>, vector<16xf32>,
        %add3A_2120 = arith.constant 48 : i32
        %add3A_2121 = arith.addi %squeeze3A_2060, %add3A_2120 : i32
        %get3A_2122 = arith.index_cast %add3A_2052 : i32 to index
        %get3A_2123 = arith.index_cast %add3A_2121 : i32 to index
        %get3A_2124 = tpu.vector_load %arg13[%get3A_2122, %get3A_2123] {strides = array<i32>} : memref<64x128xf32, #tpu.memory_space<vmem>>, vector<16xf32>,
        %get3A_2125 = arith.index_cast %add3A_2052 : i32 to index
        %get3A_2126 = arith.constant 48 : index
        %get3A_2127 = tpu.vector_load %arg9[%get3A_2125, %get3A_2126] {strides = array<i32>} : memref<64x128xf32, #tpu.memory_space<vmem>>, vector<16xf32>,
        %sub3A_2128 = arith.subf %get3A_2124, %get3A_2119 : vector<16xf32>
        %mul3A_2129 = arith.mulf %get3A_2127, %sub3A_2128 : vector<16xf32>
        %add3A_2130 = arith.addf %add3A_2114, %mul3A_2129 : vector<16xf32>
        %add3A_2131 = arith.constant 0 : i32
        %add3A_2132 = arith.addi %squeeze3A_2056, %add3A_2131 : i32
        %get3A_2133 = arith.index_cast %add3A_2052 : i32 to index
        %get3A_2134 = arith.index_cast %add3A_2132 : i32 to index
        %get3A_2135 = tpu.vector_load %arg11[%get3A_2133, %get3A_2134] {strides = array<i32>} : memref<64x128xf32, #tpu.memory_space<vmem>>, vector<16xf32>,
        %add3A_2136 = arith.constant 0 : i32
        %add3A_2137 = arith.addi %squeeze3A_2062, %add3A_2136 : i32
        %get3A_2138 = arith.index_cast %add3A_2052 : i32 to index
        %get3A_2139 = arith.index_cast %add3A_2137 : i32 to index
        %get3A_2140 = tpu.vector_load %arg14[%get3A_2138, %get3A_2139] {strides = array<i32>} : memref<64x128xf32, #tpu.memory_space<vmem>>, vector<16xf32>,
        %get3A_2141 = arith.index_cast %add3A_2052 : i32 to index
        %get3A_2142 = arith.constant 64 : index
        %get3A_2143 = tpu.vector_load %arg9[%get3A_2141, %get3A_2142] {strides = array<i32>} : memref<64x128xf32, #tpu.memory_space<vmem>>, vector<16xf32>,
        %sub3A_2144 = arith.subf %get3A_2140, %get3A_2135 : vector<16xf32>
        %mul3A_2145 = arith.mulf %get3A_2143, %sub3A_2144 : vector<16xf32>
        %add3A_2146 = arith.addf %add3A_2130, %mul3A_2145 : vector<16xf32>
        %add3A_2147 = arith.constant 16 : i32
        %add3A_2148 = arith.addi %squeeze3A_2056, %add3A_2147 : i32
        %get3A_2149 = arith.index_cast %add3A_2052 : i32 to index
        %get3A_2150 = arith.index_cast %add3A_2148 : i32 to index
        %get3A_2151 = tpu.vector_load %arg11[%get3A_2149, %get3A_2150] {strides = array<i32>} : memref<64x128xf32, #tpu.memory_space<vmem>>, vector<16xf32>,
        %add3A_2152 = arith.constant 16 : i32
        %add3A_2153 = arith.addi %squeeze3A_2062, %add3A_2152 : i32
        %get3A_2154 = arith.index_cast %add3A_2052 : i32 to index
        %get3A_2155 = arith.index_cast %add3A_2153 : i32 to index
        %get3A_2156 = tpu.vector_load %arg14[%get3A_2154, %get3A_2155] {strides = array<i32>} : memref<64x128xf32, #tpu.memory_space<vmem>>, vector<16xf32>,
        %get3A_2157 = arith.index_cast %add3A_2052 : i32 to index
        %get3A_2158 = arith.constant 80 : index
        %get3A_2159 = tpu.vector_load %arg9[%get3A_2157, %get3A_2158] {strides = array<i32>} : memref<64x128xf32, #tpu.memory_space<vmem>>, vector<16xf32>,
        %sub3A_2160 = arith.subf %get3A_2156, %get3A_2151 : vector<16xf32>
        %mul3A_2161 = arith.mulf %get3A_2159, %sub3A_2160 : vector<16xf32>
        %add3A_2162 = arith.addf %add3A_2146, %mul3A_2161 : vector<16xf32>
        %add3A_2163 = arith.constant 0 : i32
        %add3A_2164 = arith.addi %squeeze3A_2058, %add3A_2163 : i32
        %get3A_2165 = arith.index_cast %add3A_2052 : i32 to index
        %get3A_2166 = arith.index_cast %add3A_2164 : i32 to index
        %get3A_2167 = tpu.vector_load %arg12[%get3A_2165, %get3A_2166] {strides = array<i32>} : memref<64x128xf32, #tpu.memory_space<vmem>>, vector<16xf32>,
        %add3A_2168 = arith.constant 0 : i32
        %add3A_2169 = arith.addi %squeeze3A_2064, %add3A_2168 : i32
        %get3A_2170 = arith.index_cast %add3A_2052 : i32 to index
        %get3A_2171 = arith.index_cast %add3A_2169 : i32 to index
        %get3A_2172 = tpu.vector_load %arg15[%get3A_2170, %get3A_2171] {strides = array<i32>} : memref<64x128xf32, #tpu.memory_space<vmem>>, vector<16xf32>,
        %get3A_2173 = arith.index_cast %add3A_2052 : i32 to index
        %get3A_2174 = arith.constant 96 : index
        %get3A_2175 = tpu.vector_load %arg9[%get3A_2173, %get3A_2174] {strides = array<i32>} : memref<64x128xf32, #tpu.memory_space<vmem>>, vector<16xf32>,
        %sub3A_2176 = arith.subf %get3A_2172, %get3A_2167 : vector<16xf32>
        %mul3A_2177 = arith.mulf %get3A_2175, %sub3A_2176 : vector<16xf32>
        %add3A_2178 = arith.addf %add3A_2162, %mul3A_2177 : vector<16xf32>
        %add3A_2179 = arith.constant 16 : i32
        %add3A_2180 = arith.addi %squeeze3A_2058, %add3A_2179 : i32
        %get3A_2181 = arith.index_cast %add3A_2052 : i32 to index
        %get3A_2182 = arith.index_cast %add3A_2180 : i32 to index
        %get3A_2183 = tpu.vector_load %arg12[%get3A_2181, %get3A_2182] {strides = array<i32>} : memref<64x128xf32, #tpu.memory_space<vmem>>, vector<16xf32>,
        %add3A_2184 = arith.constant 16 : i32
        %add3A_2185 = arith.addi %squeeze3A_2064, %add3A_2184 : i32
        %get3A_2186 = arith.index_cast %add3A_2052 : i32 to index
        %get3A_2187 = arith.index_cast %add3A_2185 : i32 to index
        %get3A_2188 = tpu.vector_load %arg15[%get3A_2186, %get3A_2187] {strides = array<i32>} : memref<64x128xf32, #tpu.memory_space<vmem>>, vector<16xf32>,
        %get3A_2189 = arith.index_cast %add3A_2052 : i32 to index
        %get3A_2190 = arith.constant 112 : index
        %get3A_2191 = tpu.vector_load %arg9[%get3A_2189, %get3A_2190] {strides = array<i32>} : memref<64x128xf32, #tpu.memory_space<vmem>>, vector<16xf32>,
        %sub3A_2192 = arith.subf %get3A_2188, %get3A_2183 : vector<16xf32>
        %mul3A_2193 = arith.mulf %get3A_2191, %sub3A_2192 : vector<16xf32>
        %add3A_2194 = arith.addf %add3A_2178, %mul3A_2193 : vector<16xf32>
        %swap3A_2195 = arith.index_cast %add3A_2052 : i32 to index
        %swap3A_2196 = arith.constant 0 : index
        %swap3A_2197 = tpu.vector_load %arg16[%swap3A_2195, %swap3A_2196] {strides = array<i32>} : memref<64x16xf32, #tpu.memory_space<vmem>>, vector<16xf32>,
        tpu.vector_store %arg16[%swap3A_2195, %swap3A_2196], %add3A_2194 {strides = array<i32>} : memref<64x16xf32, #tpu.memory_space<vmem>>, vector<16xf32>,
        %add3A_2198 = arith.constant 14 : i32
        %add3A_2199 = arith.addi %mul3A_121, %add3A_2198 : i32
        %slice3A_2200 = vector.extract_strided_slice %get3A_124 {offsets = [14], sizes = [1], strides = [1]} : vector<16xi32> to vector<1xi32>
        %squeeze3A_2201 = vector.extract %slice3A_2200[0] : i32 from vector<1xi32>
        %slice3A_2202 = vector.extract_strided_slice %get3A_128 {offsets = [14], sizes = [1], strides = [1]} : vector<16xi32> to vector<1xi32>
        %squeeze3A_2203 = vector.extract %slice3A_2202[0] : i32 from vector<1xi32>
        %slice3A_2204 = vector.extract_strided_slice %get3A_132 {offsets = [14], sizes = [1], strides = [1]} : vector<16xi32> to vector<1xi32>
        %squeeze3A_2205 = vector.extract %slice3A_2204[0] : i32 from vector<1xi32>
        %slice3A_2206 = vector.extract_strided_slice %get3A_136 {offsets = [14], sizes = [1], strides = [1]} : vector<16xi32> to vector<1xi32>
        %squeeze3A_2207 = vector.extract %slice3A_2206[0] : i32 from vector<1xi32>
        %slice3A_2208 = vector.extract_strided_slice %get3A_140 {offsets = [14], sizes = [1], strides = [1]} : vector<16xi32> to vector<1xi32>
        %squeeze3A_2209 = vector.extract %slice3A_2208[0] : i32 from vector<1xi32>
        %slice3A_2210 = vector.extract_strided_slice %get3A_144 {offsets = [14], sizes = [1], strides = [1]} : vector<16xi32> to vector<1xi32>
        %squeeze3A_2211 = vector.extract %slice3A_2210[0] : i32 from vector<1xi32>
        %broadcast_in_dim3A_2212 = arith.constant 0.000000e+00 : f32
        %broadcast_in_dim3A_2213 = vector.broadcast %broadcast_in_dim3A_2212 : f32 to vector<16xf32>
        %add3A_2214 = arith.constant 0 : i32
        %add3A_2215 = arith.addi %squeeze3A_2201, %add3A_2214 : i32
        %get3A_2216 = arith.index_cast %add3A_2199 : i32 to index
        %get3A_2217 = arith.index_cast %add3A_2215 : i32 to index
        %get3A_2218 = tpu.vector_load %arg10[%get3A_2216, %get3A_2217] {strides = array<i32>} : memref<64x128xf32, #tpu.memory_space<vmem>>, vector<16xf32>,
        %add3A_2219 = arith.constant 0 : i32
        %add3A_2220 = arith.addi %squeeze3A_2207, %add3A_2219 : i32
        %get3A_2221 = arith.index_cast %add3A_2199 : i32 to index
        %get3A_2222 = arith.index_cast %add3A_2220 : i32 to index
        %get3A_2223 = tpu.vector_load %arg13[%get3A_2221, %get3A_2222] {strides = array<i32>} : memref<64x128xf32, #tpu.memory_space<vmem>>, vector<16xf32>,
        %get3A_2224 = arith.index_cast %add3A_2199 : i32 to index
        %get3A_2225 = arith.constant 0 : index
        %get3A_2226 = tpu.vector_load %arg9[%get3A_2224, %get3A_2225] {strides = array<i32>} : memref<64x128xf32, #tpu.memory_space<vmem>>, vector<16xf32>,
        %sub3A_2227 = arith.subf %get3A_2223, %get3A_2218 : vector<16xf32>
        %mul3A_2228 = arith.mulf %get3A_2226, %sub3A_2227 : vector<16xf32>
        %add3A_2229 = arith.addf %broadcast_in_dim3A_2213, %mul3A_2228 : vector<16xf32>
        %add3A_2230 = arith.constant 16 : i32
        %add3A_2231 = arith.addi %squeeze3A_2201, %add3A_2230 : i32
        %get3A_2232 = arith.index_cast %add3A_2199 : i32 to index
        %get3A_2233 = arith.index_cast %add3A_2231 : i32 to index
        %get3A_2234 = tpu.vector_load %arg10[%get3A_2232, %get3A_2233] {strides = array<i32>} : memref<64x128xf32, #tpu.memory_space<vmem>>, vector<16xf32>,
        %add3A_2235 = arith.constant 16 : i32
        %add3A_2236 = arith.addi %squeeze3A_2207, %add3A_2235 : i32
        %get3A_2237 = arith.index_cast %add3A_2199 : i32 to index
        %get3A_2238 = arith.index_cast %add3A_2236 : i32 to index
        %get3A_2239 = tpu.vector_load %arg13[%get3A_2237, %get3A_2238] {strides = array<i32>} : memref<64x128xf32, #tpu.memory_space<vmem>>, vector<16xf32>,
        %get3A_2240 = arith.index_cast %add3A_2199 : i32 to index
        %get3A_2241 = arith.constant 16 : index
        %get3A_2242 = tpu.vector_load %arg9[%get3A_2240, %get3A_2241] {strides = array<i32>} : memref<64x128xf32, #tpu.memory_space<vmem>>, vector<16xf32>,
        %sub3A_2243 = arith.subf %get3A_2239, %get3A_2234 : vector<16xf32>
        %mul3A_2244 = arith.mulf %get3A_2242, %sub3A_2243 : vector<16xf32>
        %add3A_2245 = arith.addf %add3A_2229, %mul3A_2244 : vector<16xf32>
        %add3A_2246 = arith.constant 32 : i32
        %add3A_2247 = arith.addi %squeeze3A_2201, %add3A_2246 : i32
        %get3A_2248 = arith.index_cast %add3A_2199 : i32 to index
        %get3A_2249 = arith.index_cast %add3A_2247 : i32 to index
        %get3A_2250 = tpu.vector_load %arg10[%get3A_2248, %get3A_2249] {strides = array<i32>} : memref<64x128xf32, #tpu.memory_space<vmem>>, vector<16xf32>,
        %add3A_2251 = arith.constant 32 : i32
        %add3A_2252 = arith.addi %squeeze3A_2207, %add3A_2251 : i32
        %get3A_2253 = arith.index_cast %add3A_2199 : i32 to index
        %get3A_2254 = arith.index_cast %add3A_2252 : i32 to index
        %get3A_2255 = tpu.vector_load %arg13[%get3A_2253, %get3A_2254] {strides = array<i32>} : memref<64x128xf32, #tpu.memory_space<vmem>>, vector<16xf32>,
        %get3A_2256 = arith.index_cast %add3A_2199 : i32 to index
        %get3A_2257 = arith.constant 32 : index
        %get3A_2258 = tpu.vector_load %arg9[%get3A_2256, %get3A_2257] {strides = array<i32>} : memref<64x128xf32, #tpu.memory_space<vmem>>, vector<16xf32>,
        %sub3A_2259 = arith.subf %get3A_2255, %get3A_2250 : vector<16xf32>
        %mul3A_2260 = arith.mulf %get3A_2258, %sub3A_2259 : vector<16xf32>
        %add3A_2261 = arith.addf %add3A_2245, %mul3A_2260 : vector<16xf32>
        %add3A_2262 = arith.constant 48 : i32
        %add3A_2263 = arith.addi %squeeze3A_2201, %add3A_2262 : i32
        %get3A_2264 = arith.index_cast %add3A_2199 : i32 to index
        %get3A_2265 = arith.index_cast %add3A_2263 : i32 to index
        %get3A_2266 = tpu.vector_load %arg10[%get3A_2264, %get3A_2265] {strides = array<i32>} : memref<64x128xf32, #tpu.memory_space<vmem>>, vector<16xf32>,
        %add3A_2267 = arith.constant 48 : i32
        %add3A_2268 = arith.addi %squeeze3A_2207, %add3A_2267 : i32
        %get3A_2269 = arith.index_cast %add3A_2199 : i32 to index
        %get3A_2270 = arith.index_cast %add3A_2268 : i32 to index
        %get3A_2271 = tpu.vector_load %arg13[%get3A_2269, %get3A_2270] {strides = array<i32>} : memref<64x128xf32, #tpu.memory_space<vmem>>, vector<16xf32>,
        %get3A_2272 = arith.index_cast %add3A_2199 : i32 to index
        %get3A_2273 = arith.constant 48 : index
        %get3A_2274 = tpu.vector_load %arg9[%get3A_2272, %get3A_2273] {strides = array<i32>} : memref<64x128xf32, #tpu.memory_space<vmem>>, vector<16xf32>,
        %sub3A_2275 = arith.subf %get3A_2271, %get3A_2266 : vector<16xf32>
        %mul3A_2276 = arith.mulf %get3A_2274, %sub3A_2275 : vector<16xf32>
        %add3A_2277 = arith.addf %add3A_2261, %mul3A_2276 : vector<16xf32>
        %add3A_2278 = arith.constant 0 : i32
        %add3A_2279 = arith.addi %squeeze3A_2203, %add3A_2278 : i32
        %get3A_2280 = arith.index_cast %add3A_2199 : i32 to index
        %get3A_2281 = arith.index_cast %add3A_2279 : i32 to index
        %get3A_2282 = tpu.vector_load %arg11[%get3A_2280, %get3A_2281] {strides = array<i32>} : memref<64x128xf32, #tpu.memory_space<vmem>>, vector<16xf32>,
        %add3A_2283 = arith.constant 0 : i32
        %add3A_2284 = arith.addi %squeeze3A_2209, %add3A_2283 : i32
        %get3A_2285 = arith.index_cast %add3A_2199 : i32 to index
        %get3A_2286 = arith.index_cast %add3A_2284 : i32 to index
        %get3A_2287 = tpu.vector_load %arg14[%get3A_2285, %get3A_2286] {strides = array<i32>} : memref<64x128xf32, #tpu.memory_space<vmem>>, vector<16xf32>,
        %get3A_2288 = arith.index_cast %add3A_2199 : i32 to index
        %get3A_2289 = arith.constant 64 : index
        %get3A_2290 = tpu.vector_load %arg9[%get3A_2288, %get3A_2289] {strides = array<i32>} : memref<64x128xf32, #tpu.memory_space<vmem>>, vector<16xf32>,
        %sub3A_2291 = arith.subf %get3A_2287, %get3A_2282 : vector<16xf32>
        %mul3A_2292 = arith.mulf %get3A_2290, %sub3A_2291 : vector<16xf32>
        %add3A_2293 = arith.addf %add3A_2277, %mul3A_2292 : vector<16xf32>
        %add3A_2294 = arith.constant 16 : i32
        %add3A_2295 = arith.addi %squeeze3A_2203, %add3A_2294 : i32
        %get3A_2296 = arith.index_cast %add3A_2199 : i32 to index
        %get3A_2297 = arith.index_cast %add3A_2295 : i32 to index
        %get3A_2298 = tpu.vector_load %arg11[%get3A_2296, %get3A_2297] {strides = array<i32>} : memref<64x128xf32, #tpu.memory_space<vmem>>, vector<16xf32>,
        %add3A_2299 = arith.constant 16 : i32
        %add3A_2300 = arith.addi %squeeze3A_2209, %add3A_2299 : i32
        %get3A_2301 = arith.index_cast %add3A_2199 : i32 to index
        %get3A_2302 = arith.index_cast %add3A_2300 : i32 to index
        %get3A_2303 = tpu.vector_load %arg14[%get3A_2301, %get3A_2302] {strides = array<i32>} : memref<64x128xf32, #tpu.memory_space<vmem>>, vector<16xf32>,
        %get3A_2304 = arith.index_cast %add3A_2199 : i32 to index
        %get3A_2305 = arith.constant 80 : index
        %get3A_2306 = tpu.vector_load %arg9[%get3A_2304, %get3A_2305] {strides = array<i32>} : memref<64x128xf32, #tpu.memory_space<vmem>>, vector<16xf32>,
        %sub3A_2307 = arith.subf %get3A_2303, %get3A_2298 : vector<16xf32>
        %mul3A_2308 = arith.mulf %get3A_2306, %sub3A_2307 : vector<16xf32>
        %add3A_2309 = arith.addf %add3A_2293, %mul3A_2308 : vector<16xf32>
        %add3A_2310 = arith.constant 0 : i32
        %add3A_2311 = arith.addi %squeeze3A_2205, %add3A_2310 : i32
        %get3A_2312 = arith.index_cast %add3A_2199 : i32 to index
        %get3A_2313 = arith.index_cast %add3A_2311 : i32 to index
        %get3A_2314 = tpu.vector_load %arg12[%get3A_2312, %get3A_2313] {strides = array<i32>} : memref<64x128xf32, #tpu.memory_space<vmem>>, vector<16xf32>,
        %add3A_2315 = arith.constant 0 : i32
        %add3A_2316 = arith.addi %squeeze3A_2211, %add3A_2315 : i32
        %get3A_2317 = arith.index_cast %add3A_2199 : i32 to index
        %get3A_2318 = arith.index_cast %add3A_2316 : i32 to index
        %get3A_2319 = tpu.vector_load %arg15[%get3A_2317, %get3A_2318] {strides = array<i32>} : memref<64x128xf32, #tpu.memory_space<vmem>>, vector<16xf32>,
        %get3A_2320 = arith.index_cast %add3A_2199 : i32 to index
        %get3A_2321 = arith.constant 96 : index
        %get3A_2322 = tpu.vector_load %arg9[%get3A_2320, %get3A_2321] {strides = array<i32>} : memref<64x128xf32, #tpu.memory_space<vmem>>, vector<16xf32>,
        %sub3A_2323 = arith.subf %get3A_2319, %get3A_2314 : vector<16xf32>
        %mul3A_2324 = arith.mulf %get3A_2322, %sub3A_2323 : vector<16xf32>
        %add3A_2325 = arith.addf %add3A_2309, %mul3A_2324 : vector<16xf32>
        %add3A_2326 = arith.constant 16 : i32
        %add3A_2327 = arith.addi %squeeze3A_2205, %add3A_2326 : i32
        %get3A_2328 = arith.index_cast %add3A_2199 : i32 to index
        %get3A_2329 = arith.index_cast %add3A_2327 : i32 to index
        %get3A_2330 = tpu.vector_load %arg12[%get3A_2328, %get3A_2329] {strides = array<i32>} : memref<64x128xf32, #tpu.memory_space<vmem>>, vector<16xf32>,
        %add3A_2331 = arith.constant 16 : i32
        %add3A_2332 = arith.addi %squeeze3A_2211, %add3A_2331 : i32
        %get3A_2333 = arith.index_cast %add3A_2199 : i32 to index
        %get3A_2334 = arith.index_cast %add3A_2332 : i32 to index
        %get3A_2335 = tpu.vector_load %arg15[%get3A_2333, %get3A_2334] {strides = array<i32>} : memref<64x128xf32, #tpu.memory_space<vmem>>, vector<16xf32>,
        %get3A_2336 = arith.index_cast %add3A_2199 : i32 to index
        %get3A_2337 = arith.constant 112 : index
        %get3A_2338 = tpu.vector_load %arg9[%get3A_2336, %get3A_2337] {strides = array<i32>} : memref<64x128xf32, #tpu.memory_space<vmem>>, vector<16xf32>,
        %sub3A_2339 = arith.subf %get3A_2335, %get3A_2330 : vector<16xf32>
        %mul3A_2340 = arith.mulf %get3A_2338, %sub3A_2339 : vector<16xf32>
        %add3A_2341 = arith.addf %add3A_2325, %mul3A_2340 : vector<16xf32>
        %swap3A_2342 = arith.index_cast %add3A_2199 : i32 to index
        %swap3A_2343 = arith.constant 0 : index
        %swap3A_2344 = tpu.vector_load %arg16[%swap3A_2342, %swap3A_2343] {strides = array<i32>} : memref<64x16xf32, #tpu.memory_space<vmem>>, vector<16xf32>,
        tpu.vector_store %arg16[%swap3A_2342, %swap3A_2343], %add3A_2341 {strides = array<i32>} : memref<64x16xf32, #tpu.memory_space<vmem>>, vector<16xf32>,
        %add3A_2345 = arith.constant 15 : i32
        %add3A_2346 = arith.addi %mul3A_121, %add3A_2345 : i32
        %slice3A_2347 = vector.extract_strided_slice %get3A_124 {offsets = [15], sizes = [1], strides = [1]} : vector<16xi32> to vector<1xi32>
        %squeeze3A_2348 = vector.extract %slice3A_2347[0] : i32 from vector<1xi32>
        %slice3A_2349 = vector.extract_strided_slice %get3A_128 {offsets = [15], sizes = [1], strides = [1]} : vector<16xi32> to vector<1xi32>
        %squeeze3A_2350 = vector.extract %slice3A_2349[0] : i32 from vector<1xi32>
        %slice3A_2351 = vector.extract_strided_slice %get3A_132 {offsets = [15], sizes = [1], strides = [1]} : vector<16xi32> to vector<1xi32>
        %squeeze3A_2352 = vector.extract %slice3A_2351[0] : i32 from vector<1xi32>
        %slice3A_2353 = vector.extract_strided_slice %get3A_136 {offsets = [15], sizes = [1], strides = [1]} : vector<16xi32> to vector<1xi32>
        %squeeze3A_2354 = vector.extract %slice3A_2353[0] : i32 from vector<1xi32>
        %slice3A_2355 = vector.extract_strided_slice %get3A_140 {offsets = [15], sizes = [1], strides = [1]} : vector<16xi32> to vector<1xi32>
        %squeeze3A_2356 = vector.extract %slice3A_2355[0] : i32 from vector<1xi32>
        %slice3A_2357 = vector.extract_strided_slice %get3A_144 {offsets = [15], sizes = [1], strides = [1]} : vector<16xi32> to vector<1xi32>
        %squeeze3A_2358 = vector.extract %slice3A_2357[0] : i32 from vector<1xi32>
        %broadcast_in_dim3A_2359 = arith.constant 0.000000e+00 : f32
        %broadcast_in_dim3A_2360 = vector.broadcast %broadcast_in_dim3A_2359 : f32 to vector<16xf32>
        %add3A_2361 = arith.constant 0 : i32
        %add3A_2362 = arith.addi %squeeze3A_2348, %add3A_2361 : i32
        %get3A_2363 = arith.index_cast %add3A_2346 : i32 to index
        %get3A_2364 = arith.index_cast %add3A_2362 : i32 to index
        %get3A_2365 = tpu.vector_load %arg10[%get3A_2363, %get3A_2364] {strides = array<i32>} : memref<64x128xf32, #tpu.memory_space<vmem>>, vector<16xf32>,
        %add3A_2366 = arith.constant 0 : i32
        %add3A_2367 = arith.addi %squeeze3A_2354, %add3A_2366 : i32
        %get3A_2368 = arith.index_cast %add3A_2346 : i32 to index
        %get3A_2369 = arith.index_cast %add3A_2367 : i32 to index
        %get3A_2370 = tpu.vector_load %arg13[%get3A_2368, %get3A_2369] {strides = array<i32>} : memref<64x128xf32, #tpu.memory_space<vmem>>, vector<16xf32>,
        %get3A_2371 = arith.index_cast %add3A_2346 : i32 to index
        %get3A_2372 = arith.constant 0 : index
        %get3A_2373 = tpu.vector_load %arg9[%get3A_2371, %get3A_2372] {strides = array<i32>} : memref<64x128xf32, #tpu.memory_space<vmem>>, vector<16xf32>,
        %sub3A_2374 = arith.subf %get3A_2370, %get3A_2365 : vector<16xf32>
        %mul3A_2375 = arith.mulf %get3A_2373, %sub3A_2374 : vector<16xf32>
        %add3A_2376 = arith.addf %broadcast_in_dim3A_2360, %mul3A_2375 : vector<16xf32>
        %add3A_2377 = arith.constant 16 : i32
        %add3A_2378 = arith.addi %squeeze3A_2348, %add3A_2377 : i32
        %get3A_2379 = arith.index_cast %add3A_2346 : i32 to index
        %get3A_2380 = arith.index_cast %add3A_2378 : i32 to index
        %get3A_2381 = tpu.vector_load %arg10[%get3A_2379, %get3A_2380] {strides = array<i32>} : memref<64x128xf32, #tpu.memory_space<vmem>>, vector<16xf32>,
        %add3A_2382 = arith.constant 16 : i32
        %add3A_2383 = arith.addi %squeeze3A_2354, %add3A_2382 : i32
        %get3A_2384 = arith.index_cast %add3A_2346 : i32 to index
        %get3A_2385 = arith.index_cast %add3A_2383 : i32 to index
        %get3A_2386 = tpu.vector_load %arg13[%get3A_2384, %get3A_2385] {strides = array<i32>} : memref<64x128xf32, #tpu.memory_space<vmem>>, vector<16xf32>,
        %get3A_2387 = arith.index_cast %add3A_2346 : i32 to index
        %get3A_2388 = arith.constant 16 : index
        %get3A_2389 = tpu.vector_load %arg9[%get3A_2387, %get3A_2388] {strides = array<i32>} : memref<64x128xf32, #tpu.memory_space<vmem>>, vector<16xf32>,
        %sub3A_2390 = arith.subf %get3A_2386, %get3A_2381 : vector<16xf32>
        %mul3A_2391 = arith.mulf %get3A_2389, %sub3A_2390 : vector<16xf32>
        %add3A_2392 = arith.addf %add3A_2376, %mul3A_2391 : vector<16xf32>
        %add3A_2393 = arith.constant 32 : i32
        %add3A_2394 = arith.addi %squeeze3A_2348, %add3A_2393 : i32
        %get3A_2395 = arith.index_cast %add3A_2346 : i32 to index
        %get3A_2396 = arith.index_cast %add3A_2394 : i32 to index
        %get3A_2397 = tpu.vector_load %arg10[%get3A_2395, %get3A_2396] {strides = array<i32>} : memref<64x128xf32, #tpu.memory_space<vmem>>, vector<16xf32>,
        %add3A_2398 = arith.constant 32 : i32
        %add3A_2399 = arith.addi %squeeze3A_2354, %add3A_2398 : i32
        %get3A_2400 = arith.index_cast %add3A_2346 : i32 to index
        %get3A_2401 = arith.index_cast %add3A_2399 : i32 to index
        %get3A_2402 = tpu.vector_load %arg13[%get3A_2400, %get3A_2401] {strides = array<i32>} : memref<64x128xf32, #tpu.memory_space<vmem>>, vector<16xf32>,
        %get3A_2403 = arith.index_cast %add3A_2346 : i32 to index
        %get3A_2404 = arith.constant 32 : index
        %get3A_2405 = tpu.vector_load %arg9[%get3A_2403, %get3A_2404] {strides = array<i32>} : memref<64x128xf32, #tpu.memory_space<vmem>>, vector<16xf32>,
        %sub3A_2406 = arith.subf %get3A_2402, %get3A_2397 : vector<16xf32>
        %mul3A_2407 = arith.mulf %get3A_2405, %sub3A_2406 : vector<16xf32>
        %add3A_2408 = arith.addf %add3A_2392, %mul3A_2407 : vector<16xf32>
        %add3A_2409 = arith.constant 48 : i32
        %add3A_2410 = arith.addi %squeeze3A_2348, %add3A_2409 : i32
        %get3A_2411 = arith.index_cast %add3A_2346 : i32 to index
        %get3A_2412 = arith.index_cast %add3A_2410 : i32 to index
        %get3A_2413 = tpu.vector_load %arg10[%get3A_2411, %get3A_2412] {strides = array<i32>} : memref<64x128xf32, #tpu.memory_space<vmem>>, vector<16xf32>,
        %add3A_2414 = arith.constant 48 : i32
        %add3A_2415 = arith.addi %squeeze3A_2354, %add3A_2414 : i32
        %get3A_2416 = arith.index_cast %add3A_2346 : i32 to index
        %get3A_2417 = arith.index_cast %add3A_2415 : i32 to index
        %get3A_2418 = tpu.vector_load %arg13[%get3A_2416, %get3A_2417] {strides = array<i32>} : memref<64x128xf32, #tpu.memory_space<vmem>>, vector<16xf32>,
        %get3A_2419 = arith.index_cast %add3A_2346 : i32 to index
        %get3A_2420 = arith.constant 48 : index
        %get3A_2421 = tpu.vector_load %arg9[%get3A_2419, %get3A_2420] {strides = array<i32>} : memref<64x128xf32, #tpu.memory_space<vmem>>, vector<16xf32>,
        %sub3A_2422 = arith.subf %get3A_2418, %get3A_2413 : vector<16xf32>
        %mul3A_2423 = arith.mulf %get3A_2421, %sub3A_2422 : vector<16xf32>
        %add3A_2424 = arith.addf %add3A_2408, %mul3A_2423 : vector<16xf32>
        %add3A_2425 = arith.constant 0 : i32
        %add3A_2426 = arith.addi %squeeze3A_2350, %add3A_2425 : i32
        %get3A_2427 = arith.index_cast %add3A_2346 : i32 to index
        %get3A_2428 = arith.index_cast %add3A_2426 : i32 to index
        %get3A_2429 = tpu.vector_load %arg11[%get3A_2427, %get3A_2428] {strides = array<i32>} : memref<64x128xf32, #tpu.memory_space<vmem>>, vector<16xf32>,
        %add3A_2430 = arith.constant 0 : i32
        %add3A_2431 = arith.addi %squeeze3A_2356, %add3A_2430 : i32
        %get3A_2432 = arith.index_cast %add3A_2346 : i32 to index
        %get3A_2433 = arith.index_cast %add3A_2431 : i32 to index
        %get3A_2434 = tpu.vector_load %arg14[%get3A_2432, %get3A_2433] {strides = array<i32>} : memref<64x128xf32, #tpu.memory_space<vmem>>, vector<16xf32>,
        %get3A_2435 = arith.index_cast %add3A_2346 : i32 to index
        %get3A_2436 = arith.constant 64 : index
        %get3A_2437 = tpu.vector_load %arg9[%get3A_2435, %get3A_2436] {strides = array<i32>} : memref<64x128xf32, #tpu.memory_space<vmem>>, vector<16xf32>,
        %sub3A_2438 = arith.subf %get3A_2434, %get3A_2429 : vector<16xf32>
        %mul3A_2439 = arith.mulf %get3A_2437, %sub3A_2438 : vector<16xf32>
        %add3A_2440 = arith.addf %add3A_2424, %mul3A_2439 : vector<16xf32>
        %add3A_2441 = arith.constant 16 : i32
        %add3A_2442 = arith.addi %squeeze3A_2350, %add3A_2441 : i32
        %get3A_2443 = arith.index_cast %add3A_2346 : i32 to index
        %get3A_2444 = arith.index_cast %add3A_2442 : i32 to index
        %get3A_2445 = tpu.vector_load %arg11[%get3A_2443, %get3A_2444] {strides = array<i32>} : memref<64x128xf32, #tpu.memory_space<vmem>>, vector<16xf32>,
        %add3A_2446 = arith.constant 16 : i32
        %add3A_2447 = arith.addi %squeeze3A_2356, %add3A_2446 : i32
        %get3A_2448 = arith.index_cast %add3A_2346 : i32 to index
        %get3A_2449 = arith.index_cast %add3A_2447 : i32 to index
        %get3A_2450 = tpu.vector_load %arg14[%get3A_2448, %get3A_2449] {strides = array<i32>} : memref<64x128xf32, #tpu.memory_space<vmem>>, vector<16xf32>,
        %get3A_2451 = arith.index_cast %add3A_2346 : i32 to index
        %get3A_2452 = arith.constant 80 : index
        %get3A_2453 = tpu.vector_load %arg9[%get3A_2451, %get3A_2452] {strides = array<i32>} : memref<64x128xf32, #tpu.memory_space<vmem>>, vector<16xf32>,
        %sub3A_2454 = arith.subf %get3A_2450, %get3A_2445 : vector<16xf32>
        %mul3A_2455 = arith.mulf %get3A_2453, %sub3A_2454 : vector<16xf32>
        %add3A_2456 = arith.addf %add3A_2440, %mul3A_2455 : vector<16xf32>
        %add3A_2457 = arith.constant 0 : i32
        %add3A_2458 = arith.addi %squeeze3A_2352, %add3A_2457 : i32
        %get3A_2459 = arith.index_cast %add3A_2346 : i32 to index
        %get3A_2460 = arith.index_cast %add3A_2458 : i32 to index
        %get3A_2461 = tpu.vector_load %arg12[%get3A_2459, %get3A_2460] {strides = array<i32>} : memref<64x128xf32, #tpu.memory_space<vmem>>, vector<16xf32>,
        %add3A_2462 = arith.constant 0 : i32
        %add3A_2463 = arith.addi %squeeze3A_2358, %add3A_2462 : i32
        %get3A_2464 = arith.index_cast %add3A_2346 : i32 to index
        %get3A_2465 = arith.index_cast %add3A_2463 : i32 to index
        %get3A_2466 = tpu.vector_load %arg15[%get3A_2464, %get3A_2465] {strides = array<i32>} : memref<64x128xf32, #tpu.memory_space<vmem>>, vector<16xf32>,
        %get3A_2467 = arith.index_cast %add3A_2346 : i32 to index
        %get3A_2468 = arith.constant 96 : index
        %get3A_2469 = tpu.vector_load %arg9[%get3A_2467, %get3A_2468] {strides = array<i32>} : memref<64x128xf32, #tpu.memory_space<vmem>>, vector<16xf32>,
        %sub3A_2470 = arith.subf %get3A_2466, %get3A_2461 : vector<16xf32>
        %mul3A_2471 = arith.mulf %get3A_2469, %sub3A_2470 : vector<16xf32>
        %add3A_2472 = arith.addf %add3A_2456, %mul3A_2471 : vector<16xf32>
        %add3A_2473 = arith.constant 16 : i32
        %add3A_2474 = arith.addi %squeeze3A_2352, %add3A_2473 : i32
        %get3A_2475 = arith.index_cast %add3A_2346 : i32 to index
        %get3A_2476 = arith.index_cast %add3A_2474 : i32 to index
        %get3A_2477 = tpu.vector_load %arg12[%get3A_2475, %get3A_2476] {strides = array<i32>} : memref<64x128xf32, #tpu.memory_space<vmem>>, vector<16xf32>,
        %add3A_2478 = arith.constant 16 : i32
        %add3A_2479 = arith.addi %squeeze3A_2358, %add3A_2478 : i32
        %get3A_2480 = arith.index_cast %add3A_2346 : i32 to index
        %get3A_2481 = arith.index_cast %add3A_2479 : i32 to index
        %get3A_2482 = tpu.vector_load %arg15[%get3A_2480, %get3A_2481] {strides = array<i32>} : memref<64x128xf32, #tpu.memory_space<vmem>>, vector<16xf32>,
        %get3A_2483 = arith.index_cast %add3A_2346 : i32 to index
        %get3A_2484 = arith.constant 112 : index
        %get3A_2485 = tpu.vector_load %arg9[%get3A_2483, %get3A_2484] {strides = array<i32>} : memref<64x128xf32, #tpu.memory_space<vmem>>, vector<16xf32>,
        %sub3A_2486 = arith.subf %get3A_2482, %get3A_2477 : vector<16xf32>
        %mul3A_2487 = arith.mulf %get3A_2485, %sub3A_2486 : vector<16xf32>
        %add3A_2488 = arith.addf %add3A_2472, %mul3A_2487 : vector<16xf32>
        %swap3A_2489 = arith.index_cast %add3A_2346 : i32 to index
        %swap3A_2490 = arith.constant 0 : index
        %swap3A_2491 = tpu.vector_load %arg16[%swap3A_2489, %swap3A_2490] {strides = array<i32>} : memref<64x16xf32, #tpu.memory_space<vmem>>, vector<16xf32>,
        tpu.vector_store %arg16[%swap3A_2489, %swap3A_2490], %add3A_2488 {strides = array<i32>} : memref<64x16xf32, #tpu.memory_space<vmem>>, vector<16xf32>,
        %scan3A_2492 = arith.constant 0 : i32
        scf.yield %scan3A_2492 : i32
      }
      %scan3A_113 = arith.constant 4 : i32
      %mul3A_114 = arith.constant 64 : i32
      %mul3A_115 = arith.muli %scan3A_9, %mul3A_114 : i32
      %add3A_116 = arith.addi %mul3A_2, %mul3A_115 : i32
      "tpu.region"() ({
        %run_scoped3A = tpu.sem_alloc : memref<!tpu.dma_semaphore, #tpu.memory_space<semaphore_mem>>
        %dma_start3A_118 = arith.constant 0 : i32
        %dma_start3A_119 = tpu.memref_slice %arg7[%add3A_116, %dma_start3A_118] : memref<16384x16xf32, #tpu.memory_space<hbm>> -> memref<64x16xf32, #tpu.memory_space<hbm>>
        %dma_start3A_120 = arith.constant 0 : i32
        %dma_start3A_121 = tpu.memref_slice %arg7[%add3A_116, %dma_start3A_120] : memref<16384x16xf32, #tpu.memory_space<hbm>> -> memref<64x16xf32, #tpu.memory_space<hbm>>
        tpu.enqueue_dma source(%arg16 : memref<64x16xf32, #tpu.memory_space<vmem>>) target(%dma_start3A_121 : memref<64x16xf32, #tpu.memory_space<hbm>>) target_semaphore(%run_scoped3A : memref<!tpu.dma_semaphore, #tpu.memory_space<semaphore_mem>>)
        %dma_wait3A_122 = arith.constant 0 : i32
        %dma_wait3A_123 = tpu.memref_slice %arg7[%add3A_116, %dma_wait3A_122] : memref<16384x16xf32, #tpu.memory_space<hbm>> -> memref<64x16xf32, #tpu.memory_space<hbm>>
        %dma_wait3A_124 = arith.constant 0 : i32
        %dma_wait3A_125 = tpu.memref_slice %arg7[%add3A_116, %dma_wait3A_124] : memref<16384x16xf32, #tpu.memory_space<hbm>> -> memref<64x16xf32, #tpu.memory_space<hbm>>
        tpu.wait_dma2 semaphore(%run_scoped3A : memref<!tpu.dma_semaphore, #tpu.memory_space<semaphore_mem>>) src(%arg16 : memref<64x16xf32, #tpu.memory_space<vmem>>) dst(%dma_wait3A_125 : memref<64x16xf32, #tpu.memory_space<hbm>>)
        tpu.yield
      }) : () -> ()
      %scan3A_117 = arith.constant 0 : i32
      scf.yield %scan3A_117 : i32
    }
    %scan3A_8 = arith.constant 8 : i32
    return
  }
}

</mosaic_0001>

<sc_bundles>
// kernel: _sc_scores.3.cloned.1.call-start
scs
__scs_entry_jumppad:
0x0: {  	(pc) =	sbr.rel $0x88, $3  }
0x1: {  	(tag) =	ssettag $0x0;
	lr =	simm.s32 $0x1  }
0x2: {  	[smem:$0x3F9C] =	sst lr;
	_ =	strace $0xD0000000  }
0x3: {  	_ = 	snop  }
0x4: {  	_ = 	snop  }
0x5: {  	_ = 	snop  }
0x6: {  	_ = 	snop  }
0x7: {  	_ = 	snop  }
__scs_overlays_trampoline_lowered:
0x8: {  	[smem:$0x3FAB] =	sst s0  }
0x9: {  	[smem:$0x3FAC] =	sst s1  }
0xa: {  	[smem:$0x3FAD] =	sst s2  }
0xb: {  	[smem:$0x3FAE] =	sst s3  }
0xc: {  	[smem:$0x3FAF] =	sst s4  }
0xd: {  	[smem:$0x3FB0] =	sst s5  }
0xe: {  	[smem:$0x3FB1] =	sst s6  }
0xf: {  	[smem:$0x3FB2] =	sst s7  }
0x10: {  	[smem:$0x3FB3] =	sst s8  }
0x11: {  	[smem:$0x3FB4] =	sst s9;
	s0 =	simm.s32 @!p0 $0x0  }
0x12: {  	s1 =	sld [smem:$0x3F9A];
	s0 =	simm.s32 @p0 $0x1  }
0x13: {  	[smem:$0x3FB5] =	sst s0;
	s0 =	simm.s32 @!p1 $0x0  }
0x14: {  	s2 =	sld [smem:$0x3F99];
	s0 =	simm.s32 @p1 $0x1  }
0x15: {  	[smem:$0x3FB6] =	sst s0;
	s0 =	simm.s32 @!p2 $0x0  }
0x16: {  	s3 =	sld [smem:$0x3FDB];
	s0 =	simm.s32 @p2 $0x1  }
0x17: {  	s4 =	simm.s32 $0x1BF5;
	[smem:$0x3FB8] =	sst s0  }
0x18: {  	s0 =	sld [smem:$0x3F9B];
	_ =	swait.ge [sflag:s4], $0x0  }
0x19: {  	s7 =	sld [smem:$0x3F9C]  }
0x1a: {  	s8 =	sadd.s32 $0xFFFFE003, lr  }
0x1b: {  	s9 =	sadd.s32 $0xFFFFFEF7, lr;
	s5 =	simm.s32 $0xFFFFFFFF;
	p2 =	slt.u32 s8, $0xFFFFF086  }
0x1c: {  	p1 =	slt.u32 s9, $0xF7A;
	s5 =	simm.s32 @!p2 $0x0  }
0x1d: {  	s5 =	simm.s32 @p1 $0x1;
	p0 =	seq.s32 s7, s2  }
0x1e: {  	s7 =	smul.u32 @!p0 $0xF7A, s2;
	p2 =	seq.s32 @!p0 s5, $0x0  }
0x1f: {  	s9 =	smul.u32 $0xF7A, s1;
	s8 =	simm.s32 @!p0 $0x1BF5;
	p2 =	por !p2, p0  }
0x20: {  	[sflag:s8] =	ssyncset.s32 @!p0 $0xFFFFF086;
	s6 =	sadd.s32 @!p0 s3, s7;
	s7 =	simm.s32 @!p0 $0x108  }
0x21: {  	s3 =	sadd.s32 s3, s9;
	s6 =	sadd.s32 @!p0 $0x88, s6;
	s7 =	simm.s32 @p2 $0x1082  }
0x22: {  	[simem:s7], [sflag:s8] =	dma.local @!p0 [hbm:s6], $0xF7A  }
0x23: {  	s9 =	sor.u32 $0xD0000000, s2;
	s6 =	simm.s32 $0x108;
	_ =	swait.ge @!p0 [sflag:s8], $0x0  }
0x24: {  	s3 =	sadd.s32 $0x88, s3;
	s6 =	simm.s32 @!p1 $0x1082;
	[sflag:s4] =	ssyncset.s32 $0xFFFFF086  }
0x25: {  	[simem:s6], [sflag:s4] =	dma.local [hbm:s3], $0xF7A  }
0x26: {  	[smem:$0x3F9C] =	sst s1;
	(tag) =	ssettag s2;
	_ =	strace s9  }
0x27: {  	s1 =	sld [smem:$0x3FAC]  }
0x28: {  	s2 =	sld [smem:$0x3FAD]  }
0x29: {  	s4 =	sld [smem:$0x3FAF]  }
0x2a: {  	p0 =	seq.s32 s5, $0x0;
	s5 =	sld [smem:$0x3FB0]  }
0x2b: {  	s6 =	sld [smem:$0x3FB1]  }
0x2c: {  	s7 =	sld [smem:$0x3FB2]  }
0x2d: {  	s3 =	simm.s32 $0x108;
	s8 =	sld [smem:$0x3FB3]  }
0x2e: {  	s3 =	simm.s32 @!p0 $0x1082;
	s9 =	sld [smem:$0x3FB4]  }
0x2f: {  	lr =	sadd.s32 s0, s3;
	s0 =	sld [smem:$0x3FAB]  }
0x30: {  	s3 =	sld [smem:$0x3FAE]  }
0x31: {  	[smem:$0x3FB7] =	sst s10  }
0x32: {  	s10 =	sld [smem:$0x3FB5];
	_ =	sdelay $0x3  }
0x33: {  	p0 =	seq.s32 s10, $0x1;
	s10 =	sld [smem:$0x3FB7];
	_ =	sdelay $0x3  }
0x34: {  	[smem:$0x3FB7] =	sst s10  }
0x35: {  	s10 =	sld [smem:$0x3FB6];
	_ =	sdelay $0x3  }
0x36: {  	p1 =	seq.s32 s10, $0x1;
	s10 =	sld [smem:$0x3FB7];
	_ =	sdelay $0x3  }
0x37: {  	[smem:$0x3FB7] =	sst s10  }
0x38: {  	s10 =	sld [smem:$0x3FB8]  }
0x39: {  	_ = 	snop;
	(pc) =	sbr.ind lr, $3  }
0x3a: {  	_ = 	snop  }
0x3b: {  	_ = 	snop  }
0x3c: {  	p2 =	seq.s32 s10, $0x1;
	s10 =	sld [smem:$0x3FB7]  }
0x3d: {  	_ =	shalt  }
0x3e: {  	_ =	shalt  }
0x3f: {  	_ =	shalt  }
0x40: {  	_ =	shalt  }
0x41: {  	_ =	shalt  }
0x42: {  	_ =	shalt  }
0x43: {  	_ =	shalt  }
0x44: {  	_ =	shalt  }
0x45: {  	_ =	shalt  }
0x46: {  	_ =	shalt  }
0x47: {  	_ =	shalt  }
0x48: {  	_ =	shalt  }
0x49: {  	_ =	shalt  }
0x4a: {  	_ =	shalt  }
0x4b: {  	_ =	shalt  }
0x4c: {  	_ =	shalt  }
0x4d: {  	_ =	shalt  }
0x4e: {  	_ =	shalt  }
0x4f: {  	_ =	shalt  }
0x50: {  	_ =	shalt  }
0x51: {  	_ =	shalt  }
0x52: {  	_ =	shalt  }
0x53: {  	_ =	shalt  }
0x54: {  	_ =	shalt  }
0x55: {  	_ =	shalt  }
0x56: {  	_ =	shalt  }
0x57: {  	_ =	shalt  }
0x58: {  	_ =	shalt  }
0x59: {  	_ =	shalt  }
0x5a: {  	_ =	shalt  }
0x5b: {  	_ =	shalt  }
0x5c: {  	_ =	shalt  }
0x5d: {  	_ =	shalt  }
0x5e: {  	_ =	shalt  }
0x5f: {  	_ =	shalt  }
0x60: {  	_ =	shalt  }
0x61: {  	_ =	shalt  }
0x62: {  	_ =	shalt  }
0x63: {  	_ =	shalt  }
0x64: {  	_ =	shalt  }
0x65: {  	_ =	shalt  }
0x66: {  	_ =	shalt  }
0x67: {  	_ =	shalt  }
0x68: {  	_ =	shalt  }
0x69: {  	_ =	shalt  }
0x6a: {  	_ =	shalt  }
0x6b: {  	_ =	shalt  }
0x6c: {  	_ =	shalt  }
0x6d: {  	_ =	shalt  }
0x6e: {  	_ =	shalt  }
0x6f: {  	_ =	shalt  }
0x70: {  	_ =	shalt  }
0x71: {  	_ =	shalt  }
0x72: {  	_ =	shalt  }
0x73: {  	_ =	shalt  }
0x74: {  	_ =	shalt  }
0x75: {  	_ =	shalt  }
0x76: {  	_ =	shalt  }
0x77: {  	_ =	shalt  }
0x78: {  	_ =	shalt  }
0x79: {  	_ =	shalt  }
0x7a: {  	_ =	shalt  }
0x7b: {  	_ =	shalt  }
0x7c: {  	_ =	shalt  }
0x7d: {  	_ =	shalt  }
0x7e: {  	_ =	shalt  }
0x7f: {  	_ =	shalt  }
0x80: {  	_ =	shalt  }
0x81: {  	_ =	shalt  }
0x82: {  	_ =	shalt  }
0x83: {  	_ =	shalt  }
0x84: {  	_ =	shalt  }
0x85: {  	_ =	shalt  }
0x86: {  	_ =	shalt  }
0x87: {  	_ =	shalt  }
.Lfunc_end0:
.L_simem_size_0:
called_computation_lowered:
.L_overlay_start_0:
0x88: {  	s2 =	sld [smem:$0x3FD9]  }
0x89: {  	s3 =	sld [smem:$0x3FFE];
	_ =	sdelay $0x1  }
0x8a: {  	s1 =	srdreg.scid  }
0x8b: {  	s0 =	sand.u32 $0x1, s1  }
0x8c: {  	s17 =	sshll.u32 s0, $0xA;
	s2 =	sadd.s32 s3, s2  }
0x8d: {  	s2 =	sadd.s32 s2, s17  }
0x8e: {  	[smem:$0x3FC3] =	sst s2  }
0x8f: {  	_ = 	snop  }
0x90: {  	s2 =	sld [smem:$0x3FC8]  }
0x91: {  	s18 =	sld [smem:$0x3FC7]  }
0x92: {  	s4 =	sld [smem:$0x3FC6]  }
0x93: {  	s5 =	sld [smem:$0x3FC5];
	(tm) =	ssettm $0x1  }
0x94: {  	s6 =	sld [smem:$0x3FFB];
	_ =	sdelay $0x3  }
0x95: {  	_ =	strace s6  }
0x96: {  	s6 =	sld [smem:$0x3FFC];
	_ =	sdelay $0x3  }
0x97: {  	_ =	strace s6  }
0x98: {  	s6 =	sld [smem:$0x3FFD];
	_ =	sdelay $0x3  }
0x99: {  	_ =	strace s6  }
0x9a: {  	_ =	strace $0x8FFFFFFF  }
0x9b: {  	s19 =	sld [smem:$0x3FDB];
	_ =	sdelay $0x1  }
0x9c: {  	s7 =	simm.s32 $_scs_section_size  }
0x9d: {  	s8 =	simm.s32 $_size__tile_overlayer_lowered;
	s9 =	simm.s32 $_tile_overlayer_lowered  }
0x9e: {  	s22 =	simm.s32 $0x1BFF;
	s21 =	sshll.u32 s9, $0x1;
	s6 =	sadd.s32 s7, s19  }
0x9f: {  	s10 =	simm.s32 $0x0;
	s20 =	sshll.u32 s8, $0x1;
	s8 =	sadd.s32 s21, s6  }
0xa0: {  	[timem:s10], [sflag:s22] =	dma.local [hbm:s8], s20  }
0xa1: {  	_ =	swait.ge [sflag:s22], s20  }
0xa2: {  	s7 =	ssub.s32 $0x0, s20;
	[sflag:s22] =	ssyncset.done $0x0  }
0xa3: {  	[sflag:s22] =	ssyncadd.s32 s7;
	_ =	sdelay $0x1  }
0xa4: {  	s23 =	simm.s32 $0x1B8B  }
0xa5: {  	_ =	swait.ge [sflag:s23], $0x1  }
0xa6: {  	[sflag:s23] =	ssyncset.done $0x0  }
0xa7: {  	s25 =	simm.s32 $0x1B8E;
	s24 =	sld [smem:$0x3FFE];
	[sflag:s23] =	ssyncadd.s32 $0xFFFFFFFF  }
0xa8: {  	s26 =	simm.s32 $execute0_lowered;
	[smem:$0x3FD2] =	sst s25  }
0xa9: {  	s8 =	sshll.u32 s26, $0x1;
	_ =	strace $0x80000046;
	[dreg:$0x1] =	wrdreg $0xFFFFFFFF  }
0xaa: {  	s28 =	simm.s32 $_size_execute0_lowered;
	s6 =	sadd.s32 s6, s8;
	[dreg:$0x0] =	wrdreg $0x0  }
0xab: {  	s8 =	sshll.u32 s28, $0x1;
	[dreg:$0x2] =	wrdreg s6  }
0xac: {  	[dreg:$0x3] =	wrdreg s8  }
0xad: {  	[dreg:$0x4] =	wrdreg $0xC0  }
0xae: {  	_ =	task [dreg:s10], $0x5FFFF  }
0xaf: {  	[dreg:$0x1] =	wrdreg $0xFFFFFFFF  }
0xb0: {  	[dreg:$0x0] =	wrdreg $0x60  }
0xb1: {  	[dreg:$0x2] =	wrdreg s24  }
0xb2: {  	[dreg:$0x3] =	wrdreg s2  }
0xb3: {  	[dreg:$0x4] =	wrdreg s18  }
0xb4: {  	[dreg:$0x5] =	wrdreg s4  }
0xb5: {  	[dreg:$0x6] =	wrdreg s5  }
0xb6: {  	[dreg:$0x7] =	wrdreg $0x9  }
0xb7: {  	_ =	task.clear_ibuf [dreg:s10], $0x8FFFF;
	_ =	strace $0x90000046  }
0xb8: {  	s29 =	simm.s32 $0x9;
	_ =	strace $0x80000048  }
0xb9: {  	_ =	swait.ge [sflag:s29], $0x1  }
0xba: {  	[sflag:s29] =	ssyncadd.s32 $0xFFFFFFFF  }
0xbb: {  	_ =	strace $0x90000048  }
0xbc: {  	_ =	sfence  }
0xbd: {  	s30 =	sld [smem:$0x0];
	_ =	sdelay $0x2  }
0xbe: {  	s31 =	sshll.u32 s1, $0xD;
	s1 =	sshrl.u32 s1, $0x2  }
0xbf: {  	s3 =	sand.u32 $0x4000, s31;
	s1 =	sadd.s32 s1, s30  }
0xc0: {  	s0 =	sor.u32 s3, s0;
	s1 =	sshll.u32 s1, $0x11  }
0xc1: {  	s0 =	sor.u32 s1, s0  }
0xc2: {  	s0 =	sadd.s32 $0x8F2B, s0  }
0xc3: {  	[sflag:s0] =	ssyncadd.remote.s32 $0x1  }
0xc4: {  	_ =	sfence.sel $0xFFFF  }
0xc5: {  	[dreg:$0x0] =	wrdreg $0xFFFFFFFF;
	(pc) =	sbr.abs _section_cstart, $3  }
0xc6: {  	[dreg:$0x1] =	wrdreg $0xFFFFFFFF  }
0xc7: {  	_ =	task.clear_ibuf [dreg:s10], $0x2FFFF;
	_ =	strace $0x9FFFFFFF  }
0xc8: {  	(tm) =	ssettm $0x7FFFFFFF  }
0xc9: {  	_ =	shalt  }
tec
execute0_lowered:
.L_overlay_start_1:
0x0: {  	(tag) =	ssettag $0x1  }
0x1: {  	s0 =	rddreg [dreg:$0x0]  }
0x2: {  	s2 =	rddreg [dreg:$0x2]  }
0x3: {  	s3 =	rddreg [dreg:$0x3]  }
0x4: {  	s5 =	rddreg [dreg:$0x4];
	s6 =	simm.s32 $0x0;
	s4 =	srdreg.scid  }
0x5: {  	s1 =	stileid.u32;
	s10 =	simm.s32 $0x2;
	s11 =	simm.s32 $0x40  }
0x6: {  	s20 =	simm.s32 $0x8800;
	s21 =	simm.s32 $0x480;
	s22 =	simm.s32 $0xA800  }
0x7: {  	s23 =	simm.s32 $0x580;
	s24 =	simm.s32 $0xC800;
	s25 =	simm.s32 $0x1  }
0x8: {  	s26 =	simm.s32 $0xE800;
	s4 =	sand.u32 $0x1, s4;
	s7 =	sshll.u32 s1, $0x1  }
0x9: {  	[smem:$0x7FF] =	sst s6;
	s7 =	sor.u32 s4, s7;
	s4 =	ssub.s32 $0x2, s4  }
0xa: {  	s1 =	simm.s32 $0x0;
	_ =	strace $0x80000047;
	s9 =	sshrl.u32 s4, $0x1  }
0xb: {  	s8 =	sshll.u32 s7, $0xB;
	s7 =	sshll.u32 s7, $0xD;
	s4 =	ssub.s32 s4, s9  }
0xc: {  	s8 =	sadd.s32 s8, s0;
	s0 =	sadd.s32 s7, s0;
	s31 =	smax.u32 s4, $0x1  }
0xd: {  	s7 =	sadd.s32 $0x400, s8;
	s8 =	sadd.s32 $0x10400, s0;
	[dreg:$0x6] =	wrdreg s31  }
.LBB2_1:
0xe: {  	[dreg:$0x7] =	wrdreg s1;
	s29 =	simm.s32 $0x0  }
.LBB2_2:
0xf: {  	s0 =	sshll.u32 s29, $0x8  }
0x10: {  	s30 =	simm.s32 $0x0;
	s0 =	sadd.s32 s0, s7  }
0x11: {  	[tilespmem:s30], [sflag:$0x2] =	stream.linear.gather [hbm4b:s0+s30], $0x680, $0x38;
	[tilespmem:$0x10800] =	vst v63  }
0x12: {  	_ =	swait.ge [sflag:s10], $0x680  }
0x13: {  	[sflag:s10] =	ssyncset.done $0x0  }
0x14: {  	[sflag:s10] =	ssyncadd.s32 $0xFFFFF980  }
0x15: {  	s1 =	simm.s32 $0x800;
	s14 =	rddreg [dreg:$0x1]  }
0x16: {  	[tilespmem:s1], [sflag:$0x1] =	stream.indirect.gather [hbm4b:s14+s11], $0x80, s30, s11, $0xb8;
	[tilespmem:$0x10800] =	vst v63  }
0x17: {  	s15 =	simm.s32 $0x80;
	s16 =	simm.s32 $0x2800  }
0x18: {  	[tilespmem:s16], [sflag:$0x1] =	stream.indirect.gather [hbm4b:s2+s11], $0x80, s15, s11, $0xb8;
	[tilespmem:$0x10800] =	vst v63  }
0x19: {  	s17 =	simm.s32 $0x180;
	s18 =	simm.s32 $0x4800  }
0x1a: {  	[tilespmem:s18], [sflag:$0x1] =	stream.indirect.gather [hbm4b:s3+s11], $0x80, s17, s11, $0xb8;
	[tilespmem:$0x10800] =	vst v63  }
0x1b: {  	s19 =	simm.s32 $0x280;
	s28 =	simm.s32 $0x6800  }
0x1c: {  	[tilespmem:s28], [sflag:$0x1] =	stream.indirect.gather [hbm4b:s5+s11], $0x80, s19, s11, $0xb8;
	[tilespmem:$0x10800] =	vst v63  }
0x1d: {  	s31 =	simm.s32 $0x380  }
0x1e: {  	[tilespmem:s20], [sflag:$0x1] =	stream.indirect.gather [hbm4b:s2+s11], $0x80, s31, s11, $0xb8;
	[tilespmem:$0x10800] =	vst v63  }
0x1f: {  	_ = 	snop  }
0x20: {  	[tilespmem:s22], [sflag:$0x1] =	stream.indirect.gather [hbm4b:s3+s11], $0x80, s21, s11, $0xb8;
	[tilespmem:$0x10800] =	vst v63  }
0x21: {  	_ = 	snop  }
0x22: {  	[tilespmem:s24], [sflag:$0x1] =	stream.indirect.gather [hbm4b:s5+s11], $0x80, s23, s11, $0xb8;
	[tilespmem:$0x10800] =	vst v63  }
0x23: {  	_ =	swait.ge [sflag:s25], $0x2000  }
0x24: {  	[sflag:s25] =	ssyncset.done $0x0  }
0x25: {  	[sflag:s25] =	ssyncadd.s32 $0xFFFFE000  }
0x26: {  	_ =	swait.ge [sflag:s25], $0x2000  }
0x27: {  	[sflag:s25] =	ssyncset.done $0x0  }
0x28: {  	[sflag:s25] =	ssyncadd.s32 $0xFFFFE000  }
0x29: {  	_ =	swait.ge [sflag:s25], $0x2000  }
0x2a: {  	[sflag:s25] =	ssyncset.done $0x0  }
0x2b: {  	[sflag:s25] =	ssyncadd.s32 $0xFFFFE000  }
0x2c: {  	_ =	swait.ge [sflag:s25], $0x2000  }
0x2d: {  	[sflag:s25] =	ssyncset.done $0x0  }
0x2e: {  	[sflag:s25] =	ssyncadd.s32 $0xFFFFE000  }
0x2f: {  	_ =	swait.ge [sflag:s25], $0x2000  }
0x30: {  	[sflag:s25] =	ssyncset.done $0x0  }
0x31: {  	[sflag:s25] =	ssyncadd.s32 $0xFFFFE000  }
0x32: {  	_ =	swait.ge [sflag:s25], $0x2000  }
0x33: {  	[sflag:s25] =	ssyncset.done $0x0  }
0x34: {  	[sflag:s25] =	ssyncadd.s32 $0xFFFFE000  }
0x35: {  	_ =	swait.ge [sflag:s25], $0x2000  }
0x36: {  	[sflag:s25] =	ssyncset.done $0x0  }
0x37: {  	[sflag:s25] =	ssyncadd.s32 $0xFFFFE000  }
.LBB2_3:
0x38: {  	s0 =	sshll.u32 s30, $0x4  }
0x39: {  	v5 =	vld [tilespmem:s0+$0x100]  }
0x3a: {  	v4 =	vld [tilespmem:s0+$0x200];
	_ =	sdelay $0x1  }
0x3b: {  	v3 =	vld [tilespmem:s0+$0x300]  }
0x3c: {  	v2 =	vld [tilespmem:s0+$0x400]  }
0x3d: {  	v1 =	vld [tilespmem:s0+$0x500];
	(v2sf) =	vpush v5, $0x0  }
0x3e: {  	(v2sf) =	vpush v4, $0x0;
	_ =	sdelay $0x1  }
0x3f: {  	(v2sf) =	vpush v3, $0x0  }
0x40: {  	(v2sf) =	vpush v2, $0x0  }
0x41: {  	(v2sf) =	vpush v1, $0x0;
	_ =	sdelay $0x4  }
0x42: {  	v0 =	vld [tilespmem:s0+$0x600];
	_ =	sdelay $0x4  }
0x43: {  	s31 =	sshll.u32 s30, $0xB;
	(v2sf) =	vpush v0, $0x0;
	s28 =	spop (v2sf)  }
0x44: {  	s1 =	sadd.s32 $0x2800, s31;
	s14 =	sadd.s32 $0x8800, s31;
	s9 =	spop (v2sf)  }
0x45: {  	s4 =	sand.u32 $0xFFFFFF80, s28;
	s12 =	sand.u32 $0x7F, s28;
	s15 =	sadd.s32 $0x10, s28  }
0x46: {  	s0 =	spop (v2sf);
	s13 =	sadd.s32 s4, s1;
	s17 =	sand.u32 $0xFFFFFF80, s15  }
0x47: {  	s15 =	sand.u32 $0x7F, s15;
	s6 =	spop (v2sf);
	s12 =	sor.u32 s12, s13  }
0x48: {  	s17 =	sadd.s32 s17, s1;
	s4 =	spop (v2sf);
	s19 =	sand.u32 $0xFFFFFF80, s6  }
0x49: {  	s16 =	sand.u32 $0x7F, s6;
	s18 =	sadd.s32 $0x10, s6;
	s15 =	sor.u32 s15, s17  }
0x4a: {  	s13 =	sadd.s32 s19, s14;
	s17 =	sand.u32 $0xFFFFFF80, s18;
	s18 =	sand.u32 $0x7F, s18  }
0x4b: {  	v8 =	vld [tilespmem:s31+$0x800];
	s19 =	sadd.s32 $0x20, s28;
	s13 =	sor.u32 s16, s13;
	s16 =	sadd.s32 s17, s14  }
0x4c: {  	v6 =	vld [tilespmem:s12+$0x0];
	s12 =	sor.u32 s18, s16;
	s16 =	sand.u32 $0xFFFFFF80, s19;
	s18 =	sadd.s32 $0x20, s6  }
0x4d: {  	s17 =	sand.u32 $0x7F, s19;
	v7 =	vld [tilespmem:s13+$0x0];
	s13 =	sadd.s32 s16, s1;
	s19 =	sand.u32 $0xFFFFFF80, s18  }
0x4e: {  	v11 =	vld [tilespmem:s31+$0x810];
	s13 =	sor.u32 s17, s13;
	s17 =	sand.u32 $0x7F, s18;
	s19 =	sadd.s32 s19, s14  }
0x4f: {  	s6 =	sadd.s32 $0x30, s6;
	v10 =	vld [tilespmem:s12+$0x0];
	s16 =	sand.u32 $0xFFFFFF80, s9;
	s12 =	sor.u32 s17, s19  }
0x50: {  	v14 =	vld [tilespmem:s31+$0x820];
	s17 =	sadd.s32 $0x30, s28;
	s19 =	sand.u32 $0xFFFFFF80, s6;
	s6 =	sand.u32 $0x7F, s6  }
0x51: {  	v9 =	vld [tilespmem:s15+$0x0];
	s18 =	sand.u32 $0xFFFFFF80, s17;
	s15 =	sand.u32 $0x7F, s17;
	s28 =	sadd.s32 s19, s14  }
0x52: {  	v17 =	vld [tilespmem:s31+$0x830];
	s14 =	spop (v2sf);
	s17 =	sand.u32 $0x7F, s9;
	s19 =	sand.u32 $0xFFFFFF80, s4  }
0x53: {  	v19 =	vld [tilespmem:s31+$0x840];
	s9 =	sadd.s32 $0x10, s9;
	s1 =	sadd.s32 s18, s1;
	s6 =	sor.u32 s6, s28  }
0x54: {  	v12 =	vld [tilespmem:s13+$0x0];
	s28 =	sand.u32 $0x7F, s4;
	s1 =	sor.u32 s15, s1;
	s15 =	sadd.s32 $0x4800, s31  }
0x55: {  	(v2sf) =	vpush v5, $0x1;
	v13 =	vld [tilespmem:s12+$0x0];
	s13 =	sand.u32 $0xFFFFFF80, s9;
	s18 =	sadd.s32 s16, s15;
	s16 =	sadd.s32 $0xA800, s31  }
0x56: {  	s4 =	sadd.s32 $0x10, s4;
	v15 =	vld [tilespmem:s1+$0x0];
	s12 =	sadd.s32 s19, s16;
	s1 =	sor.u32 s17, s18  }
0x57: {  	v42 =	vld [tilespmem:s31+$0x850];
	(v2sf) =	vpush v4, $0x1;
	s17 =	sand.u32 $0x7F, s9;
	s18 =	sadd.s32 s13, s15;
	s19 =	sand.u32 $0xFFFFFF80, s4  }
0x58: {  	(v2sf) =	vpush v3, $0x1;
	v6 =	vsub.f32 v7, v6;
	v16 =	vld [tilespmem:s6+$0x0];
	s4 =	sand.u32 $0x7F, s4;
	s15 =	sand.u32 $0xFFFFFF80, s14;
	s6 =	sor.u32 s28, s12  }
0x59: {  	(v2sf) =	vpush v2, $0x1;
	v18 =	vld [tilespmem:s1+$0x0];
	s1 =	sor.u32 s17, s18;
	s28 =	sand.u32 $0xFFFFFF80, s0;
	s12 =	sadd.s32 $0x6800, s31  }
0x5a: {  	v38 =	vsub.f32 v10, v9;
	(v2sf) =	vpush v1, $0x1;
	v6 =	vmul.f32 v6, v8;
	s17 =	sand.u32 $0x7F, s14;
	v37 =	vld [tilespmem:s6+$0x0];
	s6 =	sadd.s32 s19, s16;
	s9 =	sadd.s32 s28, s12  }
0x5b: {  	v47 =	vld [tilespmem:s31+$0x860];
	s16 =	sadd.s32 $0xC800, s31;
	s4 =	sor.u32 s4, s6;
	s6 =	sand.u32 $0x7F, s0  }
0x5c: {  	v8 =	vmul.f32 v38, v11;
	v6 =	vadd.f32 $0.0e+00, v6;
	v41 =	vsub.f32 v13, v12;
	v39 =	vld [tilespmem:s1+$0x0];
	s28 =	sadd.s32 $0x10, s14;
	s0 =	sadd.s32 $0x10, s0;
	s13 =	sor.u32 s6, s9  }
0x5d: {  	v40 =	vld [tilespmem:s4+$0x0];
	s4 =	sadd.s32 s15, s16;
	s19 =	sand.u32 $0xFFFFFF80, s0;
	s0 =	sand.u32 $0x7F, s0  }
0x5e: {  	v6 =	vadd.f32 v8, v6;
	v44 =	vmul.f32 v41, v14;
	v45 =	vsub.f32 v16, v15;
	v43 =	vld [tilespmem:s13+$0x0];
	s18 =	sor.u32 s17, s4;
	s12 =	sadd.s32 s19, s12;
	s13 =	sand.u32 $0xFFFFFF80, s28  }
0x5f: {  	s14 =	sand.u32 $0x7F, s28;
	v46 =	vld [tilespmem:s18+$0x0];
	s0 =	sor.u32 s0, s12;
	s4 =	sadd.s32 s13, s16  }
0x60: {  	v6 =	vadd.f32 v44, v6;
	v48 =	vmul.f32 v45, v17;
	v7 =	vsub.f32 v37, v18;
	v49 =	vld [tilespmem:s0+$0x0];
	s15 =	sor.u32 s14, s4  }
0x61: {  	v50 =	vld [tilespmem:s15+$0x0]  }
0x62: {  	v6 =	vadd.f32 v48, v6;
	v7 =	vmul.f32 v7, v19;
	v51 =	vsub.f32 v40, v39  }
0x63: {  	v52 =	vld [tilespmem:s31+$0x870]  }
0x64: {  	s1 =	spop (v2sf);
	v6 =	vadd.f32 v7, v6;
	v53 =	vmul.f32 v51, v42;
	v54 =	vsub.f32 v46, v43  }
0x65: {  	s17 =	sand.u32 $0x7F, s1;
	s19 =	sadd.s32 $0x10, s1;
	s16 =	sand.u32 $0xFFFFFF80, s1  }
0x66: {  	s12 =	sadd.s32 $0x2880, s31;
	s28 =	sand.u32 $0xFFFFFF80, s19;
	s4 =	spop (v2sf);
	v6 =	vadd.f32 v53, v6;
	v55 =	vmul.f32 v54, v47;
	v56 =	vsub.f32 v50, v49  }
0x67: {  	s6 =	sadd.s32 s16, s12;
	s16 =	sand.u32 $0x7F, s19;
	s0 =	spop (v2sf)  }
0x68: {  	s6 =	sor.u32 s17, s6;
	s15 =	sadd.s32 $0x8880, s31;
	(v2sf) =	vpush v0, $0x1;
	s13 =	spop (v2sf);
	v6 =	vadd.f32 v55, v6;
	v57 =	vmul.f32 v56, v52  }
0x69: {  	s9 =	spop (v2sf);
	s18 =	sand.u32 $0xFFFFFF80, s13;
	s17 =	sand.u32 $0x7F, s13  }
0x6a: {  	s19 =	sadd.s32 $0x10, s13;
	s14 =	sadd.s32 s18, s15;
	s18 =	sadd.s32 s28, s12;
	v6 =	vadd.f32 v57, v6  }
0x6b: {  	s28 =	sadd.s32 $0x20, s1;
	s16 =	sor.u32 s16, s18;
	s18 =	sand.u32 $0xFFFFFF80, s19  }
0x6c: {  	v59 =	vld [tilespmem:s31+$0x880];
	s14 =	sor.u32 s17, s14;
	s19 =	sand.u32 $0x7F, s19;
	s17 =	sadd.s32 s18, s15;
	[tilespmem:s31+$0xE800] =	vst v6  }
0x6d: {  	s1 =	sadd.s32 $0x30, s1;
	s18 =	sand.u32 $0x7F, s28;
	v6 =	vld [tilespmem:s6+$0x0];
	s6 =	sor.u32 s19, s17  }
0x6e: {  	v58 =	vld [tilespmem:s14+$0x0];
	s17 =	sand.u32 $0xFFFFFF80, s28;
	s19 =	sadd.s32 $0x20, s13;
	s13 =	sadd.s32 $0x30, s13  }
0x6f: {  	v60 =	vld [tilespmem:s16+$0x0];
	s16 =	sadd.s32 $0xA880, s31;
	s14 =	sadd.s32 s17, s12;
	s28 =	sand.u32 $0xFFFFFF80, s19  }
0x70: {  	v62 =	vld [tilespmem:s31+$0x890];
	s19 =	sand.u32 $0x7F, s19;
	s14 =	sor.u32 s18, s14;
	s28 =	sadd.s32 s28, s15  }
0x71: {  	v61 =	vld [tilespmem:s6+$0x0];
	s18 =	sand.u32 $0xFFFFFF80, s1;
	s1 =	sand.u32 $0x7F, s1;
	s6 =	sor.u32 s19, s28  }
0x72: {  	v22 =	vld [tilespmem:s31+$0x8A0];
	s19 =	sand.u32 $0xFFFFFF80, s13;
	s12 =	sadd.s32 s18, s12;
	s13 =	sand.u32 $0x7F, s13  }
0x73: {  	v63 =	vld [tilespmem:s14+$0x0];
	s14 =	sadd.s32 $0x4880, s31;
	s18 =	sand.u32 $0xFFFFFF80, s9;
	s28 =	sadd.s32 s19, s15  }
0x74: {  	v25 =	vld [tilespmem:s31+$0x8B0];
	s1 =	sor.u32 s1, s12;
	s19 =	sand.u32 $0xFFFFFF80, s4;
	s12 =	sadd.s32 s18, s16  }
0x75: {  	v28 =	vld [tilespmem:s31+$0x8C0];
	(v2sf) =	vpush v5, $0x2;
	s13 =	sor.u32 s13, s28;
	s28 =	sand.u32 $0x7F, s4;
	s17 =	sadd.s32 s19, s14  }
0x76: {  	(v2sf) =	vpush v4, $0x2;
	v21 =	vld [tilespmem:s6+$0x0];
	s19 =	sand.u32 $0x7F, s9;
	s4 =	sadd.s32 $0x10, s4;
	s9 =	sadd.s32 $0x10, s9  }
0x77: {  	(v2sf) =	vpush v3, $0x2;
	v23 =	vld [tilespmem:s1+$0x0];
	s15 =	spop (v2sf);
	s1 =	sor.u32 s28, s17;
	s6 =	sor.u32 s19, s12  }
0x78: {  	(v2sf) =	vpush v2, $0x2;
	v24 =	vld [tilespmem:s13+$0x0];
	s28 =	sand.u32 $0xFFFFFF80, s4;
	s13 =	sand.u32 $0x7F, s4;
	s18 =	sand.u32 $0xFFFFFF80, s9  }
0x79: {  	v33 =	vld [tilespmem:s31+$0x8D0];
	v6 =	vsub.f32 v58, v6;
	s19 =	sand.u32 $0x7F, s9;
	s12 =	sadd.s32 $0x6880, s31;
	s17 =	sadd.s32 s28, s14  }
0x7a: {  	v27 =	vld [tilespmem:s6+$0x0];
	s4 =	sadd.s32 s18, s16;
	s28 =	sand.u32 $0xFFFFFF80, s0;
	s6 =	sand.u32 $0x7F, s0  }
0x7b: {  	v38 =	vld [tilespmem:s31+$0x8E0];
	(v2sf) =	vpush v1, $0x2;
	v29 =	vsub.f32 v61, v60;
	v6 =	vmul.f32 v6, v59;
	s14 =	sand.u32 $0xFFFFFF80, s15;
	s16 =	sadd.s32 $0xC880, s31;
	s0 =	sadd.s32 $0x10, s0  }
0x7c: {  	v26 =	vld [tilespmem:s1+$0x0];
	s1 =	sor.u32 s13, s17;
	s4 =	sor.u32 s19, s4;
	s9 =	sadd.s32 s28, s12  }
0x7d: {  	v8 =	vmul.f32 v29, v62;
	s17 =	sand.u32 $0x7F, s15;
	s19 =	sand.u32 $0xFFFFFF80, s0;
	s28 =	sadd.s32 $0x10, s15;
	v30 =	vld [tilespmem:s1+$0x0];
	v6 =	vadd.f32 $0.0e+00, v6;
	v32 =	vsub.f32 v21, v63  }
0x7e: {  	s0 =	sand.u32 $0x7F, s0;
	v31 =	vld [tilespmem:s4+$0x0];
	s13 =	sor.u32 s6, s9;
	s4 =	sadd.s32 s14, s16  }
0x7f: {  	s12 =	sadd.s32 s19, s12;
	v34 =	vld [tilespmem:s13+$0x0];
	s18 =	sor.u32 s17, s4;
	s13 =	sand.u32 $0xFFFFFF80, s28;
	v6 =	vadd.f32 v8, v6;
	v35 =	vmul.f32 v32, v22;
	v36 =	vsub.f32 v24, v23  }
0x80: {  	s14 =	sand.u32 $0x7F, s28;
	s0 =	sor.u32 s0, s12;
	v37 =	vld [tilespmem:s18+$0x0];
	s4 =	sadd.s32 s13, s16  }
0x81: {  	v40 =	vld [tilespmem:s0+$0x0];
	v7 =	vsub.f32 v27, v26;
	s15 =	sor.u32 s14, s4;
	v6 =	vadd.f32 v35, v6;
	v39 =	vmul.f32 v36, v25  }
0x82: {  	(v2sf) =	vpush v0, $0x2;
	v41 =	vld [tilespmem:s15+$0x0]  }
0x83: {  	v7 =	vmul.f32 v7, v28;
	v42 =	vsub.f32 v31, v30;
	v6 =	vadd.f32 v39, v6  }
0x84: {  	v43 =	vld [tilespmem:s31+$0x8F0];
	s1 =	spop (v2sf)  }
0x85: {  	s9 =	spop (v2sf);
	v44 =	vmul.f32 v42, v33;
	v45 =	vsub.f32 v37, v34;
	v6 =	vadd.f32 v7, v6  }
0x86: {  	s17 =	sand.u32 $0x7F, s1;
	s0 =	spop (v2sf)  }
0x87: {  	s16 =	sand.u32 $0xFFFFFF80, s1;
	s6 =	spop (v2sf);
	s14 =	sadd.s32 $0x2900, s31;
	v46 =	vmul.f32 v45, v38;
	v47 =	vsub.f32 v41, v40;
	v6 =	vadd.f32 v44, v6  }
0x88: {  	s12 =	sadd.s32 s16, s14;
	s18 =	sand.u32 $0xFFFFFF80, s6;
	s16 =	sadd.s32 $0x8900, s31  }
0x89: {  	s28 =	sadd.s32 $0x10, s1;
	s19 =	sand.u32 $0x7F, s6;
	s15 =	sadd.s32 s18, s16;
	v48 =	vmul.f32 v47, v43;
	v6 =	vadd.f32 v46, v6  }
0x8a: {  	s4 =	spop (v2sf);
	s13 =	sor.u32 s19, s15;
	s19 =	sand.u32 $0xFFFFFF80, s28  }
0x8b: {  	s18 =	sadd.s32 $0x10, s6;
	s28 =	sand.u32 $0x7F, s28;
	s15 =	sadd.s32 s19, s14;
	v6 =	vadd.f32 v48, v6  }
0x8c: {  	s12 =	sor.u32 s17, s12;
	s19 =	sand.u32 $0xFFFFFF80, s18;
	s15 =	sor.u32 s28, s15  }
0x8d: {  	v51 =	vld [tilespmem:s31+$0x900];
	s28 =	sadd.s32 $0x20, s1;
	s17 =	sadd.s32 s19, s16;
	s1 =	sadd.s32 $0x30, s1;
	[tilespmem:s31+$0xE880] =	vst v6  }
0x8e: {  	s19 =	sand.u32 $0xFFFFFF80, s28;
	s28 =	sand.u32 $0x7F, s28;
	v6 =	vld [tilespmem:s12+$0x0];
	s12 =	sand.u32 $0x7F, s18  }
0x8f: {  	v53 =	vld [tilespmem:s31+$0x910];
	s18 =	sadd.s32 s19, s14;
	s19 =	sadd.s32 $0x20, s6;
	s6 =	sadd.s32 $0x30, s6  }
0x90: {  	v49 =	vld [tilespmem:s13+$0x0];
	s12 =	sor.u32 s12, s17;
	s13 =	sor.u32 s28, s18;
	s18 =	sand.u32 $0xFFFFFF80, s19  }
0x91: {  	v50 =	vld [tilespmem:s15+$0x0];
	s28 =	spop (v2sf);
	s19 =	sand.u32 $0x7F, s19;
	s15 =	sadd.s32 s18, s16  }
0x92: {  	v52 =	vld [tilespmem:s12+$0x0];
	s18 =	sand.u32 $0xFFFFFF80, s1;
	s1 =	sand.u32 $0x7F, s1;
	s12 =	sor.u32 s19, s15  }
0x93: {  	v54 =	vld [tilespmem:s13+$0x0];
	s19 =	sand.u32 $0xFFFFFF80, s6;
	s18 =	sadd.s32 s18, s14;
	s6 =	sand.u32 $0x7F, s6  }
0x94: {  	v56 =	vld [tilespmem:s31+$0x920];
	s15 =	sand.u32 $0xFFFFFF80, s9;
	s14 =	sadd.s32 $0x4900, s31;
	s19 =	sadd.s32 s19, s16  }
0x95: {  	v59 =	vld [tilespmem:s31+$0x930];
	s1 =	sor.u32 s1, s18;
	s16 =	sand.u32 $0x7F, s9;
	s17 =	sadd.s32 s15, s14  }
0x96: {  	v62 =	vld [tilespmem:s31+$0x940];
	s18 =	sand.u32 $0xFFFFFF80, s4;
	s15 =	sadd.s32 $0xA900, s31;
	s9 =	sadd.s32 $0x10, s9  }
0x97: {  	(v2sf) =	vpush v5, $0x3;
	v55 =	vld [tilespmem:s12+$0x0];
	s6 =	sor.u32 s6, s19;
	s19 =	sand.u32 $0x7F, s4;
	s12 =	sadd.s32 s18, s15  }
0x98: {  	(v2sf) =	vpush v4, $0x3;
	v57 =	vld [tilespmem:s1+$0x0];
	s1 =	sor.u32 s16, s17;
	s13 =	sand.u32 $0xFFFFFF80, s9;
	s16 =	sand.u32 $0x7F, s9  }
0x99: {  	(v2sf) =	vpush v3, $0x3;
	s4 =	sadd.s32 $0x10, s4;
	v58 =	vld [tilespmem:s6+$0x0];
	s6 =	sor.u32 s19, s12;
	s17 =	sadd.s32 s13, s14  }
0x9a: {  	(v2sf) =	vpush v2, $0x3;
	v6 =	vsub.f32 v49, v6;
	v60 =	vld [tilespmem:s1+$0x0];
	s18 =	sand.u32 $0xFFFFFF80, s4;
	s4 =	sand.u32 $0x7F, s4;
	s19 =	sand.u32 $0xFFFFFF80, s0  }
0x9b: {  	s12 =	sadd.s32 $0x6900, s31;
	v61 =	vld [tilespmem:s6+$0x0];
	s1 =	sor.u32 s16, s17;
	s6 =	sadd.s32 s18, s15  }
0x9c: {  	v22 =	vld [tilespmem:s31+$0x950];
	v6 =	vmul.f32 v6, v51;
	v8 =	vsub.f32 v52, v50;
	s13 =	sadd.s32 s19, s12;
	s15 =	sand.u32 $0xFFFFFF80, s28;
	s16 =	sadd.s32 $0xC900, s31  }
0x9d: {  	v27 =	vld [tilespmem:s31+$0x960];
	(v2sf) =	vpush v1, $0x3;
	s17 =	sand.u32 $0x7F, s28;
	s4 =	sor.u32 s4, s6;
	s6 =	sand.u32 $0x7F, s0  }
0x9e: {  	s28 =	sadd.s32 $0x10, s28;
	v63 =	vld [tilespmem:s1+$0x0];
	s0 =	sadd.s32 $0x10, s0;
	s14 =	sor.u32 s6, s13;
	v6 =	vadd.f32 $0.0e+00, v6;
	v8 =	vmul.f32 v8, v53;
	v21 =	vsub.f32 v55, v54  }
0x9f: {  	v20 =	vld [tilespmem:s4+$0x0];
	s4 =	sadd.s32 s15, s16;
	s19 =	sand.u32 $0xFFFFFF80, s0;
	s0 =	sand.u32 $0x7F, s0  }
0xa0: {  	s13 =	sand.u32 $0xFFFFFF80, s28;
	v23 =	vld [tilespmem:s14+$0x0];
	s18 =	sor.u32 s17, s4;
	s12 =	sadd.s32 s19, s12;
	v6 =	vadd.f32 v8, v6;
	v24 =	vmul.f32 v21, v56;
	v25 =	vsub.f32 v58, v57  }
0xa1: {  	s14 =	sand.u32 $0x7F, s28;
	s4 =	sadd.s32 s13, s16;
	v26 =	vld [tilespmem:s18+$0x0];
	s0 =	sor.u32 s0, s12  }
0xa2: {  	s15 =	sor.u32 s14, s4;
	v7 =	vsub.f32 v61, v60;
	v29 =	vld [tilespmem:s0+$0x0];
	v6 =	vadd.f32 v24, v6;
	v28 =	vmul.f32 v25, v59  }
0xa3: {  	v30 =	vld [tilespmem:s15+$0x0]  }
0xa4: {  	v7 =	vmul.f32 v7, v62;
	v31 =	vsub.f32 v20, v63;
	v6 =	vadd.f32 v28, v6  }
0xa5: {  	v32 =	vld [tilespmem:s31+$0x970]  }
0xa6: {  	v33 =	vmul.f32 v31, v22;
	v34 =	vsub.f32 v26, v23;
	s1 =	spop (v2sf);
	v6 =	vadd.f32 v7, v6  }
0xa7: {  	s13 =	sadd.s32 $0x2980, s31;
	s15 =	sadd.s32 $0x8980, s31;
	s4 =	spop (v2sf)  }
0xa8: {  	v36 =	vsub.f32 v30, v29;
	v35 =	vmul.f32 v34, v27;
	s16 =	sand.u32 $0xFFFFFF80, s1;
	s17 =	sand.u32 $0x7F, s1;
	s0 =	spop (v2sf);
	v6 =	vadd.f32 v33, v6  }
0xa9: {  	s28 =	sadd.s32 $0x10, s1;
	s9 =	sadd.s32 s16, s13;
	s6 =	spop (v2sf)  }
0xaa: {  	(v2sf) =	vpush v0, $0x3;
	v37 =	vmul.f32 v36, v32;
	s16 =	sand.u32 $0xFFFFFF80, s28;
	s9 =	sor.u32 s17, s9;
	v6 =	vadd.f32 v35, v6;
	s18 =	sand.u32 $0xFFFFFF80, s6  }
0xab: {  	s17 =	sand.u32 $0x7F, s28;
	s19 =	sand.u32 $0x7F, s6;
	s14 =	sadd.s32 s18, s15  }
0xac: {  	v6 =	vadd.f32 v37, v6;
	s12 =	sor.u32 s19, s14;
	s14 =	sadd.s32 s16, s13;
	s19 =	sadd.s32 $0x10, s6  }
0xad: {  	s18 =	spop (v2sf);
	s14 =	sor.u32 s17, s14;
	s28 =	sand.u32 $0xFFFFFF80, s19  }
0xae: {  	v40 =	vld [tilespmem:s31+$0x980];
	s17 =	sand.u32 $0x7F, s19;
	s19 =	sadd.s32 $0x20, s1;
	s1 =	sadd.s32 $0x30, s1;
	[tilespmem:s31+$0xE900] =	vst v6  }
0xaf: {  	s16 =	sadd.s32 s28, s15;
	s28 =	sand.u32 $0xFFFFFF80, s19;
	s19 =	sand.u32 $0x7F, s19;
	v6 =	vld [tilespmem:s9+$0x0]  }
0xb0: {  	v38 =	vld [tilespmem:s12+$0x0];
	s9 =	sor.u32 s17, s16;
	s16 =	sadd.s32 $0x20, s6;
	s12 =	sadd.s32 s28, s13  }
0xb1: {  	v42 =	vld [tilespmem:s31+$0x990];
	s6 =	sadd.s32 $0x30, s6;
	s28 =	sand.u32 $0xFFFFFF80, s16;
	s12 =	sor.u32 s19, s12  }
0xb2: {  	v45 =	vld [tilespmem:s31+$0x9A0];
	s16 =	sand.u32 $0x7F, s16;
	s19 =	sand.u32 $0xFFFFFF80, s1;
	s1 =	sand.u32 $0x7F, s1  }
0xb3: {  	v48 =	vld [tilespmem:s31+$0x9B0];
	s17 =	sadd.s32 s28, s15;
	s28 =	sand.u32 $0xFFFFFF80, s6;
	s13 =	sadd.s32 s19, s13  }
0xb4: {  	v41 =	vld [tilespmem:s9+$0x0];
	s6 =	sand.u32 $0x7F, s6;
	s19 =	sand.u32 $0xFFFFFF80, s4;
	s9 =	sor.u32 s16, s17  }
0xb5: {  	v51 =	vld [tilespmem:s31+$0x9C0];
	s17 =	sadd.s32 s28, s15;
	s1 =	sor.u32 s1, s13;
	s28 =	sand.u32 $0x7F, s4  }
0xb6: {  	v39 =	vld [tilespmem:s14+$0x0];
	s13 =	sadd.s32 $0x4980, s31;
	s15 =	sadd.s32 $0xA980, s31;
	s4 =	sadd.s32 $0x10, s4  }
0xb7: {  	v43 =	vld [tilespmem:s12+$0x0];
	s6 =	sor.u32 s6, s17;
	s16 =	sadd.s32 s19, s13;
	s17 =	sand.u32 $0xFFFFFF80, s18  }
0xb8: {  	(v2sf) =	vpush v5, $0x4;
	v44 =	vld [tilespmem:s9+$0x0];
	s19 =	sand.u32 $0x7F, s18;
	s12 =	sand.u32 $0x7F, s4;
	s9 =	sadd.s32 s17, s15  }
0xb9: {  	v46 =	vld [tilespmem:s1+$0x0];
	s1 =	sor.u32 s28, s16;
	s28 =	sand.u32 $0xFFFFFF80, s4;
	s14 =	spop (v2sf);
	(v2sf) =	vpush v4, $0x4  }
0xba: {  	v47 =	vld [tilespmem:s6+$0x0];
	s17 =	sadd.s32 $0x10, s18;
	v6 =	vsub.f32 v38, v6;
	s6 =	sor.u32 s19, s9;
	s16 =	sadd.s32 s28, s13;
	(v2sf) =	vpush v3, $0x4  }
0xbb: {  	v55 =	vld [tilespmem:s31+$0x9D0];
	s18 =	sand.u32 $0xFFFFFF80, s17;
	s19 =	sand.u32 $0x7F, s17;
	s28 =	sand.u32 $0xFFFFFF80, s0;
	(v2sf) =	vpush v2, $0x4  }
0xbc: {  	v49 =	vld [tilespmem:s1+$0x0];
	s1 =	sor.u32 s12, s16;
	s4 =	sadd.s32 s18, s15;
	s12 =	sadd.s32 $0x6980, s31;
	v6 =	vmul.f32 v6, v40  }
0xbd: {  	v8 =	vsub.f32 v41, v39;
	v50 =	vld [tilespmem:s6+$0x0];
	s6 =	sand.u32 $0x7F, s0;
	s16 =	sadd.s32 $0xC980, s31;
	s0 =	sadd.s32 $0x10, s0  }
0xbe: {  	v60 =	vld [tilespmem:s31+$0x9E0];
	s4 =	sor.u32 s19, s4;
	s9 =	sadd.s32 s28, s12;
	s15 =	sand.u32 $0xFFFFFF80, s14;
	v6 =	vadd.f32 $0.0e+00, v6  }
0xbf: {  	v52 =	vld [tilespmem:s1+$0x0];
	v8 =	vmul.f32 v8, v42;
	s17 =	sand.u32 $0x7F, s14;
	s19 =	sand.u32 $0xFFFFFF80, s0;
	s28 =	sadd.s32 $0x10, s14;
	v54 =	vsub.f32 v44, v43;
	(v2sf) =	vpush v1, $0x4  }
0xc0: {  	s0 =	sand.u32 $0x7F, s0;
	v53 =	vld [tilespmem:s4+$0x0];
	s13 =	sor.u32 s6, s9;
	s4 =	sadd.s32 s15, s16  }
0xc1: {  	s12 =	sadd.s32 s19, s12;
	v56 =	vld [tilespmem:s13+$0x0];
	s18 =	sor.u32 s17, s4;
	v58 =	vsub.f32 v47, v46;
	s13 =	sand.u32 $0xFFFFFF80, s28;
	v6 =	vadd.f32 v8, v6;
	v57 =	vmul.f32 v54, v45  }
0xc2: {  	s14 =	sand.u32 $0x7F, s28;
	s0 =	sor.u32 s0, s12;
	v59 =	vld [tilespmem:s18+$0x0];
	s4 =	sadd.s32 s13, s16  }
0xc3: {  	v62 =	vld [tilespmem:s0+$0x0];
	v61 =	vmul.f32 v58, v48;
	v7 =	vsub.f32 v50, v49;
	s15 =	sor.u32 s14, s4;
	v6 =	vadd.f32 v57, v6  }
0xc4: {  	v63 =	vld [tilespmem:s15+$0x0]  }
0xc5: {  	v7 =	vmul.f32 v7, v51;
	v19 =	vsub.f32 v53, v52;
	v6 =	vadd.f32 v61, v6  }
0xc6: {  	v20 =	vld [tilespmem:s31+$0x9F0]  }
0xc7: {  	s1 =	spop (v2sf);
	v21 =	vmul.f32 v19, v55;
	v22 =	vsub.f32 v59, v56;
	v6 =	vadd.f32 v7, v6  }
0xc8: {  	s17 =	sand.u32 $0x7F, s1;
	s28 =	sadd.s32 $0x10, s1;
	s4 =	spop (v2sf)  }
0xc9: {  	s16 =	sand.u32 $0xFFFFFF80, s1;
	s13 =	sadd.s32 $0x2A00, s31;
	v23 =	vmul.f32 v22, v60;
	v24 =	vsub.f32 v63, v62;
	v6 =	vadd.f32 v21, v6;
	s0 =	spop (v2sf)  }
0xca: {  	s9 =	sadd.s32 s16, s13;
	s16 =	sand.u32 $0xFFFFFF80, s28;
	s6 =	spop (v2sf)  }
0xcb: {  	s15 =	sadd.s32 $0x8A00, s31;
	s9 =	sor.u32 s17, s9;
	v25 =	vmul.f32 v24, v20;
	v6 =	vadd.f32 v23, v6;
	s18 =	sand.u32 $0xFFFFFF80, s6  }
0xcc: {  	s17 =	sand.u32 $0x7F, s28;
	s19 =	sand.u32 $0x7F, s6;
	s14 =	sadd.s32 s18, s15  }
0xcd: {  	(v2sf) =	vpush v0, $0x4;
	v6 =	vadd.f32 v25, v6;
	s12 =	sor.u32 s19, s14;
	s14 =	sadd.s32 s16, s13;
	s19 =	sadd.s32 $0x10, s6  }
0xce: {  	s18 =	spop (v2sf);
	s14 =	sor.u32 s17, s14;
	s28 =	sand.u32 $0xFFFFFF80, s19  }
0xcf: {  	[tilespmem:s31+$0xE980] =	vst v6;
	s17 =	sand.u32 $0x7F, s19;
	s19 =	sadd.s32 $0x20, s1;
	s1 =	sadd.s32 $0x30, s1  }
0xd0: {  	v6 =	vld [tilespmem:s9+$0x0];
	s16 =	sadd.s32 s28, s15;
	s28 =	sand.u32 $0xFFFFFF80, s19;
	s19 =	sand.u32 $0x7F, s19  }
0xd1: {  	v26 =	vld [tilespmem:s12+$0x0];
	s9 =	sor.u32 s17, s16;
	s16 =	sadd.s32 $0x20, s6;
	s12 =	sadd.s32 s28, s13  }
0xd2: {  	v28 =	vld [tilespmem:s31+$0xA00];
	s6 =	sadd.s32 $0x30, s6;
	s28 =	sand.u32 $0xFFFFFF80, s16;
	s12 =	sor.u32 s19, s12  }
0xd3: {  	v30 =	vld [tilespmem:s31+$0xA10];
	(v2sf) =	vpush v5, $0x5;
	s16 =	sand.u32 $0x7F, s16;
	s19 =	sand.u32 $0xFFFFFF80, s1;
	s1 =	sand.u32 $0x7F, s1  }
0xd4: {  	v33 =	vld [tilespmem:s31+$0xA20];
	s17 =	sadd.s32 s28, s15;
	s28 =	sand.u32 $0xFFFFFF80, s6;
	s13 =	sadd.s32 s19, s13  }
0xd5: {  	(v2sf) =	vpush v4, $0x5;
	v29 =	vld [tilespmem:s9+$0x0];
	s6 =	sand.u32 $0x7F, s6;
	s19 =	sand.u32 $0xFFFFFF80, s4;
	s9 =	sor.u32 s16, s17  }
0xd6: {  	v36 =	vld [tilespmem:s31+$0xA30];
	s17 =	sadd.s32 s28, s15;
	s1 =	sor.u32 s1, s13;
	s28 =	sand.u32 $0x7F, s4  }
0xd7: {  	v27 =	vld [tilespmem:s14+$0x0];
	s13 =	sadd.s32 $0x4A00, s31;
	s15 =	sadd.s32 $0xAA00, s31;
	s4 =	sadd.s32 $0x10, s4  }
0xd8: {  	v31 =	vld [tilespmem:s12+$0x0];
	s6 =	sor.u32 s6, s17;
	s16 =	sadd.s32 s19, s13;
	s17 =	sand.u32 $0xFFFFFF80, s18  }
0xd9: {  	v32 =	vld [tilespmem:s9+$0x0];
	s19 =	sand.u32 $0x7F, s18;
	s12 =	sand.u32 $0x7F, s4;
	s9 =	sadd.s32 s17, s15  }
0xda: {  	v34 =	vld [tilespmem:s1+$0x0];
	s1 =	sor.u32 s28, s16;
	s28 =	sand.u32 $0xFFFFFF80, s4;
	s17 =	sadd.s32 $0x10, s18  }
0xdb: {  	v35 =	vld [tilespmem:s6+$0x0];
	s6 =	sor.u32 s19, s9;
	s16 =	sadd.s32 s28, s13;
	s18 =	sand.u32 $0xFFFFFF80, s17  }
0xdc: {  	v39 =	vld [tilespmem:s31+$0xA40];
	v6 =	vsub.f32 v26, v6;
	s19 =	sand.u32 $0x7F, s17;
	s28 =	sand.u32 $0xFFFFFF80, s0;
	s14 =	spop (v2sf);
	(v2sf) =	vpush v3, $0x5  }
0xdd: {  	v37 =	vld [tilespmem:s1+$0x0];
	s1 =	sor.u32 s12, s16;
	s4 =	sadd.s32 s18, s15;
	s12 =	sadd.s32 $0x6A00, s31;
	(v2sf) =	vpush v2, $0x5  }
0xde: {  	v6 =	vmul.f32 v6, v28;
	v38 =	vld [tilespmem:s6+$0x0];
	s6 =	sand.u32 $0x7F, s0;
	s16 =	sadd.s32 $0xCA00, s31;
	s0 =	sadd.s32 $0x10, s0  }
0xdf: {  	v43 =	vld [tilespmem:s31+$0xA50];
	v8 =	vsub.f32 v29, v27;
	s4 =	sor.u32 s19, s4;
	s9 =	sadd.s32 s28, s12;
	s19 =	sand.u32 $0xFFFFFF80, s0  }
0xe0: {  	v6 =	vadd.f32 $0.0e+00, v6;
	v40 =	vld [tilespmem:s1+$0x0];
	s0 =	sand.u32 $0x7F, s0;
	s13 =	sor.u32 s6, s9;
	s15 =	sand.u32 $0xFFFFFF80, s14  }
0xe1: {  	v8 =	vmul.f32 v8, v30;
	v41 =	vld [tilespmem:s4+$0x0];
	v42 =	vsub.f32 v32, v31;
	s17 =	sand.u32 $0x7F, s14;
	s28 =	sadd.s32 $0x10, s14;
	s12 =	sadd.s32 s19, s12;
	(v2sf) =	vpush v1, $0x5  }
0xe2: {  	s1 =	spop (v2sf);
	s4 =	sadd.s32 s15, s16;
	v44 =	vld [tilespmem:s13+$0x0];
	s13 =	sand.u32 $0xFFFFFF80, s28  }
0xe3: {  	v48 =	vld [tilespmem:s31+$0xA60];
	v6 =	vadd.f32 v8, v6;
	v46 =	vsub.f32 v35, v34;
	s14 =	sand.u32 $0x7F, s28;
	s18 =	sor.u32 s17, s4;
	v45 =	vmul.f32 v42, v33;
	s4 =	sadd.s32 s13, s16  }
0xe4: {  	s0 =	sor.u32 s0, s12;
	v47 =	vld [tilespmem:s18+$0x0];
	s15 =	sor.u32 s14, s4;
	s4 =	spop (v2sf);
	(v2sf) =	vpush v0, $0x5  }
0xe5: {  	v50 =	vld [tilespmem:s0+$0x0];
	v49 =	vmul.f32 v46, v36;
	v7 =	vsub.f32 v38, v37;
	v6 =	vadd.f32 v45, v6  }
0xe6: {  	v51 =	vld [tilespmem:s15+$0x0]  }
0xe7: {  	v7 =	vmul.f32 v7, v39;
	v52 =	vsub.f32 v41, v40;
	v6 =	vadd.f32 v49, v6  }
0xe8: {  	v53 =	vld [tilespmem:s31+$0xA70]  }
0xe9: {  	v54 =	vmul.f32 v52, v43;
	v6 =	vadd.f32 v7, v6;
	v55 =	vsub.f32 v47, v44  }
0xea: {  	s28 =	sadd.s32 $0x10, s1;
	s16 =	sand.u32 $0xFFFFFF80, s1  }
0xeb: {  	s17 =	sand.u32 $0x7F, s1;
	s13 =	sadd.s32 $0x2A80, s31;
	v57 =	vsub.f32 v51, v50;
	v6 =	vadd.f32 v54, v6;
	v56 =	vmul.f32 v55, v48;
	s0 =	spop (v2sf)  }
0xec: {  	s9 =	sadd.s32 s16, s13;
	s16 =	sand.u32 $0xFFFFFF80, s28;
	s6 =	spop (v2sf)  }
0xed: {  	s15 =	sadd.s32 $0x8A80, s31;
	s9 =	sor.u32 s17, s9;
	v58 =	vmul.f32 v57, v53;
	v6 =	vadd.f32 v56, v6;
	s18 =	sand.u32 $0xFFFFFF80, s6  }
0xee: {  	s17 =	sand.u32 $0x7F, s28;
	s19 =	sand.u32 $0x7F, s6;
	s14 =	sadd.s32 s18, s15  }
0xef: {  	v6 =	vadd.f32 v58, v6;
	s12 =	sor.u32 s19, s14;
	s14 =	sadd.s32 s16, s13;
	s19 =	sadd.s32 $0x10, s6  }
0xf0: {  	s18 =	spop (v2sf);
	s14 =	sor.u32 s17, s14;
	s28 =	sand.u32 $0xFFFFFF80, s19  }
0xf1: {  	v61 =	vld [tilespmem:s31+$0xA80];
	[tilespmem:s31+$0xEA00] =	vst v6;
	s17 =	sand.u32 $0x7F, s19;
	s19 =	sadd.s32 $0x20, s1;
	s1 =	sadd.s32 $0x30, s1  }
0xf2: {  	v6 =	vld [tilespmem:s9+$0x0];
	s16 =	sadd.s32 s28, s15;
	s28 =	sand.u32 $0xFFFFFF80, s19;
	s19 =	sand.u32 $0x7F, s19  }
0xf3: {  	v60 =	vld [tilespmem:s14+$0x0];
	s14 =	spop (v2sf);
	s9 =	sor.u32 s17, s16;
	s16 =	sadd.s32 $0x20, s6  }
0xf4: {  	v59 =	vld [tilespmem:s12+$0x0];
	s12 =	sadd.s32 s28, s13;
	s6 =	sadd.s32 $0x30, s6;
	s28 =	sand.u32 $0xFFFFFF80, s16  }
0xf5: {  	v63 =	vld [tilespmem:s31+$0xA90];
	s12 =	sor.u32 s19, s12;
	s16 =	sand.u32 $0x7F, s16;
	s19 =	sand.u32 $0xFFFFFF80, s1  }
0xf6: {  	v23 =	vld [tilespmem:s31+$0xAA0];
	s1 =	sand.u32 $0x7F, s1;
	s17 =	sadd.s32 s28, s15;
	s28 =	sand.u32 $0xFFFFFF80, s6  }
0xf7: {  	v26 =	vld [tilespmem:s31+$0xAB0];
	s13 =	sadd.s32 s19, s13;
	s6 =	sand.u32 $0x7F, s6;
	s19 =	sand.u32 $0xFFFFFF80, s4  }
0xf8: {  	v62 =	vld [tilespmem:s9+$0x0];
	s9 =	sor.u32 s16, s17;
	s17 =	sadd.s32 s28, s15;
	s1 =	sor.u32 s1, s13  }
0xf9: {  	v29 =	vld [tilespmem:s31+$0xAC0];
	s28 =	sand.u32 $0x7F, s4;
	s13 =	sadd.s32 $0x4A80, s31;
	s15 =	sadd.s32 $0xAA80, s31  }
0xfa: {  	(v2sf) =	vpush v5, $0x6;
	v21 =	vld [tilespmem:s12+$0x0];
	s4 =	sadd.s32 $0x10, s4;
	s6 =	sor.u32 s6, s17;
	s16 =	sadd.s32 s19, s13  }
0xfb: {  	(v2sf) =	vpush v4, $0x6;
	v22 =	vld [tilespmem:s9+$0x0];
	s17 =	sand.u32 $0xFFFFFF80, s18;
	s19 =	sand.u32 $0x7F, s18;
	s12 =	sand.u32 $0x7F, s4  }
0xfc: {  	(v2sf) =	vpush v3, $0x6;
	v24 =	vld [tilespmem:s1+$0x0];
	s9 =	sadd.s32 s17, s15;
	s1 =	sor.u32 s28, s16;
	s28 =	sand.u32 $0xFFFFFF80, s4  }
0xfd: {  	v25 =	vld [tilespmem:s6+$0x0];
	s17 =	sadd.s32 $0x10, s18;
	s6 =	sor.u32 s19, s9;
	s16 =	sadd.s32 s28, s13  }
0xfe: {  	v33 =	vld [tilespmem:s31+$0xAD0];
	(v2sf) =	vpush v2, $0x6;
	v6 =	vsub.f32 v59, v6;
	s18 =	sand.u32 $0xFFFFFF80, s17;
	s19 =	sand.u32 $0x7F, s17;
	s28 =	sand.u32 $0xFFFFFF80, s0  }
0xff: {  	v27 =	vld [tilespmem:s1+$0x0];
	s17 =	sand.u32 $0x7F, s14;
	s1 =	sor.u32 s12, s16;
	s4 =	sadd.s32 s18, s15  }
0x100: {  	v6 =	vmul.f32 v6, v61;
	v8 =	vsub.f32 v62, v60;
	v28 =	vld [tilespmem:s6+$0x0];
	s12 =	sadd.s32 $0x6A80, s31;
	s6 =	sand.u32 $0x7F, s0;
	s15 =	sand.u32 $0xFFFFFF80, s14  }
0x101: {  	v38 =	vld [tilespmem:s31+$0xAE0];
	(v2sf) =	vpush v1, $0x6;
	s16 =	sadd.s32 $0xCA80, s31;
	s0 =	sadd.s32 $0x10, s0;
	s4 =	sor.u32 s19, s4  }
0x102: {  	v6 =	vadd.f32 $0.0e+00, v6;
	v30 =	vld [tilespmem:s1+$0x0];
	s9 =	sadd.s32 s28, s12;
	v8 =	vmul.f32 v8, v63;
	s19 =	sand.u32 $0xFFFFFF80, s0;
	s28 =	sadd.s32 $0x10, s14;
	v32 =	vsub.f32 v22, v21  }
0x103: {  	s0 =	sand.u32 $0x7F, s0;
	v31 =	vld [tilespmem:s4+$0x0];
	s13 =	sor.u32 s6, s9;
	s4 =	sadd.s32 s15, s16  }
0x104: {  	s12 =	sadd.s32 s19, s12;
	v34 =	vld [tilespmem:s13+$0x0];
	s18 =	sor.u32 s17, s4;
	v6 =	vadd.f32 v8, v6;
	v36 =	vsub.f32 v25, v24;
	s13 =	sand.u32 $0xFFFFFF80, s28;
	v35 =	vmul.f32 v32, v23  }
0x105: {  	s14 =	sand.u32 $0x7F, s28;
	s0 =	sor.u32 s0, s12;
	v37 =	vld [tilespmem:s18+$0x0];
	s4 =	sadd.s32 s13, s16  }
0x106: {  	v40 =	vld [tilespmem:s0+$0x0];
	v39 =	vmul.f32 v36, v26;
	v7 =	vsub.f32 v28, v27;
	s15 =	sor.u32 s14, s4;
	v6 =	vadd.f32 v35, v6  }
0x107: {  	v41 =	vld [tilespmem:s15+$0x0]  }
0x108: {  	v7 =	vmul.f32 v7, v29;
	v42 =	vsub.f32 v31, v30;
	v6 =	vadd.f32 v39, v6  }
0x109: {  	v43 =	vld [tilespmem:s31+$0xAF0];
	s1 =	spop (v2sf)  }
0x10a: {  	s4 =	spop (v2sf);
	v44 =	vmul.f32 v42, v33;
	v45 =	vsub.f32 v37, v34;
	v6 =	vadd.f32 v7, v6  }
0x10b: {  	s17 =	sand.u32 $0x7F, s1;
	s0 =	spop (v2sf);
	(v2sf) =	vpush v0, $0x6  }
0x10c: {  	s28 =	sadd.s32 $0x10, s1;
	s16 =	sand.u32 $0xFFFFFF80, s1;
	s13 =	sadd.s32 $0x2B00, s31;
	v46 =	vmul.f32 v45, v38;
	v47 =	vsub.f32 v41, v40;
	v6 =	vadd.f32 v44, v6  }
0x10d: {  	s9 =	sadd.s32 s16, s13;
	s16 =	sand.u32 $0xFFFFFF80, s28;
	s6 =	spop (v2sf)  }
0x10e: {  	s15 =	sadd.s32 $0x8B00, s31;
	s9 =	sor.u32 s17, s9;
	s18 =	sand.u32 $0xFFFFFF80, s6;
	v48 =	vmul.f32 v47, v43;
	v6 =	vadd.f32 v46, v6  }
0x10f: {  	s17 =	sand.u32 $0x7F, s28;
	s19 =	sand.u32 $0x7F, s6;
	s14 =	sadd.s32 s18, s15  }
0x110: {  	s12 =	sor.u32 s19, s14;
	s14 =	sadd.s32 s16, s13;
	s19 =	sadd.s32 $0x10, s6;
	v6 =	vadd.f32 v48, v6  }
0x111: {  	s18 =	spop (v2sf);
	s14 =	sor.u32 s17, s14;
	s28 =	sand.u32 $0xFFFFFF80, s19  }
0x112: {  	v51 =	vld [tilespmem:s31+$0xB00];
	s17 =	sand.u32 $0x7F, s19;
	s19 =	sadd.s32 $0x20, s1;
	s1 =	sadd.s32 $0x30, s1;
	[tilespmem:s31+$0xEA80] =	vst v6  }
0x113: {  	s16 =	sadd.s32 s28, s15;
	s28 =	sand.u32 $0xFFFFFF80, s19;
	s19 =	sand.u32 $0x7F, s19;
	v6 =	vld [tilespmem:s9+$0x0]  }
0x114: {  	v49 =	vld [tilespmem:s12+$0x0];
	s9 =	sor.u32 s17, s16;
	s16 =	sadd.s32 $0x20, s6;
	s12 =	sadd.s32 s28, s13  }
0x115: {  	v53 =	vld [tilespmem:s31+$0xB10];
	s6 =	sadd.s32 $0x30, s6;
	s28 =	sand.u32 $0xFFFFFF80, s16;
	s12 =	sor.u32 s19, s12  }
0x116: {  	v56 =	vld [tilespmem:s31+$0xB20];
	s16 =	sand.u32 $0x7F, s16;
	s19 =	sand.u32 $0xFFFFFF80, s1;
	s1 =	sand.u32 $0x7F, s1  }
0x117: {  	v59 =	vld [tilespmem:s31+$0xB30];
	s17 =	sadd.s32 s28, s15;
	s28 =	sand.u32 $0xFFFFFF80, s6;
	s13 =	sadd.s32 s19, s13  }
0x118: {  	(v2sf) =	vpush v5, $0x7;
	v52 =	vld [tilespmem:s9+$0x0];
	s6 =	sand.u32 $0x7F, s6;
	s19 =	sand.u32 $0xFFFFFF80, s4;
	s9 =	sor.u32 s16, s17  }
0x119: {  	v62 =	vld [tilespmem:s31+$0xB40];
	(v2sf) =	vpush v4, $0x7;
	s17 =	sadd.s32 s28, s15;
	s1 =	sor.u32 s1, s13;
	s28 =	sand.u32 $0x7F, s4  }
0x11a: {  	v50 =	vld [tilespmem:s14+$0x0];
	s13 =	sadd.s32 $0x4B00, s31;
	s15 =	sadd.s32 $0xAB00, s31;
	s4 =	sadd.s32 $0x10, s4  }
0x11b: {  	v54 =	vld [tilespmem:s12+$0x0];
	s14 =	spop (v2sf);
	s6 =	sor.u32 s6, s17;
	s16 =	sadd.s32 s19, s13  }
0x11c: {  	v55 =	vld [tilespmem:s9+$0x0];
	s17 =	sand.u32 $0xFFFFFF80, s18;
	s19 =	sand.u32 $0x7F, s18;
	s12 =	sand.u32 $0x7F, s4  }
0x11d: {  	v57 =	vld [tilespmem:s1+$0x0];
	s9 =	sadd.s32 s17, s15;
	s1 =	sor.u32 s28, s16;
	s28 =	sand.u32 $0xFFFFFF80, s4  }
0x11e: {  	(v2sf) =	vpush v3, $0x7;
	v58 =	vld [tilespmem:s6+$0x0];
	s17 =	sadd.s32 $0x10, s18;
	s6 =	sor.u32 s19, s9;
	s16 =	sadd.s32 s28, s13  }
0x11f: {  	v22 =	vld [tilespmem:s31+$0xB50];
	(v2sf) =	vpush v2, $0x7;
	v6 =	vsub.f32 v49, v6;
	s18 =	sand.u32 $0xFFFFFF80, s17;
	s19 =	sand.u32 $0x7F, s17;
	s28 =	sand.u32 $0xFFFFFF80, s0  }
0x120: {  	v60 =	vld [tilespmem:s1+$0x0];
	s17 =	sand.u32 $0x7F, s14;
	s1 =	sor.u32 s12, s16;
	s4 =	sadd.s32 s18, s15  }
0x121: {  	v8 =	vsub.f32 v52, v50;
	v61 =	vld [tilespmem:s6+$0x0];
	s12 =	sadd.s32 $0x6B00, s31;
	v6 =	vmul.f32 v6, v51;
	s6 =	sand.u32 $0x7F, s0;
	s15 =	sand.u32 $0xFFFFFF80, s14  }
0x122: {  	v27 =	vld [tilespmem:s31+$0xB60];
	(v2sf) =	vpush v1, $0x7;
	s16 =	sadd.s32 $0xCB00, s31;
	s0 =	sadd.s32 $0x10, s0;
	s4 =	sor.u32 s19, s4  }
0x123: {  	v63 =	vld [tilespmem:s1+$0x0];
	s9 =	sadd.s32 s28, s12;
	v8 =	vmul.f32 v8, v53;
	s19 =	sand.u32 $0xFFFFFF80, s0;
	s28 =	sadd.s32 $0x10, s14;
	v6 =	vadd.f32 $0.0e+00, v6;
	v21 =	vsub.f32 v55, v54  }
0x124: {  	s0 =	sand.u32 $0x7F, s0;
	v20 =	vld [tilespmem:s4+$0x0];
	s13 =	sor.u32 s6, s9;
	s4 =	sadd.s32 s15, s16  }
0x125: {  	s12 =	sadd.s32 s19, s12;
	v23 =	vld [tilespmem:s13+$0x0];
	s18 =	sor.u32 s17, s4;
	v25 =	vsub.f32 v58, v57;
	s13 =	sand.u32 $0xFFFFFF80, s28;
	v6 =	vadd.f32 v8, v6;
	v24 =	vmul.f32 v21, v56  }
0x126: {  	s14 =	sand.u32 $0x7F, s28;
	s0 =	sor.u32 s0, s12;
	v26 =	vld [tilespmem:s18+$0x0];
	s4 =	sadd.s32 s13, s16  }
0x127: {  	s1 =	spop (v2sf);
	v29 =	vld [tilespmem:s0+$0x0];
	v28 =	vmul.f32 v25, v59;
	v7 =	vsub.f32 v61, v60;
	s15 =	sor.u32 s14, s4;
	v6 =	vadd.f32 v24, v6  }
0x128: {  	s4 =	spop (v2sf);
	(v2sf) =	vpush v0, $0x7;
	v30 =	vld [tilespmem:s15+$0x0]  }
0x129: {  	v7 =	vmul.f32 v7, v62;
	v31 =	vsub.f32 v20, v63;
	v6 =	vadd.f32 v28, v6  }
0x12a: {  	v32 =	vld [tilespmem:s31+$0xB70]  }
0x12b: {  	v33 =	vmul.f32 v31, v22;
	v34 =	vsub.f32 v26, v23;
	v6 =	vadd.f32 v7, v6  }
0x12c: {  	s17 =	sand.u32 $0x7F, s1;
	s28 =	sadd.s32 $0x10, s1  }
0x12d: {  	s16 =	sand.u32 $0xFFFFFF80, s1;
	s13 =	sadd.s32 $0x2B80, s31;
	v35 =	vmul.f32 v34, v27;
	v36 =	vsub.f32 v30, v29;
	s0 =	spop (v2sf);
	v6 =	vadd.f32 v33, v6  }
0x12e: {  	s9 =	sadd.s32 s16, s13;
	s16 =	sand.u32 $0xFFFFFF80, s28;
	s6 =	spop (v2sf)  }
0x12f: {  	s15 =	sadd.s32 $0x8B80, s31;
	s9 =	sor.u32 s17, s9;
	v37 =	vmul.f32 v36, v32;
	v6 =	vadd.f32 v35, v6;
	s18 =	sand.u32 $0xFFFFFF80, s6  }
0x130: {  	s17 =	sand.u32 $0x7F, s28;
	s19 =	sand.u32 $0x7F, s6;
	s14 =	sadd.s32 s18, s15  }
0x131: {  	v6 =	vadd.f32 v37, v6;
	s12 =	sor.u32 s19, s14;
	s14 =	sadd.s32 s16, s13;
	s19 =	sadd.s32 $0x10, s6  }
0x132: {  	s18 =	spop (v2sf);
	s14 =	sor.u32 s17, s14;
	s28 =	sand.u32 $0xFFFFFF80, s19  }
0x133: {  	v42 =	vld [tilespmem:s31+$0xB90];
	s17 =	sand.u32 $0x7F, s19;
	s19 =	sadd.s32 $0x20, s1;
	s1 =	sadd.s32 $0x30, s1;
	[tilespmem:s31+$0xEB00] =	vst v6  }
0x134: {  	s16 =	sadd.s32 s28, s15;
	s28 =	sand.u32 $0xFFFFFF80, s19;
	s19 =	sand.u32 $0x7F, s19;
	v6 =	vld [tilespmem:s9+$0x0]  }
0x135: {  	v38 =	vld [tilespmem:s12+$0x0];
	s9 =	sor.u32 s17, s16;
	s16 =	sadd.s32 $0x20, s6;
	s12 =	sadd.s32 s28, s13  }
0x136: {  	v40 =	vld [tilespmem:s31+$0xB80];
	s6 =	sadd.s32 $0x30, s6;
	s28 =	sand.u32 $0xFFFFFF80, s16;
	s12 =	sor.u32 s19, s12  }
0x137: {  	v45 =	vld [tilespmem:s31+$0xBA0];
	s16 =	sand.u32 $0x7F, s16;
	s19 =	sand.u32 $0xFFFFFF80, s1;
	s1 =	sand.u32 $0x7F, s1  }
0x138: {  	v39 =	vld [tilespmem:s14+$0x0];
	s14 =	spop (v2sf);
	s17 =	sadd.s32 s28, s15;
	s28 =	sand.u32 $0xFFFFFF80, s6  }
0x139: {  	v48 =	vld [tilespmem:s31+$0xBB0];
	s13 =	sadd.s32 s19, s13;
	s6 =	sand.u32 $0x7F, s6;
	s19 =	sand.u32 $0xFFFFFF80, s4  }
0x13a: {  	v41 =	vld [tilespmem:s9+$0x0];
	s9 =	sor.u32 s16, s17;
	s17 =	sadd.s32 s28, s15;
	s1 =	sor.u32 s1, s13  }
0x13b: {  	v51 =	vld [tilespmem:s31+$0xBC0];
	s28 =	sand.u32 $0x7F, s4;
	s13 =	sadd.s32 $0x4B80, s31;
	s15 =	sadd.s32 $0xAB80, s31  }
0x13c: {  	v43 =	vld [tilespmem:s12+$0x0];
	s4 =	sadd.s32 $0x10, s4;
	s6 =	sor.u32 s6, s17;
	s16 =	sadd.s32 s19, s13  }
0x13d: {  	(v2sf) =	vpush v5, $0x8;
	v44 =	vld [tilespmem:s9+$0x0];
	s17 =	sand.u32 $0xFFFFFF80, s18;
	s19 =	sand.u32 $0x7F, s18;
	s12 =	sand.u32 $0x7F, s4  }
0x13e: {  	(v2sf) =	vpush v4, $0x8;
	v46 =	vld [tilespmem:s1+$0x0];
	s9 =	sadd.s32 s17, s15;
	s1 =	sor.u32 s28, s16;
	s28 =	sand.u32 $0xFFFFFF80, s4  }
0x13f: {  	(v2sf) =	vpush v3, $0x8;
	v47 =	vld [tilespmem:s6+$0x0];
	s17 =	sadd.s32 $0x10, s18;
	s6 =	sor.u32 s19, s9;
	s16 =	sadd.s32 s28, s13  }
0x140: {  	v55 =	vld [tilespmem:s31+$0xBD0];
	(v2sf) =	vpush v2, $0x8;
	v6 =	vsub.f32 v38, v6;
	s18 =	sand.u32 $0xFFFFFF80, s17;
	s19 =	sand.u32 $0x7F, s17;
	s28 =	sand.u32 $0xFFFFFF80, s0  }
0x141: {  	v49 =	vld [tilespmem:s1+$0x0];
	s17 =	sand.u32 $0x7F, s14;
	s1 =	sor.u32 s12, s16;
	s4 =	sadd.s32 s18, s15  }
0x142: {  	v8 =	vsub.f32 v41, v39;
	v50 =	vld [tilespmem:s6+$0x0];
	s12 =	sadd.s32 $0x6B80, s31;
	v6 =	vmul.f32 v6, v40;
	s6 =	sand.u32 $0x7F, s0;
	s15 =	sand.u32 $0xFFFFFF80, s14  }
0x143: {  	v60 =	vld [tilespmem:s31+$0xBE0];
	(v2sf) =	vpush v1, $0x8;
	s16 =	sadd.s32 $0xCB80, s31;
	s0 =	sadd.s32 $0x10, s0;
	s4 =	sor.u32 s19, s4  }
0x144: {  	v52 =	vld [tilespmem:s1+$0x0];
	s9 =	sadd.s32 s28, s12;
	v8 =	vmul.f32 v8, v42;
	s19 =	sand.u32 $0xFFFFFF80, s0;
	s28 =	sadd.s32 $0x10, s14;
	v6 =	vadd.f32 $0.0e+00, v6;
	v54 =	vsub.f32 v44, v43  }
0x145: {  	s0 =	sand.u32 $0x7F, s0;
	v53 =	vld [tilespmem:s4+$0x0];
	s13 =	sor.u32 s6, s9;
	s4 =	sadd.s32 s15, s16  }
0x146: {  	s12 =	sadd.s32 s19, s12;
	v56 =	vld [tilespmem:s13+$0x0];
	s18 =	sor.u32 s17, s4;
	v58 =	vsub.f32 v47, v46;
	s13 =	sand.u32 $0xFFFFFF80, s28;
	v6 =	vadd.f32 v8, v6;
	v57 =	vmul.f32 v54, v45  }
0x147: {  	s14 =	sand.u32 $0x7F, s28;
	s0 =	sor.u32 s0, s12;
	v59 =	vld [tilespmem:s18+$0x0];
	s4 =	sadd.s32 s13, s16  }
0x148: {  	v62 =	vld [tilespmem:s0+$0x0];
	v61 =	vmul.f32 v58, v48;
	v7 =	vsub.f32 v50, v49;
	s15 =	sor.u32 s14, s4;
	v6 =	vadd.f32 v57, v6  }
0x149: {  	v63 =	vld [tilespmem:s15+$0x0]  }
0x14a: {  	v7 =	vmul.f32 v7, v51;
	v17 =	vsub.f32 v53, v52;
	v6 =	vadd.f32 v61, v6  }
0x14b: {  	v18 =	vld [tilespmem:s31+$0xBF0]  }
0x14c: {  	s1 =	spop (v2sf);
	v19 =	vmul.f32 v17, v55;
	v20 =	vsub.f32 v59, v56;
	v6 =	vadd.f32 v7, v6  }
0x14d: {  	s17 =	sand.u32 $0x7F, s1;
	s28 =	sadd.s32 $0x10, s1;
	s4 =	spop (v2sf)  }
0x14e: {  	s16 =	sand.u32 $0xFFFFFF80, s1;
	s13 =	sadd.s32 $0x2C00, s31;
	s0 =	spop (v2sf);
	v21 =	vmul.f32 v20, v60;
	v22 =	vsub.f32 v63, v62;
	v6 =	vadd.f32 v19, v6  }
0x14f: {  	s9 =	sadd.s32 s16, s13;
	s16 =	sand.u32 $0xFFFFFF80, s28;
	s6 =	spop (v2sf)  }
0x150: {  	s15 =	sadd.s32 $0x8C00, s31;
	s9 =	sor.u32 s17, s9;
	s18 =	sand.u32 $0xFFFFFF80, s6;
	v23 =	vmul.f32 v22, v18;
	v6 =	vadd.f32 v21, v6  }
0x151: {  	s17 =	sand.u32 $0x7F, s28;
	(v2sf) =	vpush v0, $0x8;
	s19 =	sand.u32 $0x7F, s6;
	s14 =	sadd.s32 s18, s15  }
0x152: {  	s12 =	sor.u32 s19, s14;
	s14 =	sadd.s32 s16, s13;
	s19 =	sadd.s32 $0x10, s6;
	v6 =	vadd.f32 v23, v6  }
0x153: {  	s18 =	spop (v2sf);
	s14 =	sor.u32 s17, s14;
	s28 =	sand.u32 $0xFFFFFF80, s19  }
0x154: {  	s17 =	sand.u32 $0x7F, s19;
	s19 =	sadd.s32 $0x20, s1;
	s1 =	sadd.s32 $0x30, s1;
	[tilespmem:s31+$0xEB80] =	vst v6  }
0x155: {  	s16 =	sadd.s32 s28, s15;
	s28 =	sand.u32 $0xFFFFFF80, s19;
	s19 =	sand.u32 $0x7F, s19;
	v6 =	vld [tilespmem:s9+$0x0]  }
0x156: {  	v24 =	vld [tilespmem:s12+$0x0];
	s9 =	sor.u32 s17, s16;
	s16 =	sadd.s32 $0x20, s6;
	s12 =	sadd.s32 s28, s13  }
0x157: {  	v28 =	vld [tilespmem:s31+$0xC10];
	(v2sf) =	vpush v5, $0x9;
	s6 =	sadd.s32 $0x30, s6;
	s28 =	sand.u32 $0xFFFFFF80, s16;
	s12 =	sor.u32 s19, s12  }
0x158: {  	v26 =	vld [tilespmem:s31+$0xC00];
	s16 =	sand.u32 $0x7F, s16;
	s19 =	sand.u32 $0xFFFFFF80, s1;
	s1 =	sand.u32 $0x7F, s1  }
0x159: {  	v31 =	vld [tilespmem:s31+$0xC20];
	s17 =	sadd.s32 s28, s15;
	s28 =	sand.u32 $0xFFFFFF80, s6;
	s13 =	sadd.s32 s19, s13  }
0x15a: {  	(v2sf) =	vpush v4, $0x9;
	v27 =	vld [tilespmem:s9+$0x0];
	s6 =	sand.u32 $0x7F, s6;
	s19 =	sand.u32 $0xFFFFFF80, s4;
	s9 =	sor.u32 s16, s17  }
0x15b: {  	v34 =	vld [tilespmem:s31+$0xC30];
	s17 =	sadd.s32 s28, s15;
	s1 =	sor.u32 s1, s13;
	s28 =	sand.u32 $0x7F, s4  }
0x15c: {  	v25 =	vld [tilespmem:s14+$0x0];
	s13 =	sadd.s32 $0x4C00, s31;
	s15 =	sadd.s32 $0xAC00, s31;
	s4 =	sadd.s32 $0x10, s4  }
0x15d: {  	v29 =	vld [tilespmem:s12+$0x0];
	s6 =	sor.u32 s6, s17;
	s16 =	sadd.s32 s19, s13;
	s17 =	sand.u32 $0xFFFFFF80, s18  }
0x15e: {  	v30 =	vld [tilespmem:s9+$0x0];
	s19 =	sand.u32 $0x7F, s18;
	s12 =	sand.u32 $0x7F, s4;
	s9 =	sadd.s32 s17, s15  }
0x15f: {  	v32 =	vld [tilespmem:s1+$0x0];
	s1 =	sor.u32 s28, s16;
	s28 =	sand.u32 $0xFFFFFF80, s4;
	s17 =	sadd.s32 $0x10, s18  }
0x160: {  	v33 =	vld [tilespmem:s6+$0x0];
	s14 =	spop (v2sf);
	s6 =	sor.u32 s19, s9;
	s16 =	sadd.s32 s28, s13  }
0x161: {  	v37 =	vld [tilespmem:s31+$0xC40];
	(v2sf) =	vpush v3, $0x9;
	s18 =	sand.u32 $0xFFFFFF80, s17;
	s19 =	sand.u32 $0x7F, s17;
	s28 =	sand.u32 $0xFFFFFF80, s0  }
0x162: {  	v6 =	vsub.f32 v24, v6;
	v35 =	vld [tilespmem:s1+$0x0];
	(v2sf) =	vpush v2, $0x9;
	s1 =	sor.u32 s12, s16;
	s4 =	sadd.s32 s18, s15;
	s12 =	sadd.s32 $0x6C00, s31  }
0x163: {  	v36 =	vld [tilespmem:s6+$0x0];
	s6 =	sand.u32 $0x7F, s0;
	s15 =	sand.u32 $0xFFFFFF80, s14;
	s16 =	sadd.s32 $0xCC00, s31  }
0x164: {  	v41 =	vld [tilespmem:s31+$0xC50];
	v8 =	vsub.f32 v27, v25;
	v6 =	vmul.f32 v6, v26;
	s17 =	sand.u32 $0x7F, s14;
	s0 =	sadd.s32 $0x10, s0;
	s4 =	sor.u32 s19, s4  }
0x165: {  	v38 =	vld [tilespmem:s1+$0x0];
	s9 =	sadd.s32 s28, s12;
	s19 =	sand.u32 $0xFFFFFF80, s0;
	s28 =	sadd.s32 $0x10, s14;
	(v2sf) =	vpush v1, $0x9  }
0x166: {  	v8 =	vmul.f32 v8, v28;
	s0 =	sand.u32 $0x7F, s0;
	s1 =	spop (v2sf);
	v39 =	vld [tilespmem:s4+$0x0];
	s13 =	sor.u32 s6, s9;
	v6 =	vadd.f32 $0.0e+00, v6;
	v40 =	vsub.f32 v30, v29  }
0x167: {  	s4 =	sadd.s32 s15, s16;
	s12 =	sadd.s32 s19, s12;
	v42 =	vld [tilespmem:s13+$0x0];
	s13 =	sand.u32 $0xFFFFFF80, s28  }
0x168: {  	v46 =	vld [tilespmem:s31+$0xC60];
	s14 =	sand.u32 $0x7F, s28;
	s18 =	sor.u32 s17, s4;
	v44 =	vsub.f32 v33, v32;
	v6 =	vadd.f32 v8, v6;
	v43 =	vmul.f32 v40, v31;
	s4 =	sadd.s32 s13, s16  }
0x169: {  	s0 =	sor.u32 s0, s12;
	v45 =	vld [tilespmem:s18+$0x0];
	s15 =	sor.u32 s14, s4;
	s4 =	spop (v2sf);
	(v2sf) =	vpush v0, $0x9  }
0x16a: {  	v48 =	vld [tilespmem:s0+$0x0];
	v47 =	vmul.f32 v44, v34;
	v7 =	vsub.f32 v36, v35;
	v6 =	vadd.f32 v43, v6  }
0x16b: {  	v49 =	vld [tilespmem:s15+$0x0]  }
0x16c: {  	v7 =	vmul.f32 v7, v37;
	v50 =	vsub.f32 v39, v38;
	v6 =	vadd.f32 v47, v6  }
0x16d: {  	v51 =	vld [tilespmem:s31+$0xC70]  }
0x16e: {  	v52 =	vmul.f32 v50, v41;
	v53 =	vsub.f32 v45, v42;
	v6 =	vadd.f32 v7, v6  }
0x16f: {  	s17 =	sand.u32 $0x7F, s1;
	s28 =	sadd.s32 $0x10, s1  }
0x170: {  	s16 =	sand.u32 $0xFFFFFF80, s1;
	s13 =	sadd.s32 $0x2C80, s31;
	v54 =	vmul.f32 v53, v46;
	v55 =	vsub.f32 v49, v48;
	v6 =	vadd.f32 v52, v6;
	s0 =	spop (v2sf)  }
0x171: {  	s9 =	sadd.s32 s16, s13;
	s16 =	sand.u32 $0xFFFFFF80, s28;
	s6 =	spop (v2sf)  }
0x172: {  	s15 =	sadd.s32 $0x8C80, s31;
	s9 =	sor.u32 s17, s9;
	v56 =	vmul.f32 v55, v51;
	v6 =	vadd.f32 v54, v6;
	s18 =	sand.u32 $0xFFFFFF80, s6  }
0x173: {  	s17 =	sand.u32 $0x7F, s28;
	s19 =	sand.u32 $0x7F, s6;
	s14 =	sadd.s32 s18, s15  }
0x174: {  	v6 =	vadd.f32 v56, v6;
	s12 =	sor.u32 s19, s14;
	s14 =	sadd.s32 s16, s13;
	s19 =	sadd.s32 $0x10, s6  }
0x175: {  	s18 =	spop (v2sf);
	s14 =	sor.u32 s17, s14;
	s28 =	sand.u32 $0xFFFFFF80, s19  }
0x176: {  	v61 =	vld [tilespmem:s31+$0xC90];
	[tilespmem:s31+$0xEC00] =	vst v6;
	s17 =	sand.u32 $0x7F, s19;
	s19 =	sadd.s32 $0x20, s1;
	s1 =	sadd.s32 $0x30, s1  }
0x177: {  	v6 =	vld [tilespmem:s9+$0x0];
	s16 =	sadd.s32 s28, s15;
	s28 =	sand.u32 $0xFFFFFF80, s19;
	s19 =	sand.u32 $0x7F, s19  }
0x178: {  	v58 =	vld [tilespmem:s14+$0x0];
	s14 =	spop (v2sf);
	s9 =	sor.u32 s17, s16;
	s16 =	sadd.s32 $0x20, s6  }
0x179: {  	v57 =	vld [tilespmem:s12+$0x0];
	s12 =	sadd.s32 s28, s13;
	s6 =	sadd.s32 $0x30, s6;
	s28 =	sand.u32 $0xFFFFFF80, s16  }
0x17a: {  	v59 =	vld [tilespmem:s31+$0xC80];
	s12 =	sor.u32 s19, s12;
	s16 =	sand.u32 $0x7F, s16;
	s19 =	sand.u32 $0xFFFFFF80, s1  }
0x17b: {  	v21 =	vld [tilespmem:s31+$0xCA0];
	s1 =	sand.u32 $0x7F, s1;
	s17 =	sadd.s32 s28, s15;
	s28 =	sand.u32 $0xFFFFFF80, s6  }
0x17c: {  	v24 =	vld [tilespmem:s31+$0xCB0];
	s13 =	sadd.s32 s19, s13;
	s6 =	sand.u32 $0x7F, s6;
	s19 =	sand.u32 $0xFFFFFF80, s4  }
0x17d: {  	v60 =	vld [tilespmem:s9+$0x0];
	s9 =	sor.u32 s16, s17;
	s17 =	sadd.s32 s28, s15;
	s1 =	sor.u32 s1, s13  }
0x17e: {  	v27 =	vld [tilespmem:s31+$0xCC0];
	s28 =	sand.u32 $0x7F, s4;
	s13 =	sadd.s32 $0x4C80, s31;
	s15 =	sadd.s32 $0xAC80, s31  }
0x17f: {  	(v2sf) =	vpush v5, $0xA;
	v62 =	vld [tilespmem:s12+$0x0];
	s4 =	sadd.s32 $0x10, s4;
	s6 =	sor.u32 s6, s17;
	s16 =	sadd.s32 s19, s13  }
0x180: {  	(v2sf) =	vpush v4, $0xA;
	v63 =	vld [tilespmem:s9+$0x0];
	s17 =	sand.u32 $0xFFFFFF80, s18;
	s19 =	sand.u32 $0x7F, s18;
	s12 =	sand.u32 $0x7F, s4  }
0x181: {  	(v2sf) =	vpush v3, $0xA;
	v22 =	vld [tilespmem:s1+$0x0];
	s9 =	sadd.s32 s17, s15;
	s1 =	sor.u32 s28, s16;
	s28 =	sand.u32 $0xFFFFFF80, s4  }
0x182: {  	v23 =	vld [tilespmem:s6+$0x0];
	s17 =	sadd.s32 $0x10, s18;
	s6 =	sor.u32 s19, s9;
	s16 =	sadd.s32 s28, s13  }
0x183: {  	v31 =	vld [tilespmem:s31+$0xCD0];
	(v2sf) =	vpush v2, $0xA;
	v6 =	vsub.f32 v57, v6;
	s18 =	sand.u32 $0xFFFFFF80, s17;
	s19 =	sand.u32 $0x7F, s17;
	s28 =	sand.u32 $0xFFFFFF80, s0  }
0x184: {  	v25 =	vld [tilespmem:s1+$0x0];
	s17 =	sand.u32 $0x7F, s14;
	s1 =	sor.u32 s12, s16;
	s4 =	sadd.s32 s18, s15  }
0x185: {  	v6 =	vmul.f32 v6, v59;
	v8 =	vsub.f32 v60, v58;
	v26 =	vld [tilespmem:s6+$0x0];
	s12 =	sadd.s32 $0x6C80, s31;
	s6 =	sand.u32 $0x7F, s0;
	s15 =	sand.u32 $0xFFFFFF80, s14  }
0x186: {  	v36 =	vld [tilespmem:s31+$0xCE0];
	(v2sf) =	vpush v1, $0xA;
	s16 =	sadd.s32 $0xCC80, s31;
	s0 =	sadd.s32 $0x10, s0;
	s4 =	sor.u32 s19, s4  }
0x187: {  	v6 =	vadd.f32 $0.0e+00, v6;
	v28 =	vld [tilespmem:s1+$0x0];
	s9 =	sadd.s32 s28, s12;
	v8 =	vmul.f32 v8, v61;
	s19 =	sand.u32 $0xFFFFFF80, s0;
	s28 =	sadd.s32 $0x10, s14;
	v30 =	vsub.f32 v63, v62  }
0x188: {  	s0 =	sand.u32 $0x7F, s0;
	v29 =	vld [tilespmem:s4+$0x0];
	s13 =	sor.u32 s6, s9;
	s4 =	sadd.s32 s15, s16  }
0x189: {  	s12 =	sadd.s32 s19, s12;
	v32 =	vld [tilespmem:s13+$0x0];
	s18 =	sor.u32 s17, s4;
	v6 =	vadd.f32 v8, v6;
	v34 =	vsub.f32 v23, v22;
	s13 =	sand.u32 $0xFFFFFF80, s28;
	v33 =	vmul.f32 v30, v21  }
0x18a: {  	s14 =	sand.u32 $0x7F, s28;
	s0 =	sor.u32 s0, s12;
	v35 =	vld [tilespmem:s18+$0x0];
	s4 =	sadd.s32 s13, s16  }
0x18b: {  	v38 =	vld [tilespmem:s0+$0x0];
	v37 =	vmul.f32 v34, v24;
	v7 =	vsub.f32 v26, v25;
	s15 =	sor.u32 s14, s4;
	v6 =	vadd.f32 v33, v6  }
0x18c: {  	v39 =	vld [tilespmem:s15+$0x0]  }
0x18d: {  	v7 =	vmul.f32 v7, v27;
	v40 =	vsub.f32 v29, v28;
	v6 =	vadd.f32 v37, v6  }
0x18e: {  	v41 =	vld [tilespmem:s31+$0xCF0];
	s1 =	spop (v2sf)  }
0x18f: {  	s4 =	spop (v2sf);
	v42 =	vmul.f32 v40, v31;
	v43 =	vsub.f32 v35, v32;
	v6 =	vadd.f32 v7, v6  }
0x190: {  	s17 =	sand.u32 $0x7F, s1;
	s0 =	spop (v2sf);
	(v2sf) =	vpush v0, $0xA  }
0x191: {  	s28 =	sadd.s32 $0x10, s1;
	s16 =	sand.u32 $0xFFFFFF80, s1;
	s13 =	sadd.s32 $0x2D00, s31;
	v44 =	vmul.f32 v43, v36;
	v45 =	vsub.f32 v39, v38;
	v6 =	vadd.f32 v42, v6  }
0x192: {  	s9 =	sadd.s32 s16, s13;
	s16 =	sand.u32 $0xFFFFFF80, s28;
	s6 =	spop (v2sf)  }
0x193: {  	s15 =	sadd.s32 $0x8D00, s31;
	s9 =	sor.u32 s17, s9;
	s18 =	sand.u32 $0xFFFFFF80, s6;
	v46 =	vmul.f32 v45, v41;
	v6 =	vadd.f32 v44, v6  }
0x194: {  	s17 =	sand.u32 $0x7F, s28;
	s19 =	sand.u32 $0x7F, s6;
	s14 =	sadd.s32 s18, s15  }
0x195: {  	s12 =	sor.u32 s19, s14;
	s14 =	sadd.s32 s16, s13;
	s19 =	sadd.s32 $0x10, s6;
	v6 =	vadd.f32 v46, v6  }
0x196: {  	s18 =	spop (v2sf);
	s14 =	sor.u32 s17, s14;
	s28 =	sand.u32 $0xFFFFFF80, s19  }
0x197: {  	v20 =	vld [tilespmem:s31+$0xD50];
	s17 =	sand.u32 $0x7F, s19;
	s19 =	sadd.s32 $0x20, s1;
	s1 =	sadd.s32 $0x30, s1;
	[tilespmem:s31+$0xEC80] =	vst v6  }
0x198: {  	s16 =	sadd.s32 s28, s15;
	s28 =	sand.u32 $0xFFFFFF80, s19;
	s19 =	sand.u32 $0x7F, s19;
	v6 =	vld [tilespmem:s9+$0x0]  }
0x199: {  	v47 =	vld [tilespmem:s12+$0x0];
	s9 =	sor.u32 s17, s16;
	s16 =	sadd.s32 $0x20, s6;
	s12 =	sadd.s32 s28, s13  }
0x19a: {  	v49 =	vld [tilespmem:s31+$0xD00];
	s6 =	sadd.s32 $0x30, s6;
	s28 =	sand.u32 $0xFFFFFF80, s16;
	s12 =	sor.u32 s19, s12  }
0x19b: {  	v51 =	vld [tilespmem:s31+$0xD10];
	s16 =	sand.u32 $0x7F, s16;
	s19 =	sand.u32 $0xFFFFFF80, s1;
	s1 =	sand.u32 $0x7F, s1  }
0x19c: {  	v54 =	vld [tilespmem:s31+$0xD20];
	s17 =	sadd.s32 s28, s15;
	s28 =	sand.u32 $0xFFFFFF80, s6;
	s13 =	sadd.s32 s19, s13  }
0x19d: {  	(v2sf) =	vpush v5, $0xB;
	v50 =	vld [tilespmem:s9+$0x0];
	s6 =	sand.u32 $0x7F, s6;
	s19 =	sand.u32 $0xFFFFFF80, s4;
	s9 =	sor.u32 s16, s17  }
0x19e: {  	v57 =	vld [tilespmem:s31+$0xD30];
	(v2sf) =	vpush v4, $0xB;
	s17 =	sadd.s32 s28, s15;
	s1 =	sor.u32 s1, s13;
	s28 =	sand.u32 $0x7F, s4  }
0x19f: {  	v48 =	vld [tilespmem:s14+$0x0];
	s13 =	sadd.s32 $0x4D00, s31;
	s15 =	sadd.s32 $0xAD00, s31;
	s4 =	sadd.s32 $0x10, s4  }
0x1a0: {  	v52 =	vld [tilespmem:s12+$0x0];
	s14 =	spop (v2sf);
	s6 =	sor.u32 s6, s17;
	s16 =	sadd.s32 s19, s13  }
0x1a1: {  	v53 =	vld [tilespmem:s9+$0x0];
	s17 =	sand.u32 $0xFFFFFF80, s18;
	s19 =	sand.u32 $0x7F, s18;
	s12 =	sand.u32 $0x7F, s4  }
0x1a2: {  	v55 =	vld [tilespmem:s1+$0x0];
	s9 =	sadd.s32 s17, s15;
	s1 =	sor.u32 s28, s16;
	s28 =	sand.u32 $0xFFFFFF80, s4  }
0x1a3: {  	(v2sf) =	vpush v3, $0xB;
	v56 =	vld [tilespmem:s6+$0x0];
	s17 =	sadd.s32 $0x10, s18;
	s6 =	sor.u32 s19, s9;
	s16 =	sadd.s32 s28, s13  }
0x1a4: {  	v60 =	vld [tilespmem:s31+$0xD40];
	(v2sf) =	vpush v2, $0xB;
	v6 =	vsub.f32 v47, v6;
	s18 =	sand.u32 $0xFFFFFF80, s17;
	s19 =	sand.u32 $0x7F, s17;
	s28 =	sand.u32 $0xFFFFFF80, s0  }
0x1a5: {  	v58 =	vld [tilespmem:s1+$0x0];
	s17 =	sand.u32 $0x7F, s14;
	s1 =	sor.u32 s12, s16;
	s4 =	sadd.s32 s18, s15  }
0x1a6: {  	v8 =	vsub.f32 v50, v48;
	v59 =	vld [tilespmem:s6+$0x0];
	s12 =	sadd.s32 $0x6D00, s31;
	v6 =	vmul.f32 v6, v49;
	s6 =	sand.u32 $0x7F, s0;
	s15 =	sand.u32 $0xFFFFFF80, s14  }
0x1a7: {  	v25 =	vld [tilespmem:s31+$0xD60];
	(v2sf) =	vpush v1, $0xB;
	s16 =	sadd.s32 $0xCD00, s31;
	s0 =	sadd.s32 $0x10, s0;
	s4 =	sor.u32 s19, s4  }
0x1a8: {  	v61 =	vld [tilespmem:s1+$0x0];
	s9 =	sadd.s32 s28, s12;
	v8 =	vmul.f32 v8, v51;
	s19 =	sand.u32 $0xFFFFFF80, s0;
	s28 =	sadd.s32 $0x10, s14;
	v6 =	vadd.f32 $0.0e+00, v6;
	v63 =	vsub.f32 v53, v52  }
0x1a9: {  	s0 =	sand.u32 $0x7F, s0;
	v62 =	vld [tilespmem:s4+$0x0];
	s13 =	sor.u32 s6, s9;
	s4 =	sadd.s32 s15, s16  }
0x1aa: {  	s12 =	sadd.s32 s19, s12;
	v21 =	vld [tilespmem:s13+$0x0];
	s18 =	sor.u32 s17, s4;
	v23 =	vsub.f32 v56, v55;
	s13 =	sand.u32 $0xFFFFFF80, s28;
	v6 =	vadd.f32 v8, v6;
	v22 =	vmul.f32 v63, v54  }
0x1ab: {  	s14 =	sand.u32 $0x7F, s28;
	s0 =	sor.u32 s0, s12;
	v24 =	vld [tilespmem:s18+$0x0];
	s4 =	sadd.s32 s13, s16  }
0x1ac: {  	s1 =	spop (v2sf);
	v27 =	vld [tilespmem:s0+$0x0];
	v26 =	vmul.f32 v23, v57;
	v7 =	vsub.f32 v59, v58;
	s15 =	sor.u32 s14, s4;
	v6 =	vadd.f32 v22, v6  }
0x1ad: {  	s4 =	spop (v2sf);
	(v2sf) =	vpush v0, $0xB;
	v28 =	vld [tilespmem:s15+$0x0]  }
0x1ae: {  	v7 =	vmul.f32 v7, v60;
	v29 =	vsub.f32 v62, v61;
	v6 =	vadd.f32 v26, v6  }
0x1af: {  	v30 =	vld [tilespmem:s31+$0xD70]  }
0x1b0: {  	v31 =	vmul.f32 v29, v20;
	v32 =	vsub.f32 v24, v21;
	v6 =	vadd.f32 v7, v6  }
0x1b1: {  	s17 =	sand.u32 $0x7F, s1;
	s28 =	sadd.s32 $0x10, s1  }
0x1b2: {  	s16 =	sand.u32 $0xFFFFFF80, s1;
	s13 =	sadd.s32 $0x2D80, s31;
	v33 =	vmul.f32 v32, v25;
	v34 =	vsub.f32 v28, v27;
	s0 =	spop (v2sf);
	v6 =	vadd.f32 v31, v6  }
0x1b3: {  	s9 =	sadd.s32 s16, s13;
	s16 =	sand.u32 $0xFFFFFF80, s28;
	s6 =	spop (v2sf)  }
0x1b4: {  	s15 =	sadd.s32 $0x8D80, s31;
	s9 =	sor.u32 s17, s9;
	v35 =	vmul.f32 v34, v30;
	v6 =	vadd.f32 v33, v6;
	s18 =	sand.u32 $0xFFFFFF80, s6  }
0x1b5: {  	s17 =	sand.u32 $0x7F, s28;
	s19 =	sand.u32 $0x7F, s6;
	s14 =	sadd.s32 s18, s15  }
0x1b6: {  	v6 =	vadd.f32 v35, v6;
	s12 =	sor.u32 s19, s14;
	s14 =	sadd.s32 s16, s13;
	s19 =	sadd.s32 $0x10, s6  }
0x1b7: {  	s18 =	spop (v2sf);
	s14 =	sor.u32 s17, s14;
	s28 =	sand.u32 $0xFFFFFF80, s19  }
0x1b8: {  	v40 =	vld [tilespmem:s31+$0xD90];
	s17 =	sand.u32 $0x7F, s19;
	s19 =	sadd.s32 $0x20, s1;
	s1 =	sadd.s32 $0x30, s1;
	[tilespmem:s31+$0xED00] =	vst v6  }
0x1b9: {  	s16 =	sadd.s32 s28, s15;
	s28 =	sand.u32 $0xFFFFFF80, s19;
	s19 =	sand.u32 $0x7F, s19;
	v6 =	vld [tilespmem:s9+$0x0]  }
0x1ba: {  	v36 =	vld [tilespmem:s12+$0x0];
	s9 =	sor.u32 s17, s16;
	s16 =	sadd.s32 $0x20, s6;
	s12 =	sadd.s32 s28, s13  }
0x1bb: {  	v38 =	vld [tilespmem:s31+$0xD80];
	s6 =	sadd.s32 $0x30, s6;
	s28 =	sand.u32 $0xFFFFFF80, s16;
	s12 =	sor.u32 s19, s12  }
0x1bc: {  	v43 =	vld [tilespmem:s31+$0xDA0];
	s16 =	sand.u32 $0x7F, s16;
	s19 =	sand.u32 $0xFFFFFF80, s1;
	s1 =	sand.u32 $0x7F, s1  }
0x1bd: {  	v37 =	vld [tilespmem:s14+$0x0];
	s14 =	spop (v2sf);
	s17 =	sadd.s32 s28, s15;
	s28 =	sand.u32 $0xFFFFFF80, s6  }
0x1be: {  	v46 =	vld [tilespmem:s31+$0xDB0];
	s13 =	sadd.s32 s19, s13;
	s6 =	sand.u32 $0x7F, s6;
	s19 =	sand.u32 $0xFFFFFF80, s4  }
0x1bf: {  	v39 =	vld [tilespmem:s9+$0x0];
	s9 =	sor.u32 s16, s17;
	s17 =	sadd.s32 s28, s15;
	s1 =	sor.u32 s1, s13  }
0x1c0: {  	v49 =	vld [tilespmem:s31+$0xDC0];
	s28 =	sand.u32 $0x7F, s4;
	s13 =	sadd.s32 $0x4D80, s31;
	s15 =	sadd.s32 $0xAD80, s31  }
0x1c1: {  	v41 =	vld [tilespmem:s12+$0x0];
	s4 =	sadd.s32 $0x10, s4;
	s6 =	sor.u32 s6, s17;
	s16 =	sadd.s32 s19, s13  }
0x1c2: {  	(v2sf) =	vpush v5, $0xC;
	v42 =	vld [tilespmem:s9+$0x0];
	s17 =	sand.u32 $0xFFFFFF80, s18;
	s19 =	sand.u32 $0x7F, s18;
	s12 =	sand.u32 $0x7F, s4  }
0x1c3: {  	(v2sf) =	vpush v4, $0xC;
	v44 =	vld [tilespmem:s1+$0x0];
	s9 =	sadd.s32 s17, s15;
	s1 =	sor.u32 s28, s16;
	s28 =	sand.u32 $0xFFFFFF80, s4  }
0x1c4: {  	(v2sf) =	vpush v3, $0xC;
	v45 =	vld [tilespmem:s6+$0x0];
	s17 =	sadd.s32 $0x10, s18;
	s6 =	sor.u32 s19, s9;
	s16 =	sadd.s32 s28, s13  }
0x1c5: {  	v53 =	vld [tilespmem:s31+$0xDD0];
	(v2sf) =	vpush v2, $0xC;
	v6 =	vsub.f32 v36, v6;
	s18 =	sand.u32 $0xFFFFFF80, s17;
	s19 =	sand.u32 $0x7F, s17;
	s28 =	sand.u32 $0xFFFFFF80, s0  }
0x1c6: {  	v47 =	vld [tilespmem:s1+$0x0];
	s17 =	sand.u32 $0x7F, s14;
	s1 =	sor.u32 s12, s16;
	s4 =	sadd.s32 s18, s15  }
0x1c7: {  	v8 =	vsub.f32 v39, v37;
	v48 =	vld [tilespmem:s6+$0x0];
	s12 =	sadd.s32 $0x6D80, s31;
	v6 =	vmul.f32 v6, v38;
	s6 =	sand.u32 $0x7F, s0;
	s15 =	sand.u32 $0xFFFFFF80, s14  }
0x1c8: {  	v58 =	vld [tilespmem:s31+$0xDE0];
	(v2sf) =	vpush v1, $0xC;
	s16 =	sadd.s32 $0xCD80, s31;
	s0 =	sadd.s32 $0x10, s0;
	s4 =	sor.u32 s19, s4  }
0x1c9: {  	v50 =	vld [tilespmem:s1+$0x0];
	s9 =	sadd.s32 s28, s12;
	v8 =	vmul.f32 v8, v40;
	s19 =	sand.u32 $0xFFFFFF80, s0;
	s28 =	sadd.s32 $0x10, s14;
	v6 =	vadd.f32 $0.0e+00, v6;
	v52 =	vsub.f32 v42, v41  }
0x1ca: {  	s0 =	sand.u32 $0x7F, s0;
	v51 =	vld [tilespmem:s4+$0x0];
	s13 =	sor.u32 s6, s9;
	s4 =	sadd.s32 s15, s16  }
0x1cb: {  	s12 =	sadd.s32 s19, s12;
	v54 =	vld [tilespmem:s13+$0x0];
	s18 =	sor.u32 s17, s4;
	v56 =	vsub.f32 v45, v44;
	s13 =	sand.u32 $0xFFFFFF80, s28;
	v6 =	vadd.f32 v8, v6;
	v55 =	vmul.f32 v52, v43  }
0x1cc: {  	s14 =	sand.u32 $0x7F, s28;
	s0 =	sor.u32 s0, s12;
	v57 =	vld [tilespmem:s18+$0x0];
	s4 =	sadd.s32 s13, s16  }
0x1cd: {  	v60 =	vld [tilespmem:s0+$0x0];
	v59 =	vmul.f32 v56, v46;
	v7 =	vsub.f32 v48, v47;
	s15 =	sor.u32 s14, s4;
	v6 =	vadd.f32 v55, v6  }
0x1ce: {  	v61 =	vld [tilespmem:s15+$0x0]  }
0x1cf: {  	v7 =	vmul.f32 v7, v49;
	v62 =	vsub.f32 v51, v50;
	v6 =	vadd.f32 v59, v6  }
0x1d0: {  	v63 =	vld [tilespmem:s31+$0xDF0]  }
0x1d1: {  	s1 =	spop (v2sf);
	v17 =	vmul.f32 v62, v53;
	v18 =	vsub.f32 v57, v54;
	v6 =	vadd.f32 v7, v6  }
0x1d2: {  	s17 =	sand.u32 $0x7F, s1;
	s28 =	sadd.s32 $0x10, s1;
	s4 =	spop (v2sf)  }
0x1d3: {  	s16 =	sand.u32 $0xFFFFFF80, s1;
	s13 =	sadd.s32 $0x2E00, s31;
	s0 =	spop (v2sf);
	v19 =	vmul.f32 v18, v58;
	v20 =	vsub.f32 v61, v60;
	v6 =	vadd.f32 v17, v6  }
0x1d4: {  	s9 =	sadd.s32 s16, s13;
	s16 =	sand.u32 $0xFFFFFF80, s28;
	s6 =	spop (v2sf)  }
0x1d5: {  	s15 =	sadd.s32 $0x8E00, s31;
	s9 =	sor.u32 s17, s9;
	s18 =	sand.u32 $0xFFFFFF80, s6;
	v21 =	vmul.f32 v20, v63;
	v6 =	vadd.f32 v19, v6  }
0x1d6: {  	s17 =	sand.u32 $0x7F, s28;
	(v2sf) =	vpush v0, $0xC;
	s19 =	sand.u32 $0x7F, s6;
	s14 =	sadd.s32 s18, s15  }
0x1d7: {  	s12 =	sor.u32 s19, s14;
	s14 =	sadd.s32 s16, s13;
	s19 =	sadd.s32 $0x10, s6;
	v6 =	vadd.f32 v21, v6  }
0x1d8: {  	s18 =	spop (v2sf);
	s14 =	sor.u32 s17, s14;
	s28 =	sand.u32 $0xFFFFFF80, s19  }
0x1d9: {  	s17 =	sand.u32 $0x7F, s19;
	s19 =	sadd.s32 $0x20, s1;
	s1 =	sadd.s32 $0x30, s1;
	[tilespmem:s31+$0xED80] =	vst v6  }
0x1da: {  	s16 =	sadd.s32 s28, s15;
	s28 =	sand.u32 $0xFFFFFF80, s19;
	s19 =	sand.u32 $0x7F, s19;
	v6 =	vld [tilespmem:s9+$0x0]  }
0x1db: {  	v22 =	vld [tilespmem:s12+$0x0];
	s9 =	sor.u32 s17, s16;
	s16 =	sadd.s32 $0x20, s6;
	s12 =	sadd.s32 s28, s13  }
0x1dc: {  	v26 =	vld [tilespmem:s31+$0xE10];
	(v2sf) =	vpush v5, $0xD;
	s6 =	sadd.s32 $0x30, s6;
	s28 =	sand.u32 $0xFFFFFF80, s16;
	s12 =	sor.u32 s19, s12  }
0x1dd: {  	v24 =	vld [tilespmem:s31+$0xE00];
	s16 =	sand.u32 $0x7F, s16;
	s19 =	sand.u32 $0xFFFFFF80, s1;
	s1 =	sand.u32 $0x7F, s1  }
0x1de: {  	v29 =	vld [tilespmem:s31+$0xE20];
	s17 =	sadd.s32 s28, s15;
	s28 =	sand.u32 $0xFFFFFF80, s6;
	s13 =	sadd.s32 s19, s13  }
0x1df: {  	(v2sf) =	vpush v4, $0xD;
	v25 =	vld [tilespmem:s9+$0x0];
	s6 =	sand.u32 $0x7F, s6;
	s19 =	sand.u32 $0xFFFFFF80, s4;
	s9 =	sor.u32 s16, s17  }
0x1e0: {  	v32 =	vld [tilespmem:s31+$0xE30];
	s17 =	sadd.s32 s28, s15;
	s1 =	sor.u32 s1, s13;
	s28 =	sand.u32 $0x7F, s4  }
0x1e1: {  	v23 =	vld [tilespmem:s14+$0x0];
	s13 =	sadd.s32 $0x4E00, s31;
	s15 =	sadd.s32 $0xAE00, s31;
	s4 =	sadd.s32 $0x10, s4  }
0x1e2: {  	v27 =	vld [tilespmem:s12+$0x0];
	s6 =	sor.u32 s6, s17;
	s16 =	sadd.s32 s19, s13;
	s17 =	sand.u32 $0xFFFFFF80, s18  }
0x1e3: {  	v28 =	vld [tilespmem:s9+$0x0];
	s19 =	sand.u32 $0x7F, s18;
	s12 =	sand.u32 $0x7F, s4;
	s9 =	sadd.s32 s17, s15  }
0x1e4: {  	v30 =	vld [tilespmem:s1+$0x0];
	s1 =	sor.u32 s28, s16;
	s28 =	sand.u32 $0xFFFFFF80, s4;
	s17 =	sadd.s32 $0x10, s18  }
0x1e5: {  	v31 =	vld [tilespmem:s6+$0x0];
	s14 =	spop (v2sf);
	s6 =	sor.u32 s19, s9;
	s16 =	sadd.s32 s28, s13  }
0x1e6: {  	v35 =	vld [tilespmem:s31+$0xE40];
	(v2sf) =	vpush v3, $0xD;
	s18 =	sand.u32 $0xFFFFFF80, s17;
	s19 =	sand.u32 $0x7F, s17;
	s28 =	sand.u32 $0xFFFFFF80, s0  }
0x1e7: {  	v6 =	vsub.f32 v22, v6;
	v33 =	vld [tilespmem:s1+$0x0];
	(v2sf) =	vpush v2, $0xD;
	s1 =	sor.u32 s12, s16;
	s4 =	sadd.s32 s18, s15;
	s12 =	sadd.s32 $0x6E00, s31  }
0x1e8: {  	v34 =	vld [tilespmem:s6+$0x0];
	s6 =	sand.u32 $0x7F, s0;
	s15 =	sand.u32 $0xFFFFFF80, s14;
	s16 =	sadd.s32 $0xCE00, s31  }
0x1e9: {  	v39 =	vld [tilespmem:s31+$0xE50];
	v8 =	vsub.f32 v25, v23;
	v6 =	vmul.f32 v6, v24;
	s17 =	sand.u32 $0x7F, s14;
	s0 =	sadd.s32 $0x10, s0;
	s4 =	sor.u32 s19, s4  }
0x1ea: {  	v36 =	vld [tilespmem:s1+$0x0];
	s9 =	sadd.s32 s28, s12;
	s19 =	sand.u32 $0xFFFFFF80, s0;
	s28 =	sadd.s32 $0x10, s14;
	(v2sf) =	vpush v1, $0xD  }
0x1eb: {  	v8 =	vmul.f32 v8, v26;
	s0 =	sand.u32 $0x7F, s0;
	s1 =	spop (v2sf);
	v37 =	vld [tilespmem:s4+$0x0];
	s13 =	sor.u32 s6, s9;
	v6 =	vadd.f32 $0.0e+00, v6;
	v38 =	vsub.f32 v28, v27  }
0x1ec: {  	s4 =	sadd.s32 s15, s16;
	s12 =	sadd.s32 s19, s12;
	v40 =	vld [tilespmem:s13+$0x0];
	s13 =	sand.u32 $0xFFFFFF80, s28  }
0x1ed: {  	v44 =	vld [tilespmem:s31+$0xE60];
	s14 =	sand.u32 $0x7F, s28;
	s18 =	sor.u32 s17, s4;
	v42 =	vsub.f32 v31, v30;
	v6 =	vadd.f32 v8, v6;
	v41 =	vmul.f32 v38, v29;
	s4 =	sadd.s32 s13, s16  }
0x1ee: {  	s0 =	sor.u32 s0, s12;
	v43 =	vld [tilespmem:s18+$0x0];
	s15 =	sor.u32 s14, s4;
	s4 =	spop (v2sf);
	(v2sf) =	vpush v0, $0xD  }
0x1ef: {  	v46 =	vld [tilespmem:s0+$0x0];
	v45 =	vmul.f32 v42, v32;
	v7 =	vsub.f32 v34, v33;
	v6 =	vadd.f32 v41, v6  }
0x1f0: {  	v47 =	vld [tilespmem:s15+$0x0]  }
0x1f1: {  	v7 =	vmul.f32 v7, v35;
	v48 =	vsub.f32 v37, v36;
	v6 =	vadd.f32 v45, v6  }
0x1f2: {  	v49 =	vld [tilespmem:s31+$0xE70]  }
0x1f3: {  	v50 =	vmul.f32 v48, v39;
	v51 =	vsub.f32 v43, v40;
	v6 =	vadd.f32 v7, v6  }
0x1f4: {  	s17 =	sand.u32 $0x7F, s1;
	s28 =	sadd.s32 $0x10, s1  }
0x1f5: {  	s16 =	sand.u32 $0xFFFFFF80, s1;
	s13 =	sadd.s32 $0x2E80, s31;
	v52 =	vmul.f32 v51, v44;
	v53 =	vsub.f32 v47, v46;
	v6 =	vadd.f32 v50, v6;
	s0 =	spop (v2sf)  }
0x1f6: {  	s9 =	sadd.s32 s16, s13;
	s16 =	sand.u32 $0xFFFFFF80, s28;
	s6 =	spop (v2sf)  }
0x1f7: {  	s15 =	sadd.s32 $0x8E80, s31;
	s9 =	sor.u32 s17, s9;
	v54 =	vmul.f32 v53, v49;
	v6 =	vadd.f32 v52, v6;
	s18 =	sand.u32 $0xFFFFFF80, s6  }
0x1f8: {  	s17 =	sand.u32 $0x7F, s28;
	s19 =	sand.u32 $0x7F, s6;
	s14 =	sadd.s32 s18, s15  }
0x1f9: {  	v6 =	vadd.f32 v54, v6;
	s12 =	sor.u32 s19, s14;
	s14 =	sadd.s32 s16, s13;
	s19 =	sadd.s32 $0x10, s6  }
0x1fa: {  	s18 =	spop (v2sf);
	s14 =	sor.u32 s17, s14;
	s28 =	sand.u32 $0xFFFFFF80, s19  }
0x1fb: {  	v59 =	vld [tilespmem:s31+$0xE90];
	[tilespmem:s31+$0xEE00] =	vst v6;
	s17 =	sand.u32 $0x7F, s19;
	s19 =	sadd.s32 $0x20, s1;
	s1 =	sadd.s32 $0x30, s1  }
0x1fc: {  	v6 =	vld [tilespmem:s9+$0x0];
	s16 =	sadd.s32 s28, s15;
	s28 =	sand.u32 $0xFFFFFF80, s19;
	s19 =	sand.u32 $0x7F, s19  }
0x1fd: {  	v56 =	vld [tilespmem:s14+$0x0];
	s14 =	spop (v2sf);
	s9 =	sor.u32 s17, s16;
	s16 =	sadd.s32 $0x20, s6  }
0x1fe: {  	v55 =	vld [tilespmem:s12+$0x0];
	s12 =	sadd.s32 s28, s13;
	s6 =	sadd.s32 $0x30, s6;
	s28 =	sand.u32 $0xFFFFFF80, s16  }
0x1ff: {  	v57 =	vld [tilespmem:s31+$0xE80];
	s12 =	sor.u32 s19, s12;
	s16 =	sand.u32 $0x7F, s16;
	s19 =	sand.u32 $0xFFFFFF80, s1  }
0x200: {  	v62 =	vld [tilespmem:s31+$0xEA0];
	s1 =	sand.u32 $0x7F, s1;
	s17 =	sadd.s32 s28, s15;
	s28 =	sand.u32 $0xFFFFFF80, s6  }
0x201: {  	v22 =	vld [tilespmem:s31+$0xEB0];
	s13 =	sadd.s32 s19, s13;
	s6 =	sand.u32 $0x7F, s6;
	s19 =	sand.u32 $0xFFFFFF80, s4  }
0x202: {  	v58 =	vld [tilespmem:s9+$0x0];
	s9 =	sor.u32 s16, s17;
	s17 =	sadd.s32 s28, s15;
	s1 =	sor.u32 s1, s13  }
0x203: {  	v25 =	vld [tilespmem:s31+$0xEC0];
	s28 =	sand.u32 $0x7F, s4;
	s13 =	sadd.s32 $0x4E80, s31;
	s15 =	sadd.s32 $0xAE80, s31  }
0x204: {  	(v2sf) =	vpush v5, $0xE;
	v60 =	vld [tilespmem:s12+$0x0];
	s4 =	sadd.s32 $0x10, s4;
	s6 =	sor.u32 s6, s17;
	s16 =	sadd.s32 s19, s13  }
0x205: {  	(v2sf) =	vpush v4, $0xE;
	v61 =	vld [tilespmem:s9+$0x0];
	s17 =	sand.u32 $0xFFFFFF80, s18;
	s19 =	sand.u32 $0x7F, s18;
	s12 =	sand.u32 $0x7F, s4  }
0x206: {  	(v2sf) =	vpush v3, $0xE;
	v63 =	vld [tilespmem:s1+$0x0];
	s9 =	sadd.s32 s17, s15;
	s1 =	sor.u32 s28, s16;
	s28 =	sand.u32 $0xFFFFFF80, s4  }
0x207: {  	v21 =	vld [tilespmem:s6+$0x0];
	s17 =	sadd.s32 $0x10, s18;
	s6 =	sor.u32 s19, s9;
	s16 =	sadd.s32 s28, s13  }
0x208: {  	v29 =	vld [tilespmem:s31+$0xED0];
	(v2sf) =	vpush v2, $0xE;
	v6 =	vsub.f32 v55, v6;
	s18 =	sand.u32 $0xFFFFFF80, s17;
	s19 =	sand.u32 $0x7F, s17;
	s28 =	sand.u32 $0xFFFFFF80, s0  }
0x209: {  	v23 =	vld [tilespmem:s1+$0x0];
	s17 =	sand.u32 $0x7F, s14;
	s1 =	sor.u32 s12, s16;
	s4 =	sadd.s32 s18, s15  }
0x20a: {  	v6 =	vmul.f32 v6, v57;
	v8 =	vsub.f32 v58, v56;
	v24 =	vld [tilespmem:s6+$0x0];
	s12 =	sadd.s32 $0x6E80, s31;
	s6 =	sand.u32 $0x7F, s0;
	s15 =	sand.u32 $0xFFFFFF80, s14  }
0x20b: {  	v34 =	vld [tilespmem:s31+$0xEE0];
	(v2sf) =	vpush v1, $0xE;
	s16 =	sadd.s32 $0xCE80, s31;
	s0 =	sadd.s32 $0x10, s0;
	s4 =	sor.u32 s19, s4  }
0x20c: {  	v6 =	vadd.f32 $0.0e+00, v6;
	v26 =	vld [tilespmem:s1+$0x0];
	s9 =	sadd.s32 s28, s12;
	v8 =	vmul.f32 v8, v59;
	s19 =	sand.u32 $0xFFFFFF80, s0;
	s28 =	sadd.s32 $0x10, s14;
	v28 =	vsub.f32 v61, v60  }
0x20d: {  	s0 =	sand.u32 $0x7F, s0;
	v27 =	vld [tilespmem:s4+$0x0];
	s13 =	sor.u32 s6, s9;
	s4 =	sadd.s32 s15, s16  }
0x20e: {  	s12 =	sadd.s32 s19, s12;
	v30 =	vld [tilespmem:s13+$0x0];
	s18 =	sor.u32 s17, s4;
	v6 =	vadd.f32 v8, v6;
	v32 =	vsub.f32 v21, v63;
	s13 =	sand.u32 $0xFFFFFF80, s28;
	v31 =	vmul.f32 v28, v62  }
0x20f: {  	s14 =	sand.u32 $0x7F, s28;
	s0 =	sor.u32 s0, s12;
	v33 =	vld [tilespmem:s18+$0x0];
	s4 =	sadd.s32 s13, s16  }
0x210: {  	v36 =	vld [tilespmem:s0+$0x0];
	v35 =	vmul.f32 v32, v22;
	v7 =	vsub.f32 v24, v23;
	s15 =	sor.u32 s14, s4;
	v6 =	vadd.f32 v31, v6  }
0x211: {  	v37 =	vld [tilespmem:s15+$0x0]  }
0x212: {  	v7 =	vmul.f32 v7, v25;
	v38 =	vsub.f32 v27, v26;
	v6 =	vadd.f32 v35, v6  }
0x213: {  	v39 =	vld [tilespmem:s31+$0xEF0];
	s1 =	spop (v2sf)  }
0x214: {  	s4 =	spop (v2sf);
	v40 =	vmul.f32 v38, v29;
	v41 =	vsub.f32 v33, v30;
	v6 =	vadd.f32 v7, v6  }
0x215: {  	s17 =	sand.u32 $0x7F, s1;
	s0 =	spop (v2sf);
	(v2sf) =	vpush v0, $0xE  }
0x216: {  	s28 =	sadd.s32 $0x10, s1;
	s16 =	sand.u32 $0xFFFFFF80, s1;
	s13 =	sadd.s32 $0x2F00, s31;
	v42 =	vmul.f32 v41, v34;
	v43 =	vsub.f32 v37, v36;
	v6 =	vadd.f32 v40, v6  }
0x217: {  	s9 =	sadd.s32 s16, s13;
	s16 =	sand.u32 $0xFFFFFF80, s28;
	s6 =	spop (v2sf)  }
0x218: {  	s15 =	sadd.s32 $0x8F00, s31;
	s9 =	sor.u32 s17, s9;
	s18 =	sand.u32 $0xFFFFFF80, s6;
	v44 =	vmul.f32 v43, v39;
	v6 =	vadd.f32 v42, v6  }
0x219: {  	s17 =	sand.u32 $0x7F, s28;
	s19 =	sand.u32 $0x7F, s6;
	s14 =	sadd.s32 s18, s15  }
0x21a: {  	s12 =	sor.u32 s19, s14;
	s14 =	sadd.s32 s16, s13;
	s19 =	sadd.s32 $0x10, s6;
	v6 =	vadd.f32 v44, v6  }
0x21b: {  	s18 =	spop (v2sf);
	s14 =	sor.u32 s17, s14;
	s28 =	sand.u32 $0xFFFFFF80, s19  }
0x21c: {  	v19 =	vld [tilespmem:s31+$0xF60];
	s17 =	sand.u32 $0x7F, s19;
	s19 =	sadd.s32 $0x20, s1;
	s1 =	sadd.s32 $0x30, s1;
	[tilespmem:s31+$0xEE80] =	vst v6  }
0x21d: {  	s16 =	sadd.s32 s28, s15;
	s28 =	sand.u32 $0xFFFFFF80, s19;
	s19 =	sand.u32 $0x7F, s19;
	v6 =	vld [tilespmem:s9+$0x0]  }
0x21e: {  	v45 =	vld [tilespmem:s12+$0x0];
	s9 =	sor.u32 s17, s16;
	s16 =	sadd.s32 $0x20, s6;
	s12 =	sadd.s32 s28, s13  }
0x21f: {  	v47 =	vld [tilespmem:s31+$0xF00];
	s6 =	sadd.s32 $0x30, s6;
	s28 =	sand.u32 $0xFFFFFF80, s16;
	s12 =	sor.u32 s19, s12  }
0x220: {  	v49 =	vld [tilespmem:s31+$0xF10];
	s16 =	sand.u32 $0x7F, s16;
	s19 =	sand.u32 $0xFFFFFF80, s1;
	s1 =	sand.u32 $0x7F, s1  }
0x221: {  	v52 =	vld [tilespmem:s31+$0xF20];
	s17 =	sadd.s32 s28, s15;
	s28 =	sand.u32 $0xFFFFFF80, s6;
	s13 =	sadd.s32 s19, s13  }
0x222: {  	v48 =	vld [tilespmem:s9+$0x0];
	s6 =	sand.u32 $0x7F, s6;
	s19 =	sand.u32 $0xFFFFFF80, s4;
	s9 =	sor.u32 s16, s17  }
0x223: {  	v55 =	vld [tilespmem:s31+$0xF30];
	s17 =	sadd.s32 s28, s15;
	s1 =	sor.u32 s1, s13;
	s28 =	sand.u32 $0x7F, s4  }
0x224: {  	v46 =	vld [tilespmem:s14+$0x0];
	s13 =	sadd.s32 $0x4F00, s31;
	s15 =	sadd.s32 $0xAF00, s31;
	s4 =	sadd.s32 $0x10, s4  }
0x225: {  	(v2sf) =	vpush v5, $0xF;
	v50 =	vld [tilespmem:s12+$0x0];
	s14 =	spop (v2sf);
	s6 =	sor.u32 s6, s17;
	s16 =	sadd.s32 s19, s13  }
0x226: {  	v51 =	vld [tilespmem:s9+$0x0];
	s17 =	sand.u32 $0xFFFFFF80, s18;
	s19 =	sand.u32 $0x7F, s18;
	s12 =	sand.u32 $0x7F, s4  }
0x227: {  	(v2sf) =	vpush v4, $0xF;
	v53 =	vld [tilespmem:s1+$0x0];
	s9 =	sadd.s32 s17, s15;
	s1 =	sor.u32 s28, s16;
	s28 =	sand.u32 $0xFFFFFF80, s4  }
0x228: {  	(v2sf) =	vpush v3, $0xF;
	v54 =	vld [tilespmem:s6+$0x0];
	s17 =	sadd.s32 $0x10, s18;
	s6 =	sor.u32 s19, s9;
	s16 =	sadd.s32 s28, s13  }
0x229: {  	v59 =	vld [tilespmem:s31+$0xF40];
	(v2sf) =	vpush v2, $0xF;
	v57 =	vsub.f32 v45, v6;
	s18 =	sand.u32 $0xFFFFFF80, s17;
	s19 =	sand.u32 $0x7F, s17;
	s28 =	sand.u32 $0xFFFFFF80, s0  }
0x22a: {  	v56 =	vld [tilespmem:s1+$0x0];
	s17 =	sand.u32 $0x7F, s14;
	s1 =	sor.u32 s12, s16;
	s4 =	sadd.s32 s18, s15  }
0x22b: {  	v8 =	vsub.f32 v48, v46;
	v58 =	vld [tilespmem:s6+$0x0];
	s12 =	sadd.s32 $0x6F00, s31;
	v2 =	vmul.f32 v57, v47;
	s6 =	sand.u32 $0x7F, s0;
	s15 =	sand.u32 $0xFFFFFF80, s14  }
0x22c: {  	v63 =	vld [tilespmem:s31+$0xF50];
	s16 =	sadd.s32 $0xCF00, s31;
	s0 =	sadd.s32 $0x10, s0;
	s4 =	sor.u32 s19, s4  }
0x22d: {  	v60 =	vld [tilespmem:s1+$0x0];
	s9 =	sadd.s32 s28, s12;
	v8 =	vmul.f32 v8, v49;
	s19 =	sand.u32 $0xFFFFFF80, s0;
	s28 =	sadd.s32 $0x10, s14;
	v2 =	vadd.f32 $0.0e+00, v2;
	v62 =	vsub.f32 v51, v50  }
0x22e: {  	s0 =	sand.u32 $0x7F, s0;
	v61 =	vld [tilespmem:s4+$0x0];
	s13 =	sor.u32 s6, s9;
	s4 =	sadd.s32 s15, s16  }
0x22f: {  	s12 =	sadd.s32 s19, s12;
	v16 =	vld [tilespmem:s13+$0x0];
	s18 =	sor.u32 s17, s4;
	v5 =	vsub.f32 v54, v53;
	s13 =	sand.u32 $0xFFFFFF80, s28;
	v2 =	vadd.f32 v8, v2;
	v17 =	vmul.f32 v62, v52  }
0x230: {  	s14 =	sand.u32 $0x7F, s28;
	s0 =	sor.u32 s0, s12;
	v18 =	vld [tilespmem:s18+$0x0];
	s4 =	sadd.s32 s13, s16  }
0x231: {  	v20 =	vld [tilespmem:s0+$0x0];
	v4 =	vmul.f32 v5, v55;
	v3 =	vsub.f32 v58, v56;
	s15 =	sor.u32 s14, s4;
	v2 =	vadd.f32 v17, v2  }
0x232: {  	(v2sf) =	vpush v1, $0xF;
	v21 =	vld [tilespmem:s15+$0x0]  }
0x233: {  	v23 =	vmul.f32 v3, v59;
	v24 =	vsub.f32 v61, v60;
	v22 =	vadd.f32 v4, v2  }
0x234: {  	v25 =	vld [tilespmem:s31+$0xF70];
	s1 =	spop (v2sf);
	(v2sf) =	vpush v0, $0xF  }
0x235: {  	v26 =	vmul.f32 v24, v63;
	v27 =	vsub.f32 v18, v16;
	v1 =	vadd.f32 v23, v22  }
0x236: {  	s4 =	spop (v2sf)  }
0x237: {  	s17 =	sand.u32 $0x7F, s1;
	v29 =	vmul.f32 v27, v19;
	v30 =	vsub.f32 v21, v20;
	s0 =	spop (v2sf);
	v28 =	vadd.f32 v26, v1  }
0x238: {  	s28 =	sadd.s32 $0x10, s1;
	s16 =	sand.u32 $0xFFFFFF80, s1;
	s6 =	spop (v2sf)  }
0x239: {  	s13 =	sadd.s32 $0x2F80, s31;
	s15 =	sadd.s32 $0x8F80, s31;
	v31 =	vmul.f32 v30, v25;
	v0 =	vadd.f32 v29, v28;
	s18 =	sand.u32 $0xFFFFFF80, s6  }
0x23a: {  	s9 =	sadd.s32 s16, s13;
	s19 =	sand.u32 $0x7F, s6;
	s14 =	sadd.s32 s18, s15  }
0x23b: {  	s9 =	sor.u32 s17, s9;
	s18 =	sand.u32 $0xFFFFFF80, s28;
	v0 =	vadd.f32 v31, v0;
	s12 =	sor.u32 s19, s14  }
0x23c: {  	s19 =	sand.u32 $0x7F, s28;
	s14 =	sadd.s32 s18, s13;
	s28 =	sadd.s32 $0x10, s6  }
0x23d: {  	s14 =	sor.u32 s19, s14;
	s18 =	sand.u32 $0xFFFFFF80, s28;
	s19 =	sadd.s32 $0x20, s1;
	[tilespmem:s31+$0xEF00] =	vst v0  }
0x23e: {  	s1 =	sadd.s32 $0x30, s1;
	v0 =	vld [tilespmem:s9+$0x0];
	s9 =	sand.u32 $0x7F, s28;
	s28 =	sand.u32 $0xFFFFFF80, s19  }
0x23f: {  	v35 =	vld [tilespmem:s31+$0xF80];
	s16 =	sadd.s32 s18, s15;
	s19 =	sand.u32 $0x7F, s19;
	s17 =	sadd.s32 s28, s13  }
0x240: {  	v32 =	vld [tilespmem:s12+$0x0];
	s28 =	sadd.s32 $0x20, s6;
	s9 =	sor.u32 s9, s16;
	s6 =	sadd.s32 $0x30, s6  }
0x241: {  	s12 =	sor.u32 s19, s17;
	s17 =	sand.u32 $0xFFFFFF80, s28;
	v34 =	vld [tilespmem:s9+$0x0];
	s9 =	spop (v2sf)  }
0x242: {  	v37 =	vld [tilespmem:s31+$0xF90];
	s18 =	sand.u32 $0x7F, s28;
	s19 =	sand.u32 $0xFFFFFF80, s1;
	s1 =	sand.u32 $0x7F, s1  }
0x243: {  	v33 =	vld [tilespmem:s14+$0x0];
	s28 =	sand.u32 $0xFFFFFF80, s6;
	s6 =	sand.u32 $0x7F, s6;
	s14 =	sadd.s32 s17, s15  }
0x244: {  	v36 =	vld [tilespmem:s12+$0x0];
	s12 =	sadd.s32 s19, s13;
	s16 =	sadd.s32 s28, s15;
	s15 =	spop (v2sf)  }
0x245: {  	v39 =	vld [tilespmem:s31+$0xFA0];
	s17 =	sand.u32 $0xFFFFFF80, s4;
	s28 =	sand.u32 $0xFFFFFF80, s9;
	s13 =	sand.u32 $0xFFFFFF80, s0  }
0x246: {  	v42 =	vld [tilespmem:s31+$0xFB0];
	s14 =	sor.u32 s18, s14;
	s1 =	sor.u32 s1, s12;
	s6 =	sor.u32 s6, s16  }
0x247: {  	s18 =	sand.u32 $0x7F, s4;
	s16 =	sadd.s32 $0xAF80, s31;
	v38 =	vld [tilespmem:s14+$0x0];
	s14 =	sadd.s32 $0x4F80, s31  }
0x248: {  	v45 =	vld [tilespmem:s31+$0xFC0];
	s4 =	sadd.s32 $0x10, s4;
	s12 =	sadd.s32 s28, s16;
	s19 =	sadd.s32 s17, s14  }
0x249: {  	v40 =	vld [tilespmem:s1+$0x0];
	s17 =	sand.u32 $0x7F, s9;
	s9 =	sadd.s32 $0x10, s9;
	s1 =	sor.u32 s18, s19  }
0x24a: {  	v41 =	vld [tilespmem:s6+$0x0];
	s6 =	sor.u32 s17, s12;
	s18 =	sand.u32 $0xFFFFFF80, s4;
	s19 =	sand.u32 $0x7F, s4  }
0x24b: {  	v0 =	vsub.f32 v32, v0;
	s12 =	sadd.s32 $0x6F80, s31;
	s28 =	sadd.s32 s18, s14;
	v44 =	vld [tilespmem:s6+$0x0];
	s6 =	sand.u32 $0xFFFFFF80, s9  }
0x24c: {  	v43 =	vld [tilespmem:s1+$0x0];
	s9 =	sand.u32 $0x7F, s9;
	s17 =	sadd.s32 s13, s12;
	s1 =	sor.u32 s19, s28  }
0x24d: {  	v48 =	vld [tilespmem:s31+$0xFD0];
	v0 =	vmul.f32 v0, v35;
	v2 =	vsub.f32 v34, v33;
	s4 =	sadd.s32 s6, s16;
	s16 =	sand.u32 $0x7F, s0;
	s19 =	sand.u32 $0xFFFFFF80, s15  }
0x24e: {  	v53 =	vld [tilespmem:s31+$0xFE0];
	s6 =	sadd.s32 $0xCF80, s31;
	s28 =	sand.u32 $0x7F, s15;
	s0 =	sadd.s32 $0x10, s0  }
0x24f: {  	v0 =	vadd.f32 $0.0e+00, v0;
	v2 =	vmul.f32 v2, v37;
	v46 =	vld [tilespmem:s1+$0x0];
	s14 =	sor.u32 s9, s4;
	s18 =	sor.u32 s16, s17;
	v5 =	vsub.f32 v38, v36;
	s4 =	sadd.s32 s19, s6  }
0x250: {  	s16 =	sadd.s32 $0x10, s15;
	v47 =	vld [tilespmem:s14+$0x0];
	s13 =	sor.u32 s28, s4;
	s14 =	sand.u32 $0xFFFFFF80, s0  }
0x251: {  	v51 =	vsub.f32 v41, v40;
	v49 =	vld [tilespmem:s18+$0x0];
	v0 =	vadd.f32 v2, v0;
	s0 =	sand.u32 $0x7F, s0;
	s18 =	sand.u32 $0xFFFFFF80, s16;
	v50 =	vmul.f32 v5, v39;
	s17 =	sadd.s32 s14, s12  }
0x252: {  	s19 =	sand.u32 $0x7F, s16;
	v52 =	vld [tilespmem:s13+$0x0];
	s4 =	sadd.s32 s18, s6;
	s0 =	sor.u32 s0, s17  }
0x253: {  	v54 =	vmul.f32 v51, v42;
	v1 =	vsub.f32 v44, v43;
	s28 =	sor.u32 s19, s4;
	v0 =	vadd.f32 v50, v0;
	v55 =	vld [tilespmem:s0+$0x0]  }
0x254: {  	v56 =	vld [tilespmem:s28+$0x0]  }
0x255: {  	v1 =	vmul.f32 v1, v45;
	v0 =	vadd.f32 v54, v0;
	v57 =	vsub.f32 v47, v46  }
0x256: {  	v58 =	vld [tilespmem:s31+$0xFF0]  }
0x257: {  	v60 =	vsub.f32 v52, v49;
	v0 =	vadd.f32 v1, v0;
	v59 =	vmul.f32 v57, v48;
	_ =	sdelay $0x1  }
0x258: {  	v61 =	vmul.f32 v60, v53;
	v62 =	vsub.f32 v56, v55;
	v0 =	vadd.f32 v59, v0  }
0x259: {  	p0 =	sne.s32 s30, $0x3  }
.Ltmp0:
0x25a: {  	v63 =	vmul.f32 v62, v58;
	v0 =	vadd.f32 v61, v0;
	(pc) =	sbr.rel @p0 .LBB2_3-.Ltmp0, $3  }
0x25b: {  	_ = 	snop  }
0x25c: {  	v0 =	vadd.f32 v63, v0;
	_ =	sdelay $0x1  }
0x25d: {  	s30 =	sadd.s32 $0x1, s30;
	[tilespmem:s31+$0xEF80] =	vst v0  }
0x25e: {  	s0 =	sshll.u32 s29, $0xA;
	s29 =	sadd.s32 $0x1, s29  }
0x25f: {  	p0 =	sne.s32 s29, $0x8  }
.Ltmp1:
0x260: {  	s1 =	simm.s32 $0x0;
	s0 =	sadd.s32 s0, s8;
	(pc) =	sbr.rel @p0 .LBB2_2-.Ltmp1, $4  }
0x261: {  	[hbm4b:s0+s1] =	stream.linear.scatter [tilespmem:s26], [sflag:$0x2], $0x2000, $0x38;
	[tilespmem:$0x10800] =	vst v63  }
0x262: {  	_ =	swait.ge [sflag:s10], $0x2000  }
0x263: {  	[sflag:s10] =	ssyncset.done $0x0  }
0x264: {  	[sflag:s10] =	ssyncadd.s32 $0xFFFFE000  }
0x265: {  	s1 =	rddreg [dreg:$0x7]  }
0x266: {  	s0 =	rddreg [dreg:$0x6];
	s1 =	sadd.s32 $0x1, s1  }
0x267: {  	p0 =	sne.s32 s1, s0  }
.Ltmp2:
0x268: {  	_ = 	snop;
	(pc) =	sbr.rel @p0 .LBB2_1-.Ltmp2, $1  }
0x269: {  	_ =	sdelay $0x3  }
0x26a: {  	_ =	sfence.sel $0x180000  }
0x26b: {  	[bflag:$0x0] =	sbarrier.arrive $0xFFFF  }
0x26c: {  	_ =	strace $0x90000047  }
0x26d: {  	s0 =	stileid.u32;
	[bflag:$0x2] =	sbarrier.arrive $0xFFFF  }
0x26e: {  	p0 =	sne.s32 s0, $0x0;
	s0 =	rddreg [dreg:$0x5]  }
0x26f: {  	s0 =	sadd.s32 @!p0 $0x100000, s0  }
0x270: {  	[sflag:s0] =	ssyncadd.tile.s32 @!p0 $0x1;
	_ =	shalt  }
.Lfunc_end2:
_tile_overlayer_lowered:
.L_overlay_start_2:
0x271: {  	(tag) =	ssettag $0x2  }
0x272: {  	s0 =	rddreg [dreg:$0x0];
	s2 =	stileid.u32  }
0x273: {  	s1 =	rddreg [dreg:$0x1];
	p0 =	sne.s32 s2, $0x0  }
0x274: {  	s3 =	rddreg [dreg:$0x2];
	[bflag:$0x3] =	sbarrier.arrive $0xFFFF;
	s2 =	simm.s32 @!p0 $0x1C02  }
0x275: {  	[timem:s3], [sflag:s2] =	dma.local @!p0 [hbm:s0], s1  }
0x276: {  	s0 =	simm.s32 @!p0 $0x2  }
0x277: {  	_ =	swait.ge @!p0 [sflag:s0], s1  }
0x278: {  	s1 =	ssub.s32 @!p0 $0x0, s1;
	[sflag:s0] =	ssyncset.done @!p0 $0x0  }
0x279: {  	[sflag:s0] =	ssyncadd.s32 @!p0 s1  }
0x27a: {  	[bflag:$0x3] =	sbarrier.arrive $0xFFFF  }
0x27b: {  	_ =	shalt  }

</sc_bundles>
